<compile_context>
chip_gen: v7x
topology: tpu7x:2x2x1
jax: 0.10.2.dev20260603
libtpu: 0.0.44.dev20260713+nightly
codegen_flags: <defaults>
</compile_context>

<pallas_src>
import functools

import jax
import jax.numpy as jnp
from jax import lax
from jax.experimental import pallas as pl
from jax.experimental.pallas import tpu as pltpu
from jax.experimental.pallas import tpu_sc as plsc

N, D, E = 10000, 128, 320000
NC, NS, L = 2, 16, 16
NW = NC * NS
STRIPE = 640
ACC_ROWS = NS * STRIPE
CH = 40
EW = E // NW
NCH = EW // CH
NB = 7
IDX_D = 6
G_D = 5
SC_LAG = NB - G_D
NSUP = (NCH + NB - 1) // NB
ESC = E // NC
KSC = ESC // 128
KPT = KSC // NS
SLAB = 2048


def _sc_aggregate(x, edge_index):
    mesh = plsc.VectorSubcoreMesh(core_axis_name="c", subcore_axis_name="s")

    @functools.partial(
        pl.kernel,
        out_type=[
            jax.ShapeDtypeStruct((NC, N, D), jnp.float32),
            jax.ShapeDtypeStruct((E,), jnp.int32),
            jax.ShapeDtypeStruct((E,), jnp.int32),
        ],
        mesh=mesh,
        scratch_types=[
            pltpu.VMEM_SHARED((ACC_ROWS, D), jnp.float32),
            [pltpu.VMEM((2, CH), jnp.int32) for _ in range(NB)],
            [pltpu.VMEM((CH,), jnp.int32) for _ in range(NB)],
            [pltpu.VMEM((CH, D), jnp.float32) for _ in range(NB)],
            [pltpu.VMEM((2, SLAB), jnp.int32) for _ in range(2)],
            pltpu.VMEM((16, D), jnp.float32),
            pltpu.SemaphoreType.DMA,
            pltpu.SemaphoreType.DMA,
            pltpu.SemaphoreType.DMA,
            pltpu.SemaphoreType.DMA,
            pltpu.SemaphoreType.DMA,
        ],
    )
    def k(x_hbm, ei_hbm, out_hbm, row_hbm, col_hbm, acc, ei_r, dst_r,
          rows_r, tb, buf_v, sem_i, sem_g, sem_s, sem_z, sem_p):
        c = lax.axis_index("c")
        s = lax.axis_index("s")
        ebase = (c * NS + s) * EW

        @pl.loop(0, 16)
        def _zb(i):
            @pl.loop(0, D, step=L)
            def _zl(j):
                buf_v[i, pl.ds(j, L)] = jnp.zeros((L,), jnp.float32)

        @pl.loop(0, STRIPE // 16)
        def _zs(i):
            pltpu.async_copy(buf_v, acc.at[pl.ds(s * STRIPE + i * 16, 16)],
                             sem_z)

        gbase = c * KSC + s * KPT + jnp.minimum(s, 2)
        NSLAB = KPT // (SLAB // 128)

        def slab_load(j, b, sz):
            pltpu.async_copy(ei_hbm.at[:, pl.ds((gbase + j * 16) * 128, sz)],
                             tb[b].at[:, pl.ds(0, sz)], sem_i)

        def slab_store(j, b, sz):
            pltpu.make_async_copy(ei_hbm.at[:, pl.ds(0, sz)],
                                  tb[b].at[:, pl.ds(0, sz)], sem_i).wait()
            off = (gbase + j * 16) * 128
            pltpu.async_copy(tb[b].at[0, pl.ds(0, sz)],
                             row_hbm.at[pl.ds(off, sz)], sem_p)
            pltpu.async_copy(tb[b].at[1, pl.ds(0, sz)],
                             col_hbm.at[pl.ds(off, sz)], sem_p)

        def slab_drain(sz):
            pltpu.make_async_copy(tb[0].at[0, pl.ds(0, sz)],
                                  row_hbm.at[pl.ds(0, sz)], sem_p).wait()
            pltpu.make_async_copy(tb[0].at[0, pl.ds(0, sz)],
                                  row_hbm.at[pl.ds(0, sz)], sem_p).wait()

        tail = (KPT % (SLAB // 128)) * 128
        for j in range(NSLAB):
            slab_load(j, j % 2, SLAB)
            if j >= 1:
                slab_store(j - 1, (j - 1) % 2, SLAB)
            if j >= 2:
                slab_drain(SLAB)
        slab_drain(SLAB)

        @pl.when(s < 2)
        def _t15():
            slab_load(NSLAB, 0, tail + 128)
        @pl.when(s >= 2)
        def _t14():
            slab_load(NSLAB, 0, tail)
        slab_store(NSLAB - 1, (NSLAB - 1) % 2, SLAB)
        slab_drain(SLAB)
        @pl.when(s < 2)
        def _t15b():
            slab_store(NSLAB, 0, tail + 128)
            slab_drain(tail + 128)
        @pl.when(s >= 2)
        def _t14b():
            slab_store(NSLAB, 0, tail)
            slab_drain(tail)

        @pl.loop(0, STRIPE // 16)
        def _zw(i):
            pltpu.make_async_copy(buf_v, acc.at[pl.ds(0, 16)], sem_z).wait()

        plsc.subcore_barrier()

        def issue_idx(g, b):
            pltpu.async_copy(row_hbm.at[pl.ds(ebase + g * CH, CH)],
                             ei_r[b].at[0], sem_i)
            pltpu.async_copy(col_hbm.at[pl.ds(ebase + g * CH, CH)],
                             ei_r[b].at[1], sem_i)

        def prep_gather(g, b):
            pltpu.make_async_copy(row_hbm.at[pl.ds(0, CH)], ei_r[0].at[0],
                                  sem_i).wait()
            pltpu.make_async_copy(row_hbm.at[pl.ds(0, CH)], ei_r[0].at[0],
                                  sem_i).wait()

            @pl.loop(0, CH, step=L)
            def _dst(i):
                r = ei_r[b][0, pl.ds(i, L)]
                cc = ei_r[b][1, pl.ds(i, L)]
                dst_r[b][pl.ds(i, L)] = jnp.where(r == cc, N, r)

            pltpu.async_copy(x_hbm.at[ei_r[b].at[1]], rows_r[b], sem_g)

        def retire(g, b):
            pltpu.make_async_copy(x_hbm.at[ei_r[b].at[1]], rows_r[b],
                                  sem_g).wait()
            pltpu.async_copy(rows_r[b], acc.at[dst_r[b]], sem_s, add=True)

        def drain_scatter():
            pltpu.make_async_copy(rows_r[0], acc.at[dst_r[0]], sem_s).wait()

        for p in range(IDX_D):
            issue_idx(p, p)
        for p in range(G_D):
            prep_gather(p, p)

        @pl.loop(0, NSUP)
        def _edges(sup):
            g0 = sup * NB
            for slot in range(NB):
                g = g0 + slot

                @pl.when(g + IDX_D < NCH)
                def _():
                    issue_idx(g + IDX_D, (slot + IDX_D) % NB)

                @pl.when((g >= SC_LAG) & (g - SC_LAG < NCH))
                def _():
                    drain_scatter()

                @pl.when(g + G_D < NCH)
                def _():
                    prep_gather(g + G_D, (slot + G_D) % NB)

                @pl.when(g < NCH)
                def _():
                    retire(g, slot)

        plsc.subcore_barrier()

        @pl.when(s < NS - 1)
        def _full():
            pltpu.sync_copy(acc.at[pl.ds(s * STRIPE, STRIPE)],
                            out_hbm.at[c, pl.ds(s * STRIPE, STRIPE)])

        @pl.when(s == NS - 1)
        def _tail():
            r0 = (NS - 1) * STRIPE
            pltpu.sync_copy(acc.at[pl.ds(r0, N - r0)],
                            out_hbm.at[c, pl.ds(r0, N - r0)])

    return k(x, edge_index)[0]


def _mlp(x, agg, W1, b1, W2, b2):
    BN = 2000

    def body(x_ref, a0_ref, a1_ref, W1_ref, b1_ref, W2_ref, b2_ref, o_ref):
        out = x_ref[...] + a0_ref[0] + a1_ref[0]
        h = lax.dot_general(out, W1_ref[...], (((1,), (0,)), ((), ())),
                            precision=lax.Precision.DEFAULT,
                            preferred_element_type=jnp.float32)
        h = jnp.maximum(h + b1_ref[...], 0.0)
        y = lax.dot_general(h, W2_ref[...], (((1,), (0,)), ((), ())),
                            precision=lax.Precision.DEFAULT,
                            preferred_element_type=jnp.float32)
        o_ref[...] = y + b2_ref[...]

    nd = pl.BlockSpec((BN, D), lambda i: (i, 0))
    a0 = pl.BlockSpec((1, BN, D), lambda i: (0, i, 0))
    a1 = pl.BlockSpec((1, BN, D), lambda i: (1, i, 0))
    w = pl.BlockSpec((D, D), lambda i: (0, 0))
    b = pl.BlockSpec((1, D), lambda i: (0, 0))
    return pl.pallas_call(
        body,
        grid=(N // BN,),
        in_specs=[nd, a0, a1, w, b, w, b],
        out_specs=nd,
        out_shape=jax.ShapeDtypeStruct((N, D), jnp.float32),
    )(x, agg, agg, W1, b1, W2, b2)


def kernel(x, edge_index, W1, b1, W2, b2):
    agg = _sc_aggregate(x, edge_index)
    return _mlp(x, agg, W1, b1.reshape(1, D), W2, b2.reshape(1, D))

# --- scband reference (transcript-rebuilt; emitter-appended) ---
"""Pipeline reference for scband-ginconv-26508538151350 (READ-ONLY COPY).

The authoritative reference and input builder live on the scoring server;
editing this copy changes nothing except your own understanding.
"""

import jax, jax.numpy as jnp
import numpy as np

N, D, E = 10000, 128, 320000


def setup_inputs(seed: int = 0) -> dict:
    key = jax.random.key(seed)
    k1, k2, k3, k4, k5, k6 = jax.random.split(key, 6)
    x = jax.random.normal(k1, (N, D), dtype=jnp.float32)
    edge_index = jax.random.randint(k2, (2, E), 0, N, dtype=jnp.int32)
    s1 = 1.0 / np.sqrt(D)
    W1 = jax.random.uniform(k3, (D, D), dtype=jnp.float32, minval=-s1, maxval=s1)
    b1 = jax.random.uniform(k4, (D,), dtype=jnp.float32, minval=-s1, maxval=s1)
    W2 = jax.random.uniform(k5, (D, D), dtype=jnp.float32, minval=-s1, maxval=s1)
    b2 = jax.random.uniform(k6, (D,), dtype=jnp.float32, minval=-s1, maxval=s1)
    return {"x": x, "edge_index": edge_index, "W1": W1, "b1": b1, "W2": W2, "b2": b2}


def reference(x, edge_index, W1, b1, W2, b2):
    eps = 0.0  # eps buffer (train_eps=False, initial_eps=0)
    row = edge_index[0]
    col = edge_index[1]
    # remove_self_loops: zero out contributions of self-loop edges (equivalent math,
    # static shapes for jit)
    mask = (row != col)
    vals = jnp.where(mask[:, None], x[col], 0.0)
    # scatter_add(x[col], row, dim=0, dim_size=N)
    agg = jax.ops.segment_sum(vals, row, num_segments=x.shape[0])
    out = (1.0 + eps) * x + agg
    # self.nn: Linear(128,128) -> ReLU -> Linear(128,128)
    h = jnp.maximum(out @ W1 + b1, 0.0)
    return h @ W2 + b2

if __name__ == "__main__":
    import jax
    _d = setup_inputs()
    print(jax.jit(kernel)(*tuple(_d.values())))

</pallas_src>

<mosaic_0001>
#map = affine_map<(d0, d1) -> (0, 0)>
#map1 = affine_map<(d0, d1) -> (0, 0, 0)>
#map2 = affine_map<(d0, d1) -> (0)>
module attributes {stable_mosaic.version = 14 : i64} {
  func.func @k(%arg0: i32, %arg1: i32, %arg2: memref<10000x128xf32, #tpu.memory_space<hbm>>, %arg3: memref<2x320000xi32, #tpu.memory_space<hbm>>, %arg4: memref<2x10000x128xf32, #tpu.memory_space<hbm>>, %arg5: memref<320000xi32, #tpu.memory_space<hbm>>, %arg6: memref<320000xi32, #tpu.memory_space<hbm>>, %arg7: memref<10240x128xf32, #tpu.memory_space<vmem_shared>>, %arg8: memref<2x40xi32, #tpu.memory_space<vmem>>, %arg9: memref<2x40xi32, #tpu.memory_space<vmem>>, %arg10: memref<2x40xi32, #tpu.memory_space<vmem>>, %arg11: memref<2x40xi32, #tpu.memory_space<vmem>>, %arg12: memref<2x40xi32, #tpu.memory_space<vmem>>, %arg13: memref<2x40xi32, #tpu.memory_space<vmem>>, %arg14: memref<2x40xi32, #tpu.memory_space<vmem>>, %arg15: memref<40xi32, #tpu.memory_space<vmem>>, %arg16: memref<40xi32, #tpu.memory_space<vmem>>, %arg17: memref<40xi32, #tpu.memory_space<vmem>>, %arg18: memref<40xi32, #tpu.memory_space<vmem>>, %arg19: memref<40xi32, #tpu.memory_space<vmem>>, %arg20: memref<40xi32, #tpu.memory_space<vmem>>, %arg21: memref<40xi32, #tpu.memory_space<vmem>>, %arg22: memref<40x128xf32, #tpu.memory_space<vmem>>, %arg23: memref<40x128xf32, #tpu.memory_space<vmem>>, %arg24: memref<40x128xf32, #tpu.memory_space<vmem>>, %arg25: memref<40x128xf32, #tpu.memory_space<vmem>>, %arg26: memref<40x128xf32, #tpu.memory_space<vmem>>, %arg27: memref<40x128xf32, #tpu.memory_space<vmem>>, %arg28: memref<40x128xf32, #tpu.memory_space<vmem>>, %arg29: memref<2x2048xi32, #tpu.memory_space<vmem>>, %arg30: memref<2x2048xi32, #tpu.memory_space<vmem>>, %arg31: memref<16x128xf32, #tpu.memory_space<vmem>>, %arg32: memref<!tpu.dma_semaphore, #tpu.memory_space<semaphore_mem>>, %arg33: memref<!tpu.dma_semaphore, #tpu.memory_space<semaphore_mem>>, %arg34: memref<!tpu.dma_semaphore, #tpu.memory_space<semaphore_mem>>, %arg35: memref<!tpu.dma_semaphore, #tpu.memory_space<semaphore_mem>>, %arg36: memref<!tpu.dma_semaphore, #tpu.memory_space<semaphore_mem>>) attributes {dimension_semantics = [#tpu.dimension_semantics<core_parallel>, #tpu.dimension_semantics<subcore_parallel>], iteration_bounds = array<i64: 2, 16>, scalar_prefetch = 0 : i64, scratch_operands = 30 : i64, tpu.core_type = #tpu.core_type<sc_vector_subcore>, window_params = [{transform_indices = #map}, {transform_indices = #map}, {transform_indices = #map1}, {transform_indices = #map2}, {transform_indices = #map2}]} {
    %mul3A = arith.constant 16 : i32
    %mul3A_0 = arith.muli %arg0, %mul3A : i32
    %add3A = arith.addi %mul3A_0, %arg1 : i32
    %mul3A_1 = arith.constant 10000 : i32
    %mul3A_2 = arith.muli %add3A, %mul3A_1 : i32
    %scan3A = arith.constant 0 : i32
    %scan3A_3 = arith.constant 16 : i32
    %scan3A_4 = arith.addi %scan3A, %scan3A_3 : i32
    %scan3A_5 = arith.constant 1 : i32
    scf.for %scan3A_635 = %scan3A to %scan3A_4 step %scan3A_5  : i32 {
      %mul3A_636 = arith.constant 1 : i32
      %mul3A_637 = arith.muli %scan3A_635, %mul3A_636 : i32
      %add3A_638 = arith.constant 0 : i32
      %add3A_639 = arith.addi %add3A_638, %mul3A_637 : i32
      %scan3A_640 = arith.constant 0 : i32
      %scan3A_641 = arith.constant 8 : i32
      %scan3A_642 = arith.addi %scan3A_640, %scan3A_641 : i32
      %scan3A_643 = arith.constant 1 : i32
      scf.for %scan3A_645 = %scan3A_640 to %scan3A_642 step %scan3A_643  : i32 {
        %mul3A_646 = arith.constant 16 : i32
        %mul3A_647 = arith.muli %scan3A_645, %mul3A_646 : i32
        %add3A_648 = arith.constant 0 : i32
        %add3A_649 = arith.addi %add3A_648, %mul3A_647 : i32
        %broadcast_in_dim3A = arith.constant 0.000000e+00 : f32
        %broadcast_in_dim3A_650 = vector.broadcast %broadcast_in_dim3A : f32 to vector<16xf32>
        %swap3A = arith.index_cast %add3A_639 : i32 to index
        %swap3A_651 = arith.index_cast %add3A_649 : i32 to index
        %swap3A_652 = tpu.vector_load %arg31[%swap3A, %swap3A_651] {strides = array<i32>} : memref<16x128xf32, #tpu.memory_space<vmem>>, vector<1x16xf32>,
        %swap3A_653 = vector.shape_cast %swap3A_652 : vector<1x16xf32> to vector<16xf32>
        %swap3A_654 = vector.shape_cast %broadcast_in_dim3A_650 : vector<16xf32> to vector<1x16xf32>
        tpu.vector_store %arg31[%swap3A, %swap3A_651], %swap3A_654 {strides = array<i32>} : memref<16x128xf32, #tpu.memory_space<vmem>>, vector<1x16xf32>,
      }
      %scan3A_644 = arith.constant 8 : i32
    }
    %scan3A_6 = arith.constant 16 : i32
    %scan3A_7 = arith.constant 0 : i32
    %scan3A_8 = arith.constant 40 : i32
    %scan3A_9 = arith.addi %scan3A_7, %scan3A_8 : i32
    %scan3A_10 = arith.constant 1 : i32
    scf.for %scan3A_635 = %scan3A_7 to %scan3A_9 step %scan3A_10  : i32 {
      %mul3A_636 = arith.constant 1 : i32
      %mul3A_637 = arith.muli %scan3A_635, %mul3A_636 : i32
      %add3A_638 = arith.constant 0 : i32
      %add3A_639 = arith.addi %add3A_638, %mul3A_637 : i32
      %mul3A_640 = arith.constant 640 : i32
      %mul3A_641 = arith.muli %arg1, %mul3A_640 : i32
      %mul3A_642 = arith.constant 16 : i32
      %mul3A_643 = arith.muli %add3A_639, %mul3A_642 : i32
      %add3A_644 = arith.addi %mul3A_641, %mul3A_643 : i32
      %dma_start3A_645 = arith.constant 0 : i32
      %dma_start3A_646 = tpu.memref_slice %arg7[%add3A_644, %dma_start3A_645] : memref<10240x128xf32, #tpu.memory_space<vmem_shared>> -> memref<16x128xf32, #tpu.memory_space<vmem_shared>>
      %dma_start3A_647 = arith.constant 0 : i32
      %dma_start3A_648 = tpu.memref_slice %arg7[%add3A_644, %dma_start3A_647] : memref<10240x128xf32, #tpu.memory_space<vmem_shared>> -> memref<16x128xf32, #tpu.memory_space<vmem_shared>>
      tpu.enqueue_dma source(%arg31 : memref<16x128xf32, #tpu.memory_space<vmem>>) target(%dma_start3A_648 : memref<16x128xf32, #tpu.memory_space<vmem_shared>>) target_semaphore(%arg35 : memref<!tpu.dma_semaphore, #tpu.memory_space<semaphore_mem>>)
    }
    %scan3A_11 = arith.constant 40 : i32
    %mul3A_12 = arith.constant 1250 : i32
    %mul3A_13 = arith.muli %arg0, %mul3A_12 : i32
    %mul3A_14 = arith.constant 78 : i32
    %mul3A_15 = arith.muli %arg1, %mul3A_14 : i32
    %add3A_16 = arith.addi %mul3A_13, %mul3A_15 : i32
    %min3A = arith.constant 2 : i32
    %min3A_17 = arith.minsi %arg1, %min3A : i32
    %add3A_18 = arith.addi %add3A_16, %min3A_17 : i32
    %add3A_19 = arith.constant 0 : i32
    %add3A_20 = arith.addi %add3A_18, %add3A_19 : i32
    %mul3A_21 = arith.constant 128 : i32
    %mul3A_22 = arith.muli %add3A_20, %mul3A_21 : i32
    %dma_start3A = arith.constant 0 : i32
    %dma_start3A_23 = arith.constant 0 : i32
    %dma_start3A_24 = tpu.memref_slice %arg29[%dma_start3A, %dma_start3A_23] : memref<2x2048xi32, #tpu.memory_space<vmem>> -> memref<2x2048xi32, #tpu.memory_space<vmem>>
    %dma_start3A_25 = arith.constant 0 : i32
    %dma_start3A_26 = tpu.memref_slice %arg3[%dma_start3A_25, %mul3A_22] : memref<2x320000xi32, #tpu.memory_space<hbm>> -> memref<2x2048xi32, #tpu.memory_space<hbm>>
    %dma_start3A_27 = arith.constant 0 : i32
    %dma_start3A_28 = arith.constant 0 : i32
    %dma_start3A_29 = tpu.memref_slice %arg29[%dma_start3A_27, %dma_start3A_28] : memref<2x2048xi32, #tpu.memory_space<vmem>> -> memref<2x2048xi32, #tpu.memory_space<vmem>>
    %dma_start3A_30 = arith.constant 0 : i32
    %dma_start3A_31 = tpu.memref_slice %arg3[%dma_start3A_30, %mul3A_22] : memref<2x320000xi32, #tpu.memory_space<hbm>> -> memref<2x2048xi32, #tpu.memory_space<hbm>>
    tpu.enqueue_dma source(%dma_start3A_31 : memref<2x2048xi32, #tpu.memory_space<hbm>>) target(%dma_start3A_29 : memref<2x2048xi32, #tpu.memory_space<vmem>>) target_semaphore(%arg32 : memref<!tpu.dma_semaphore, #tpu.memory_space<semaphore_mem>>)
    %add3A_32 = arith.constant 16 : i32
    %add3A_33 = arith.addi %add3A_18, %add3A_32 : i32
    %mul3A_34 = arith.constant 128 : i32
    %mul3A_35 = arith.muli %add3A_33, %mul3A_34 : i32
    %dma_start3A_36 = arith.constant 0 : i32
    %dma_start3A_37 = arith.constant 0 : i32
    %dma_start3A_38 = tpu.memref_slice %arg30[%dma_start3A_36, %dma_start3A_37] : memref<2x2048xi32, #tpu.memory_space<vmem>> -> memref<2x2048xi32, #tpu.memory_space<vmem>>
    %dma_start3A_39 = arith.constant 0 : i32
    %dma_start3A_40 = tpu.memref_slice %arg3[%dma_start3A_39, %mul3A_35] : memref<2x320000xi32, #tpu.memory_space<hbm>> -> memref<2x2048xi32, #tpu.memory_space<hbm>>
    %dma_start3A_41 = arith.constant 0 : i32
    %dma_start3A_42 = arith.constant 0 : i32
    %dma_start3A_43 = tpu.memref_slice %arg30[%dma_start3A_41, %dma_start3A_42] : memref<2x2048xi32, #tpu.memory_space<vmem>> -> memref<2x2048xi32, #tpu.memory_space<vmem>>
    %dma_start3A_44 = arith.constant 0 : i32
    %dma_start3A_45 = tpu.memref_slice %arg3[%dma_start3A_44, %mul3A_35] : memref<2x320000xi32, #tpu.memory_space<hbm>> -> memref<2x2048xi32, #tpu.memory_space<hbm>>
    tpu.enqueue_dma source(%dma_start3A_45 : memref<2x2048xi32, #tpu.memory_space<hbm>>) target(%dma_start3A_43 : memref<2x2048xi32, #tpu.memory_space<vmem>>) target_semaphore(%arg32 : memref<!tpu.dma_semaphore, #tpu.memory_space<semaphore_mem>>)
    %dma_wait3A = arith.constant 0 : i32
    %dma_wait3A_46 = arith.constant 0 : i32
    %dma_wait3A_47 = tpu.memref_slice %arg29[%dma_wait3A, %dma_wait3A_46] : memref<2x2048xi32, #tpu.memory_space<vmem>> -> memref<2x2048xi32, #tpu.memory_space<vmem>>
    %dma_wait3A_48 = arith.constant 0 : i32
    %dma_wait3A_49 = arith.constant 0 : i32
    %dma_wait3A_50 = tpu.memref_slice %arg3[%dma_wait3A_48, %dma_wait3A_49] : memref<2x320000xi32, #tpu.memory_space<hbm>> -> memref<2x2048xi32, #tpu.memory_space<hbm>>
    %dma_wait3A_51 = arith.constant 0 : i32
    %dma_wait3A_52 = arith.constant 0 : i32
    %dma_wait3A_53 = tpu.memref_slice %arg29[%dma_wait3A_51, %dma_wait3A_52] : memref<2x2048xi32, #tpu.memory_space<vmem>> -> memref<2x2048xi32, #tpu.memory_space<vmem>>
    %dma_wait3A_54 = arith.constant 0 : i32
    %dma_wait3A_55 = arith.constant 0 : i32
    %dma_wait3A_56 = tpu.memref_slice %arg3[%dma_wait3A_54, %dma_wait3A_55] : memref<2x320000xi32, #tpu.memory_space<hbm>> -> memref<2x2048xi32, #tpu.memory_space<hbm>>
    tpu.wait_dma2 semaphore(%arg32 : memref<!tpu.dma_semaphore, #tpu.memory_space<semaphore_mem>>) src(%dma_wait3A_56 : memref<2x2048xi32, #tpu.memory_space<hbm>>) dst(%dma_wait3A_53 : memref<2x2048xi32, #tpu.memory_space<vmem>>)
    %add3A_57 = arith.constant 0 : i32
    %add3A_58 = arith.addi %add3A_18, %add3A_57 : i32
    %mul3A_59 = arith.constant 128 : i32
    %mul3A_60 = arith.muli %add3A_58, %mul3A_59 : i32
    %dma_start3A_61 = arith.constant 0 : i32
    %dma_start3A_62 = arith.constant 0 : i32
    %dma_start3A_63 = tpu.memref_slice %arg29[%dma_start3A_61, %dma_start3A_62] : memref<2x2048xi32, #tpu.memory_space<vmem>> -> memref<1x2048xi32, #tpu.memory_space<vmem>>
    %dma_start3A_64 = tpu.memref_squeeze %dma_start3A_63 : memref<1x2048xi32, #tpu.memory_space<vmem>> -> memref<2048xi32, #tpu.memory_space<vmem>>
    %dma_start3A_65 = tpu.memref_slice %arg5[%mul3A_60] : memref<320000xi32, #tpu.memory_space<hbm>> -> memref<2048xi32, #tpu.memory_space<hbm>>
    %dma_start3A_66 = tpu.memref_slice %arg5[%mul3A_60] : memref<320000xi32, #tpu.memory_space<hbm>> -> memref<2048xi32, #tpu.memory_space<hbm>>
    %dma_start3A_67 = arith.constant 0 : i32
    %dma_start3A_68 = tpu.memref_slice %arg29[%dma_start3A_61, %dma_start3A_67] : memref<2x2048xi32, #tpu.memory_space<vmem>> -> memref<1x2048xi32, #tpu.memory_space<vmem>>
    %dma_start3A_69 = tpu.memref_squeeze %dma_start3A_68 : memref<1x2048xi32, #tpu.memory_space<vmem>> -> memref<2048xi32, #tpu.memory_space<vmem>>
    tpu.enqueue_dma source(%dma_start3A_69 : memref<2048xi32, #tpu.memory_space<vmem>>) target(%dma_start3A_66 : memref<2048xi32, #tpu.memory_space<hbm>>) target_semaphore(%arg36 : memref<!tpu.dma_semaphore, #tpu.memory_space<semaphore_mem>>)
    %dma_start3A_70 = arith.constant 1 : i32
    %dma_start3A_71 = arith.constant 0 : i32
    %dma_start3A_72 = tpu.memref_slice %arg29[%dma_start3A_70, %dma_start3A_71] : memref<2x2048xi32, #tpu.memory_space<vmem>> -> memref<1x2048xi32, #tpu.memory_space<vmem>>
    %dma_start3A_73 = tpu.memref_squeeze %dma_start3A_72 : memref<1x2048xi32, #tpu.memory_space<vmem>> -> memref<2048xi32, #tpu.memory_space<vmem>>
    %dma_start3A_74 = tpu.memref_slice %arg6[%mul3A_60] : memref<320000xi32, #tpu.memory_space<hbm>> -> memref<2048xi32, #tpu.memory_space<hbm>>
    %dma_start3A_75 = tpu.memref_slice %arg6[%mul3A_60] : memref<320000xi32, #tpu.memory_space<hbm>> -> memref<2048xi32, #tpu.memory_space<hbm>>
    %dma_start3A_76 = arith.constant 0 : i32
    %dma_start3A_77 = tpu.memref_slice %arg29[%dma_start3A_70, %dma_start3A_76] : memref<2x2048xi32, #tpu.memory_space<vmem>> -> memref<1x2048xi32, #tpu.memory_space<vmem>>
    %dma_start3A_78 = tpu.memref_squeeze %dma_start3A_77 : memref<1x2048xi32, #tpu.memory_space<vmem>> -> memref<2048xi32, #tpu.memory_space<vmem>>
    tpu.enqueue_dma source(%dma_start3A_78 : memref<2048xi32, #tpu.memory_space<vmem>>) target(%dma_start3A_75 : memref<2048xi32, #tpu.memory_space<hbm>>) target_semaphore(%arg36 : memref<!tpu.dma_semaphore, #tpu.memory_space<semaphore_mem>>)
    %add3A_79 = arith.constant 32 : i32
    %add3A_80 = arith.addi %add3A_18, %add3A_79 : i32
    %mul3A_81 = arith.constant 128 : i32
    %mul3A_82 = arith.muli %add3A_80, %mul3A_81 : i32
    %dma_start3A_83 = arith.constant 0 : i32
    %dma_start3A_84 = arith.constant 0 : i32
    %dma_start3A_85 = tpu.memref_slice %arg29[%dma_start3A_83, %dma_start3A_84] : memref<2x2048xi32, #tpu.memory_space<vmem>> -> memref<2x2048xi32, #tpu.memory_space<vmem>>
    %dma_start3A_86 = arith.constant 0 : i32
    %dma_start3A_87 = tpu.memref_slice %arg3[%dma_start3A_86, %mul3A_82] : memref<2x320000xi32, #tpu.memory_space<hbm>> -> memref<2x2048xi32, #tpu.memory_space<hbm>>
    %dma_start3A_88 = arith.constant 0 : i32
    %dma_start3A_89 = arith.constant 0 : i32
    %dma_start3A_90 = tpu.memref_slice %arg29[%dma_start3A_88, %dma_start3A_89] : memref<2x2048xi32, #tpu.memory_space<vmem>> -> memref<2x2048xi32, #tpu.memory_space<vmem>>
    %dma_start3A_91 = arith.constant 0 : i32
    %dma_start3A_92 = tpu.memref_slice %arg3[%dma_start3A_91, %mul3A_82] : memref<2x320000xi32, #tpu.memory_space<hbm>> -> memref<2x2048xi32, #tpu.memory_space<hbm>>
    tpu.enqueue_dma source(%dma_start3A_92 : memref<2x2048xi32, #tpu.memory_space<hbm>>) target(%dma_start3A_90 : memref<2x2048xi32, #tpu.memory_space<vmem>>) target_semaphore(%arg32 : memref<!tpu.dma_semaphore, #tpu.memory_space<semaphore_mem>>)
    %dma_wait3A_93 = arith.constant 0 : i32
    %dma_wait3A_94 = arith.constant 0 : i32
    %dma_wait3A_95 = tpu.memref_slice %arg30[%dma_wait3A_93, %dma_wait3A_94] : memref<2x2048xi32, #tpu.memory_space<vmem>> -> memref<2x2048xi32, #tpu.memory_space<vmem>>
    %dma_wait3A_96 = arith.constant 0 : i32
    %dma_wait3A_97 = arith.constant 0 : i32
    %dma_wait3A_98 = tpu.memref_slice %arg3[%dma_wait3A_96, %dma_wait3A_97] : memref<2x320000xi32, #tpu.memory_space<hbm>> -> memref<2x2048xi32, #tpu.memory_space<hbm>>
    %dma_wait3A_99 = arith.constant 0 : i32
    %dma_wait3A_100 = arith.constant 0 : i32
    %dma_wait3A_101 = tpu.memref_slice %arg30[%dma_wait3A_99, %dma_wait3A_100] : memref<2x2048xi32, #tpu.memory_space<vmem>> -> memref<2x2048xi32, #tpu.memory_space<vmem>>
    %dma_wait3A_102 = arith.constant 0 : i32
    %dma_wait3A_103 = arith.constant 0 : i32
    %dma_wait3A_104 = tpu.memref_slice %arg3[%dma_wait3A_102, %dma_wait3A_103] : memref<2x320000xi32, #tpu.memory_space<hbm>> -> memref<2x2048xi32, #tpu.memory_space<hbm>>
    tpu.wait_dma2 semaphore(%arg32 : memref<!tpu.dma_semaphore, #tpu.memory_space<semaphore_mem>>) src(%dma_wait3A_104 : memref<2x2048xi32, #tpu.memory_space<hbm>>) dst(%dma_wait3A_101 : memref<2x2048xi32, #tpu.memory_space<vmem>>)
    %add3A_105 = arith.constant 16 : i32
    %add3A_106 = arith.addi %add3A_18, %add3A_105 : i32
    %mul3A_107 = arith.constant 128 : i32
    %mul3A_108 = arith.muli %add3A_106, %mul3A_107 : i32
    %dma_start3A_109 = arith.constant 0 : i32
    %dma_start3A_110 = arith.constant 0 : i32
    %dma_start3A_111 = tpu.memref_slice %arg30[%dma_start3A_109, %dma_start3A_110] : memref<2x2048xi32, #tpu.memory_space<vmem>> -> memref<1x2048xi32, #tpu.memory_space<vmem>>
    %dma_start3A_112 = tpu.memref_squeeze %dma_start3A_111 : memref<1x2048xi32, #tpu.memory_space<vmem>> -> memref<2048xi32, #tpu.memory_space<vmem>>
    %dma_start3A_113 = tpu.memref_slice %arg5[%mul3A_108] : memref<320000xi32, #tpu.memory_space<hbm>> -> memref<2048xi32, #tpu.memory_space<hbm>>
    %dma_start3A_114 = tpu.memref_slice %arg5[%mul3A_108] : memref<320000xi32, #tpu.memory_space<hbm>> -> memref<2048xi32, #tpu.memory_space<hbm>>
    %dma_start3A_115 = arith.constant 0 : i32
    %dma_start3A_116 = tpu.memref_slice %arg30[%dma_start3A_109, %dma_start3A_115] : memref<2x2048xi32, #tpu.memory_space<vmem>> -> memref<1x2048xi32, #tpu.memory_space<vmem>>
    %dma_start3A_117 = tpu.memref_squeeze %dma_start3A_116 : memref<1x2048xi32, #tpu.memory_space<vmem>> -> memref<2048xi32, #tpu.memory_space<vmem>>
    tpu.enqueue_dma source(%dma_start3A_117 : memref<2048xi32, #tpu.memory_space<vmem>>) target(%dma_start3A_114 : memref<2048xi32, #tpu.memory_space<hbm>>) target_semaphore(%arg36 : memref<!tpu.dma_semaphore, #tpu.memory_space<semaphore_mem>>)
    %dma_start3A_118 = arith.constant 1 : i32
    %dma_start3A_119 = arith.constant 0 : i32
    %dma_start3A_120 = tpu.memref_slice %arg30[%dma_start3A_118, %dma_start3A_119] : memref<2x2048xi32, #tpu.memory_space<vmem>> -> memref<1x2048xi32, #tpu.memory_space<vmem>>
    %dma_start3A_121 = tpu.memref_squeeze %dma_start3A_120 : memref<1x2048xi32, #tpu.memory_space<vmem>> -> memref<2048xi32, #tpu.memory_space<vmem>>
    %dma_start3A_122 = tpu.memref_slice %arg6[%mul3A_108] : memref<320000xi32, #tpu.memory_space<hbm>> -> memref<2048xi32, #tpu.memory_space<hbm>>
    %dma_start3A_123 = tpu.memref_slice %arg6[%mul3A_108] : memref<320000xi32, #tpu.memory_space<hbm>> -> memref<2048xi32, #tpu.memory_space<hbm>>
    %dma_start3A_124 = arith.constant 0 : i32
    %dma_start3A_125 = tpu.memref_slice %arg30[%dma_start3A_118, %dma_start3A_124] : memref<2x2048xi32, #tpu.memory_space<vmem>> -> memref<1x2048xi32, #tpu.memory_space<vmem>>
    %dma_start3A_126 = tpu.memref_squeeze %dma_start3A_125 : memref<1x2048xi32, #tpu.memory_space<vmem>> -> memref<2048xi32, #tpu.memory_space<vmem>>
    tpu.enqueue_dma source(%dma_start3A_126 : memref<2048xi32, #tpu.memory_space<vmem>>) target(%dma_start3A_123 : memref<2048xi32, #tpu.memory_space<hbm>>) target_semaphore(%arg36 : memref<!tpu.dma_semaphore, #tpu.memory_space<semaphore_mem>>)
    %dma_wait3A_127 = arith.constant 0 : i32
    %dma_wait3A_128 = arith.constant 0 : i32
    %dma_wait3A_129 = tpu.memref_slice %arg29[%dma_wait3A_127, %dma_wait3A_128] : memref<2x2048xi32, #tpu.memory_space<vmem>> -> memref<1x2048xi32, #tpu.memory_space<vmem>>
    %dma_wait3A_130 = tpu.memref_squeeze %dma_wait3A_129 : memref<1x2048xi32, #tpu.memory_space<vmem>> -> memref<2048xi32, #tpu.memory_space<vmem>>
    %dma_wait3A_131 = arith.constant 0 : i32
    %dma_wait3A_132 = tpu.memref_slice %arg5[%dma_wait3A_131] : memref<320000xi32, #tpu.memory_space<hbm>> -> memref<2048xi32, #tpu.memory_space<hbm>>
    %dma_wait3A_133 = arith.constant 0 : i32
    %dma_wait3A_134 = tpu.memref_slice %arg5[%dma_wait3A_133] : memref<320000xi32, #tpu.memory_space<hbm>> -> memref<2048xi32, #tpu.memory_space<hbm>>
    %dma_wait3A_135 = arith.constant 0 : i32
    %dma_wait3A_136 = tpu.memref_slice %arg29[%dma_wait3A_127, %dma_wait3A_135] : memref<2x2048xi32, #tpu.memory_space<vmem>> -> memref<1x2048xi32, #tpu.memory_space<vmem>>
    %dma_wait3A_137 = tpu.memref_squeeze %dma_wait3A_136 : memref<1x2048xi32, #tpu.memory_space<vmem>> -> memref<2048xi32, #tpu.memory_space<vmem>>
    tpu.wait_dma2 semaphore(%arg36 : memref<!tpu.dma_semaphore, #tpu.memory_space<semaphore_mem>>) src(%dma_wait3A_137 : memref<2048xi32, #tpu.memory_space<vmem>>) dst(%dma_wait3A_134 : memref<2048xi32, #tpu.memory_space<hbm>>)
    %dma_wait3A_138 = arith.constant 0 : i32
    %dma_wait3A_139 = arith.constant 0 : i32
    %dma_wait3A_140 = tpu.memref_slice %arg29[%dma_wait3A_138, %dma_wait3A_139] : memref<2x2048xi32, #tpu.memory_space<vmem>> -> memref<1x2048xi32, #tpu.memory_space<vmem>>
    %dma_wait3A_141 = tpu.memref_squeeze %dma_wait3A_140 : memref<1x2048xi32, #tpu.memory_space<vmem>> -> memref<2048xi32, #tpu.memory_space<vmem>>
    %dma_wait3A_142 = arith.constant 0 : i32
    %dma_wait3A_143 = tpu.memref_slice %arg5[%dma_wait3A_142] : memref<320000xi32, #tpu.memory_space<hbm>> -> memref<2048xi32, #tpu.memory_space<hbm>>
    %dma_wait3A_144 = arith.constant 0 : i32
    %dma_wait3A_145 = tpu.memref_slice %arg5[%dma_wait3A_144] : memref<320000xi32, #tpu.memory_space<hbm>> -> memref<2048xi32, #tpu.memory_space<hbm>>
    %dma_wait3A_146 = arith.constant 0 : i32
    %dma_wait3A_147 = tpu.memref_slice %arg29[%dma_wait3A_138, %dma_wait3A_146] : memref<2x2048xi32, #tpu.memory_space<vmem>> -> memref<1x2048xi32, #tpu.memory_space<vmem>>
    %dma_wait3A_148 = tpu.memref_squeeze %dma_wait3A_147 : memref<1x2048xi32, #tpu.memory_space<vmem>> -> memref<2048xi32, #tpu.memory_space<vmem>>
    tpu.wait_dma2 semaphore(%arg36 : memref<!tpu.dma_semaphore, #tpu.memory_space<semaphore_mem>>) src(%dma_wait3A_148 : memref<2048xi32, #tpu.memory_space<vmem>>) dst(%dma_wait3A_145 : memref<2048xi32, #tpu.memory_space<hbm>>)
    %add3A_149 = arith.constant 48 : i32
    %add3A_150 = arith.addi %add3A_18, %add3A_149 : i32
    %mul3A_151 = arith.constant 128 : i32
    %mul3A_152 = arith.muli %add3A_150, %mul3A_151 : i32
    %dma_start3A_153 = arith.constant 0 : i32
    %dma_start3A_154 = arith.constant 0 : i32
    %dma_start3A_155 = tpu.memref_slice %arg30[%dma_start3A_153, %dma_start3A_154] : memref<2x2048xi32, #tpu.memory_space<vmem>> -> memref<2x2048xi32, #tpu.memory_space<vmem>>
    %dma_start3A_156 = arith.constant 0 : i32
    %dma_start3A_157 = tpu.memref_slice %arg3[%dma_start3A_156, %mul3A_152] : memref<2x320000xi32, #tpu.memory_space<hbm>> -> memref<2x2048xi32, #tpu.memory_space<hbm>>
    %dma_start3A_158 = arith.constant 0 : i32
    %dma_start3A_159 = arith.constant 0 : i32
    %dma_start3A_160 = tpu.memref_slice %arg30[%dma_start3A_158, %dma_start3A_159] : memref<2x2048xi32, #tpu.memory_space<vmem>> -> memref<2x2048xi32, #tpu.memory_space<vmem>>
    %dma_start3A_161 = arith.constant 0 : i32
    %dma_start3A_162 = tpu.memref_slice %arg3[%dma_start3A_161, %mul3A_152] : memref<2x320000xi32, #tpu.memory_space<hbm>> -> memref<2x2048xi32, #tpu.memory_space<hbm>>
    tpu.enqueue_dma source(%dma_start3A_162 : memref<2x2048xi32, #tpu.memory_space<hbm>>) target(%dma_start3A_160 : memref<2x2048xi32, #tpu.memory_space<vmem>>) target_semaphore(%arg32 : memref<!tpu.dma_semaphore, #tpu.memory_space<semaphore_mem>>)
    %dma_wait3A_163 = arith.constant 0 : i32
    %dma_wait3A_164 = arith.constant 0 : i32
    %dma_wait3A_165 = tpu.memref_slice %arg29[%dma_wait3A_163, %dma_wait3A_164] : memref<2x2048xi32, #tpu.memory_space<vmem>> -> memref<2x2048xi32, #tpu.memory_space<vmem>>
    %dma_wait3A_166 = arith.constant 0 : i32
    %dma_wait3A_167 = arith.constant 0 : i32
    %dma_wait3A_168 = tpu.memref_slice %arg3[%dma_wait3A_166, %dma_wait3A_167] : memref<2x320000xi32, #tpu.memory_space<hbm>> -> memref<2x2048xi32, #tpu.memory_space<hbm>>
    %dma_wait3A_169 = arith.constant 0 : i32
    %dma_wait3A_170 = arith.constant 0 : i32
    %dma_wait3A_171 = tpu.memref_slice %arg29[%dma_wait3A_169, %dma_wait3A_170] : memref<2x2048xi32, #tpu.memory_space<vmem>> -> memref<2x2048xi32, #tpu.memory_space<vmem>>
    %dma_wait3A_172 = arith.constant 0 : i32
    %dma_wait3A_173 = arith.constant 0 : i32
    %dma_wait3A_174 = tpu.memref_slice %arg3[%dma_wait3A_172, %dma_wait3A_173] : memref<2x320000xi32, #tpu.memory_space<hbm>> -> memref<2x2048xi32, #tpu.memory_space<hbm>>
    tpu.wait_dma2 semaphore(%arg32 : memref<!tpu.dma_semaphore, #tpu.memory_space<semaphore_mem>>) src(%dma_wait3A_174 : memref<2x2048xi32, #tpu.memory_space<hbm>>) dst(%dma_wait3A_171 : memref<2x2048xi32, #tpu.memory_space<vmem>>)
    %add3A_175 = arith.constant 32 : i32
    %add3A_176 = arith.addi %add3A_18, %add3A_175 : i32
    %mul3A_177 = arith.constant 128 : i32
    %mul3A_178 = arith.muli %add3A_176, %mul3A_177 : i32
    %dma_start3A_179 = arith.constant 0 : i32
    %dma_start3A_180 = arith.constant 0 : i32
    %dma_start3A_181 = tpu.memref_slice %arg29[%dma_start3A_179, %dma_start3A_180] : memref<2x2048xi32, #tpu.memory_space<vmem>> -> memref<1x2048xi32, #tpu.memory_space<vmem>>
    %dma_start3A_182 = tpu.memref_squeeze %dma_start3A_181 : memref<1x2048xi32, #tpu.memory_space<vmem>> -> memref<2048xi32, #tpu.memory_space<vmem>>
    %dma_start3A_183 = tpu.memref_slice %arg5[%mul3A_178] : memref<320000xi32, #tpu.memory_space<hbm>> -> memref<2048xi32, #tpu.memory_space<hbm>>
    %dma_start3A_184 = tpu.memref_slice %arg5[%mul3A_178] : memref<320000xi32, #tpu.memory_space<hbm>> -> memref<2048xi32, #tpu.memory_space<hbm>>
    %dma_start3A_185 = arith.constant 0 : i32
    %dma_start3A_186 = tpu.memref_slice %arg29[%dma_start3A_179, %dma_start3A_185] : memref<2x2048xi32, #tpu.memory_space<vmem>> -> memref<1x2048xi32, #tpu.memory_space<vmem>>
    %dma_start3A_187 = tpu.memref_squeeze %dma_start3A_186 : memref<1x2048xi32, #tpu.memory_space<vmem>> -> memref<2048xi32, #tpu.memory_space<vmem>>
    tpu.enqueue_dma source(%dma_start3A_187 : memref<2048xi32, #tpu.memory_space<vmem>>) target(%dma_start3A_184 : memref<2048xi32, #tpu.memory_space<hbm>>) target_semaphore(%arg36 : memref<!tpu.dma_semaphore, #tpu.memory_space<semaphore_mem>>)
    %dma_start3A_188 = arith.constant 1 : i32
    %dma_start3A_189 = arith.constant 0 : i32
    %dma_start3A_190 = tpu.memref_slice %arg29[%dma_start3A_188, %dma_start3A_189] : memref<2x2048xi32, #tpu.memory_space<vmem>> -> memref<1x2048xi32, #tpu.memory_space<vmem>>
    %dma_start3A_191 = tpu.memref_squeeze %dma_start3A_190 : memref<1x2048xi32, #tpu.memory_space<vmem>> -> memref<2048xi32, #tpu.memory_space<vmem>>
    %dma_start3A_192 = tpu.memref_slice %arg6[%mul3A_178] : memref<320000xi32, #tpu.memory_space<hbm>> -> memref<2048xi32, #tpu.memory_space<hbm>>
    %dma_start3A_193 = tpu.memref_slice %arg6[%mul3A_178] : memref<320000xi32, #tpu.memory_space<hbm>> -> memref<2048xi32, #tpu.memory_space<hbm>>
    %dma_start3A_194 = arith.constant 0 : i32
    %dma_start3A_195 = tpu.memref_slice %arg29[%dma_start3A_188, %dma_start3A_194] : memref<2x2048xi32, #tpu.memory_space<vmem>> -> memref<1x2048xi32, #tpu.memory_space<vmem>>
    %dma_start3A_196 = tpu.memref_squeeze %dma_start3A_195 : memref<1x2048xi32, #tpu.memory_space<vmem>> -> memref<2048xi32, #tpu.memory_space<vmem>>
    tpu.enqueue_dma source(%dma_start3A_196 : memref<2048xi32, #tpu.memory_space<vmem>>) target(%dma_start3A_193 : memref<2048xi32, #tpu.memory_space<hbm>>) target_semaphore(%arg36 : memref<!tpu.dma_semaphore, #tpu.memory_space<semaphore_mem>>)
    %dma_wait3A_197 = arith.constant 0 : i32
    %dma_wait3A_198 = arith.constant 0 : i32
    %dma_wait3A_199 = tpu.memref_slice %arg29[%dma_wait3A_197, %dma_wait3A_198] : memref<2x2048xi32, #tpu.memory_space<vmem>> -> memref<1x2048xi32, #tpu.memory_space<vmem>>
    %dma_wait3A_200 = tpu.memref_squeeze %dma_wait3A_199 : memref<1x2048xi32, #tpu.memory_space<vmem>> -> memref<2048xi32, #tpu.memory_space<vmem>>
    %dma_wait3A_201 = arith.constant 0 : i32
    %dma_wait3A_202 = tpu.memref_slice %arg5[%dma_wait3A_201] : memref<320000xi32, #tpu.memory_space<hbm>> -> memref<2048xi32, #tpu.memory_space<hbm>>
    %dma_wait3A_203 = arith.constant 0 : i32
    %dma_wait3A_204 = tpu.memref_slice %arg5[%dma_wait3A_203] : memref<320000xi32, #tpu.memory_space<hbm>> -> memref<2048xi32, #tpu.memory_space<hbm>>
    %dma_wait3A_205 = arith.constant 0 : i32
    %dma_wait3A_206 = tpu.memref_slice %arg29[%dma_wait3A_197, %dma_wait3A_205] : memref<2x2048xi32, #tpu.memory_space<vmem>> -> memref<1x2048xi32, #tpu.memory_space<vmem>>
    %dma_wait3A_207 = tpu.memref_squeeze %dma_wait3A_206 : memref<1x2048xi32, #tpu.memory_space<vmem>> -> memref<2048xi32, #tpu.memory_space<vmem>>
    tpu.wait_dma2 semaphore(%arg36 : memref<!tpu.dma_semaphore, #tpu.memory_space<semaphore_mem>>) src(%dma_wait3A_207 : memref<2048xi32, #tpu.memory_space<vmem>>) dst(%dma_wait3A_204 : memref<2048xi32, #tpu.memory_space<hbm>>)
    %dma_wait3A_208 = arith.constant 0 : i32
    %dma_wait3A_209 = arith.constant 0 : i32
    %dma_wait3A_210 = tpu.memref_slice %arg29[%dma_wait3A_208, %dma_wait3A_209] : memref<2x2048xi32, #tpu.memory_space<vmem>> -> memref<1x2048xi32, #tpu.memory_space<vmem>>
    %dma_wait3A_211 = tpu.memref_squeeze %dma_wait3A_210 : memref<1x2048xi32, #tpu.memory_space<vmem>> -> memref<2048xi32, #tpu.memory_space<vmem>>
    %dma_wait3A_212 = arith.constant 0 : i32
    %dma_wait3A_213 = tpu.memref_slice %arg5[%dma_wait3A_212] : memref<320000xi32, #tpu.memory_space<hbm>> -> memref<2048xi32, #tpu.memory_space<hbm>>
    %dma_wait3A_214 = arith.constant 0 : i32
    %dma_wait3A_215 = tpu.memref_slice %arg5[%dma_wait3A_214] : memref<320000xi32, #tpu.memory_space<hbm>> -> memref<2048xi32, #tpu.memory_space<hbm>>
    %dma_wait3A_216 = arith.constant 0 : i32
    %dma_wait3A_217 = tpu.memref_slice %arg29[%dma_wait3A_208, %dma_wait3A_216] : memref<2x2048xi32, #tpu.memory_space<vmem>> -> memref<1x2048xi32, #tpu.memory_space<vmem>>
    %dma_wait3A_218 = tpu.memref_squeeze %dma_wait3A_217 : memref<1x2048xi32, #tpu.memory_space<vmem>> -> memref<2048xi32, #tpu.memory_space<vmem>>
    tpu.wait_dma2 semaphore(%arg36 : memref<!tpu.dma_semaphore, #tpu.memory_space<semaphore_mem>>) src(%dma_wait3A_218 : memref<2048xi32, #tpu.memory_space<vmem>>) dst(%dma_wait3A_215 : memref<2048xi32, #tpu.memory_space<hbm>>)
    %dma_wait3A_219 = arith.constant 0 : i32
    %dma_wait3A_220 = arith.constant 0 : i32
    %dma_wait3A_221 = tpu.memref_slice %arg29[%dma_wait3A_219, %dma_wait3A_220] : memref<2x2048xi32, #tpu.memory_space<vmem>> -> memref<1x2048xi32, #tpu.memory_space<vmem>>
    %dma_wait3A_222 = tpu.memref_squeeze %dma_wait3A_221 : memref<1x2048xi32, #tpu.memory_space<vmem>> -> memref<2048xi32, #tpu.memory_space<vmem>>
    %dma_wait3A_223 = arith.constant 0 : i32
    %dma_wait3A_224 = tpu.memref_slice %arg5[%dma_wait3A_223] : memref<320000xi32, #tpu.memory_space<hbm>> -> memref<2048xi32, #tpu.memory_space<hbm>>
    %dma_wait3A_225 = arith.constant 0 : i32
    %dma_wait3A_226 = tpu.memref_slice %arg5[%dma_wait3A_225] : memref<320000xi32, #tpu.memory_space<hbm>> -> memref<2048xi32, #tpu.memory_space<hbm>>
    %dma_wait3A_227 = arith.constant 0 : i32
    %dma_wait3A_228 = tpu.memref_slice %arg29[%dma_wait3A_219, %dma_wait3A_227] : memref<2x2048xi32, #tpu.memory_space<vmem>> -> memref<1x2048xi32, #tpu.memory_space<vmem>>
    %dma_wait3A_229 = tpu.memref_squeeze %dma_wait3A_228 : memref<1x2048xi32, #tpu.memory_space<vmem>> -> memref<2048xi32, #tpu.memory_space<vmem>>
    tpu.wait_dma2 semaphore(%arg36 : memref<!tpu.dma_semaphore, #tpu.memory_space<semaphore_mem>>) src(%dma_wait3A_229 : memref<2048xi32, #tpu.memory_space<vmem>>) dst(%dma_wait3A_226 : memref<2048xi32, #tpu.memory_space<hbm>>)
    %dma_wait3A_230 = arith.constant 0 : i32
    %dma_wait3A_231 = arith.constant 0 : i32
    %dma_wait3A_232 = tpu.memref_slice %arg29[%dma_wait3A_230, %dma_wait3A_231] : memref<2x2048xi32, #tpu.memory_space<vmem>> -> memref<1x2048xi32, #tpu.memory_space<vmem>>
    %dma_wait3A_233 = tpu.memref_squeeze %dma_wait3A_232 : memref<1x2048xi32, #tpu.memory_space<vmem>> -> memref<2048xi32, #tpu.memory_space<vmem>>
    %dma_wait3A_234 = arith.constant 0 : i32
    %dma_wait3A_235 = tpu.memref_slice %arg5[%dma_wait3A_234] : memref<320000xi32, #tpu.memory_space<hbm>> -> memref<2048xi32, #tpu.memory_space<hbm>>
    %dma_wait3A_236 = arith.constant 0 : i32
    %dma_wait3A_237 = tpu.memref_slice %arg5[%dma_wait3A_236] : memref<320000xi32, #tpu.memory_space<hbm>> -> memref<2048xi32, #tpu.memory_space<hbm>>
    %dma_wait3A_238 = arith.constant 0 : i32
    %dma_wait3A_239 = tpu.memref_slice %arg29[%dma_wait3A_230, %dma_wait3A_238] : memref<2x2048xi32, #tpu.memory_space<vmem>> -> memref<1x2048xi32, #tpu.memory_space<vmem>>
    %dma_wait3A_240 = tpu.memref_squeeze %dma_wait3A_239 : memref<1x2048xi32, #tpu.memory_space<vmem>> -> memref<2048xi32, #tpu.memory_space<vmem>>
    tpu.wait_dma2 semaphore(%arg36 : memref<!tpu.dma_semaphore, #tpu.memory_space<semaphore_mem>>) src(%dma_wait3A_240 : memref<2048xi32, #tpu.memory_space<vmem>>) dst(%dma_wait3A_237 : memref<2048xi32, #tpu.memory_space<hbm>>)
    %lt3A = arith.constant 2 : i32
    %lt3A_241 = arith.cmpi slt, %arg1, %lt3A : i32
    %convert_element_type3A = arith.extui %lt3A_241 : i1 to i32
    %cond3A = arith.constant 0 : i32
    %cond3A_242 = arith.cmpi ne, %convert_element_type3A, %cond3A : i32
    scf.if %cond3A_242 {
      %add3A_635 = arith.constant 64 : i32
      %add3A_636 = arith.addi %add3A_18, %add3A_635 : i32
      %mul3A_637 = arith.constant 128 : i32
      %mul3A_638 = arith.muli %add3A_636, %mul3A_637 : i32
      %dma_start3A_639 = arith.constant 0 : i32
      %dma_start3A_640 = arith.constant 0 : i32
      %dma_start3A_641 = tpu.memref_slice %arg29[%dma_start3A_639, %dma_start3A_640] : memref<2x2048xi32, #tpu.memory_space<vmem>> -> memref<2x1920xi32, #tpu.memory_space<vmem>>
      %dma_start3A_642 = arith.constant 0 : i32
      %dma_start3A_643 = tpu.memref_slice %arg3[%dma_start3A_642, %mul3A_638] : memref<2x320000xi32, #tpu.memory_space<hbm>> -> memref<2x1920xi32, #tpu.memory_space<hbm>>
      %dma_start3A_644 = arith.constant 0 : i32
      %dma_start3A_645 = arith.constant 0 : i32
      %dma_start3A_646 = tpu.memref_slice %arg29[%dma_start3A_644, %dma_start3A_645] : memref<2x2048xi32, #tpu.memory_space<vmem>> -> memref<2x1920xi32, #tpu.memory_space<vmem>>
      %dma_start3A_647 = arith.constant 0 : i32
      %dma_start3A_648 = tpu.memref_slice %arg3[%dma_start3A_647, %mul3A_638] : memref<2x320000xi32, #tpu.memory_space<hbm>> -> memref<2x1920xi32, #tpu.memory_space<hbm>>
      tpu.enqueue_dma source(%dma_start3A_648 : memref<2x1920xi32, #tpu.memory_space<hbm>>) target(%dma_start3A_646 : memref<2x1920xi32, #tpu.memory_space<vmem>>) target_semaphore(%arg32 : memref<!tpu.dma_semaphore, #tpu.memory_space<semaphore_mem>>)
    } else {
    }
    %ge3A = arith.constant 2 : i32
    %ge3A_243 = arith.cmpi sge, %arg1, %ge3A : i32
    %convert_element_type3A_244 = arith.extui %ge3A_243 : i1 to i32
    %cond3A_245 = arith.constant 0 : i32
    %cond3A_246 = arith.cmpi ne, %convert_element_type3A_244, %cond3A_245 : i32
    scf.if %cond3A_246 {
      %add3A_635 = arith.constant 64 : i32
      %add3A_636 = arith.addi %add3A_18, %add3A_635 : i32
      %mul3A_637 = arith.constant 128 : i32
      %mul3A_638 = arith.muli %add3A_636, %mul3A_637 : i32
      %dma_start3A_639 = arith.constant 0 : i32
      %dma_start3A_640 = arith.constant 0 : i32
      %dma_start3A_641 = tpu.memref_slice %arg29[%dma_start3A_639, %dma_start3A_640] : memref<2x2048xi32, #tpu.memory_space<vmem>> -> memref<2x1792xi32, #tpu.memory_space<vmem>>
      %dma_start3A_642 = arith.constant 0 : i32
      %dma_start3A_643 = tpu.memref_slice %arg3[%dma_start3A_642, %mul3A_638] : memref<2x320000xi32, #tpu.memory_space<hbm>> -> memref<2x1792xi32, #tpu.memory_space<hbm>>
      %dma_start3A_644 = arith.constant 0 : i32
      %dma_start3A_645 = arith.constant 0 : i32
      %dma_start3A_646 = tpu.memref_slice %arg29[%dma_start3A_644, %dma_start3A_645] : memref<2x2048xi32, #tpu.memory_space<vmem>> -> memref<2x1792xi32, #tpu.memory_space<vmem>>
      %dma_start3A_647 = arith.constant 0 : i32
      %dma_start3A_648 = tpu.memref_slice %arg3[%dma_start3A_647, %mul3A_638] : memref<2x320000xi32, #tpu.memory_space<hbm>> -> memref<2x1792xi32, #tpu.memory_space<hbm>>
      tpu.enqueue_dma source(%dma_start3A_648 : memref<2x1792xi32, #tpu.memory_space<hbm>>) target(%dma_start3A_646 : memref<2x1792xi32, #tpu.memory_space<vmem>>) target_semaphore(%arg32 : memref<!tpu.dma_semaphore, #tpu.memory_space<semaphore_mem>>)
    } else {
    }
    %dma_wait3A_247 = arith.constant 0 : i32
    %dma_wait3A_248 = arith.constant 0 : i32
    %dma_wait3A_249 = tpu.memref_slice %arg30[%dma_wait3A_247, %dma_wait3A_248] : memref<2x2048xi32, #tpu.memory_space<vmem>> -> memref<2x2048xi32, #tpu.memory_space<vmem>>
    %dma_wait3A_250 = arith.constant 0 : i32
    %dma_wait3A_251 = arith.constant 0 : i32
    %dma_wait3A_252 = tpu.memref_slice %arg3[%dma_wait3A_250, %dma_wait3A_251] : memref<2x320000xi32, #tpu.memory_space<hbm>> -> memref<2x2048xi32, #tpu.memory_space<hbm>>
    %dma_wait3A_253 = arith.constant 0 : i32
    %dma_wait3A_254 = arith.constant 0 : i32
    %dma_wait3A_255 = tpu.memref_slice %arg30[%dma_wait3A_253, %dma_wait3A_254] : memref<2x2048xi32, #tpu.memory_space<vmem>> -> memref<2x2048xi32, #tpu.memory_space<vmem>>
    %dma_wait3A_256 = arith.constant 0 : i32
    %dma_wait3A_257 = arith.constant 0 : i32
    %dma_wait3A_258 = tpu.memref_slice %arg3[%dma_wait3A_256, %dma_wait3A_257] : memref<2x320000xi32, #tpu.memory_space<hbm>> -> memref<2x2048xi32, #tpu.memory_space<hbm>>
    tpu.wait_dma2 semaphore(%arg32 : memref<!tpu.dma_semaphore, #tpu.memory_space<semaphore_mem>>) src(%dma_wait3A_258 : memref<2x2048xi32, #tpu.memory_space<hbm>>) dst(%dma_wait3A_255 : memref<2x2048xi32, #tpu.memory_space<vmem>>)
    %add3A_259 = arith.constant 48 : i32
    %add3A_260 = arith.addi %add3A_18, %add3A_259 : i32
    %mul3A_261 = arith.constant 128 : i32
    %mul3A_262 = arith.muli %add3A_260, %mul3A_261 : i32
    %dma_start3A_263 = arith.constant 0 : i32
    %dma_start3A_264 = arith.constant 0 : i32
    %dma_start3A_265 = tpu.memref_slice %arg30[%dma_start3A_263, %dma_start3A_264] : memref<2x2048xi32, #tpu.memory_space<vmem>> -> memref<1x2048xi32, #tpu.memory_space<vmem>>
    %dma_start3A_266 = tpu.memref_squeeze %dma_start3A_265 : memref<1x2048xi32, #tpu.memory_space<vmem>> -> memref<2048xi32, #tpu.memory_space<vmem>>
    %dma_start3A_267 = tpu.memref_slice %arg5[%mul3A_262] : memref<320000xi32, #tpu.memory_space<hbm>> -> memref<2048xi32, #tpu.memory_space<hbm>>
    %dma_start3A_268 = tpu.memref_slice %arg5[%mul3A_262] : memref<320000xi32, #tpu.memory_space<hbm>> -> memref<2048xi32, #tpu.memory_space<hbm>>
    %dma_start3A_269 = arith.constant 0 : i32
    %dma_start3A_270 = tpu.memref_slice %arg30[%dma_start3A_263, %dma_start3A_269] : memref<2x2048xi32, #tpu.memory_space<vmem>> -> memref<1x2048xi32, #tpu.memory_space<vmem>>
    %dma_start3A_271 = tpu.memref_squeeze %dma_start3A_270 : memref<1x2048xi32, #tpu.memory_space<vmem>> -> memref<2048xi32, #tpu.memory_space<vmem>>
    tpu.enqueue_dma source(%dma_start3A_271 : memref<2048xi32, #tpu.memory_space<vmem>>) target(%dma_start3A_268 : memref<2048xi32, #tpu.memory_space<hbm>>) target_semaphore(%arg36 : memref<!tpu.dma_semaphore, #tpu.memory_space<semaphore_mem>>)
    %dma_start3A_272 = arith.constant 1 : i32
    %dma_start3A_273 = arith.constant 0 : i32
    %dma_start3A_274 = tpu.memref_slice %arg30[%dma_start3A_272, %dma_start3A_273] : memref<2x2048xi32, #tpu.memory_space<vmem>> -> memref<1x2048xi32, #tpu.memory_space<vmem>>
    %dma_start3A_275 = tpu.memref_squeeze %dma_start3A_274 : memref<1x2048xi32, #tpu.memory_space<vmem>> -> memref<2048xi32, #tpu.memory_space<vmem>>
    %dma_start3A_276 = tpu.memref_slice %arg6[%mul3A_262] : memref<320000xi32, #tpu.memory_space<hbm>> -> memref<2048xi32, #tpu.memory_space<hbm>>
    %dma_start3A_277 = tpu.memref_slice %arg6[%mul3A_262] : memref<320000xi32, #tpu.memory_space<hbm>> -> memref<2048xi32, #tpu.memory_space<hbm>>
    %dma_start3A_278 = arith.constant 0 : i32
    %dma_start3A_279 = tpu.memref_slice %arg30[%dma_start3A_272, %dma_start3A_278] : memref<2x2048xi32, #tpu.memory_space<vmem>> -> memref<1x2048xi32, #tpu.memory_space<vmem>>
    %dma_start3A_280 = tpu.memref_squeeze %dma_start3A_279 : memref<1x2048xi32, #tpu.memory_space<vmem>> -> memref<2048xi32, #tpu.memory_space<vmem>>
    tpu.enqueue_dma source(%dma_start3A_280 : memref<2048xi32, #tpu.memory_space<vmem>>) target(%dma_start3A_277 : memref<2048xi32, #tpu.memory_space<hbm>>) target_semaphore(%arg36 : memref<!tpu.dma_semaphore, #tpu.memory_space<semaphore_mem>>)
    %dma_wait3A_281 = arith.constant 0 : i32
    %dma_wait3A_282 = arith.constant 0 : i32
    %dma_wait3A_283 = tpu.memref_slice %arg29[%dma_wait3A_281, %dma_wait3A_282] : memref<2x2048xi32, #tpu.memory_space<vmem>> -> memref<1x2048xi32, #tpu.memory_space<vmem>>
    %dma_wait3A_284 = tpu.memref_squeeze %dma_wait3A_283 : memref<1x2048xi32, #tpu.memory_space<vmem>> -> memref<2048xi32, #tpu.memory_space<vmem>>
    %dma_wait3A_285 = arith.constant 0 : i32
    %dma_wait3A_286 = tpu.memref_slice %arg5[%dma_wait3A_285] : memref<320000xi32, #tpu.memory_space<hbm>> -> memref<2048xi32, #tpu.memory_space<hbm>>
    %dma_wait3A_287 = arith.constant 0 : i32
    %dma_wait3A_288 = tpu.memref_slice %arg5[%dma_wait3A_287] : memref<320000xi32, #tpu.memory_space<hbm>> -> memref<2048xi32, #tpu.memory_space<hbm>>
    %dma_wait3A_289 = arith.constant 0 : i32
    %dma_wait3A_290 = tpu.memref_slice %arg29[%dma_wait3A_281, %dma_wait3A_289] : memref<2x2048xi32, #tpu.memory_space<vmem>> -> memref<1x2048xi32, #tpu.memory_space<vmem>>
    %dma_wait3A_291 = tpu.memref_squeeze %dma_wait3A_290 : memref<1x2048xi32, #tpu.memory_space<vmem>> -> memref<2048xi32, #tpu.memory_space<vmem>>
    tpu.wait_dma2 semaphore(%arg36 : memref<!tpu.dma_semaphore, #tpu.memory_space<semaphore_mem>>) src(%dma_wait3A_291 : memref<2048xi32, #tpu.memory_space<vmem>>) dst(%dma_wait3A_288 : memref<2048xi32, #tpu.memory_space<hbm>>)
    %dma_wait3A_292 = arith.constant 0 : i32
    %dma_wait3A_293 = arith.constant 0 : i32
    %dma_wait3A_294 = tpu.memref_slice %arg29[%dma_wait3A_292, %dma_wait3A_293] : memref<2x2048xi32, #tpu.memory_space<vmem>> -> memref<1x2048xi32, #tpu.memory_space<vmem>>
    %dma_wait3A_295 = tpu.memref_squeeze %dma_wait3A_294 : memref<1x2048xi32, #tpu.memory_space<vmem>> -> memref<2048xi32, #tpu.memory_space<vmem>>
    %dma_wait3A_296 = arith.constant 0 : i32
    %dma_wait3A_297 = tpu.memref_slice %arg5[%dma_wait3A_296] : memref<320000xi32, #tpu.memory_space<hbm>> -> memref<2048xi32, #tpu.memory_space<hbm>>
    %dma_wait3A_298 = arith.constant 0 : i32
    %dma_wait3A_299 = tpu.memref_slice %arg5[%dma_wait3A_298] : memref<320000xi32, #tpu.memory_space<hbm>> -> memref<2048xi32, #tpu.memory_space<hbm>>
    %dma_wait3A_300 = arith.constant 0 : i32
    %dma_wait3A_301 = tpu.memref_slice %arg29[%dma_wait3A_292, %dma_wait3A_300] : memref<2x2048xi32, #tpu.memory_space<vmem>> -> memref<1x2048xi32, #tpu.memory_space<vmem>>
    %dma_wait3A_302 = tpu.memref_squeeze %dma_wait3A_301 : memref<1x2048xi32, #tpu.memory_space<vmem>> -> memref<2048xi32, #tpu.memory_space<vmem>>
    tpu.wait_dma2 semaphore(%arg36 : memref<!tpu.dma_semaphore, #tpu.memory_space<semaphore_mem>>) src(%dma_wait3A_302 : memref<2048xi32, #tpu.memory_space<vmem>>) dst(%dma_wait3A_299 : memref<2048xi32, #tpu.memory_space<hbm>>)
    %lt3A_303 = arith.constant 2 : i32
    %lt3A_304 = arith.cmpi slt, %arg1, %lt3A_303 : i32
    %convert_element_type3A_305 = arith.extui %lt3A_304 : i1 to i32
    %cond3A_306 = arith.constant 0 : i32
    %cond3A_307 = arith.cmpi ne, %convert_element_type3A_305, %cond3A_306 : i32
    scf.if %cond3A_307 {
      %dma_wait3A_635 = arith.constant 0 : i32
      %dma_wait3A_636 = arith.constant 0 : i32
      %dma_wait3A_637 = tpu.memref_slice %arg29[%dma_wait3A_635, %dma_wait3A_636] : memref<2x2048xi32, #tpu.memory_space<vmem>> -> memref<2x1920xi32, #tpu.memory_space<vmem>>
      %dma_wait3A_638 = arith.constant 0 : i32
      %dma_wait3A_639 = arith.constant 0 : i32
      %dma_wait3A_640 = tpu.memref_slice %arg3[%dma_wait3A_638, %dma_wait3A_639] : memref<2x320000xi32, #tpu.memory_space<hbm>> -> memref<2x1920xi32, #tpu.memory_space<hbm>>
      %dma_wait3A_641 = arith.constant 0 : i32
      %dma_wait3A_642 = arith.constant 0 : i32
      %dma_wait3A_643 = tpu.memref_slice %arg29[%dma_wait3A_641, %dma_wait3A_642] : memref<2x2048xi32, #tpu.memory_space<vmem>> -> memref<2x1920xi32, #tpu.memory_space<vmem>>
      %dma_wait3A_644 = arith.constant 0 : i32
      %dma_wait3A_645 = arith.constant 0 : i32
      %dma_wait3A_646 = tpu.memref_slice %arg3[%dma_wait3A_644, %dma_wait3A_645] : memref<2x320000xi32, #tpu.memory_space<hbm>> -> memref<2x1920xi32, #tpu.memory_space<hbm>>
      tpu.wait_dma2 semaphore(%arg32 : memref<!tpu.dma_semaphore, #tpu.memory_space<semaphore_mem>>) src(%dma_wait3A_646 : memref<2x1920xi32, #tpu.memory_space<hbm>>) dst(%dma_wait3A_643 : memref<2x1920xi32, #tpu.memory_space<vmem>>)
      %add3A_647 = arith.constant 64 : i32
      %add3A_648 = arith.addi %add3A_18, %add3A_647 : i32
      %mul3A_649 = arith.constant 128 : i32
      %mul3A_650 = arith.muli %add3A_648, %mul3A_649 : i32
      %dma_start3A_651 = arith.constant 0 : i32
      %dma_start3A_652 = arith.constant 0 : i32
      %dma_start3A_653 = tpu.memref_slice %arg29[%dma_start3A_651, %dma_start3A_652] : memref<2x2048xi32, #tpu.memory_space<vmem>> -> memref<1x1920xi32, #tpu.memory_space<vmem>>
      %dma_start3A_654 = tpu.memref_squeeze %dma_start3A_653 : memref<1x1920xi32, #tpu.memory_space<vmem>> -> memref<1920xi32, #tpu.memory_space<vmem>>
      %dma_start3A_655 = tpu.memref_slice %arg5[%mul3A_650] : memref<320000xi32, #tpu.memory_space<hbm>> -> memref<1920xi32, #tpu.memory_space<hbm>>
      %dma_start3A_656 = tpu.memref_slice %arg5[%mul3A_650] : memref<320000xi32, #tpu.memory_space<hbm>> -> memref<1920xi32, #tpu.memory_space<hbm>>
      %dma_start3A_657 = arith.constant 0 : i32
      %dma_start3A_658 = tpu.memref_slice %arg29[%dma_start3A_651, %dma_start3A_657] : memref<2x2048xi32, #tpu.memory_space<vmem>> -> memref<1x1920xi32, #tpu.memory_space<vmem>>
      %dma_start3A_659 = tpu.memref_squeeze %dma_start3A_658 : memref<1x1920xi32, #tpu.memory_space<vmem>> -> memref<1920xi32, #tpu.memory_space<vmem>>
      tpu.enqueue_dma source(%dma_start3A_659 : memref<1920xi32, #tpu.memory_space<vmem>>) target(%dma_start3A_656 : memref<1920xi32, #tpu.memory_space<hbm>>) target_semaphore(%arg36 : memref<!tpu.dma_semaphore, #tpu.memory_space<semaphore_mem>>)
      %dma_start3A_660 = arith.constant 1 : i32
      %dma_start3A_661 = arith.constant 0 : i32
      %dma_start3A_662 = tpu.memref_slice %arg29[%dma_start3A_660, %dma_start3A_661] : memref<2x2048xi32, #tpu.memory_space<vmem>> -> memref<1x1920xi32, #tpu.memory_space<vmem>>
      %dma_start3A_663 = tpu.memref_squeeze %dma_start3A_662 : memref<1x1920xi32, #tpu.memory_space<vmem>> -> memref<1920xi32, #tpu.memory_space<vmem>>
      %dma_start3A_664 = tpu.memref_slice %arg6[%mul3A_650] : memref<320000xi32, #tpu.memory_space<hbm>> -> memref<1920xi32, #tpu.memory_space<hbm>>
      %dma_start3A_665 = tpu.memref_slice %arg6[%mul3A_650] : memref<320000xi32, #tpu.memory_space<hbm>> -> memref<1920xi32, #tpu.memory_space<hbm>>
      %dma_start3A_666 = arith.constant 0 : i32
      %dma_start3A_667 = tpu.memref_slice %arg29[%dma_start3A_660, %dma_start3A_666] : memref<2x2048xi32, #tpu.memory_space<vmem>> -> memref<1x1920xi32, #tpu.memory_space<vmem>>
      %dma_start3A_668 = tpu.memref_squeeze %dma_start3A_667 : memref<1x1920xi32, #tpu.memory_space<vmem>> -> memref<1920xi32, #tpu.memory_space<vmem>>
      tpu.enqueue_dma source(%dma_start3A_668 : memref<1920xi32, #tpu.memory_space<vmem>>) target(%dma_start3A_665 : memref<1920xi32, #tpu.memory_space<hbm>>) target_semaphore(%arg36 : memref<!tpu.dma_semaphore, #tpu.memory_space<semaphore_mem>>)
      %dma_wait3A_669 = arith.constant 0 : i32
      %dma_wait3A_670 = arith.constant 0 : i32
      %dma_wait3A_671 = tpu.memref_slice %arg29[%dma_wait3A_669, %dma_wait3A_670] : memref<2x2048xi32, #tpu.memory_space<vmem>> -> memref<1x1920xi32, #tpu.memory_space<vmem>>
      %dma_wait3A_672 = tpu.memref_squeeze %dma_wait3A_671 : memref<1x1920xi32, #tpu.memory_space<vmem>> -> memref<1920xi32, #tpu.memory_space<vmem>>
      %dma_wait3A_673 = arith.constant 0 : i32
      %dma_wait3A_674 = tpu.memref_slice %arg5[%dma_wait3A_673] : memref<320000xi32, #tpu.memory_space<hbm>> -> memref<1920xi32, #tpu.memory_space<hbm>>
      %dma_wait3A_675 = arith.constant 0 : i32
      %dma_wait3A_676 = tpu.memref_slice %arg5[%dma_wait3A_675] : memref<320000xi32, #tpu.memory_space<hbm>> -> memref<1920xi32, #tpu.memory_space<hbm>>
      %dma_wait3A_677 = arith.constant 0 : i32
      %dma_wait3A_678 = tpu.memref_slice %arg29[%dma_wait3A_669, %dma_wait3A_677] : memref<2x2048xi32, #tpu.memory_space<vmem>> -> memref<1x1920xi32, #tpu.memory_space<vmem>>
      %dma_wait3A_679 = tpu.memref_squeeze %dma_wait3A_678 : memref<1x1920xi32, #tpu.memory_space<vmem>> -> memref<1920xi32, #tpu.memory_space<vmem>>
      tpu.wait_dma2 semaphore(%arg36 : memref<!tpu.dma_semaphore, #tpu.memory_space<semaphore_mem>>) src(%dma_wait3A_679 : memref<1920xi32, #tpu.memory_space<vmem>>) dst(%dma_wait3A_676 : memref<1920xi32, #tpu.memory_space<hbm>>)
      %dma_wait3A_680 = arith.constant 0 : i32
      %dma_wait3A_681 = arith.constant 0 : i32
      %dma_wait3A_682 = tpu.memref_slice %arg29[%dma_wait3A_680, %dma_wait3A_681] : memref<2x2048xi32, #tpu.memory_space<vmem>> -> memref<1x1920xi32, #tpu.memory_space<vmem>>
      %dma_wait3A_683 = tpu.memref_squeeze %dma_wait3A_682 : memref<1x1920xi32, #tpu.memory_space<vmem>> -> memref<1920xi32, #tpu.memory_space<vmem>>
      %dma_wait3A_684 = arith.constant 0 : i32
      %dma_wait3A_685 = tpu.memref_slice %arg5[%dma_wait3A_684] : memref<320000xi32, #tpu.memory_space<hbm>> -> memref<1920xi32, #tpu.memory_space<hbm>>
      %dma_wait3A_686 = arith.constant 0 : i32
      %dma_wait3A_687 = tpu.memref_slice %arg5[%dma_wait3A_686] : memref<320000xi32, #tpu.memory_space<hbm>> -> memref<1920xi32, #tpu.memory_space<hbm>>
      %dma_wait3A_688 = arith.constant 0 : i32
      %dma_wait3A_689 = tpu.memref_slice %arg29[%dma_wait3A_680, %dma_wait3A_688] : memref<2x2048xi32, #tpu.memory_space<vmem>> -> memref<1x1920xi32, #tpu.memory_space<vmem>>
      %dma_wait3A_690 = tpu.memref_squeeze %dma_wait3A_689 : memref<1x1920xi32, #tpu.memory_space<vmem>> -> memref<1920xi32, #tpu.memory_space<vmem>>
      tpu.wait_dma2 semaphore(%arg36 : memref<!tpu.dma_semaphore, #tpu.memory_space<semaphore_mem>>) src(%dma_wait3A_690 : memref<1920xi32, #tpu.memory_space<vmem>>) dst(%dma_wait3A_687 : memref<1920xi32, #tpu.memory_space<hbm>>)
    } else {
    }
    %ge3A_308 = arith.constant 2 : i32
    %ge3A_309 = arith.cmpi sge, %arg1, %ge3A_308 : i32
    %convert_element_type3A_310 = arith.extui %ge3A_309 : i1 to i32
    %cond3A_311 = arith.constant 0 : i32
    %cond3A_312 = arith.cmpi ne, %convert_element_type3A_310, %cond3A_311 : i32
    scf.if %cond3A_312 {
      %dma_wait3A_635 = arith.constant 0 : i32
      %dma_wait3A_636 = arith.constant 0 : i32
      %dma_wait3A_637 = tpu.memref_slice %arg29[%dma_wait3A_635, %dma_wait3A_636] : memref<2x2048xi32, #tpu.memory_space<vmem>> -> memref<2x1792xi32, #tpu.memory_space<vmem>>
      %dma_wait3A_638 = arith.constant 0 : i32
      %dma_wait3A_639 = arith.constant 0 : i32
      %dma_wait3A_640 = tpu.memref_slice %arg3[%dma_wait3A_638, %dma_wait3A_639] : memref<2x320000xi32, #tpu.memory_space<hbm>> -> memref<2x1792xi32, #tpu.memory_space<hbm>>
      %dma_wait3A_641 = arith.constant 0 : i32
      %dma_wait3A_642 = arith.constant 0 : i32
      %dma_wait3A_643 = tpu.memref_slice %arg29[%dma_wait3A_641, %dma_wait3A_642] : memref<2x2048xi32, #tpu.memory_space<vmem>> -> memref<2x1792xi32, #tpu.memory_space<vmem>>
      %dma_wait3A_644 = arith.constant 0 : i32
      %dma_wait3A_645 = arith.constant 0 : i32
      %dma_wait3A_646 = tpu.memref_slice %arg3[%dma_wait3A_644, %dma_wait3A_645] : memref<2x320000xi32, #tpu.memory_space<hbm>> -> memref<2x1792xi32, #tpu.memory_space<hbm>>
      tpu.wait_dma2 semaphore(%arg32 : memref<!tpu.dma_semaphore, #tpu.memory_space<semaphore_mem>>) src(%dma_wait3A_646 : memref<2x1792xi32, #tpu.memory_space<hbm>>) dst(%dma_wait3A_643 : memref<2x1792xi32, #tpu.memory_space<vmem>>)
      %add3A_647 = arith.constant 64 : i32
      %add3A_648 = arith.addi %add3A_18, %add3A_647 : i32
      %mul3A_649 = arith.constant 128 : i32
      %mul3A_650 = arith.muli %add3A_648, %mul3A_649 : i32
      %dma_start3A_651 = arith.constant 0 : i32
      %dma_start3A_652 = arith.constant 0 : i32
      %dma_start3A_653 = tpu.memref_slice %arg29[%dma_start3A_651, %dma_start3A_652] : memref<2x2048xi32, #tpu.memory_space<vmem>> -> memref<1x1792xi32, #tpu.memory_space<vmem>>
      %dma_start3A_654 = tpu.memref_squeeze %dma_start3A_653 : memref<1x1792xi32, #tpu.memory_space<vmem>> -> memref<1792xi32, #tpu.memory_space<vmem>>
      %dma_start3A_655 = tpu.memref_slice %arg5[%mul3A_650] : memref<320000xi32, #tpu.memory_space<hbm>> -> memref<1792xi32, #tpu.memory_space<hbm>>
      %dma_start3A_656 = tpu.memref_slice %arg5[%mul3A_650] : memref<320000xi32, #tpu.memory_space<hbm>> -> memref<1792xi32, #tpu.memory_space<hbm>>
      %dma_start3A_657 = arith.constant 0 : i32
      %dma_start3A_658 = tpu.memref_slice %arg29[%dma_start3A_651, %dma_start3A_657] : memref<2x2048xi32, #tpu.memory_space<vmem>> -> memref<1x1792xi32, #tpu.memory_space<vmem>>
      %dma_start3A_659 = tpu.memref_squeeze %dma_start3A_658 : memref<1x1792xi32, #tpu.memory_space<vmem>> -> memref<1792xi32, #tpu.memory_space<vmem>>
      tpu.enqueue_dma source(%dma_start3A_659 : memref<1792xi32, #tpu.memory_space<vmem>>) target(%dma_start3A_656 : memref<1792xi32, #tpu.memory_space<hbm>>) target_semaphore(%arg36 : memref<!tpu.dma_semaphore, #tpu.memory_space<semaphore_mem>>)
      %dma_start3A_660 = arith.constant 1 : i32
      %dma_start3A_661 = arith.constant 0 : i32
      %dma_start3A_662 = tpu.memref_slice %arg29[%dma_start3A_660, %dma_start3A_661] : memref<2x2048xi32, #tpu.memory_space<vmem>> -> memref<1x1792xi32, #tpu.memory_space<vmem>>
      %dma_start3A_663 = tpu.memref_squeeze %dma_start3A_662 : memref<1x1792xi32, #tpu.memory_space<vmem>> -> memref<1792xi32, #tpu.memory_space<vmem>>
      %dma_start3A_664 = tpu.memref_slice %arg6[%mul3A_650] : memref<320000xi32, #tpu.memory_space<hbm>> -> memref<1792xi32, #tpu.memory_space<hbm>>
      %dma_start3A_665 = tpu.memref_slice %arg6[%mul3A_650] : memref<320000xi32, #tpu.memory_space<hbm>> -> memref<1792xi32, #tpu.memory_space<hbm>>
      %dma_start3A_666 = arith.constant 0 : i32
      %dma_start3A_667 = tpu.memref_slice %arg29[%dma_start3A_660, %dma_start3A_666] : memref<2x2048xi32, #tpu.memory_space<vmem>> -> memref<1x1792xi32, #tpu.memory_space<vmem>>
      %dma_start3A_668 = tpu.memref_squeeze %dma_start3A_667 : memref<1x1792xi32, #tpu.memory_space<vmem>> -> memref<1792xi32, #tpu.memory_space<vmem>>
      tpu.enqueue_dma source(%dma_start3A_668 : memref<1792xi32, #tpu.memory_space<vmem>>) target(%dma_start3A_665 : memref<1792xi32, #tpu.memory_space<hbm>>) target_semaphore(%arg36 : memref<!tpu.dma_semaphore, #tpu.memory_space<semaphore_mem>>)
      %dma_wait3A_669 = arith.constant 0 : i32
      %dma_wait3A_670 = arith.constant 0 : i32
      %dma_wait3A_671 = tpu.memref_slice %arg29[%dma_wait3A_669, %dma_wait3A_670] : memref<2x2048xi32, #tpu.memory_space<vmem>> -> memref<1x1792xi32, #tpu.memory_space<vmem>>
      %dma_wait3A_672 = tpu.memref_squeeze %dma_wait3A_671 : memref<1x1792xi32, #tpu.memory_space<vmem>> -> memref<1792xi32, #tpu.memory_space<vmem>>
      %dma_wait3A_673 = arith.constant 0 : i32
      %dma_wait3A_674 = tpu.memref_slice %arg5[%dma_wait3A_673] : memref<320000xi32, #tpu.memory_space<hbm>> -> memref<1792xi32, #tpu.memory_space<hbm>>
      %dma_wait3A_675 = arith.constant 0 : i32
      %dma_wait3A_676 = tpu.memref_slice %arg5[%dma_wait3A_675] : memref<320000xi32, #tpu.memory_space<hbm>> -> memref<1792xi32, #tpu.memory_space<hbm>>
      %dma_wait3A_677 = arith.constant 0 : i32
      %dma_wait3A_678 = tpu.memref_slice %arg29[%dma_wait3A_669, %dma_wait3A_677] : memref<2x2048xi32, #tpu.memory_space<vmem>> -> memref<1x1792xi32, #tpu.memory_space<vmem>>
      %dma_wait3A_679 = tpu.memref_squeeze %dma_wait3A_678 : memref<1x1792xi32, #tpu.memory_space<vmem>> -> memref<1792xi32, #tpu.memory_space<vmem>>
      tpu.wait_dma2 semaphore(%arg36 : memref<!tpu.dma_semaphore, #tpu.memory_space<semaphore_mem>>) src(%dma_wait3A_679 : memref<1792xi32, #tpu.memory_space<vmem>>) dst(%dma_wait3A_676 : memref<1792xi32, #tpu.memory_space<hbm>>)
      %dma_wait3A_680 = arith.constant 0 : i32
      %dma_wait3A_681 = arith.constant 0 : i32
      %dma_wait3A_682 = tpu.memref_slice %arg29[%dma_wait3A_680, %dma_wait3A_681] : memref<2x2048xi32, #tpu.memory_space<vmem>> -> memref<1x1792xi32, #tpu.memory_space<vmem>>
      %dma_wait3A_683 = tpu.memref_squeeze %dma_wait3A_682 : memref<1x1792xi32, #tpu.memory_space<vmem>> -> memref<1792xi32, #tpu.memory_space<vmem>>
      %dma_wait3A_684 = arith.constant 0 : i32
      %dma_wait3A_685 = tpu.memref_slice %arg5[%dma_wait3A_684] : memref<320000xi32, #tpu.memory_space<hbm>> -> memref<1792xi32, #tpu.memory_space<hbm>>
      %dma_wait3A_686 = arith.constant 0 : i32
      %dma_wait3A_687 = tpu.memref_slice %arg5[%dma_wait3A_686] : memref<320000xi32, #tpu.memory_space<hbm>> -> memref<1792xi32, #tpu.memory_space<hbm>>
      %dma_wait3A_688 = arith.constant 0 : i32
      %dma_wait3A_689 = tpu.memref_slice %arg29[%dma_wait3A_680, %dma_wait3A_688] : memref<2x2048xi32, #tpu.memory_space<vmem>> -> memref<1x1792xi32, #tpu.memory_space<vmem>>
      %dma_wait3A_690 = tpu.memref_squeeze %dma_wait3A_689 : memref<1x1792xi32, #tpu.memory_space<vmem>> -> memref<1792xi32, #tpu.memory_space<vmem>>
      tpu.wait_dma2 semaphore(%arg36 : memref<!tpu.dma_semaphore, #tpu.memory_space<semaphore_mem>>) src(%dma_wait3A_690 : memref<1792xi32, #tpu.memory_space<vmem>>) dst(%dma_wait3A_687 : memref<1792xi32, #tpu.memory_space<hbm>>)
    } else {
    }
    %scan3A_313 = arith.constant 0 : i32
    %scan3A_314 = arith.constant 40 : i32
    %scan3A_315 = arith.addi %scan3A_313, %scan3A_314 : i32
    %scan3A_316 = arith.constant 1 : i32
    scf.for %scan3A_635 = %scan3A_313 to %scan3A_315 step %scan3A_316  : i32 {
      %mul3A_636 = arith.constant 1 : i32
      %mul3A_637 = arith.muli %scan3A_635, %mul3A_636 : i32
      %add3A_638 = arith.constant 0 : i32
      %add3A_639 = arith.addi %add3A_638, %mul3A_637 : i32
      %dma_wait3A_640 = arith.constant 0 : i32
      %dma_wait3A_641 = arith.constant 0 : i32
      %dma_wait3A_642 = tpu.memref_slice %arg7[%dma_wait3A_640, %dma_wait3A_641] : memref<10240x128xf32, #tpu.memory_space<vmem_shared>> -> memref<16x128xf32, #tpu.memory_space<vmem_shared>>
      %dma_wait3A_643 = arith.constant 0 : i32
      %dma_wait3A_644 = arith.constant 0 : i32
      %dma_wait3A_645 = tpu.memref_slice %arg7[%dma_wait3A_643, %dma_wait3A_644] : memref<10240x128xf32, #tpu.memory_space<vmem_shared>> -> memref<16x128xf32, #tpu.memory_space<vmem_shared>>
      tpu.wait_dma2 semaphore(%arg35 : memref<!tpu.dma_semaphore, #tpu.memory_space<semaphore_mem>>) src(%arg31 : memref<16x128xf32, #tpu.memory_space<vmem>>) dst(%dma_wait3A_645 : memref<16x128xf32, #tpu.memory_space<vmem_shared>>)
    }
    %scan3A_317 = arith.constant 40 : i32
    %barrier3A = arith.constant 0 : index
    tpu.barrier barrier_id(%barrier3A)
    %add3A_318 = arith.constant 0 : i32
    %add3A_319 = arith.addi %mul3A_2, %add3A_318 : i32
    %dma_start3A_320 = arith.constant 0 : i32
    %dma_start3A_321 = arith.constant 0 : i32
    %dma_start3A_322 = tpu.memref_slice %arg8[%dma_start3A_320, %dma_start3A_321] : memref<2x40xi32, #tpu.memory_space<vmem>> -> memref<1x40xi32, #tpu.memory_space<vmem>>
    %dma_start3A_323 = tpu.memref_squeeze %dma_start3A_322 : memref<1x40xi32, #tpu.memory_space<vmem>> -> memref<40xi32, #tpu.memory_space<vmem>>
    %dma_start3A_324 = tpu.memref_slice %arg5[%add3A_319] : memref<320000xi32, #tpu.memory_space<hbm>> -> memref<40xi32, #tpu.memory_space<hbm>>
    %dma_start3A_325 = arith.constant 0 : i32
    %dma_start3A_326 = tpu.memref_slice %arg8[%dma_start3A_320, %dma_start3A_325] : memref<2x40xi32, #tpu.memory_space<vmem>> -> memref<1x40xi32, #tpu.memory_space<vmem>>
    %dma_start3A_327 = tpu.memref_squeeze %dma_start3A_326 : memref<1x40xi32, #tpu.memory_space<vmem>> -> memref<40xi32, #tpu.memory_space<vmem>>
    %dma_start3A_328 = tpu.memref_slice %arg5[%add3A_319] : memref<320000xi32, #tpu.memory_space<hbm>> -> memref<40xi32, #tpu.memory_space<hbm>>
    tpu.enqueue_dma source(%dma_start3A_328 : memref<40xi32, #tpu.memory_space<hbm>>) target(%dma_start3A_327 : memref<40xi32, #tpu.memory_space<vmem>>) target_semaphore(%arg32 : memref<!tpu.dma_semaphore, #tpu.memory_space<semaphore_mem>>)
    %add3A_329 = arith.constant 0 : i32
    %add3A_330 = arith.addi %mul3A_2, %add3A_329 : i32
    %dma_start3A_331 = arith.constant 1 : i32
    %dma_start3A_332 = arith.constant 0 : i32
    %dma_start3A_333 = tpu.memref_slice %arg8[%dma_start3A_331, %dma_start3A_332] : memref<2x40xi32, #tpu.memory_space<vmem>> -> memref<1x40xi32, #tpu.memory_space<vmem>>
    %dma_start3A_334 = tpu.memref_squeeze %dma_start3A_333 : memref<1x40xi32, #tpu.memory_space<vmem>> -> memref<40xi32, #tpu.memory_space<vmem>>
    %dma_start3A_335 = tpu.memref_slice %arg6[%add3A_330] : memref<320000xi32, #tpu.memory_space<hbm>> -> memref<40xi32, #tpu.memory_space<hbm>>
    %dma_start3A_336 = arith.constant 0 : i32
    %dma_start3A_337 = tpu.memref_slice %arg8[%dma_start3A_331, %dma_start3A_336] : memref<2x40xi32, #tpu.memory_space<vmem>> -> memref<1x40xi32, #tpu.memory_space<vmem>>
    %dma_start3A_338 = tpu.memref_squeeze %dma_start3A_337 : memref<1x40xi32, #tpu.memory_space<vmem>> -> memref<40xi32, #tpu.memory_space<vmem>>
    %dma_start3A_339 = tpu.memref_slice %arg6[%add3A_330] : memref<320000xi32, #tpu.memory_space<hbm>> -> memref<40xi32, #tpu.memory_space<hbm>>
    tpu.enqueue_dma source(%dma_start3A_339 : memref<40xi32, #tpu.memory_space<hbm>>) target(%dma_start3A_338 : memref<40xi32, #tpu.memory_space<vmem>>) target_semaphore(%arg32 : memref<!tpu.dma_semaphore, #tpu.memory_space<semaphore_mem>>)
    %add3A_340 = arith.constant 40 : i32
    %add3A_341 = arith.addi %mul3A_2, %add3A_340 : i32
    %dma_start3A_342 = arith.constant 0 : i32
    %dma_start3A_343 = arith.constant 0 : i32
    %dma_start3A_344 = tpu.memref_slice %arg9[%dma_start3A_342, %dma_start3A_343] : memref<2x40xi32, #tpu.memory_space<vmem>> -> memref<1x40xi32, #tpu.memory_space<vmem>>
    %dma_start3A_345 = tpu.memref_squeeze %dma_start3A_344 : memref<1x40xi32, #tpu.memory_space<vmem>> -> memref<40xi32, #tpu.memory_space<vmem>>
    %dma_start3A_346 = tpu.memref_slice %arg5[%add3A_341] : memref<320000xi32, #tpu.memory_space<hbm>> -> memref<40xi32, #tpu.memory_space<hbm>>
    %dma_start3A_347 = arith.constant 0 : i32
    %dma_start3A_348 = tpu.memref_slice %arg9[%dma_start3A_342, %dma_start3A_347] : memref<2x40xi32, #tpu.memory_space<vmem>> -> memref<1x40xi32, #tpu.memory_space<vmem>>
    %dma_start3A_349 = tpu.memref_squeeze %dma_start3A_348 : memref<1x40xi32, #tpu.memory_space<vmem>> -> memref<40xi32, #tpu.memory_space<vmem>>
    %dma_start3A_350 = tpu.memref_slice %arg5[%add3A_341] : memref<320000xi32, #tpu.memory_space<hbm>> -> memref<40xi32, #tpu.memory_space<hbm>>
    tpu.enqueue_dma source(%dma_start3A_350 : memref<40xi32, #tpu.memory_space<hbm>>) target(%dma_start3A_349 : memref<40xi32, #tpu.memory_space<vmem>>) target_semaphore(%arg32 : memref<!tpu.dma_semaphore, #tpu.memory_space<semaphore_mem>>)
    %add3A_351 = arith.constant 40 : i32
    %add3A_352 = arith.addi %mul3A_2, %add3A_351 : i32
    %dma_start3A_353 = arith.constant 1 : i32
    %dma_start3A_354 = arith.constant 0 : i32
    %dma_start3A_355 = tpu.memref_slice %arg9[%dma_start3A_353, %dma_start3A_354] : memref<2x40xi32, #tpu.memory_space<vmem>> -> memref<1x40xi32, #tpu.memory_space<vmem>>
    %dma_start3A_356 = tpu.memref_squeeze %dma_start3A_355 : memref<1x40xi32, #tpu.memory_space<vmem>> -> memref<40xi32, #tpu.memory_space<vmem>>
    %dma_start3A_357 = tpu.memref_slice %arg6[%add3A_352] : memref<320000xi32, #tpu.memory_space<hbm>> -> memref<40xi32, #tpu.memory_space<hbm>>
    %dma_start3A_358 = arith.constant 0 : i32
    %dma_start3A_359 = tpu.memref_slice %arg9[%dma_start3A_353, %dma_start3A_358] : memref<2x40xi32, #tpu.memory_space<vmem>> -> memref<1x40xi32, #tpu.memory_space<vmem>>
    %dma_start3A_360 = tpu.memref_squeeze %dma_start3A_359 : memref<1x40xi32, #tpu.memory_space<vmem>> -> memref<40xi32, #tpu.memory_space<vmem>>
    %dma_start3A_361 = tpu.memref_slice %arg6[%add3A_352] : memref<320000xi32, #tpu.memory_space<hbm>> -> memref<40xi32, #tpu.memory_space<hbm>>
    tpu.enqueue_dma source(%dma_start3A_361 : memref<40xi32, #tpu.memory_space<hbm>>) target(%dma_start3A_360 : memref<40xi32, #tpu.memory_space<vmem>>) target_semaphore(%arg32 : memref<!tpu.dma_semaphore, #tpu.memory_space<semaphore_mem>>)
    %add3A_362 = arith.constant 80 : i32
    %add3A_363 = arith.addi %mul3A_2, %add3A_362 : i32
    %dma_start3A_364 = arith.constant 0 : i32
    %dma_start3A_365 = arith.constant 0 : i32
    %dma_start3A_366 = tpu.memref_slice %arg10[%dma_start3A_364, %dma_start3A_365] : memref<2x40xi32, #tpu.memory_space<vmem>> -> memref<1x40xi32, #tpu.memory_space<vmem>>
    %dma_start3A_367 = tpu.memref_squeeze %dma_start3A_366 : memref<1x40xi32, #tpu.memory_space<vmem>> -> memref<40xi32, #tpu.memory_space<vmem>>
    %dma_start3A_368 = tpu.memref_slice %arg5[%add3A_363] : memref<320000xi32, #tpu.memory_space<hbm>> -> memref<40xi32, #tpu.memory_space<hbm>>
    %dma_start3A_369 = arith.constant 0 : i32
    %dma_start3A_370 = tpu.memref_slice %arg10[%dma_start3A_364, %dma_start3A_369] : memref<2x40xi32, #tpu.memory_space<vmem>> -> memref<1x40xi32, #tpu.memory_space<vmem>>
    %dma_start3A_371 = tpu.memref_squeeze %dma_start3A_370 : memref<1x40xi32, #tpu.memory_space<vmem>> -> memref<40xi32, #tpu.memory_space<vmem>>
    %dma_start3A_372 = tpu.memref_slice %arg5[%add3A_363] : memref<320000xi32, #tpu.memory_space<hbm>> -> memref<40xi32, #tpu.memory_space<hbm>>
    tpu.enqueue_dma source(%dma_start3A_372 : memref<40xi32, #tpu.memory_space<hbm>>) target(%dma_start3A_371 : memref<40xi32, #tpu.memory_space<vmem>>) target_semaphore(%arg32 : memref<!tpu.dma_semaphore, #tpu.memory_space<semaphore_mem>>)
    %add3A_373 = arith.constant 80 : i32
    %add3A_374 = arith.addi %mul3A_2, %add3A_373 : i32
    %dma_start3A_375 = arith.constant 1 : i32
    %dma_start3A_376 = arith.constant 0 : i32
    %dma_start3A_377 = tpu.memref_slice %arg10[%dma_start3A_375, %dma_start3A_376] : memref<2x40xi32, #tpu.memory_space<vmem>> -> memref<1x40xi32, #tpu.memory_space<vmem>>
    %dma_start3A_378 = tpu.memref_squeeze %dma_start3A_377 : memref<1x40xi32, #tpu.memory_space<vmem>> -> memref<40xi32, #tpu.memory_space<vmem>>
    %dma_start3A_379 = tpu.memref_slice %arg6[%add3A_374] : memref<320000xi32, #tpu.memory_space<hbm>> -> memref<40xi32, #tpu.memory_space<hbm>>
    %dma_start3A_380 = arith.constant 0 : i32
    %dma_start3A_381 = tpu.memref_slice %arg10[%dma_start3A_375, %dma_start3A_380] : memref<2x40xi32, #tpu.memory_space<vmem>> -> memref<1x40xi32, #tpu.memory_space<vmem>>
    %dma_start3A_382 = tpu.memref_squeeze %dma_start3A_381 : memref<1x40xi32, #tpu.memory_space<vmem>> -> memref<40xi32, #tpu.memory_space<vmem>>
    %dma_start3A_383 = tpu.memref_slice %arg6[%add3A_374] : memref<320000xi32, #tpu.memory_space<hbm>> -> memref<40xi32, #tpu.memory_space<hbm>>
    tpu.enqueue_dma source(%dma_start3A_383 : memref<40xi32, #tpu.memory_space<hbm>>) target(%dma_start3A_382 : memref<40xi32, #tpu.memory_space<vmem>>) target_semaphore(%arg32 : memref<!tpu.dma_semaphore, #tpu.memory_space<semaphore_mem>>)
    %add3A_384 = arith.constant 120 : i32
    %add3A_385 = arith.addi %mul3A_2, %add3A_384 : i32
    %dma_start3A_386 = arith.constant 0 : i32
    %dma_start3A_387 = arith.constant 0 : i32
    %dma_start3A_388 = tpu.memref_slice %arg11[%dma_start3A_386, %dma_start3A_387] : memref<2x40xi32, #tpu.memory_space<vmem>> -> memref<1x40xi32, #tpu.memory_space<vmem>>
    %dma_start3A_389 = tpu.memref_squeeze %dma_start3A_388 : memref<1x40xi32, #tpu.memory_space<vmem>> -> memref<40xi32, #tpu.memory_space<vmem>>
    %dma_start3A_390 = tpu.memref_slice %arg5[%add3A_385] : memref<320000xi32, #tpu.memory_space<hbm>> -> memref<40xi32, #tpu.memory_space<hbm>>
    %dma_start3A_391 = arith.constant 0 : i32
    %dma_start3A_392 = tpu.memref_slice %arg11[%dma_start3A_386, %dma_start3A_391] : memref<2x40xi32, #tpu.memory_space<vmem>> -> memref<1x40xi32, #tpu.memory_space<vmem>>
    %dma_start3A_393 = tpu.memref_squeeze %dma_start3A_392 : memref<1x40xi32, #tpu.memory_space<vmem>> -> memref<40xi32, #tpu.memory_space<vmem>>
    %dma_start3A_394 = tpu.memref_slice %arg5[%add3A_385] : memref<320000xi32, #tpu.memory_space<hbm>> -> memref<40xi32, #tpu.memory_space<hbm>>
    tpu.enqueue_dma source(%dma_start3A_394 : memref<40xi32, #tpu.memory_space<hbm>>) target(%dma_start3A_393 : memref<40xi32, #tpu.memory_space<vmem>>) target_semaphore(%arg32 : memref<!tpu.dma_semaphore, #tpu.memory_space<semaphore_mem>>)
    %add3A_395 = arith.constant 120 : i32
    %add3A_396 = arith.addi %mul3A_2, %add3A_395 : i32
    %dma_start3A_397 = arith.constant 1 : i32
    %dma_start3A_398 = arith.constant 0 : i32
    %dma_start3A_399 = tpu.memref_slice %arg11[%dma_start3A_397, %dma_start3A_398] : memref<2x40xi32, #tpu.memory_space<vmem>> -> memref<1x40xi32, #tpu.memory_space<vmem>>
    %dma_start3A_400 = tpu.memref_squeeze %dma_start3A_399 : memref<1x40xi32, #tpu.memory_space<vmem>> -> memref<40xi32, #tpu.memory_space<vmem>>
    %dma_start3A_401 = tpu.memref_slice %arg6[%add3A_396] : memref<320000xi32, #tpu.memory_space<hbm>> -> memref<40xi32, #tpu.memory_space<hbm>>
    %dma_start3A_402 = arith.constant 0 : i32
    %dma_start3A_403 = tpu.memref_slice %arg11[%dma_start3A_397, %dma_start3A_402] : memref<2x40xi32, #tpu.memory_space<vmem>> -> memref<1x40xi32, #tpu.memory_space<vmem>>
    %dma_start3A_404 = tpu.memref_squeeze %dma_start3A_403 : memref<1x40xi32, #tpu.memory_space<vmem>> -> memref<40xi32, #tpu.memory_space<vmem>>
    %dma_start3A_405 = tpu.memref_slice %arg6[%add3A_396] : memref<320000xi32, #tpu.memory_space<hbm>> -> memref<40xi32, #tpu.memory_space<hbm>>
    tpu.enqueue_dma source(%dma_start3A_405 : memref<40xi32, #tpu.memory_space<hbm>>) target(%dma_start3A_404 : memref<40xi32, #tpu.memory_space<vmem>>) target_semaphore(%arg32 : memref<!tpu.dma_semaphore, #tpu.memory_space<semaphore_mem>>)
    %add3A_406 = arith.constant 160 : i32
    %add3A_407 = arith.addi %mul3A_2, %add3A_406 : i32
    %dma_start3A_408 = arith.constant 0 : i32
    %dma_start3A_409 = arith.constant 0 : i32
    %dma_start3A_410 = tpu.memref_slice %arg12[%dma_start3A_408, %dma_start3A_409] : memref<2x40xi32, #tpu.memory_space<vmem>> -> memref<1x40xi32, #tpu.memory_space<vmem>>
    %dma_start3A_411 = tpu.memref_squeeze %dma_start3A_410 : memref<1x40xi32, #tpu.memory_space<vmem>> -> memref<40xi32, #tpu.memory_space<vmem>>
    %dma_start3A_412 = tpu.memref_slice %arg5[%add3A_407] : memref<320000xi32, #tpu.memory_space<hbm>> -> memref<40xi32, #tpu.memory_space<hbm>>
    %dma_start3A_413 = arith.constant 0 : i32
    %dma_start3A_414 = tpu.memref_slice %arg12[%dma_start3A_408, %dma_start3A_413] : memref<2x40xi32, #tpu.memory_space<vmem>> -> memref<1x40xi32, #tpu.memory_space<vmem>>
    %dma_start3A_415 = tpu.memref_squeeze %dma_start3A_414 : memref<1x40xi32, #tpu.memory_space<vmem>> -> memref<40xi32, #tpu.memory_space<vmem>>
    %dma_start3A_416 = tpu.memref_slice %arg5[%add3A_407] : memref<320000xi32, #tpu.memory_space<hbm>> -> memref<40xi32, #tpu.memory_space<hbm>>
    tpu.enqueue_dma source(%dma_start3A_416 : memref<40xi32, #tpu.memory_space<hbm>>) target(%dma_start3A_415 : memref<40xi32, #tpu.memory_space<vmem>>) target_semaphore(%arg32 : memref<!tpu.dma_semaphore, #tpu.memory_space<semaphore_mem>>)
    %add3A_417 = arith.constant 160 : i32
    %add3A_418 = arith.addi %mul3A_2, %add3A_417 : i32
    %dma_start3A_419 = arith.constant 1 : i32
    %dma_start3A_420 = arith.constant 0 : i32
    %dma_start3A_421 = tpu.memref_slice %arg12[%dma_start3A_419, %dma_start3A_420] : memref<2x40xi32, #tpu.memory_space<vmem>> -> memref<1x40xi32, #tpu.memory_space<vmem>>
    %dma_start3A_422 = tpu.memref_squeeze %dma_start3A_421 : memref<1x40xi32, #tpu.memory_space<vmem>> -> memref<40xi32, #tpu.memory_space<vmem>>
    %dma_start3A_423 = tpu.memref_slice %arg6[%add3A_418] : memref<320000xi32, #tpu.memory_space<hbm>> -> memref<40xi32, #tpu.memory_space<hbm>>
    %dma_start3A_424 = arith.constant 0 : i32
    %dma_start3A_425 = tpu.memref_slice %arg12[%dma_start3A_419, %dma_start3A_424] : memref<2x40xi32, #tpu.memory_space<vmem>> -> memref<1x40xi32, #tpu.memory_space<vmem>>
    %dma_start3A_426 = tpu.memref_squeeze %dma_start3A_425 : memref<1x40xi32, #tpu.memory_space<vmem>> -> memref<40xi32, #tpu.memory_space<vmem>>
    %dma_start3A_427 = tpu.memref_slice %arg6[%add3A_418] : memref<320000xi32, #tpu.memory_space<hbm>> -> memref<40xi32, #tpu.memory_space<hbm>>
    tpu.enqueue_dma source(%dma_start3A_427 : memref<40xi32, #tpu.memory_space<hbm>>) target(%dma_start3A_426 : memref<40xi32, #tpu.memory_space<vmem>>) target_semaphore(%arg32 : memref<!tpu.dma_semaphore, #tpu.memory_space<semaphore_mem>>)
    %add3A_428 = arith.constant 200 : i32
    %add3A_429 = arith.addi %mul3A_2, %add3A_428 : i32
    %dma_start3A_430 = arith.constant 0 : i32
    %dma_start3A_431 = arith.constant 0 : i32
    %dma_start3A_432 = tpu.memref_slice %arg13[%dma_start3A_430, %dma_start3A_431] : memref<2x40xi32, #tpu.memory_space<vmem>> -> memref<1x40xi32, #tpu.memory_space<vmem>>
    %dma_start3A_433 = tpu.memref_squeeze %dma_start3A_432 : memref<1x40xi32, #tpu.memory_space<vmem>> -> memref<40xi32, #tpu.memory_space<vmem>>
    %dma_start3A_434 = tpu.memref_slice %arg5[%add3A_429] : memref<320000xi32, #tpu.memory_space<hbm>> -> memref<40xi32, #tpu.memory_space<hbm>>
    %dma_start3A_435 = arith.constant 0 : i32
    %dma_start3A_436 = tpu.memref_slice %arg13[%dma_start3A_430, %dma_start3A_435] : memref<2x40xi32, #tpu.memory_space<vmem>> -> memref<1x40xi32, #tpu.memory_space<vmem>>
    %dma_start3A_437 = tpu.memref_squeeze %dma_start3A_436 : memref<1x40xi32, #tpu.memory_space<vmem>> -> memref<40xi32, #tpu.memory_space<vmem>>
    %dma_start3A_438 = tpu.memref_slice %arg5[%add3A_429] : memref<320000xi32, #tpu.memory_space<hbm>> -> memref<40xi32, #tpu.memory_space<hbm>>
    tpu.enqueue_dma source(%dma_start3A_438 : memref<40xi32, #tpu.memory_space<hbm>>) target(%dma_start3A_437 : memref<40xi32, #tpu.memory_space<vmem>>) target_semaphore(%arg32 : memref<!tpu.dma_semaphore, #tpu.memory_space<semaphore_mem>>)
    %add3A_439 = arith.constant 200 : i32
    %add3A_440 = arith.addi %mul3A_2, %add3A_439 : i32
    %dma_start3A_441 = arith.constant 1 : i32
    %dma_start3A_442 = arith.constant 0 : i32
    %dma_start3A_443 = tpu.memref_slice %arg13[%dma_start3A_441, %dma_start3A_442] : memref<2x40xi32, #tpu.memory_space<vmem>> -> memref<1x40xi32, #tpu.memory_space<vmem>>
    %dma_start3A_444 = tpu.memref_squeeze %dma_start3A_443 : memref<1x40xi32, #tpu.memory_space<vmem>> -> memref<40xi32, #tpu.memory_space<vmem>>
    %dma_start3A_445 = tpu.memref_slice %arg6[%add3A_440] : memref<320000xi32, #tpu.memory_space<hbm>> -> memref<40xi32, #tpu.memory_space<hbm>>
    %dma_start3A_446 = arith.constant 0 : i32
    %dma_start3A_447 = tpu.memref_slice %arg13[%dma_start3A_441, %dma_start3A_446] : memref<2x40xi32, #tpu.memory_space<vmem>> -> memref<1x40xi32, #tpu.memory_space<vmem>>
    %dma_start3A_448 = tpu.memref_squeeze %dma_start3A_447 : memref<1x40xi32, #tpu.memory_space<vmem>> -> memref<40xi32, #tpu.memory_space<vmem>>
    %dma_start3A_449 = tpu.memref_slice %arg6[%add3A_440] : memref<320000xi32, #tpu.memory_space<hbm>> -> memref<40xi32, #tpu.memory_space<hbm>>
    tpu.enqueue_dma source(%dma_start3A_449 : memref<40xi32, #tpu.memory_space<hbm>>) target(%dma_start3A_448 : memref<40xi32, #tpu.memory_space<vmem>>) target_semaphore(%arg32 : memref<!tpu.dma_semaphore, #tpu.memory_space<semaphore_mem>>)
    %dma_wait3A_450 = arith.constant 0 : i32
    %dma_wait3A_451 = arith.constant 0 : i32
    %dma_wait3A_452 = tpu.memref_slice %arg8[%dma_wait3A_450, %dma_wait3A_451] : memref<2x40xi32, #tpu.memory_space<vmem>> -> memref<1x40xi32, #tpu.memory_space<vmem>>
    %dma_wait3A_453 = tpu.memref_squeeze %dma_wait3A_452 : memref<1x40xi32, #tpu.memory_space<vmem>> -> memref<40xi32, #tpu.memory_space<vmem>>
    %dma_wait3A_454 = arith.constant 0 : i32
    %dma_wait3A_455 = tpu.memref_slice %arg5[%dma_wait3A_454] : memref<320000xi32, #tpu.memory_space<hbm>> -> memref<40xi32, #tpu.memory_space<hbm>>
    %dma_wait3A_456 = arith.constant 0 : i32
    %dma_wait3A_457 = tpu.memref_slice %arg8[%dma_wait3A_450, %dma_wait3A_456] : memref<2x40xi32, #tpu.memory_space<vmem>> -> memref<1x40xi32, #tpu.memory_space<vmem>>
    %dma_wait3A_458 = tpu.memref_squeeze %dma_wait3A_457 : memref<1x40xi32, #tpu.memory_space<vmem>> -> memref<40xi32, #tpu.memory_space<vmem>>
    %dma_wait3A_459 = arith.constant 0 : i32
    %dma_wait3A_460 = tpu.memref_slice %arg5[%dma_wait3A_459] : memref<320000xi32, #tpu.memory_space<hbm>> -> memref<40xi32, #tpu.memory_space<hbm>>
    tpu.wait_dma2 semaphore(%arg32 : memref<!tpu.dma_semaphore, #tpu.memory_space<semaphore_mem>>) src(%dma_wait3A_460 : memref<40xi32, #tpu.memory_space<hbm>>) dst(%dma_wait3A_458 : memref<40xi32, #tpu.memory_space<vmem>>)
    %dma_wait3A_461 = arith.constant 0 : i32
    %dma_wait3A_462 = arith.constant 0 : i32
    %dma_wait3A_463 = tpu.memref_slice %arg8[%dma_wait3A_461, %dma_wait3A_462] : memref<2x40xi32, #tpu.memory_space<vmem>> -> memref<1x40xi32, #tpu.memory_space<vmem>>
    %dma_wait3A_464 = tpu.memref_squeeze %dma_wait3A_463 : memref<1x40xi32, #tpu.memory_space<vmem>> -> memref<40xi32, #tpu.memory_space<vmem>>
    %dma_wait3A_465 = arith.constant 0 : i32
    %dma_wait3A_466 = tpu.memref_slice %arg5[%dma_wait3A_465] : memref<320000xi32, #tpu.memory_space<hbm>> -> memref<40xi32, #tpu.memory_space<hbm>>
    %dma_wait3A_467 = arith.constant 0 : i32
    %dma_wait3A_468 = tpu.memref_slice %arg8[%dma_wait3A_461, %dma_wait3A_467] : memref<2x40xi32, #tpu.memory_space<vmem>> -> memref<1x40xi32, #tpu.memory_space<vmem>>
    %dma_wait3A_469 = tpu.memref_squeeze %dma_wait3A_468 : memref<1x40xi32, #tpu.memory_space<vmem>> -> memref<40xi32, #tpu.memory_space<vmem>>
    %dma_wait3A_470 = arith.constant 0 : i32
    %dma_wait3A_471 = tpu.memref_slice %arg5[%dma_wait3A_470] : memref<320000xi32, #tpu.memory_space<hbm>> -> memref<40xi32, #tpu.memory_space<hbm>>
    tpu.wait_dma2 semaphore(%arg32 : memref<!tpu.dma_semaphore, #tpu.memory_space<semaphore_mem>>) src(%dma_wait3A_471 : memref<40xi32, #tpu.memory_space<hbm>>) dst(%dma_wait3A_469 : memref<40xi32, #tpu.memory_space<vmem>>)
    %scan3A_472 = arith.constant 0 : i32
    %scan3A_473 = arith.constant 3 : i32
    %scan3A_474 = arith.addi %scan3A_472, %scan3A_473 : i32
    %scan3A_475 = arith.constant 1 : i32
    scf.for %scan3A_635 = %scan3A_472 to %scan3A_474 step %scan3A_475  : i32 {
      %mul3A_636 = arith.constant 16 : i32
      %mul3A_637 = arith.muli %scan3A_635, %mul3A_636 : i32
      %add3A_638 = arith.constant 0 : i32
      %add3A_639 = arith.addi %add3A_638, %mul3A_637 : i32
      %get3A = arith.constant 0 : i32
      %get3A_640 = arith.index_cast %get3A : i32 to index
      %get3A_641 = arith.index_cast %add3A_639 : i32 to index
      %get3A_642 = tpu.vector_load %arg8[%get3A_640, %get3A_641] {strides = array<i32>} : memref<2x40xi32, #tpu.memory_space<vmem>>, vector<1x16xi32>,
      %get3A_643 = vector.shape_cast %get3A_642 : vector<1x16xi32> to vector<16xi32>
      %get3A_644 = arith.constant 1 : i32
      %get3A_645 = arith.index_cast %get3A_644 : i32 to index
      %get3A_646 = arith.index_cast %add3A_639 : i32 to index
      %get3A_647 = tpu.vector_load %arg8[%get3A_645, %get3A_646] {strides = array<i32>} : memref<2x40xi32, #tpu.memory_space<vmem>>, vector<1x16xi32>,
      %get3A_648 = vector.shape_cast %get3A_647 : vector<1x16xi32> to vector<16xi32>
      %eq3A_649 = arith.cmpi eq, %get3A_643, %get3A_648 : vector<16xi32>
      %jit3A = arith.constant 10000 : i32
      %broadcast_in_dim3A = vector.broadcast %jit3A : i32 to vector<16xi32>
      %select_n3A = arith.select %eq3A_649, %broadcast_in_dim3A, %get3A_643 : vector<16xi1>, vector<16xi32>
      %swap3A = arith.index_cast %add3A_639 : i32 to index
      %swap3A_650 = tpu.vector_load %arg15[%swap3A] {strides = array<i32>} : memref<40xi32, #tpu.memory_space<vmem>>, vector<16xi32>,
      %swap3A_651 = vector.shape_cast %swap3A_650 : vector<16xi32> to vector<16xi32>
      %swap3A_652 = vector.shape_cast %select_n3A : vector<16xi32> to vector<16xi32>
      tpu.vector_store %arg15[%swap3A], %swap3A_652 {strides = array<i32>} : memref<40xi32, #tpu.memory_space<vmem>>, vector<16xi32>,
    }
    %scan3A_476 = arith.constant 3 : i32
    %dma_start3A_477 = arith.constant 1 : i32
    %dma_start3A_478 = arith.constant 0 : i32
    %dma_start3A_479 = tpu.memref_slice %arg8[%dma_start3A_477, %dma_start3A_478] : memref<2x40xi32, #tpu.memory_space<vmem>> -> memref<1x40xi32, #tpu.memory_space<vmem>>
    %dma_start3A_480 = tpu.memref_squeeze %dma_start3A_479 : memref<1x40xi32, #tpu.memory_space<vmem>> -> memref<40xi32, #tpu.memory_space<vmem>>
    %dma_start3A_481 = arith.constant 0 : i32
    %dma_start3A_482 = arith.constant 0 : i32
    %dma_start3A_483 = tpu.memref_slice %arg2[%dma_start3A_481, %dma_start3A_482] : memref<10000x128xf32, #tpu.memory_space<hbm>> -> memref<10000x128xf32, #tpu.memory_space<hbm>>
    tpu.enqueue_indirect_dma source(%dma_start3A_483 : memref<10000x128xf32, #tpu.memory_space<hbm>>) target(%arg22 : memref<40x128xf32, #tpu.memory_space<vmem>>) offsets(%dma_start3A_480 : memref<40xi32, #tpu.memory_space<vmem>>) semaphore(%arg33 : memref<!tpu.dma_semaphore, #tpu.memory_space<semaphore_mem>>)
    %dma_wait3A_484 = arith.constant 0 : i32
    %dma_wait3A_485 = arith.constant 0 : i32
    %dma_wait3A_486 = tpu.memref_slice %arg8[%dma_wait3A_484, %dma_wait3A_485] : memref<2x40xi32, #tpu.memory_space<vmem>> -> memref<1x40xi32, #tpu.memory_space<vmem>>
    %dma_wait3A_487 = tpu.memref_squeeze %dma_wait3A_486 : memref<1x40xi32, #tpu.memory_space<vmem>> -> memref<40xi32, #tpu.memory_space<vmem>>
    %dma_wait3A_488 = arith.constant 0 : i32
    %dma_wait3A_489 = tpu.memref_slice %arg5[%dma_wait3A_488] : memref<320000xi32, #tpu.memory_space<hbm>> -> memref<40xi32, #tpu.memory_space<hbm>>
    %dma_wait3A_490 = arith.constant 0 : i32
    %dma_wait3A_491 = tpu.memref_slice %arg8[%dma_wait3A_484, %dma_wait3A_490] : memref<2x40xi32, #tpu.memory_space<vmem>> -> memref<1x40xi32, #tpu.memory_space<vmem>>
    %dma_wait3A_492 = tpu.memref_squeeze %dma_wait3A_491 : memref<1x40xi32, #tpu.memory_space<vmem>> -> memref<40xi32, #tpu.memory_space<vmem>>
    %dma_wait3A_493 = arith.constant 0 : i32
    %dma_wait3A_494 = tpu.memref_slice %arg5[%dma_wait3A_493] : memref<320000xi32, #tpu.memory_space<hbm>> -> memref<40xi32, #tpu.memory_space<hbm>>
    tpu.wait_dma2 semaphore(%arg32 : memref<!tpu.dma_semaphore, #tpu.memory_space<semaphore_mem>>) src(%dma_wait3A_494 : memref<40xi32, #tpu.memory_space<hbm>>) dst(%dma_wait3A_492 : memref<40xi32, #tpu.memory_space<vmem>>)
    %dma_wait3A_495 = arith.constant 0 : i32
    %dma_wait3A_496 = arith.constant 0 : i32
    %dma_wait3A_497 = tpu.memref_slice %arg8[%dma_wait3A_495, %dma_wait3A_496] : memref<2x40xi32, #tpu.memory_space<vmem>> -> memref<1x40xi32, #tpu.memory_space<vmem>>
    %dma_wait3A_498 = tpu.memref_squeeze %dma_wait3A_497 : memref<1x40xi32, #tpu.memory_space<vmem>> -> memref<40xi32, #tpu.memory_space<vmem>>
    %dma_wait3A_499 = arith.constant 0 : i32
    %dma_wait3A_500 = tpu.memref_slice %arg5[%dma_wait3A_499] : memref<320000xi32, #tpu.memory_space<hbm>> -> memref<40xi32, #tpu.memory_space<hbm>>
    %dma_wait3A_501 = arith.constant 0 : i32
    %dma_wait3A_502 = tpu.memref_slice %arg8[%dma_wait3A_495, %dma_wait3A_501] : memref<2x40xi32, #tpu.memory_space<vmem>> -> memref<1x40xi32, #tpu.memory_space<vmem>>
    %dma_wait3A_503 = tpu.memref_squeeze %dma_wait3A_502 : memref<1x40xi32, #tpu.memory_space<vmem>> -> memref<40xi32, #tpu.memory_space<vmem>>
    %dma_wait3A_504 = arith.constant 0 : i32
    %dma_wait3A_505 = tpu.memref_slice %arg5[%dma_wait3A_504] : memref<320000xi32, #tpu.memory_space<hbm>> -> memref<40xi32, #tpu.memory_space<hbm>>
    tpu.wait_dma2 semaphore(%arg32 : memref<!tpu.dma_semaphore, #tpu.memory_space<semaphore_mem>>) src(%dma_wait3A_505 : memref<40xi32, #tpu.memory_space<hbm>>) dst(%dma_wait3A_503 : memref<40xi32, #tpu.memory_space<vmem>>)
    %scan3A_506 = arith.constant 0 : i32
    %scan3A_507 = arith.constant 3 : i32
    %scan3A_508 = arith.addi %scan3A_506, %scan3A_507 : i32
    %scan3A_509 = arith.constant 1 : i32
    scf.for %scan3A_635 = %scan3A_506 to %scan3A_508 step %scan3A_509  : i32 {
      %mul3A_636 = arith.constant 16 : i32
      %mul3A_637 = arith.muli %scan3A_635, %mul3A_636 : i32
      %add3A_638 = arith.constant 0 : i32
      %add3A_639 = arith.addi %add3A_638, %mul3A_637 : i32
      %get3A = arith.constant 0 : i32
      %get3A_640 = arith.index_cast %get3A : i32 to index
      %get3A_641 = arith.index_cast %add3A_639 : i32 to index
      %get3A_642 = tpu.vector_load %arg9[%get3A_640, %get3A_641] {strides = array<i32>} : memref<2x40xi32, #tpu.memory_space<vmem>>, vector<1x16xi32>,
      %get3A_643 = vector.shape_cast %get3A_642 : vector<1x16xi32> to vector<16xi32>
      %get3A_644 = arith.constant 1 : i32
      %get3A_645 = arith.index_cast %get3A_644 : i32 to index
      %get3A_646 = arith.index_cast %add3A_639 : i32 to index
      %get3A_647 = tpu.vector_load %arg9[%get3A_645, %get3A_646] {strides = array<i32>} : memref<2x40xi32, #tpu.memory_space<vmem>>, vector<1x16xi32>,
      %get3A_648 = vector.shape_cast %get3A_647 : vector<1x16xi32> to vector<16xi32>
      %eq3A_649 = arith.cmpi eq, %get3A_643, %get3A_648 : vector<16xi32>
      %jit3A = arith.constant 10000 : i32
      %broadcast_in_dim3A = vector.broadcast %jit3A : i32 to vector<16xi32>
      %select_n3A = arith.select %eq3A_649, %broadcast_in_dim3A, %get3A_643 : vector<16xi1>, vector<16xi32>
      %swap3A = arith.index_cast %add3A_639 : i32 to index
      %swap3A_650 = tpu.vector_load %arg16[%swap3A] {strides = array<i32>} : memref<40xi32, #tpu.memory_space<vmem>>, vector<16xi32>,
      %swap3A_651 = vector.shape_cast %swap3A_650 : vector<16xi32> to vector<16xi32>
      %swap3A_652 = vector.shape_cast %select_n3A : vector<16xi32> to vector<16xi32>
      tpu.vector_store %arg16[%swap3A], %swap3A_652 {strides = array<i32>} : memref<40xi32, #tpu.memory_space<vmem>>, vector<16xi32>,
    }
    %scan3A_510 = arith.constant 3 : i32
    %dma_start3A_511 = arith.constant 1 : i32
    %dma_start3A_512 = arith.constant 0 : i32
    %dma_start3A_513 = tpu.memref_slice %arg9[%dma_start3A_511, %dma_start3A_512] : memref<2x40xi32, #tpu.memory_space<vmem>> -> memref<1x40xi32, #tpu.memory_space<vmem>>
    %dma_start3A_514 = tpu.memref_squeeze %dma_start3A_513 : memref<1x40xi32, #tpu.memory_space<vmem>> -> memref<40xi32, #tpu.memory_space<vmem>>
    %dma_start3A_515 = arith.constant 0 : i32
    %dma_start3A_516 = arith.constant 0 : i32
    %dma_start3A_517 = tpu.memref_slice %arg2[%dma_start3A_515, %dma_start3A_516] : memref<10000x128xf32, #tpu.memory_space<hbm>> -> memref<10000x128xf32, #tpu.memory_space<hbm>>
    tpu.enqueue_indirect_dma source(%dma_start3A_517 : memref<10000x128xf32, #tpu.memory_space<hbm>>) target(%arg23 : memref<40x128xf32, #tpu.memory_space<vmem>>) offsets(%dma_start3A_514 : memref<40xi32, #tpu.memory_space<vmem>>) semaphore(%arg33 : memref<!tpu.dma_semaphore, #tpu.memory_space<semaphore_mem>>)
    %dma_wait3A_518 = arith.constant 0 : i32
    %dma_wait3A_519 = arith.constant 0 : i32
    %dma_wait3A_520 = tpu.memref_slice %arg8[%dma_wait3A_518, %dma_wait3A_519] : memref<2x40xi32, #tpu.memory_space<vmem>> -> memref<1x40xi32, #tpu.memory_space<vmem>>
    %dma_wait3A_521 = tpu.memref_squeeze %dma_wait3A_520 : memref<1x40xi32, #tpu.memory_space<vmem>> -> memref<40xi32, #tpu.memory_space<vmem>>
    %dma_wait3A_522 = arith.constant 0 : i32
    %dma_wait3A_523 = tpu.memref_slice %arg5[%dma_wait3A_522] : memref<320000xi32, #tpu.memory_space<hbm>> -> memref<40xi32, #tpu.memory_space<hbm>>
    %dma_wait3A_524 = arith.constant 0 : i32
    %dma_wait3A_525 = tpu.memref_slice %arg8[%dma_wait3A_518, %dma_wait3A_524] : memref<2x40xi32, #tpu.memory_space<vmem>> -> memref<1x40xi32, #tpu.memory_space<vmem>>
    %dma_wait3A_526 = tpu.memref_squeeze %dma_wait3A_525 : memref<1x40xi32, #tpu.memory_space<vmem>> -> memref<40xi32, #tpu.memory_space<vmem>>
    %dma_wait3A_527 = arith.constant 0 : i32
    %dma_wait3A_528 = tpu.memref_slice %arg5[%dma_wait3A_527] : memref<320000xi32, #tpu.memory_space<hbm>> -> memref<40xi32, #tpu.memory_space<hbm>>
    tpu.wait_dma2 semaphore(%arg32 : memref<!tpu.dma_semaphore, #tpu.memory_space<semaphore_mem>>) src(%dma_wait3A_528 : memref<40xi32, #tpu.memory_space<hbm>>) dst(%dma_wait3A_526 : memref<40xi32, #tpu.memory_space<vmem>>)
    %dma_wait3A_529 = arith.constant 0 : i32
    %dma_wait3A_530 = arith.constant 0 : i32
    %dma_wait3A_531 = tpu.memref_slice %arg8[%dma_wait3A_529, %dma_wait3A_530] : memref<2x40xi32, #tpu.memory_space<vmem>> -> memref<1x40xi32, #tpu.memory_space<vmem>>
    %dma_wait3A_532 = tpu.memref_squeeze %dma_wait3A_531 : memref<1x40xi32, #tpu.memory_space<vmem>> -> memref<40xi32, #tpu.memory_space<vmem>>
    %dma_wait3A_533 = arith.constant 0 : i32
    %dma_wait3A_534 = tpu.memref_slice %arg5[%dma_wait3A_533] : memref<320000xi32, #tpu.memory_space<hbm>> -> memref<40xi32, #tpu.memory_space<hbm>>
    %dma_wait3A_535 = arith.constant 0 : i32
    %dma_wait3A_536 = tpu.memref_slice %arg8[%dma_wait3A_529, %dma_wait3A_535] : memref<2x40xi32, #tpu.memory_space<vmem>> -> memref<1x40xi32, #tpu.memory_space<vmem>>
    %dma_wait3A_537 = tpu.memref_squeeze %dma_wait3A_536 : memref<1x40xi32, #tpu.memory_space<vmem>> -> memref<40xi32, #tpu.memory_space<vmem>>
    %dma_wait3A_538 = arith.constant 0 : i32
    %dma_wait3A_539 = tpu.memref_slice %arg5[%dma_wait3A_538] : memref<320000xi32, #tpu.memory_space<hbm>> -> memref<40xi32, #tpu.memory_space<hbm>>
    tpu.wait_dma2 semaphore(%arg32 : memref<!tpu.dma_semaphore, #tpu.memory_space<semaphore_mem>>) src(%dma_wait3A_539 : memref<40xi32, #tpu.memory_space<hbm>>) dst(%dma_wait3A_537 : memref<40xi32, #tpu.memory_space<vmem>>)
    %scan3A_540 = arith.constant 0 : i32
    %scan3A_541 = arith.constant 3 : i32
    %scan3A_542 = arith.addi %scan3A_540, %scan3A_541 : i32
    %scan3A_543 = arith.constant 1 : i32
    scf.for %scan3A_635 = %scan3A_540 to %scan3A_542 step %scan3A_543  : i32 {
      %mul3A_636 = arith.constant 16 : i32
      %mul3A_637 = arith.muli %scan3A_635, %mul3A_636 : i32
      %add3A_638 = arith.constant 0 : i32
      %add3A_639 = arith.addi %add3A_638, %mul3A_637 : i32
      %get3A = arith.constant 0 : i32
      %get3A_640 = arith.index_cast %get3A : i32 to index
      %get3A_641 = arith.index_cast %add3A_639 : i32 to index
      %get3A_642 = tpu.vector_load %arg10[%get3A_640, %get3A_641] {strides = array<i32>} : memref<2x40xi32, #tpu.memory_space<vmem>>, vector<1x16xi32>,
      %get3A_643 = vector.shape_cast %get3A_642 : vector<1x16xi32> to vector<16xi32>
      %get3A_644 = arith.constant 1 : i32
      %get3A_645 = arith.index_cast %get3A_644 : i32 to index
      %get3A_646 = arith.index_cast %add3A_639 : i32 to index
      %get3A_647 = tpu.vector_load %arg10[%get3A_645, %get3A_646] {strides = array<i32>} : memref<2x40xi32, #tpu.memory_space<vmem>>, vector<1x16xi32>,
      %get3A_648 = vector.shape_cast %get3A_647 : vector<1x16xi32> to vector<16xi32>
      %eq3A_649 = arith.cmpi eq, %get3A_643, %get3A_648 : vector<16xi32>
      %jit3A = arith.constant 10000 : i32
      %broadcast_in_dim3A = vector.broadcast %jit3A : i32 to vector<16xi32>
      %select_n3A = arith.select %eq3A_649, %broadcast_in_dim3A, %get3A_643 : vector<16xi1>, vector<16xi32>
      %swap3A = arith.index_cast %add3A_639 : i32 to index
      %swap3A_650 = tpu.vector_load %arg17[%swap3A] {strides = array<i32>} : memref<40xi32, #tpu.memory_space<vmem>>, vector<16xi32>,
      %swap3A_651 = vector.shape_cast %swap3A_650 : vector<16xi32> to vector<16xi32>
      %swap3A_652 = vector.shape_cast %select_n3A : vector<16xi32> to vector<16xi32>
      tpu.vector_store %arg17[%swap3A], %swap3A_652 {strides = array<i32>} : memref<40xi32, #tpu.memory_space<vmem>>, vector<16xi32>,
    }
    %scan3A_544 = arith.constant 3 : i32
    %dma_start3A_545 = arith.constant 1 : i32
    %dma_start3A_546 = arith.constant 0 : i32
    %dma_start3A_547 = tpu.memref_slice %arg10[%dma_start3A_545, %dma_start3A_546] : memref<2x40xi32, #tpu.memory_space<vmem>> -> memref<1x40xi32, #tpu.memory_space<vmem>>
    %dma_start3A_548 = tpu.memref_squeeze %dma_start3A_547 : memref<1x40xi32, #tpu.memory_space<vmem>> -> memref<40xi32, #tpu.memory_space<vmem>>
    %dma_start3A_549 = arith.constant 0 : i32
    %dma_start3A_550 = arith.constant 0 : i32
    %dma_start3A_551 = tpu.memref_slice %arg2[%dma_start3A_549, %dma_start3A_550] : memref<10000x128xf32, #tpu.memory_space<hbm>> -> memref<10000x128xf32, #tpu.memory_space<hbm>>
    tpu.enqueue_indirect_dma source(%dma_start3A_551 : memref<10000x128xf32, #tpu.memory_space<hbm>>) target(%arg24 : memref<40x128xf32, #tpu.memory_space<vmem>>) offsets(%dma_start3A_548 : memref<40xi32, #tpu.memory_space<vmem>>) semaphore(%arg33 : memref<!tpu.dma_semaphore, #tpu.memory_space<semaphore_mem>>)
    %dma_wait3A_552 = arith.constant 0 : i32
    %dma_wait3A_553 = arith.constant 0 : i32
    %dma_wait3A_554 = tpu.memref_slice %arg8[%dma_wait3A_552, %dma_wait3A_553] : memref<2x40xi32, #tpu.memory_space<vmem>> -> memref<1x40xi32, #tpu.memory_space<vmem>>
    %dma_wait3A_555 = tpu.memref_squeeze %dma_wait3A_554 : memref<1x40xi32, #tpu.memory_space<vmem>> -> memref<40xi32, #tpu.memory_space<vmem>>
    %dma_wait3A_556 = arith.constant 0 : i32
    %dma_wait3A_557 = tpu.memref_slice %arg5[%dma_wait3A_556] : memref<320000xi32, #tpu.memory_space<hbm>> -> memref<40xi32, #tpu.memory_space<hbm>>
    %dma_wait3A_558 = arith.constant 0 : i32
    %dma_wait3A_559 = tpu.memref_slice %arg8[%dma_wait3A_552, %dma_wait3A_558] : memref<2x40xi32, #tpu.memory_space<vmem>> -> memref<1x40xi32, #tpu.memory_space<vmem>>
    %dma_wait3A_560 = tpu.memref_squeeze %dma_wait3A_559 : memref<1x40xi32, #tpu.memory_space<vmem>> -> memref<40xi32, #tpu.memory_space<vmem>>
    %dma_wait3A_561 = arith.constant 0 : i32
    %dma_wait3A_562 = tpu.memref_slice %arg5[%dma_wait3A_561] : memref<320000xi32, #tpu.memory_space<hbm>> -> memref<40xi32, #tpu.memory_space<hbm>>
    tpu.wait_dma2 semaphore(%arg32 : memref<!tpu.dma_semaphore, #tpu.memory_space<semaphore_mem>>) src(%dma_wait3A_562 : memref<40xi32, #tpu.memory_space<hbm>>) dst(%dma_wait3A_560 : memref<40xi32, #tpu.memory_space<vmem>>)
    %dma_wait3A_563 = arith.constant 0 : i32
    %dma_wait3A_564 = arith.constant 0 : i32
    %dma_wait3A_565 = tpu.memref_slice %arg8[%dma_wait3A_563, %dma_wait3A_564] : memref<2x40xi32, #tpu.memory_space<vmem>> -> memref<1x40xi32, #tpu.memory_space<vmem>>
    %dma_wait3A_566 = tpu.memref_squeeze %dma_wait3A_565 : memref<1x40xi32, #tpu.memory_space<vmem>> -> memref<40xi32, #tpu.memory_space<vmem>>
    %dma_wait3A_567 = arith.constant 0 : i32
    %dma_wait3A_568 = tpu.memref_slice %arg5[%dma_wait3A_567] : memref<320000xi32, #tpu.memory_space<hbm>> -> memref<40xi32, #tpu.memory_space<hbm>>
    %dma_wait3A_569 = arith.constant 0 : i32
    %dma_wait3A_570 = tpu.memref_slice %arg8[%dma_wait3A_563, %dma_wait3A_569] : memref<2x40xi32, #tpu.memory_space<vmem>> -> memref<1x40xi32, #tpu.memory_space<vmem>>
    %dma_wait3A_571 = tpu.memref_squeeze %dma_wait3A_570 : memref<1x40xi32, #tpu.memory_space<vmem>> -> memref<40xi32, #tpu.memory_space<vmem>>
    %dma_wait3A_572 = arith.constant 0 : i32
    %dma_wait3A_573 = tpu.memref_slice %arg5[%dma_wait3A_572] : memref<320000xi32, #tpu.memory_space<hbm>> -> memref<40xi32, #tpu.memory_space<hbm>>
    tpu.wait_dma2 semaphore(%arg32 : memref<!tpu.dma_semaphore, #tpu.memory_space<semaphore_mem>>) src(%dma_wait3A_573 : memref<40xi32, #tpu.memory_space<hbm>>) dst(%dma_wait3A_571 : memref<40xi32, #tpu.memory_space<vmem>>)
    %scan3A_574 = arith.constant 0 : i32
    %scan3A_575 = arith.constant 3 : i32
    %scan3A_576 = arith.addi %scan3A_574, %scan3A_575 : i32
    %scan3A_577 = arith.constant 1 : i32
    scf.for %scan3A_635 = %scan3A_574 to %scan3A_576 step %scan3A_577  : i32 {
      %mul3A_636 = arith.constant 16 : i32
      %mul3A_637 = arith.muli %scan3A_635, %mul3A_636 : i32
      %add3A_638 = arith.constant 0 : i32
      %add3A_639 = arith.addi %add3A_638, %mul3A_637 : i32
      %get3A = arith.constant 0 : i32
      %get3A_640 = arith.index_cast %get3A : i32 to index
      %get3A_641 = arith.index_cast %add3A_639 : i32 to index
      %get3A_642 = tpu.vector_load %arg11[%get3A_640, %get3A_641] {strides = array<i32>} : memref<2x40xi32, #tpu.memory_space<vmem>>, vector<1x16xi32>,
      %get3A_643 = vector.shape_cast %get3A_642 : vector<1x16xi32> to vector<16xi32>
      %get3A_644 = arith.constant 1 : i32
      %get3A_645 = arith.index_cast %get3A_644 : i32 to index
      %get3A_646 = arith.index_cast %add3A_639 : i32 to index
      %get3A_647 = tpu.vector_load %arg11[%get3A_645, %get3A_646] {strides = array<i32>} : memref<2x40xi32, #tpu.memory_space<vmem>>, vector<1x16xi32>,
      %get3A_648 = vector.shape_cast %get3A_647 : vector<1x16xi32> to vector<16xi32>
      %eq3A_649 = arith.cmpi eq, %get3A_643, %get3A_648 : vector<16xi32>
      %jit3A = arith.constant 10000 : i32
      %broadcast_in_dim3A = vector.broadcast %jit3A : i32 to vector<16xi32>
      %select_n3A = arith.select %eq3A_649, %broadcast_in_dim3A, %get3A_643 : vector<16xi1>, vector<16xi32>
      %swap3A = arith.index_cast %add3A_639 : i32 to index
      %swap3A_650 = tpu.vector_load %arg18[%swap3A] {strides = array<i32>} : memref<40xi32, #tpu.memory_space<vmem>>, vector<16xi32>,
      %swap3A_651 = vector.shape_cast %swap3A_650 : vector<16xi32> to vector<16xi32>
      %swap3A_652 = vector.shape_cast %select_n3A : vector<16xi32> to vector<16xi32>
      tpu.vector_store %arg18[%swap3A], %swap3A_652 {strides = array<i32>} : memref<40xi32, #tpu.memory_space<vmem>>, vector<16xi32>,
    }
    %scan3A_578 = arith.constant 3 : i32
    %dma_start3A_579 = arith.constant 1 : i32
    %dma_start3A_580 = arith.constant 0 : i32
    %dma_start3A_581 = tpu.memref_slice %arg11[%dma_start3A_579, %dma_start3A_580] : memref<2x40xi32, #tpu.memory_space<vmem>> -> memref<1x40xi32, #tpu.memory_space<vmem>>
    %dma_start3A_582 = tpu.memref_squeeze %dma_start3A_581 : memref<1x40xi32, #tpu.memory_space<vmem>> -> memref<40xi32, #tpu.memory_space<vmem>>
    %dma_start3A_583 = arith.constant 0 : i32
    %dma_start3A_584 = arith.constant 0 : i32
    %dma_start3A_585 = tpu.memref_slice %arg2[%dma_start3A_583, %dma_start3A_584] : memref<10000x128xf32, #tpu.memory_space<hbm>> -> memref<10000x128xf32, #tpu.memory_space<hbm>>
    tpu.enqueue_indirect_dma source(%dma_start3A_585 : memref<10000x128xf32, #tpu.memory_space<hbm>>) target(%arg25 : memref<40x128xf32, #tpu.memory_space<vmem>>) offsets(%dma_start3A_582 : memref<40xi32, #tpu.memory_space<vmem>>) semaphore(%arg33 : memref<!tpu.dma_semaphore, #tpu.memory_space<semaphore_mem>>)
    %dma_wait3A_586 = arith.constant 0 : i32
    %dma_wait3A_587 = arith.constant 0 : i32
    %dma_wait3A_588 = tpu.memref_slice %arg8[%dma_wait3A_586, %dma_wait3A_587] : memref<2x40xi32, #tpu.memory_space<vmem>> -> memref<1x40xi32, #tpu.memory_space<vmem>>
    %dma_wait3A_589 = tpu.memref_squeeze %dma_wait3A_588 : memref<1x40xi32, #tpu.memory_space<vmem>> -> memref<40xi32, #tpu.memory_space<vmem>>
    %dma_wait3A_590 = arith.constant 0 : i32
    %dma_wait3A_591 = tpu.memref_slice %arg5[%dma_wait3A_590] : memref<320000xi32, #tpu.memory_space<hbm>> -> memref<40xi32, #tpu.memory_space<hbm>>
    %dma_wait3A_592 = arith.constant 0 : i32
    %dma_wait3A_593 = tpu.memref_slice %arg8[%dma_wait3A_586, %dma_wait3A_592] : memref<2x40xi32, #tpu.memory_space<vmem>> -> memref<1x40xi32, #tpu.memory_space<vmem>>
    %dma_wait3A_594 = tpu.memref_squeeze %dma_wait3A_593 : memref<1x40xi32, #tpu.memory_space<vmem>> -> memref<40xi32, #tpu.memory_space<vmem>>
    %dma_wait3A_595 = arith.constant 0 : i32
    %dma_wait3A_596 = tpu.memref_slice %arg5[%dma_wait3A_595] : memref<320000xi32, #tpu.memory_space<hbm>> -> memref<40xi32, #tpu.memory_space<hbm>>
    tpu.wait_dma2 semaphore(%arg32 : memref<!tpu.dma_semaphore, #tpu.memory_space<semaphore_mem>>) src(%dma_wait3A_596 : memref<40xi32, #tpu.memory_space<hbm>>) dst(%dma_wait3A_594 : memref<40xi32, #tpu.memory_space<vmem>>)
    %dma_wait3A_597 = arith.constant 0 : i32
    %dma_wait3A_598 = arith.constant 0 : i32
    %dma_wait3A_599 = tpu.memref_slice %arg8[%dma_wait3A_597, %dma_wait3A_598] : memref<2x40xi32, #tpu.memory_space<vmem>> -> memref<1x40xi32, #tpu.memory_space<vmem>>
    %dma_wait3A_600 = tpu.memref_squeeze %dma_wait3A_599 : memref<1x40xi32, #tpu.memory_space<vmem>> -> memref<40xi32, #tpu.memory_space<vmem>>
    %dma_wait3A_601 = arith.constant 0 : i32
    %dma_wait3A_602 = tpu.memref_slice %arg5[%dma_wait3A_601] : memref<320000xi32, #tpu.memory_space<hbm>> -> memref<40xi32, #tpu.memory_space<hbm>>
    %dma_wait3A_603 = arith.constant 0 : i32
    %dma_wait3A_604 = tpu.memref_slice %arg8[%dma_wait3A_597, %dma_wait3A_603] : memref<2x40xi32, #tpu.memory_space<vmem>> -> memref<1x40xi32, #tpu.memory_space<vmem>>
    %dma_wait3A_605 = tpu.memref_squeeze %dma_wait3A_604 : memref<1x40xi32, #tpu.memory_space<vmem>> -> memref<40xi32, #tpu.memory_space<vmem>>
    %dma_wait3A_606 = arith.constant 0 : i32
    %dma_wait3A_607 = tpu.memref_slice %arg5[%dma_wait3A_606] : memref<320000xi32, #tpu.memory_space<hbm>> -> memref<40xi32, #tpu.memory_space<hbm>>
    tpu.wait_dma2 semaphore(%arg32 : memref<!tpu.dma_semaphore, #tpu.memory_space<semaphore_mem>>) src(%dma_wait3A_607 : memref<40xi32, #tpu.memory_space<hbm>>) dst(%dma_wait3A_605 : memref<40xi32, #tpu.memory_space<vmem>>)
    %scan3A_608 = arith.constant 0 : i32
    %scan3A_609 = arith.constant 3 : i32
    %scan3A_610 = arith.addi %scan3A_608, %scan3A_609 : i32
    %scan3A_611 = arith.constant 1 : i32
    scf.for %scan3A_635 = %scan3A_608 to %scan3A_610 step %scan3A_611  : i32 {
      %mul3A_636 = arith.constant 16 : i32
      %mul3A_637 = arith.muli %scan3A_635, %mul3A_636 : i32
      %add3A_638 = arith.constant 0 : i32
      %add3A_639 = arith.addi %add3A_638, %mul3A_637 : i32
      %get3A = arith.constant 0 : i32
      %get3A_640 = arith.index_cast %get3A : i32 to index
      %get3A_641 = arith.index_cast %add3A_639 : i32 to index
      %get3A_642 = tpu.vector_load %arg12[%get3A_640, %get3A_641] {strides = array<i32>} : memref<2x40xi32, #tpu.memory_space<vmem>>, vector<1x16xi32>,
      %get3A_643 = vector.shape_cast %get3A_642 : vector<1x16xi32> to vector<16xi32>
      %get3A_644 = arith.constant 1 : i32
      %get3A_645 = arith.index_cast %get3A_644 : i32 to index
      %get3A_646 = arith.index_cast %add3A_639 : i32 to index
      %get3A_647 = tpu.vector_load %arg12[%get3A_645, %get3A_646] {strides = array<i32>} : memref<2x40xi32, #tpu.memory_space<vmem>>, vector<1x16xi32>,
      %get3A_648 = vector.shape_cast %get3A_647 : vector<1x16xi32> to vector<16xi32>
      %eq3A_649 = arith.cmpi eq, %get3A_643, %get3A_648 : vector<16xi32>
      %jit3A = arith.constant 10000 : i32
      %broadcast_in_dim3A = vector.broadcast %jit3A : i32 to vector<16xi32>
      %select_n3A = arith.select %eq3A_649, %broadcast_in_dim3A, %get3A_643 : vector<16xi1>, vector<16xi32>
      %swap3A = arith.index_cast %add3A_639 : i32 to index
      %swap3A_650 = tpu.vector_load %arg19[%swap3A] {strides = array<i32>} : memref<40xi32, #tpu.memory_space<vmem>>, vector<16xi32>,
      %swap3A_651 = vector.shape_cast %swap3A_650 : vector<16xi32> to vector<16xi32>
      %swap3A_652 = vector.shape_cast %select_n3A : vector<16xi32> to vector<16xi32>
      tpu.vector_store %arg19[%swap3A], %swap3A_652 {strides = array<i32>} : memref<40xi32, #tpu.memory_space<vmem>>, vector<16xi32>,
    }
    %scan3A_612 = arith.constant 3 : i32
    %dma_start3A_613 = arith.constant 1 : i32
    %dma_start3A_614 = arith.constant 0 : i32
    %dma_start3A_615 = tpu.memref_slice %arg12[%dma_start3A_613, %dma_start3A_614] : memref<2x40xi32, #tpu.memory_space<vmem>> -> memref<1x40xi32, #tpu.memory_space<vmem>>
    %dma_start3A_616 = tpu.memref_squeeze %dma_start3A_615 : memref<1x40xi32, #tpu.memory_space<vmem>> -> memref<40xi32, #tpu.memory_space<vmem>>
    %dma_start3A_617 = arith.constant 0 : i32
    %dma_start3A_618 = arith.constant 0 : i32
    %dma_start3A_619 = tpu.memref_slice %arg2[%dma_start3A_617, %dma_start3A_618] : memref<10000x128xf32, #tpu.memory_space<hbm>> -> memref<10000x128xf32, #tpu.memory_space<hbm>>
    tpu.enqueue_indirect_dma source(%dma_start3A_619 : memref<10000x128xf32, #tpu.memory_space<hbm>>) target(%arg26 : memref<40x128xf32, #tpu.memory_space<vmem>>) offsets(%dma_start3A_616 : memref<40xi32, #tpu.memory_space<vmem>>) semaphore(%arg33 : memref<!tpu.dma_semaphore, #tpu.memory_space<semaphore_mem>>)
    %scan3A_620 = arith.constant 0 : i32
    %scan3A_621 = arith.constant 36 : i32
    %scan3A_622 = arith.addi %scan3A_620, %scan3A_621 : i32
    %scan3A_623 = arith.constant 1 : i32
    scf.for %scan3A_635 = %scan3A_620 to %scan3A_622 step %scan3A_623  : i32 {
      %mul3A_636 = arith.constant 1 : i32
      %mul3A_637 = arith.muli %scan3A_635, %mul3A_636 : i32
      %add3A_638 = arith.constant 0 : i32
      %add3A_639 = arith.addi %add3A_638, %mul3A_637 : i32
      %mul3A_640 = arith.constant 7 : i32
      %mul3A_641 = arith.muli %add3A_639, %mul3A_640 : i32
      %add3A_642 = arith.constant 0 : i32
      %add3A_643 = arith.addi %mul3A_641, %add3A_642 : i32
      %add3A_644 = arith.constant 6 : i32
      %add3A_645 = arith.addi %add3A_643, %add3A_644 : i32
      %lt3A_646 = arith.constant 250 : i32
      %lt3A_647 = arith.cmpi slt, %add3A_645, %lt3A_646 : i32
      %convert_element_type3A_648 = arith.extui %lt3A_647 : i1 to i32
      %cond3A_649 = arith.constant 0 : i32
      %cond3A_650 = arith.cmpi ne, %convert_element_type3A_648, %cond3A_649 : i32
      scf.if %cond3A_650 {
        %add3A_857 = arith.constant 6 : i32
        %add3A_858 = arith.addi %add3A_643, %add3A_857 : i32
        %mul3A_859 = arith.constant 40 : i32
        %mul3A_860 = arith.muli %add3A_858, %mul3A_859 : i32
        %add3A_861 = arith.addi %mul3A_2, %mul3A_860 : i32
        %dma_start3A_862 = arith.constant 0 : i32
        %dma_start3A_863 = arith.constant 0 : i32
        %dma_start3A_864 = tpu.memref_slice %arg14[%dma_start3A_862, %dma_start3A_863] : memref<2x40xi32, #tpu.memory_space<vmem>> -> memref<1x40xi32, #tpu.memory_space<vmem>>
        %dma_start3A_865 = tpu.memref_squeeze %dma_start3A_864 : memref<1x40xi32, #tpu.memory_space<vmem>> -> memref<40xi32, #tpu.memory_space<vmem>>
        %dma_start3A_866 = tpu.memref_slice %arg5[%add3A_861] : memref<320000xi32, #tpu.memory_space<hbm>> -> memref<40xi32, #tpu.memory_space<hbm>>
        %dma_start3A_867 = arith.constant 0 : i32
        %dma_start3A_868 = tpu.memref_slice %arg14[%dma_start3A_862, %dma_start3A_867] : memref<2x40xi32, #tpu.memory_space<vmem>> -> memref<1x40xi32, #tpu.memory_space<vmem>>
        %dma_start3A_869 = tpu.memref_squeeze %dma_start3A_868 : memref<1x40xi32, #tpu.memory_space<vmem>> -> memref<40xi32, #tpu.memory_space<vmem>>
        %dma_start3A_870 = tpu.memref_slice %arg5[%add3A_861] : memref<320000xi32, #tpu.memory_space<hbm>> -> memref<40xi32, #tpu.memory_space<hbm>>
        tpu.enqueue_dma source(%dma_start3A_870 : memref<40xi32, #tpu.memory_space<hbm>>) target(%dma_start3A_869 : memref<40xi32, #tpu.memory_space<vmem>>) target_semaphore(%arg32 : memref<!tpu.dma_semaphore, #tpu.memory_space<semaphore_mem>>)
        %mul3A_871 = arith.constant 40 : i32
        %mul3A_872 = arith.muli %add3A_858, %mul3A_871 : i32
        %add3A_873 = arith.addi %mul3A_2, %mul3A_872 : i32
        %dma_start3A_874 = arith.constant 1 : i32
        %dma_start3A_875 = arith.constant 0 : i32
        %dma_start3A_876 = tpu.memref_slice %arg14[%dma_start3A_874, %dma_start3A_875] : memref<2x40xi32, #tpu.memory_space<vmem>> -> memref<1x40xi32, #tpu.memory_space<vmem>>
        %dma_start3A_877 = tpu.memref_squeeze %dma_start3A_876 : memref<1x40xi32, #tpu.memory_space<vmem>> -> memref<40xi32, #tpu.memory_space<vmem>>
        %dma_start3A_878 = tpu.memref_slice %arg6[%add3A_873] : memref<320000xi32, #tpu.memory_space<hbm>> -> memref<40xi32, #tpu.memory_space<hbm>>
        %dma_start3A_879 = arith.constant 0 : i32
        %dma_start3A_880 = tpu.memref_slice %arg14[%dma_start3A_874, %dma_start3A_879] : memref<2x40xi32, #tpu.memory_space<vmem>> -> memref<1x40xi32, #tpu.memory_space<vmem>>
        %dma_start3A_881 = tpu.memref_squeeze %dma_start3A_880 : memref<1x40xi32, #tpu.memory_space<vmem>> -> memref<40xi32, #tpu.memory_space<vmem>>
        %dma_start3A_882 = tpu.memref_slice %arg6[%add3A_873] : memref<320000xi32, #tpu.memory_space<hbm>> -> memref<40xi32, #tpu.memory_space<hbm>>
        tpu.enqueue_dma source(%dma_start3A_882 : memref<40xi32, #tpu.memory_space<hbm>>) target(%dma_start3A_881 : memref<40xi32, #tpu.memory_space<vmem>>) target_semaphore(%arg32 : memref<!tpu.dma_semaphore, #tpu.memory_space<semaphore_mem>>)
      } else {
      }
      %ge3A_651 = arith.constant 2 : i32
      %ge3A_652 = arith.cmpi sge, %add3A_643, %ge3A_651 : i32
      %sub3A = arith.constant 2 : i32
      %sub3A_653 = arith.subi %add3A_643, %sub3A : i32
      %lt3A_654 = arith.constant 250 : i32
      %lt3A_655 = arith.cmpi slt, %sub3A_653, %lt3A_654 : i32
      %and3A = arith.andi %ge3A_652, %lt3A_655 : i1
      %convert_element_type3A_656 = arith.extui %and3A : i1 to i32
      %cond3A_657 = arith.constant 0 : i32
      %cond3A_658 = arith.cmpi ne, %convert_element_type3A_656, %cond3A_657 : i32
      scf.if %cond3A_658 {
        %dma_wait3A_857 = arith.constant 0 : i32
        %dma_wait3A_858 = arith.constant 0 : i32
        %dma_wait3A_859 = tpu.memref_slice %arg7[%dma_wait3A_857, %dma_wait3A_858] : memref<10240x128xf32, #tpu.memory_space<vmem_shared>> -> memref<10240x128xf32, #tpu.memory_space<vmem_shared>>
        tpu.wait_indirect_dma semaphore(%arg34 : memref<!tpu.dma_semaphore, #tpu.memory_space<semaphore_mem>>) src(%arg22 : memref<40x128xf32, #tpu.memory_space<vmem>>) dst(%dma_wait3A_859 : memref<10240x128xf32, #tpu.memory_space<vmem_shared>>)
      } else {
      }
      %add3A_659 = arith.constant 5 : i32
      %add3A_660 = arith.addi %add3A_643, %add3A_659 : i32
      %lt3A_661 = arith.constant 250 : i32
      %lt3A_662 = arith.cmpi slt, %add3A_660, %lt3A_661 : i32
      %convert_element_type3A_663 = arith.extui %lt3A_662 : i1 to i32
      %cond3A_664 = arith.constant 0 : i32
      %cond3A_665 = arith.cmpi ne, %convert_element_type3A_663, %cond3A_664 : i32
      scf.if %cond3A_665 {
        %add3A_857 = arith.constant 5 : i32
        %add3A_858 = arith.addi %add3A_643, %add3A_857 : i32
        %dma_wait3A_859 = arith.constant 0 : i32
        %dma_wait3A_860 = arith.constant 0 : i32
        %dma_wait3A_861 = tpu.memref_slice %arg8[%dma_wait3A_859, %dma_wait3A_860] : memref<2x40xi32, #tpu.memory_space<vmem>> -> memref<1x40xi32, #tpu.memory_space<vmem>>
        %dma_wait3A_862 = tpu.memref_squeeze %dma_wait3A_861 : memref<1x40xi32, #tpu.memory_space<vmem>> -> memref<40xi32, #tpu.memory_space<vmem>>
        %dma_wait3A_863 = arith.constant 0 : i32
        %dma_wait3A_864 = tpu.memref_slice %arg5[%dma_wait3A_863] : memref<320000xi32, #tpu.memory_space<hbm>> -> memref<40xi32, #tpu.memory_space<hbm>>
        %dma_wait3A_865 = arith.constant 0 : i32
        %dma_wait3A_866 = tpu.memref_slice %arg8[%dma_wait3A_859, %dma_wait3A_865] : memref<2x40xi32, #tpu.memory_space<vmem>> -> memref<1x40xi32, #tpu.memory_space<vmem>>
        %dma_wait3A_867 = tpu.memref_squeeze %dma_wait3A_866 : memref<1x40xi32, #tpu.memory_space<vmem>> -> memref<40xi32, #tpu.memory_space<vmem>>
        %dma_wait3A_868 = arith.constant 0 : i32
        %dma_wait3A_869 = tpu.memref_slice %arg5[%dma_wait3A_868] : memref<320000xi32, #tpu.memory_space<hbm>> -> memref<40xi32, #tpu.memory_space<hbm>>
        tpu.wait_dma2 semaphore(%arg32 : memref<!tpu.dma_semaphore, #tpu.memory_space<semaphore_mem>>) src(%dma_wait3A_869 : memref<40xi32, #tpu.memory_space<hbm>>) dst(%dma_wait3A_867 : memref<40xi32, #tpu.memory_space<vmem>>)
        %dma_wait3A_870 = arith.constant 0 : i32
        %dma_wait3A_871 = arith.constant 0 : i32
        %dma_wait3A_872 = tpu.memref_slice %arg8[%dma_wait3A_870, %dma_wait3A_871] : memref<2x40xi32, #tpu.memory_space<vmem>> -> memref<1x40xi32, #tpu.memory_space<vmem>>
        %dma_wait3A_873 = tpu.memref_squeeze %dma_wait3A_872 : memref<1x40xi32, #tpu.memory_space<vmem>> -> memref<40xi32, #tpu.memory_space<vmem>>
        %dma_wait3A_874 = arith.constant 0 : i32
        %dma_wait3A_875 = tpu.memref_slice %arg5[%dma_wait3A_874] : memref<320000xi32, #tpu.memory_space<hbm>> -> memref<40xi32, #tpu.memory_space<hbm>>
        %dma_wait3A_876 = arith.constant 0 : i32
        %dma_wait3A_877 = tpu.memref_slice %arg8[%dma_wait3A_870, %dma_wait3A_876] : memref<2x40xi32, #tpu.memory_space<vmem>> -> memref<1x40xi32, #tpu.memory_space<vmem>>
        %dma_wait3A_878 = tpu.memref_squeeze %dma_wait3A_877 : memref<1x40xi32, #tpu.memory_space<vmem>> -> memref<40xi32, #tpu.memory_space<vmem>>
        %dma_wait3A_879 = arith.constant 0 : i32
        %dma_wait3A_880 = tpu.memref_slice %arg5[%dma_wait3A_879] : memref<320000xi32, #tpu.memory_space<hbm>> -> memref<40xi32, #tpu.memory_space<hbm>>
        tpu.wait_dma2 semaphore(%arg32 : memref<!tpu.dma_semaphore, #tpu.memory_space<semaphore_mem>>) src(%dma_wait3A_880 : memref<40xi32, #tpu.memory_space<hbm>>) dst(%dma_wait3A_878 : memref<40xi32, #tpu.memory_space<vmem>>)
        %scan3A_881 = arith.constant 0 : i32
        %scan3A_882 = arith.constant 3 : i32
        %scan3A_883 = arith.addi %scan3A_881, %scan3A_882 : i32
        %scan3A_884 = arith.constant 1 : i32
        scf.for %scan3A_893 = %scan3A_881 to %scan3A_883 step %scan3A_884  : i32 {
          %mul3A_894 = arith.constant 16 : i32
          %mul3A_895 = arith.muli %scan3A_893, %mul3A_894 : i32
          %add3A_896 = arith.constant 0 : i32
          %add3A_897 = arith.addi %add3A_896, %mul3A_895 : i32
          %get3A = arith.constant 0 : i32
          %get3A_898 = arith.index_cast %get3A : i32 to index
          %get3A_899 = arith.index_cast %add3A_897 : i32 to index
          %get3A_900 = tpu.vector_load %arg13[%get3A_898, %get3A_899] {strides = array<i32>} : memref<2x40xi32, #tpu.memory_space<vmem>>, vector<1x16xi32>,
          %get3A_901 = vector.shape_cast %get3A_900 : vector<1x16xi32> to vector<16xi32>
          %get3A_902 = arith.constant 1 : i32
          %get3A_903 = arith.index_cast %get3A_902 : i32 to index
          %get3A_904 = arith.index_cast %add3A_897 : i32 to index
          %get3A_905 = tpu.vector_load %arg13[%get3A_903, %get3A_904] {strides = array<i32>} : memref<2x40xi32, #tpu.memory_space<vmem>>, vector<1x16xi32>,
          %get3A_906 = vector.shape_cast %get3A_905 : vector<1x16xi32> to vector<16xi32>
          %eq3A_907 = arith.cmpi eq, %get3A_901, %get3A_906 : vector<16xi32>
          %jit3A = arith.constant 10000 : i32
          %broadcast_in_dim3A = vector.broadcast %jit3A : i32 to vector<16xi32>
          %select_n3A = arith.select %eq3A_907, %broadcast_in_dim3A, %get3A_901 : vector<16xi1>, vector<16xi32>
          %swap3A = arith.index_cast %add3A_897 : i32 to index
          %swap3A_908 = tpu.vector_load %arg20[%swap3A] {strides = array<i32>} : memref<40xi32, #tpu.memory_space<vmem>>, vector<16xi32>,
          %swap3A_909 = vector.shape_cast %swap3A_908 : vector<16xi32> to vector<16xi32>
          %swap3A_910 = vector.shape_cast %select_n3A : vector<16xi32> to vector<16xi32>
          tpu.vector_store %arg20[%swap3A], %swap3A_910 {strides = array<i32>} : memref<40xi32, #tpu.memory_space<vmem>>, vector<16xi32>,
        }
        %scan3A_885 = arith.constant 3 : i32
        %dma_start3A_886 = arith.constant 1 : i32
        %dma_start3A_887 = arith.constant 0 : i32
        %dma_start3A_888 = tpu.memref_slice %arg13[%dma_start3A_886, %dma_start3A_887] : memref<2x40xi32, #tpu.memory_space<vmem>> -> memref<1x40xi32, #tpu.memory_space<vmem>>
        %dma_start3A_889 = tpu.memref_squeeze %dma_start3A_888 : memref<1x40xi32, #tpu.memory_space<vmem>> -> memref<40xi32, #tpu.memory_space<vmem>>
        %dma_start3A_890 = arith.constant 0 : i32
        %dma_start3A_891 = arith.constant 0 : i32
        %dma_start3A_892 = tpu.memref_slice %arg2[%dma_start3A_890, %dma_start3A_891] : memref<10000x128xf32, #tpu.memory_space<hbm>> -> memref<10000x128xf32, #tpu.memory_space<hbm>>
        tpu.enqueue_indirect_dma source(%dma_start3A_892 : memref<10000x128xf32, #tpu.memory_space<hbm>>) target(%arg27 : memref<40x128xf32, #tpu.memory_space<vmem>>) offsets(%dma_start3A_889 : memref<40xi32, #tpu.memory_space<vmem>>) semaphore(%arg33 : memref<!tpu.dma_semaphore, #tpu.memory_space<semaphore_mem>>)
      } else {
      }
      %lt3A_666 = arith.constant 250 : i32
      %lt3A_667 = arith.cmpi slt, %add3A_643, %lt3A_666 : i32
      %convert_element_type3A_668 = arith.extui %lt3A_667 : i1 to i32
      %cond3A_669 = arith.constant 0 : i32
      %cond3A_670 = arith.cmpi ne, %convert_element_type3A_668, %cond3A_669 : i32
      scf.if %cond3A_670 {
        %dma_wait3A_857 = arith.constant 1 : i32
        %dma_wait3A_858 = arith.constant 0 : i32
        %dma_wait3A_859 = tpu.memref_slice %arg8[%dma_wait3A_857, %dma_wait3A_858] : memref<2x40xi32, #tpu.memory_space<vmem>> -> memref<1x40xi32, #tpu.memory_space<vmem>>
        %dma_wait3A_860 = tpu.memref_squeeze %dma_wait3A_859 : memref<1x40xi32, #tpu.memory_space<vmem>> -> memref<40xi32, #tpu.memory_space<vmem>>
        %dma_wait3A_861 = arith.constant 0 : i32
        %dma_wait3A_862 = arith.constant 0 : i32
        %dma_wait3A_863 = tpu.memref_slice %arg2[%dma_wait3A_861, %dma_wait3A_862] : memref<10000x128xf32, #tpu.memory_space<hbm>> -> memref<10000x128xf32, #tpu.memory_space<hbm>>
        tpu.wait_indirect_dma semaphore(%arg33 : memref<!tpu.dma_semaphore, #tpu.memory_space<semaphore_mem>>) src(%dma_wait3A_863 : memref<10000x128xf32, #tpu.memory_space<hbm>>) dst(%arg22 : memref<40x128xf32, #tpu.memory_space<vmem>>)
        %dma_start3A_864 = arith.constant 0 : i32
        %dma_start3A_865 = arith.constant 0 : i32
        %dma_start3A_866 = tpu.memref_slice %arg7[%dma_start3A_864, %dma_start3A_865] : memref<10240x128xf32, #tpu.memory_space<vmem_shared>> -> memref<10240x128xf32, #tpu.memory_space<vmem_shared>>
        tpu.enqueue_indirect_dma source(%arg22 : memref<40x128xf32, #tpu.memory_space<vmem>>) target(%dma_start3A_866 : memref<10240x128xf32, #tpu.memory_space<vmem_shared>>) offsets(%arg15 : memref<40xi32, #tpu.memory_space<vmem>>) semaphore(%arg34 : memref<!tpu.dma_semaphore, #tpu.memory_space<semaphore_mem>>) {add = true}
      } else {
      }
      %add3A_671 = arith.constant 1 : i32
      %add3A_672 = arith.addi %mul3A_641, %add3A_671 : i32
      %add3A_673 = arith.constant 6 : i32
      %add3A_674 = arith.addi %add3A_672, %add3A_673 : i32
      %lt3A_675 = arith.constant 250 : i32
      %lt3A_676 = arith.cmpi slt, %add3A_674, %lt3A_675 : i32
      %convert_element_type3A_677 = arith.extui %lt3A_676 : i1 to i32
      %cond3A_678 = arith.constant 0 : i32
      %cond3A_679 = arith.cmpi ne, %convert_element_type3A_677, %cond3A_678 : i32
      scf.if %cond3A_679 {
        %add3A_857 = arith.constant 6 : i32
        %add3A_858 = arith.addi %add3A_672, %add3A_857 : i32
        %mul3A_859 = arith.constant 40 : i32
        %mul3A_860 = arith.muli %add3A_858, %mul3A_859 : i32
        %add3A_861 = arith.addi %mul3A_2, %mul3A_860 : i32
        %dma_start3A_862 = arith.constant 0 : i32
        %dma_start3A_863 = arith.constant 0 : i32
        %dma_start3A_864 = tpu.memref_slice %arg8[%dma_start3A_862, %dma_start3A_863] : memref<2x40xi32, #tpu.memory_space<vmem>> -> memref<1x40xi32, #tpu.memory_space<vmem>>
        %dma_start3A_865 = tpu.memref_squeeze %dma_start3A_864 : memref<1x40xi32, #tpu.memory_space<vmem>> -> memref<40xi32, #tpu.memory_space<vmem>>
        %dma_start3A_866 = tpu.memref_slice %arg5[%add3A_861] : memref<320000xi32, #tpu.memory_space<hbm>> -> memref<40xi32, #tpu.memory_space<hbm>>
        %dma_start3A_867 = arith.constant 0 : i32
        %dma_start3A_868 = tpu.memref_slice %arg8[%dma_start3A_862, %dma_start3A_867] : memref<2x40xi32, #tpu.memory_space<vmem>> -> memref<1x40xi32, #tpu.memory_space<vmem>>
        %dma_start3A_869 = tpu.memref_squeeze %dma_start3A_868 : memref<1x40xi32, #tpu.memory_space<vmem>> -> memref<40xi32, #tpu.memory_space<vmem>>
        %dma_start3A_870 = tpu.memref_slice %arg5[%add3A_861] : memref<320000xi32, #tpu.memory_space<hbm>> -> memref<40xi32, #tpu.memory_space<hbm>>
        tpu.enqueue_dma source(%dma_start3A_870 : memref<40xi32, #tpu.memory_space<hbm>>) target(%dma_start3A_869 : memref<40xi32, #tpu.memory_space<vmem>>) target_semaphore(%arg32 : memref<!tpu.dma_semaphore, #tpu.memory_space<semaphore_mem>>)
        %mul3A_871 = arith.constant 40 : i32
        %mul3A_872 = arith.muli %add3A_858, %mul3A_871 : i32
        %add3A_873 = arith.addi %mul3A_2, %mul3A_872 : i32
        %dma_start3A_874 = arith.constant 1 : i32
        %dma_start3A_875 = arith.constant 0 : i32
        %dma_start3A_876 = tpu.memref_slice %arg8[%dma_start3A_874, %dma_start3A_875] : memref<2x40xi32, #tpu.memory_space<vmem>> -> memref<1x40xi32, #tpu.memory_space<vmem>>
        %dma_start3A_877 = tpu.memref_squeeze %dma_start3A_876 : memref<1x40xi32, #tpu.memory_space<vmem>> -> memref<40xi32, #tpu.memory_space<vmem>>
        %dma_start3A_878 = tpu.memref_slice %arg6[%add3A_873] : memref<320000xi32, #tpu.memory_space<hbm>> -> memref<40xi32, #tpu.memory_space<hbm>>
        %dma_start3A_879 = arith.constant 0 : i32
        %dma_start3A_880 = tpu.memref_slice %arg8[%dma_start3A_874, %dma_start3A_879] : memref<2x40xi32, #tpu.memory_space<vmem>> -> memref<1x40xi32, #tpu.memory_space<vmem>>
        %dma_start3A_881 = tpu.memref_squeeze %dma_start3A_880 : memref<1x40xi32, #tpu.memory_space<vmem>> -> memref<40xi32, #tpu.memory_space<vmem>>
        %dma_start3A_882 = tpu.memref_slice %arg6[%add3A_873] : memref<320000xi32, #tpu.memory_space<hbm>> -> memref<40xi32, #tpu.memory_space<hbm>>
        tpu.enqueue_dma source(%dma_start3A_882 : memref<40xi32, #tpu.memory_space<hbm>>) target(%dma_start3A_881 : memref<40xi32, #tpu.memory_space<vmem>>) target_semaphore(%arg32 : memref<!tpu.dma_semaphore, #tpu.memory_space<semaphore_mem>>)
      } else {
      }
      %ge3A_680 = arith.constant 2 : i32
      %ge3A_681 = arith.cmpi sge, %add3A_672, %ge3A_680 : i32
      %sub3A_682 = arith.constant 2 : i32
      %sub3A_683 = arith.subi %add3A_672, %sub3A_682 : i32
      %lt3A_684 = arith.constant 250 : i32
      %lt3A_685 = arith.cmpi slt, %sub3A_683, %lt3A_684 : i32
      %and3A_686 = arith.andi %ge3A_681, %lt3A_685 : i1
      %convert_element_type3A_687 = arith.extui %and3A_686 : i1 to i32
      %cond3A_688 = arith.constant 0 : i32
      %cond3A_689 = arith.cmpi ne, %convert_element_type3A_687, %cond3A_688 : i32
      scf.if %cond3A_689 {
        %dma_wait3A_857 = arith.constant 0 : i32
        %dma_wait3A_858 = arith.constant 0 : i32
        %dma_wait3A_859 = tpu.memref_slice %arg7[%dma_wait3A_857, %dma_wait3A_858] : memref<10240x128xf32, #tpu.memory_space<vmem_shared>> -> memref<10240x128xf32, #tpu.memory_space<vmem_shared>>
        tpu.wait_indirect_dma semaphore(%arg34 : memref<!tpu.dma_semaphore, #tpu.memory_space<semaphore_mem>>) src(%arg22 : memref<40x128xf32, #tpu.memory_space<vmem>>) dst(%dma_wait3A_859 : memref<10240x128xf32, #tpu.memory_space<vmem_shared>>)
      } else {
      }
      %add3A_690 = arith.constant 5 : i32
      %add3A_691 = arith.addi %add3A_672, %add3A_690 : i32
      %lt3A_692 = arith.constant 250 : i32
      %lt3A_693 = arith.cmpi slt, %add3A_691, %lt3A_692 : i32
      %convert_element_type3A_694 = arith.extui %lt3A_693 : i1 to i32
      %cond3A_695 = arith.constant 0 : i32
      %cond3A_696 = arith.cmpi ne, %convert_element_type3A_694, %cond3A_695 : i32
      scf.if %cond3A_696 {
        %add3A_857 = arith.constant 5 : i32
        %add3A_858 = arith.addi %add3A_672, %add3A_857 : i32
        %dma_wait3A_859 = arith.constant 0 : i32
        %dma_wait3A_860 = arith.constant 0 : i32
        %dma_wait3A_861 = tpu.memref_slice %arg8[%dma_wait3A_859, %dma_wait3A_860] : memref<2x40xi32, #tpu.memory_space<vmem>> -> memref<1x40xi32, #tpu.memory_space<vmem>>
        %dma_wait3A_862 = tpu.memref_squeeze %dma_wait3A_861 : memref<1x40xi32, #tpu.memory_space<vmem>> -> memref<40xi32, #tpu.memory_space<vmem>>
        %dma_wait3A_863 = arith.constant 0 : i32
        %dma_wait3A_864 = tpu.memref_slice %arg5[%dma_wait3A_863] : memref<320000xi32, #tpu.memory_space<hbm>> -> memref<40xi32, #tpu.memory_space<hbm>>
        %dma_wait3A_865 = arith.constant 0 : i32
        %dma_wait3A_866 = tpu.memref_slice %arg8[%dma_wait3A_859, %dma_wait3A_865] : memref<2x40xi32, #tpu.memory_space<vmem>> -> memref<1x40xi32, #tpu.memory_space<vmem>>
        %dma_wait3A_867 = tpu.memref_squeeze %dma_wait3A_866 : memref<1x40xi32, #tpu.memory_space<vmem>> -> memref<40xi32, #tpu.memory_space<vmem>>
        %dma_wait3A_868 = arith.constant 0 : i32
        %dma_wait3A_869 = tpu.memref_slice %arg5[%dma_wait3A_868] : memref<320000xi32, #tpu.memory_space<hbm>> -> memref<40xi32, #tpu.memory_space<hbm>>
        tpu.wait_dma2 semaphore(%arg32 : memref<!tpu.dma_semaphore, #tpu.memory_space<semaphore_mem>>) src(%dma_wait3A_869 : memref<40xi32, #tpu.memory_space<hbm>>) dst(%dma_wait3A_867 : memref<40xi32, #tpu.memory_space<vmem>>)
        %dma_wait3A_870 = arith.constant 0 : i32
        %dma_wait3A_871 = arith.constant 0 : i32
        %dma_wait3A_872 = tpu.memref_slice %arg8[%dma_wait3A_870, %dma_wait3A_871] : memref<2x40xi32, #tpu.memory_space<vmem>> -> memref<1x40xi32, #tpu.memory_space<vmem>>
        %dma_wait3A_873 = tpu.memref_squeeze %dma_wait3A_872 : memref<1x40xi32, #tpu.memory_space<vmem>> -> memref<40xi32, #tpu.memory_space<vmem>>
        %dma_wait3A_874 = arith.constant 0 : i32
        %dma_wait3A_875 = tpu.memref_slice %arg5[%dma_wait3A_874] : memref<320000xi32, #tpu.memory_space<hbm>> -> memref<40xi32, #tpu.memory_space<hbm>>
        %dma_wait3A_876 = arith.constant 0 : i32
        %dma_wait3A_877 = tpu.memref_slice %arg8[%dma_wait3A_870, %dma_wait3A_876] : memref<2x40xi32, #tpu.memory_space<vmem>> -> memref<1x40xi32, #tpu.memory_space<vmem>>
        %dma_wait3A_878 = tpu.memref_squeeze %dma_wait3A_877 : memref<1x40xi32, #tpu.memory_space<vmem>> -> memref<40xi32, #tpu.memory_space<vmem>>
        %dma_wait3A_879 = arith.constant 0 : i32
        %dma_wait3A_880 = tpu.memref_slice %arg5[%dma_wait3A_879] : memref<320000xi32, #tpu.memory_space<hbm>> -> memref<40xi32, #tpu.memory_space<hbm>>
        tpu.wait_dma2 semaphore(%arg32 : memref<!tpu.dma_semaphore, #tpu.memory_space<semaphore_mem>>) src(%dma_wait3A_880 : memref<40xi32, #tpu.memory_space<hbm>>) dst(%dma_wait3A_878 : memref<40xi32, #tpu.memory_space<vmem>>)
        %scan3A_881 = arith.constant 0 : i32
        %scan3A_882 = arith.constant 3 : i32
        %scan3A_883 = arith.addi %scan3A_881, %scan3A_882 : i32
        %scan3A_884 = arith.constant 1 : i32
        scf.for %scan3A_893 = %scan3A_881 to %scan3A_883 step %scan3A_884  : i32 {
          %mul3A_894 = arith.constant 16 : i32
          %mul3A_895 = arith.muli %scan3A_893, %mul3A_894 : i32
          %add3A_896 = arith.constant 0 : i32
          %add3A_897 = arith.addi %add3A_896, %mul3A_895 : i32
          %get3A = arith.constant 0 : i32
          %get3A_898 = arith.index_cast %get3A : i32 to index
          %get3A_899 = arith.index_cast %add3A_897 : i32 to index
          %get3A_900 = tpu.vector_load %arg14[%get3A_898, %get3A_899] {strides = array<i32>} : memref<2x40xi32, #tpu.memory_space<vmem>>, vector<1x16xi32>,
          %get3A_901 = vector.shape_cast %get3A_900 : vector<1x16xi32> to vector<16xi32>
          %get3A_902 = arith.constant 1 : i32
          %get3A_903 = arith.index_cast %get3A_902 : i32 to index
          %get3A_904 = arith.index_cast %add3A_897 : i32 to index
          %get3A_905 = tpu.vector_load %arg14[%get3A_903, %get3A_904] {strides = array<i32>} : memref<2x40xi32, #tpu.memory_space<vmem>>, vector<1x16xi32>,
          %get3A_906 = vector.shape_cast %get3A_905 : vector<1x16xi32> to vector<16xi32>
          %eq3A_907 = arith.cmpi eq, %get3A_901, %get3A_906 : vector<16xi32>
          %jit3A = arith.constant 10000 : i32
          %broadcast_in_dim3A = vector.broadcast %jit3A : i32 to vector<16xi32>
          %select_n3A = arith.select %eq3A_907, %broadcast_in_dim3A, %get3A_901 : vector<16xi1>, vector<16xi32>
          %swap3A = arith.index_cast %add3A_897 : i32 to index
          %swap3A_908 = tpu.vector_load %arg21[%swap3A] {strides = array<i32>} : memref<40xi32, #tpu.memory_space<vmem>>, vector<16xi32>,
          %swap3A_909 = vector.shape_cast %swap3A_908 : vector<16xi32> to vector<16xi32>
          %swap3A_910 = vector.shape_cast %select_n3A : vector<16xi32> to vector<16xi32>
          tpu.vector_store %arg21[%swap3A], %swap3A_910 {strides = array<i32>} : memref<40xi32, #tpu.memory_space<vmem>>, vector<16xi32>,
        }
        %scan3A_885 = arith.constant 3 : i32
        %dma_start3A_886 = arith.constant 1 : i32
        %dma_start3A_887 = arith.constant 0 : i32
        %dma_start3A_888 = tpu.memref_slice %arg14[%dma_start3A_886, %dma_start3A_887] : memref<2x40xi32, #tpu.memory_space<vmem>> -> memref<1x40xi32, #tpu.memory_space<vmem>>
        %dma_start3A_889 = tpu.memref_squeeze %dma_start3A_888 : memref<1x40xi32, #tpu.memory_space<vmem>> -> memref<40xi32, #tpu.memory_space<vmem>>
        %dma_start3A_890 = arith.constant 0 : i32
        %dma_start3A_891 = arith.constant 0 : i32
        %dma_start3A_892 = tpu.memref_slice %arg2[%dma_start3A_890, %dma_start3A_891] : memref<10000x128xf32, #tpu.memory_space<hbm>> -> memref<10000x128xf32, #tpu.memory_space<hbm>>
        tpu.enqueue_indirect_dma source(%dma_start3A_892 : memref<10000x128xf32, #tpu.memory_space<hbm>>) target(%arg28 : memref<40x128xf32, #tpu.memory_space<vmem>>) offsets(%dma_start3A_889 : memref<40xi32, #tpu.memory_space<vmem>>) semaphore(%arg33 : memref<!tpu.dma_semaphore, #tpu.memory_space<semaphore_mem>>)
      } else {
      }
      %lt3A_697 = arith.constant 250 : i32
      %lt3A_698 = arith.cmpi slt, %add3A_672, %lt3A_697 : i32
      %convert_element_type3A_699 = arith.extui %lt3A_698 : i1 to i32
      %cond3A_700 = arith.constant 0 : i32
      %cond3A_701 = arith.cmpi ne, %convert_element_type3A_699, %cond3A_700 : i32
      scf.if %cond3A_701 {
        %dma_wait3A_857 = arith.constant 1 : i32
        %dma_wait3A_858 = arith.constant 0 : i32
        %dma_wait3A_859 = tpu.memref_slice %arg9[%dma_wait3A_857, %dma_wait3A_858] : memref<2x40xi32, #tpu.memory_space<vmem>> -> memref<1x40xi32, #tpu.memory_space<vmem>>
        %dma_wait3A_860 = tpu.memref_squeeze %dma_wait3A_859 : memref<1x40xi32, #tpu.memory_space<vmem>> -> memref<40xi32, #tpu.memory_space<vmem>>
        %dma_wait3A_861 = arith.constant 0 : i32
        %dma_wait3A_862 = arith.constant 0 : i32
        %dma_wait3A_863 = tpu.memref_slice %arg2[%dma_wait3A_861, %dma_wait3A_862] : memref<10000x128xf32, #tpu.memory_space<hbm>> -> memref<10000x128xf32, #tpu.memory_space<hbm>>
        tpu.wait_indirect_dma semaphore(%arg33 : memref<!tpu.dma_semaphore, #tpu.memory_space<semaphore_mem>>) src(%dma_wait3A_863 : memref<10000x128xf32, #tpu.memory_space<hbm>>) dst(%arg23 : memref<40x128xf32, #tpu.memory_space<vmem>>)
        %dma_start3A_864 = arith.constant 0 : i32
        %dma_start3A_865 = arith.constant 0 : i32
        %dma_start3A_866 = tpu.memref_slice %arg7[%dma_start3A_864, %dma_start3A_865] : memref<10240x128xf32, #tpu.memory_space<vmem_shared>> -> memref<10240x128xf32, #tpu.memory_space<vmem_shared>>
        tpu.enqueue_indirect_dma source(%arg23 : memref<40x128xf32, #tpu.memory_space<vmem>>) target(%dma_start3A_866 : memref<10240x128xf32, #tpu.memory_space<vmem_shared>>) offsets(%arg16 : memref<40xi32, #tpu.memory_space<vmem>>) semaphore(%arg34 : memref<!tpu.dma_semaphore, #tpu.memory_space<semaphore_mem>>) {add = true}
      } else {
      }
      %add3A_702 = arith.constant 2 : i32
      %add3A_703 = arith.addi %mul3A_641, %add3A_702 : i32
      %add3A_704 = arith.constant 6 : i32
      %add3A_705 = arith.addi %add3A_703, %add3A_704 : i32
      %lt3A_706 = arith.constant 250 : i32
      %lt3A_707 = arith.cmpi slt, %add3A_705, %lt3A_706 : i32
      %convert_element_type3A_708 = arith.extui %lt3A_707 : i1 to i32
      %cond3A_709 = arith.constant 0 : i32
      %cond3A_710 = arith.cmpi ne, %convert_element_type3A_708, %cond3A_709 : i32
      scf.if %cond3A_710 {
        %add3A_857 = arith.constant 6 : i32
        %add3A_858 = arith.addi %add3A_703, %add3A_857 : i32
        %mul3A_859 = arith.constant 40 : i32
        %mul3A_860 = arith.muli %add3A_858, %mul3A_859 : i32
        %add3A_861 = arith.addi %mul3A_2, %mul3A_860 : i32
        %dma_start3A_862 = arith.constant 0 : i32
        %dma_start3A_863 = arith.constant 0 : i32
        %dma_start3A_864 = tpu.memref_slice %arg9[%dma_start3A_862, %dma_start3A_863] : memref<2x40xi32, #tpu.memory_space<vmem>> -> memref<1x40xi32, #tpu.memory_space<vmem>>
        %dma_start3A_865 = tpu.memref_squeeze %dma_start3A_864 : memref<1x40xi32, #tpu.memory_space<vmem>> -> memref<40xi32, #tpu.memory_space<vmem>>
        %dma_start3A_866 = tpu.memref_slice %arg5[%add3A_861] : memref<320000xi32, #tpu.memory_space<hbm>> -> memref<40xi32, #tpu.memory_space<hbm>>
        %dma_start3A_867 = arith.constant 0 : i32
        %dma_start3A_868 = tpu.memref_slice %arg9[%dma_start3A_862, %dma_start3A_867] : memref<2x40xi32, #tpu.memory_space<vmem>> -> memref<1x40xi32, #tpu.memory_space<vmem>>
        %dma_start3A_869 = tpu.memref_squeeze %dma_start3A_868 : memref<1x40xi32, #tpu.memory_space<vmem>> -> memref<40xi32, #tpu.memory_space<vmem>>
        %dma_start3A_870 = tpu.memref_slice %arg5[%add3A_861] : memref<320000xi32, #tpu.memory_space<hbm>> -> memref<40xi32, #tpu.memory_space<hbm>>
        tpu.enqueue_dma source(%dma_start3A_870 : memref<40xi32, #tpu.memory_space<hbm>>) target(%dma_start3A_869 : memref<40xi32, #tpu.memory_space<vmem>>) target_semaphore(%arg32 : memref<!tpu.dma_semaphore, #tpu.memory_space<semaphore_mem>>)
        %mul3A_871 = arith.constant 40 : i32
        %mul3A_872 = arith.muli %add3A_858, %mul3A_871 : i32
        %add3A_873 = arith.addi %mul3A_2, %mul3A_872 : i32
        %dma_start3A_874 = arith.constant 1 : i32
        %dma_start3A_875 = arith.constant 0 : i32
        %dma_start3A_876 = tpu.memref_slice %arg9[%dma_start3A_874, %dma_start3A_875] : memref<2x40xi32, #tpu.memory_space<vmem>> -> memref<1x40xi32, #tpu.memory_space<vmem>>
        %dma_start3A_877 = tpu.memref_squeeze %dma_start3A_876 : memref<1x40xi32, #tpu.memory_space<vmem>> -> memref<40xi32, #tpu.memory_space<vmem>>
        %dma_start3A_878 = tpu.memref_slice %arg6[%add3A_873] : memref<320000xi32, #tpu.memory_space<hbm>> -> memref<40xi32, #tpu.memory_space<hbm>>
        %dma_start3A_879 = arith.constant 0 : i32
        %dma_start3A_880 = tpu.memref_slice %arg9[%dma_start3A_874, %dma_start3A_879] : memref<2x40xi32, #tpu.memory_space<vmem>> -> memref<1x40xi32, #tpu.memory_space<vmem>>
        %dma_start3A_881 = tpu.memref_squeeze %dma_start3A_880 : memref<1x40xi32, #tpu.memory_space<vmem>> -> memref<40xi32, #tpu.memory_space<vmem>>
        %dma_start3A_882 = tpu.memref_slice %arg6[%add3A_873] : memref<320000xi32, #tpu.memory_space<hbm>> -> memref<40xi32, #tpu.memory_space<hbm>>
        tpu.enqueue_dma source(%dma_start3A_882 : memref<40xi32, #tpu.memory_space<hbm>>) target(%dma_start3A_881 : memref<40xi32, #tpu.memory_space<vmem>>) target_semaphore(%arg32 : memref<!tpu.dma_semaphore, #tpu.memory_space<semaphore_mem>>)
      } else {
      }
      %ge3A_711 = arith.constant 2 : i32
      %ge3A_712 = arith.cmpi sge, %add3A_703, %ge3A_711 : i32
      %sub3A_713 = arith.constant 2 : i32
      %sub3A_714 = arith.subi %add3A_703, %sub3A_713 : i32
      %lt3A_715 = arith.constant 250 : i32
      %lt3A_716 = arith.cmpi slt, %sub3A_714, %lt3A_715 : i32
      %and3A_717 = arith.andi %ge3A_712, %lt3A_716 : i1
      %convert_element_type3A_718 = arith.extui %and3A_717 : i1 to i32
      %cond3A_719 = arith.constant 0 : i32
      %cond3A_720 = arith.cmpi ne, %convert_element_type3A_718, %cond3A_719 : i32
      scf.if %cond3A_720 {
        %dma_wait3A_857 = arith.constant 0 : i32
        %dma_wait3A_858 = arith.constant 0 : i32
        %dma_wait3A_859 = tpu.memref_slice %arg7[%dma_wait3A_857, %dma_wait3A_858] : memref<10240x128xf32, #tpu.memory_space<vmem_shared>> -> memref<10240x128xf32, #tpu.memory_space<vmem_shared>>
        tpu.wait_indirect_dma semaphore(%arg34 : memref<!tpu.dma_semaphore, #tpu.memory_space<semaphore_mem>>) src(%arg22 : memref<40x128xf32, #tpu.memory_space<vmem>>) dst(%dma_wait3A_859 : memref<10240x128xf32, #tpu.memory_space<vmem_shared>>)
      } else {
      }
      %add3A_721 = arith.constant 5 : i32
      %add3A_722 = arith.addi %add3A_703, %add3A_721 : i32
      %lt3A_723 = arith.constant 250 : i32
      %lt3A_724 = arith.cmpi slt, %add3A_722, %lt3A_723 : i32
      %convert_element_type3A_725 = arith.extui %lt3A_724 : i1 to i32
      %cond3A_726 = arith.constant 0 : i32
      %cond3A_727 = arith.cmpi ne, %convert_element_type3A_725, %cond3A_726 : i32
      scf.if %cond3A_727 {
        %add3A_857 = arith.constant 5 : i32
        %add3A_858 = arith.addi %add3A_703, %add3A_857 : i32
        %dma_wait3A_859 = arith.constant 0 : i32
        %dma_wait3A_860 = arith.constant 0 : i32
        %dma_wait3A_861 = tpu.memref_slice %arg8[%dma_wait3A_859, %dma_wait3A_860] : memref<2x40xi32, #tpu.memory_space<vmem>> -> memref<1x40xi32, #tpu.memory_space<vmem>>
        %dma_wait3A_862 = tpu.memref_squeeze %dma_wait3A_861 : memref<1x40xi32, #tpu.memory_space<vmem>> -> memref<40xi32, #tpu.memory_space<vmem>>
        %dma_wait3A_863 = arith.constant 0 : i32
        %dma_wait3A_864 = tpu.memref_slice %arg5[%dma_wait3A_863] : memref<320000xi32, #tpu.memory_space<hbm>> -> memref<40xi32, #tpu.memory_space<hbm>>
        %dma_wait3A_865 = arith.constant 0 : i32
        %dma_wait3A_866 = tpu.memref_slice %arg8[%dma_wait3A_859, %dma_wait3A_865] : memref<2x40xi32, #tpu.memory_space<vmem>> -> memref<1x40xi32, #tpu.memory_space<vmem>>
        %dma_wait3A_867 = tpu.memref_squeeze %dma_wait3A_866 : memref<1x40xi32, #tpu.memory_space<vmem>> -> memref<40xi32, #tpu.memory_space<vmem>>
        %dma_wait3A_868 = arith.constant 0 : i32
        %dma_wait3A_869 = tpu.memref_slice %arg5[%dma_wait3A_868] : memref<320000xi32, #tpu.memory_space<hbm>> -> memref<40xi32, #tpu.memory_space<hbm>>
        tpu.wait_dma2 semaphore(%arg32 : memref<!tpu.dma_semaphore, #tpu.memory_space<semaphore_mem>>) src(%dma_wait3A_869 : memref<40xi32, #tpu.memory_space<hbm>>) dst(%dma_wait3A_867 : memref<40xi32, #tpu.memory_space<vmem>>)
        %dma_wait3A_870 = arith.constant 0 : i32
        %dma_wait3A_871 = arith.constant 0 : i32
        %dma_wait3A_872 = tpu.memref_slice %arg8[%dma_wait3A_870, %dma_wait3A_871] : memref<2x40xi32, #tpu.memory_space<vmem>> -> memref<1x40xi32, #tpu.memory_space<vmem>>
        %dma_wait3A_873 = tpu.memref_squeeze %dma_wait3A_872 : memref<1x40xi32, #tpu.memory_space<vmem>> -> memref<40xi32, #tpu.memory_space<vmem>>
        %dma_wait3A_874 = arith.constant 0 : i32
        %dma_wait3A_875 = tpu.memref_slice %arg5[%dma_wait3A_874] : memref<320000xi32, #tpu.memory_space<hbm>> -> memref<40xi32, #tpu.memory_space<hbm>>
        %dma_wait3A_876 = arith.constant 0 : i32
        %dma_wait3A_877 = tpu.memref_slice %arg8[%dma_wait3A_870, %dma_wait3A_876] : memref<2x40xi32, #tpu.memory_space<vmem>> -> memref<1x40xi32, #tpu.memory_space<vmem>>
        %dma_wait3A_878 = tpu.memref_squeeze %dma_wait3A_877 : memref<1x40xi32, #tpu.memory_space<vmem>> -> memref<40xi32, #tpu.memory_space<vmem>>
        %dma_wait3A_879 = arith.constant 0 : i32
        %dma_wait3A_880 = tpu.memref_slice %arg5[%dma_wait3A_879] : memref<320000xi32, #tpu.memory_space<hbm>> -> memref<40xi32, #tpu.memory_space<hbm>>
        tpu.wait_dma2 semaphore(%arg32 : memref<!tpu.dma_semaphore, #tpu.memory_space<semaphore_mem>>) src(%dma_wait3A_880 : memref<40xi32, #tpu.memory_space<hbm>>) dst(%dma_wait3A_878 : memref<40xi32, #tpu.memory_space<vmem>>)
        %scan3A_881 = arith.constant 0 : i32
        %scan3A_882 = arith.constant 3 : i32
        %scan3A_883 = arith.addi %scan3A_881, %scan3A_882 : i32
        %scan3A_884 = arith.constant 1 : i32
        scf.for %scan3A_893 = %scan3A_881 to %scan3A_883 step %scan3A_884  : i32 {
          %mul3A_894 = arith.constant 16 : i32
          %mul3A_895 = arith.muli %scan3A_893, %mul3A_894 : i32
          %add3A_896 = arith.constant 0 : i32
          %add3A_897 = arith.addi %add3A_896, %mul3A_895 : i32
          %get3A = arith.constant 0 : i32
          %get3A_898 = arith.index_cast %get3A : i32 to index
          %get3A_899 = arith.index_cast %add3A_897 : i32 to index
          %get3A_900 = tpu.vector_load %arg8[%get3A_898, %get3A_899] {strides = array<i32>} : memref<2x40xi32, #tpu.memory_space<vmem>>, vector<1x16xi32>,
          %get3A_901 = vector.shape_cast %get3A_900 : vector<1x16xi32> to vector<16xi32>
          %get3A_902 = arith.constant 1 : i32
          %get3A_903 = arith.index_cast %get3A_902 : i32 to index
          %get3A_904 = arith.index_cast %add3A_897 : i32 to index
          %get3A_905 = tpu.vector_load %arg8[%get3A_903, %get3A_904] {strides = array<i32>} : memref<2x40xi32, #tpu.memory_space<vmem>>, vector<1x16xi32>,
          %get3A_906 = vector.shape_cast %get3A_905 : vector<1x16xi32> to vector<16xi32>
          %eq3A_907 = arith.cmpi eq, %get3A_901, %get3A_906 : vector<16xi32>
          %jit3A = arith.constant 10000 : i32
          %broadcast_in_dim3A = vector.broadcast %jit3A : i32 to vector<16xi32>
          %select_n3A = arith.select %eq3A_907, %broadcast_in_dim3A, %get3A_901 : vector<16xi1>, vector<16xi32>
          %swap3A = arith.index_cast %add3A_897 : i32 to index
          %swap3A_908 = tpu.vector_load %arg15[%swap3A] {strides = array<i32>} : memref<40xi32, #tpu.memory_space<vmem>>, vector<16xi32>,
          %swap3A_909 = vector.shape_cast %swap3A_908 : vector<16xi32> to vector<16xi32>
          %swap3A_910 = vector.shape_cast %select_n3A : vector<16xi32> to vector<16xi32>
          tpu.vector_store %arg15[%swap3A], %swap3A_910 {strides = array<i32>} : memref<40xi32, #tpu.memory_space<vmem>>, vector<16xi32>,
        }
        %scan3A_885 = arith.constant 3 : i32
        %dma_start3A_886 = arith.constant 1 : i32
        %dma_start3A_887 = arith.constant 0 : i32
        %dma_start3A_888 = tpu.memref_slice %arg8[%dma_start3A_886, %dma_start3A_887] : memref<2x40xi32, #tpu.memory_space<vmem>> -> memref<1x40xi32, #tpu.memory_space<vmem>>
        %dma_start3A_889 = tpu.memref_squeeze %dma_start3A_888 : memref<1x40xi32, #tpu.memory_space<vmem>> -> memref<40xi32, #tpu.memory_space<vmem>>
        %dma_start3A_890 = arith.constant 0 : i32
        %dma_start3A_891 = arith.constant 0 : i32
        %dma_start3A_892 = tpu.memref_slice %arg2[%dma_start3A_890, %dma_start3A_891] : memref<10000x128xf32, #tpu.memory_space<hbm>> -> memref<10000x128xf32, #tpu.memory_space<hbm>>
        tpu.enqueue_indirect_dma source(%dma_start3A_892 : memref<10000x128xf32, #tpu.memory_space<hbm>>) target(%arg22 : memref<40x128xf32, #tpu.memory_space<vmem>>) offsets(%dma_start3A_889 : memref<40xi32, #tpu.memory_space<vmem>>) semaphore(%arg33 : memref<!tpu.dma_semaphore, #tpu.memory_space<semaphore_mem>>)
      } else {
      }
      %lt3A_728 = arith.constant 250 : i32
      %lt3A_729 = arith.cmpi slt, %add3A_703, %lt3A_728 : i32
      %convert_element_type3A_730 = arith.extui %lt3A_729 : i1 to i32
      %cond3A_731 = arith.constant 0 : i32
      %cond3A_732 = arith.cmpi ne, %convert_element_type3A_730, %cond3A_731 : i32
      scf.if %cond3A_732 {
        %dma_wait3A_857 = arith.constant 1 : i32
        %dma_wait3A_858 = arith.constant 0 : i32
        %dma_wait3A_859 = tpu.memref_slice %arg10[%dma_wait3A_857, %dma_wait3A_858] : memref<2x40xi32, #tpu.memory_space<vmem>> -> memref<1x40xi32, #tpu.memory_space<vmem>>
        %dma_wait3A_860 = tpu.memref_squeeze %dma_wait3A_859 : memref<1x40xi32, #tpu.memory_space<vmem>> -> memref<40xi32, #tpu.memory_space<vmem>>
        %dma_wait3A_861 = arith.constant 0 : i32
        %dma_wait3A_862 = arith.constant 0 : i32
        %dma_wait3A_863 = tpu.memref_slice %arg2[%dma_wait3A_861, %dma_wait3A_862] : memref<10000x128xf32, #tpu.memory_space<hbm>> -> memref<10000x128xf32, #tpu.memory_space<hbm>>
        tpu.wait_indirect_dma semaphore(%arg33 : memref<!tpu.dma_semaphore, #tpu.memory_space<semaphore_mem>>) src(%dma_wait3A_863 : memref<10000x128xf32, #tpu.memory_space<hbm>>) dst(%arg24 : memref<40x128xf32, #tpu.memory_space<vmem>>)
        %dma_start3A_864 = arith.constant 0 : i32
        %dma_start3A_865 = arith.constant 0 : i32
        %dma_start3A_866 = tpu.memref_slice %arg7[%dma_start3A_864, %dma_start3A_865] : memref<10240x128xf32, #tpu.memory_space<vmem_shared>> -> memref<10240x128xf32, #tpu.memory_space<vmem_shared>>
        tpu.enqueue_indirect_dma source(%arg24 : memref<40x128xf32, #tpu.memory_space<vmem>>) target(%dma_start3A_866 : memref<10240x128xf32, #tpu.memory_space<vmem_shared>>) offsets(%arg17 : memref<40xi32, #tpu.memory_space<vmem>>) semaphore(%arg34 : memref<!tpu.dma_semaphore, #tpu.memory_space<semaphore_mem>>) {add = true}
      } else {
      }
      %add3A_733 = arith.constant 3 : i32
      %add3A_734 = arith.addi %mul3A_641, %add3A_733 : i32
      %add3A_735 = arith.constant 6 : i32
      %add3A_736 = arith.addi %add3A_734, %add3A_735 : i32
      %lt3A_737 = arith.constant 250 : i32
      %lt3A_738 = arith.cmpi slt, %add3A_736, %lt3A_737 : i32
      %convert_element_type3A_739 = arith.extui %lt3A_738 : i1 to i32
      %cond3A_740 = arith.constant 0 : i32
      %cond3A_741 = arith.cmpi ne, %convert_element_type3A_739, %cond3A_740 : i32
      scf.if %cond3A_741 {
        %add3A_857 = arith.constant 6 : i32
        %add3A_858 = arith.addi %add3A_734, %add3A_857 : i32
        %mul3A_859 = arith.constant 40 : i32
        %mul3A_860 = arith.muli %add3A_858, %mul3A_859 : i32
        %add3A_861 = arith.addi %mul3A_2, %mul3A_860 : i32
        %dma_start3A_862 = arith.constant 0 : i32
        %dma_start3A_863 = arith.constant 0 : i32
        %dma_start3A_864 = tpu.memref_slice %arg10[%dma_start3A_862, %dma_start3A_863] : memref<2x40xi32, #tpu.memory_space<vmem>> -> memref<1x40xi32, #tpu.memory_space<vmem>>
        %dma_start3A_865 = tpu.memref_squeeze %dma_start3A_864 : memref<1x40xi32, #tpu.memory_space<vmem>> -> memref<40xi32, #tpu.memory_space<vmem>>
        %dma_start3A_866 = tpu.memref_slice %arg5[%add3A_861] : memref<320000xi32, #tpu.memory_space<hbm>> -> memref<40xi32, #tpu.memory_space<hbm>>
        %dma_start3A_867 = arith.constant 0 : i32
        %dma_start3A_868 = tpu.memref_slice %arg10[%dma_start3A_862, %dma_start3A_867] : memref<2x40xi32, #tpu.memory_space<vmem>> -> memref<1x40xi32, #tpu.memory_space<vmem>>
        %dma_start3A_869 = tpu.memref_squeeze %dma_start3A_868 : memref<1x40xi32, #tpu.memory_space<vmem>> -> memref<40xi32, #tpu.memory_space<vmem>>
        %dma_start3A_870 = tpu.memref_slice %arg5[%add3A_861] : memref<320000xi32, #tpu.memory_space<hbm>> -> memref<40xi32, #tpu.memory_space<hbm>>
        tpu.enqueue_dma source(%dma_start3A_870 : memref<40xi32, #tpu.memory_space<hbm>>) target(%dma_start3A_869 : memref<40xi32, #tpu.memory_space<vmem>>) target_semaphore(%arg32 : memref<!tpu.dma_semaphore, #tpu.memory_space<semaphore_mem>>)
        %mul3A_871 = arith.constant 40 : i32
        %mul3A_872 = arith.muli %add3A_858, %mul3A_871 : i32
        %add3A_873 = arith.addi %mul3A_2, %mul3A_872 : i32
        %dma_start3A_874 = arith.constant 1 : i32
        %dma_start3A_875 = arith.constant 0 : i32
        %dma_start3A_876 = tpu.memref_slice %arg10[%dma_start3A_874, %dma_start3A_875] : memref<2x40xi32, #tpu.memory_space<vmem>> -> memref<1x40xi32, #tpu.memory_space<vmem>>
        %dma_start3A_877 = tpu.memref_squeeze %dma_start3A_876 : memref<1x40xi32, #tpu.memory_space<vmem>> -> memref<40xi32, #tpu.memory_space<vmem>>
        %dma_start3A_878 = tpu.memref_slice %arg6[%add3A_873] : memref<320000xi32, #tpu.memory_space<hbm>> -> memref<40xi32, #tpu.memory_space<hbm>>
        %dma_start3A_879 = arith.constant 0 : i32
        %dma_start3A_880 = tpu.memref_slice %arg10[%dma_start3A_874, %dma_start3A_879] : memref<2x40xi32, #tpu.memory_space<vmem>> -> memref<1x40xi32, #tpu.memory_space<vmem>>
        %dma_start3A_881 = tpu.memref_squeeze %dma_start3A_880 : memref<1x40xi32, #tpu.memory_space<vmem>> -> memref<40xi32, #tpu.memory_space<vmem>>
        %dma_start3A_882 = tpu.memref_slice %arg6[%add3A_873] : memref<320000xi32, #tpu.memory_space<hbm>> -> memref<40xi32, #tpu.memory_space<hbm>>
        tpu.enqueue_dma source(%dma_start3A_882 : memref<40xi32, #tpu.memory_space<hbm>>) target(%dma_start3A_881 : memref<40xi32, #tpu.memory_space<vmem>>) target_semaphore(%arg32 : memref<!tpu.dma_semaphore, #tpu.memory_space<semaphore_mem>>)
      } else {
      }
      %ge3A_742 = arith.constant 2 : i32
      %ge3A_743 = arith.cmpi sge, %add3A_734, %ge3A_742 : i32
      %sub3A_744 = arith.constant 2 : i32
      %sub3A_745 = arith.subi %add3A_734, %sub3A_744 : i32
      %lt3A_746 = arith.constant 250 : i32
      %lt3A_747 = arith.cmpi slt, %sub3A_745, %lt3A_746 : i32
      %and3A_748 = arith.andi %ge3A_743, %lt3A_747 : i1
      %convert_element_type3A_749 = arith.extui %and3A_748 : i1 to i32
      %cond3A_750 = arith.constant 0 : i32
      %cond3A_751 = arith.cmpi ne, %convert_element_type3A_749, %cond3A_750 : i32
      scf.if %cond3A_751 {
        %dma_wait3A_857 = arith.constant 0 : i32
        %dma_wait3A_858 = arith.constant 0 : i32
        %dma_wait3A_859 = tpu.memref_slice %arg7[%dma_wait3A_857, %dma_wait3A_858] : memref<10240x128xf32, #tpu.memory_space<vmem_shared>> -> memref<10240x128xf32, #tpu.memory_space<vmem_shared>>
        tpu.wait_indirect_dma semaphore(%arg34 : memref<!tpu.dma_semaphore, #tpu.memory_space<semaphore_mem>>) src(%arg22 : memref<40x128xf32, #tpu.memory_space<vmem>>) dst(%dma_wait3A_859 : memref<10240x128xf32, #tpu.memory_space<vmem_shared>>)
      } else {
      }
      %add3A_752 = arith.constant 5 : i32
      %add3A_753 = arith.addi %add3A_734, %add3A_752 : i32
      %lt3A_754 = arith.constant 250 : i32
      %lt3A_755 = arith.cmpi slt, %add3A_753, %lt3A_754 : i32
      %convert_element_type3A_756 = arith.extui %lt3A_755 : i1 to i32
      %cond3A_757 = arith.constant 0 : i32
      %cond3A_758 = arith.cmpi ne, %convert_element_type3A_756, %cond3A_757 : i32
      scf.if %cond3A_758 {
        %add3A_857 = arith.constant 5 : i32
        %add3A_858 = arith.addi %add3A_734, %add3A_857 : i32
        %dma_wait3A_859 = arith.constant 0 : i32
        %dma_wait3A_860 = arith.constant 0 : i32
        %dma_wait3A_861 = tpu.memref_slice %arg8[%dma_wait3A_859, %dma_wait3A_860] : memref<2x40xi32, #tpu.memory_space<vmem>> -> memref<1x40xi32, #tpu.memory_space<vmem>>
        %dma_wait3A_862 = tpu.memref_squeeze %dma_wait3A_861 : memref<1x40xi32, #tpu.memory_space<vmem>> -> memref<40xi32, #tpu.memory_space<vmem>>
        %dma_wait3A_863 = arith.constant 0 : i32
        %dma_wait3A_864 = tpu.memref_slice %arg5[%dma_wait3A_863] : memref<320000xi32, #tpu.memory_space<hbm>> -> memref<40xi32, #tpu.memory_space<hbm>>
        %dma_wait3A_865 = arith.constant 0 : i32
        %dma_wait3A_866 = tpu.memref_slice %arg8[%dma_wait3A_859, %dma_wait3A_865] : memref<2x40xi32, #tpu.memory_space<vmem>> -> memref<1x40xi32, #tpu.memory_space<vmem>>
        %dma_wait3A_867 = tpu.memref_squeeze %dma_wait3A_866 : memref<1x40xi32, #tpu.memory_space<vmem>> -> memref<40xi32, #tpu.memory_space<vmem>>
        %dma_wait3A_868 = arith.constant 0 : i32
        %dma_wait3A_869 = tpu.memref_slice %arg5[%dma_wait3A_868] : memref<320000xi32, #tpu.memory_space<hbm>> -> memref<40xi32, #tpu.memory_space<hbm>>
        tpu.wait_dma2 semaphore(%arg32 : memref<!tpu.dma_semaphore, #tpu.memory_space<semaphore_mem>>) src(%dma_wait3A_869 : memref<40xi32, #tpu.memory_space<hbm>>) dst(%dma_wait3A_867 : memref<40xi32, #tpu.memory_space<vmem>>)
        %dma_wait3A_870 = arith.constant 0 : i32
        %dma_wait3A_871 = arith.constant 0 : i32
        %dma_wait3A_872 = tpu.memref_slice %arg8[%dma_wait3A_870, %dma_wait3A_871] : memref<2x40xi32, #tpu.memory_space<vmem>> -> memref<1x40xi32, #tpu.memory_space<vmem>>
        %dma_wait3A_873 = tpu.memref_squeeze %dma_wait3A_872 : memref<1x40xi32, #tpu.memory_space<vmem>> -> memref<40xi32, #tpu.memory_space<vmem>>
        %dma_wait3A_874 = arith.constant 0 : i32
        %dma_wait3A_875 = tpu.memref_slice %arg5[%dma_wait3A_874] : memref<320000xi32, #tpu.memory_space<hbm>> -> memref<40xi32, #tpu.memory_space<hbm>>
        %dma_wait3A_876 = arith.constant 0 : i32
        %dma_wait3A_877 = tpu.memref_slice %arg8[%dma_wait3A_870, %dma_wait3A_876] : memref<2x40xi32, #tpu.memory_space<vmem>> -> memref<1x40xi32, #tpu.memory_space<vmem>>
        %dma_wait3A_878 = tpu.memref_squeeze %dma_wait3A_877 : memref<1x40xi32, #tpu.memory_space<vmem>> -> memref<40xi32, #tpu.memory_space<vmem>>
        %dma_wait3A_879 = arith.constant 0 : i32
        %dma_wait3A_880 = tpu.memref_slice %arg5[%dma_wait3A_879] : memref<320000xi32, #tpu.memory_space<hbm>> -> memref<40xi32, #tpu.memory_space<hbm>>
        tpu.wait_dma2 semaphore(%arg32 : memref<!tpu.dma_semaphore, #tpu.memory_space<semaphore_mem>>) src(%dma_wait3A_880 : memref<40xi32, #tpu.memory_space<hbm>>) dst(%dma_wait3A_878 : memref<40xi32, #tpu.memory_space<vmem>>)
        %scan3A_881 = arith.constant 0 : i32
        %scan3A_882 = arith.constant 3 : i32
        %scan3A_883 = arith.addi %scan3A_881, %scan3A_882 : i32
        %scan3A_884 = arith.constant 1 : i32
        scf.for %scan3A_893 = %scan3A_881 to %scan3A_883 step %scan3A_884  : i32 {
          %mul3A_894 = arith.constant 16 : i32
          %mul3A_895 = arith.muli %scan3A_893, %mul3A_894 : i32
          %add3A_896 = arith.constant 0 : i32
          %add3A_897 = arith.addi %add3A_896, %mul3A_895 : i32
          %get3A = arith.constant 0 : i32
          %get3A_898 = arith.index_cast %get3A : i32 to index
          %get3A_899 = arith.index_cast %add3A_897 : i32 to index
          %get3A_900 = tpu.vector_load %arg9[%get3A_898, %get3A_899] {strides = array<i32>} : memref<2x40xi32, #tpu.memory_space<vmem>>, vector<1x16xi32>,
          %get3A_901 = vector.shape_cast %get3A_900 : vector<1x16xi32> to vector<16xi32>
          %get3A_902 = arith.constant 1 : i32
          %get3A_903 = arith.index_cast %get3A_902 : i32 to index
          %get3A_904 = arith.index_cast %add3A_897 : i32 to index
          %get3A_905 = tpu.vector_load %arg9[%get3A_903, %get3A_904] {strides = array<i32>} : memref<2x40xi32, #tpu.memory_space<vmem>>, vector<1x16xi32>,
          %get3A_906 = vector.shape_cast %get3A_905 : vector<1x16xi32> to vector<16xi32>
          %eq3A_907 = arith.cmpi eq, %get3A_901, %get3A_906 : vector<16xi32>
          %jit3A = arith.constant 10000 : i32
          %broadcast_in_dim3A = vector.broadcast %jit3A : i32 to vector<16xi32>
          %select_n3A = arith.select %eq3A_907, %broadcast_in_dim3A, %get3A_901 : vector<16xi1>, vector<16xi32>
          %swap3A = arith.index_cast %add3A_897 : i32 to index
          %swap3A_908 = tpu.vector_load %arg16[%swap3A] {strides = array<i32>} : memref<40xi32, #tpu.memory_space<vmem>>, vector<16xi32>,
          %swap3A_909 = vector.shape_cast %swap3A_908 : vector<16xi32> to vector<16xi32>
          %swap3A_910 = vector.shape_cast %select_n3A : vector<16xi32> to vector<16xi32>
          tpu.vector_store %arg16[%swap3A], %swap3A_910 {strides = array<i32>} : memref<40xi32, #tpu.memory_space<vmem>>, vector<16xi32>,
        }
        %scan3A_885 = arith.constant 3 : i32
        %dma_start3A_886 = arith.constant 1 : i32
        %dma_start3A_887 = arith.constant 0 : i32
        %dma_start3A_888 = tpu.memref_slice %arg9[%dma_start3A_886, %dma_start3A_887] : memref<2x40xi32, #tpu.memory_space<vmem>> -> memref<1x40xi32, #tpu.memory_space<vmem>>
        %dma_start3A_889 = tpu.memref_squeeze %dma_start3A_888 : memref<1x40xi32, #tpu.memory_space<vmem>> -> memref<40xi32, #tpu.memory_space<vmem>>
        %dma_start3A_890 = arith.constant 0 : i32
        %dma_start3A_891 = arith.constant 0 : i32
        %dma_start3A_892 = tpu.memref_slice %arg2[%dma_start3A_890, %dma_start3A_891] : memref<10000x128xf32, #tpu.memory_space<hbm>> -> memref<10000x128xf32, #tpu.memory_space<hbm>>
        tpu.enqueue_indirect_dma source(%dma_start3A_892 : memref<10000x128xf32, #tpu.memory_space<hbm>>) target(%arg23 : memref<40x128xf32, #tpu.memory_space<vmem>>) offsets(%dma_start3A_889 : memref<40xi32, #tpu.memory_space<vmem>>) semaphore(%arg33 : memref<!tpu.dma_semaphore, #tpu.memory_space<semaphore_mem>>)
      } else {
      }
      %lt3A_759 = arith.constant 250 : i32
      %lt3A_760 = arith.cmpi slt, %add3A_734, %lt3A_759 : i32
      %convert_element_type3A_761 = arith.extui %lt3A_760 : i1 to i32
      %cond3A_762 = arith.constant 0 : i32
      %cond3A_763 = arith.cmpi ne, %convert_element_type3A_761, %cond3A_762 : i32
      scf.if %cond3A_763 {
        %dma_wait3A_857 = arith.constant 1 : i32
        %dma_wait3A_858 = arith.constant 0 : i32
        %dma_wait3A_859 = tpu.memref_slice %arg11[%dma_wait3A_857, %dma_wait3A_858] : memref<2x40xi32, #tpu.memory_space<vmem>> -> memref<1x40xi32, #tpu.memory_space<vmem>>
        %dma_wait3A_860 = tpu.memref_squeeze %dma_wait3A_859 : memref<1x40xi32, #tpu.memory_space<vmem>> -> memref<40xi32, #tpu.memory_space<vmem>>
        %dma_wait3A_861 = arith.constant 0 : i32
        %dma_wait3A_862 = arith.constant 0 : i32
        %dma_wait3A_863 = tpu.memref_slice %arg2[%dma_wait3A_861, %dma_wait3A_862] : memref<10000x128xf32, #tpu.memory_space<hbm>> -> memref<10000x128xf32, #tpu.memory_space<hbm>>
        tpu.wait_indirect_dma semaphore(%arg33 : memref<!tpu.dma_semaphore, #tpu.memory_space<semaphore_mem>>) src(%dma_wait3A_863 : memref<10000x128xf32, #tpu.memory_space<hbm>>) dst(%arg25 : memref<40x128xf32, #tpu.memory_space<vmem>>)
        %dma_start3A_864 = arith.constant 0 : i32
        %dma_start3A_865 = arith.constant 0 : i32
        %dma_start3A_866 = tpu.memref_slice %arg7[%dma_start3A_864, %dma_start3A_865] : memref<10240x128xf32, #tpu.memory_space<vmem_shared>> -> memref<10240x128xf32, #tpu.memory_space<vmem_shared>>
        tpu.enqueue_indirect_dma source(%arg25 : memref<40x128xf32, #tpu.memory_space<vmem>>) target(%dma_start3A_866 : memref<10240x128xf32, #tpu.memory_space<vmem_shared>>) offsets(%arg18 : memref<40xi32, #tpu.memory_space<vmem>>) semaphore(%arg34 : memref<!tpu.dma_semaphore, #tpu.memory_space<semaphore_mem>>) {add = true}
      } else {
      }
      %add3A_764 = arith.constant 4 : i32
      %add3A_765 = arith.addi %mul3A_641, %add3A_764 : i32
      %add3A_766 = arith.constant 6 : i32
      %add3A_767 = arith.addi %add3A_765, %add3A_766 : i32
      %lt3A_768 = arith.constant 250 : i32
      %lt3A_769 = arith.cmpi slt, %add3A_767, %lt3A_768 : i32
      %convert_element_type3A_770 = arith.extui %lt3A_769 : i1 to i32
      %cond3A_771 = arith.constant 0 : i32
      %cond3A_772 = arith.cmpi ne, %convert_element_type3A_770, %cond3A_771 : i32
      scf.if %cond3A_772 {
        %add3A_857 = arith.constant 6 : i32
        %add3A_858 = arith.addi %add3A_765, %add3A_857 : i32
        %mul3A_859 = arith.constant 40 : i32
        %mul3A_860 = arith.muli %add3A_858, %mul3A_859 : i32
        %add3A_861 = arith.addi %mul3A_2, %mul3A_860 : i32
        %dma_start3A_862 = arith.constant 0 : i32
        %dma_start3A_863 = arith.constant 0 : i32
        %dma_start3A_864 = tpu.memref_slice %arg11[%dma_start3A_862, %dma_start3A_863] : memref<2x40xi32, #tpu.memory_space<vmem>> -> memref<1x40xi32, #tpu.memory_space<vmem>>
        %dma_start3A_865 = tpu.memref_squeeze %dma_start3A_864 : memref<1x40xi32, #tpu.memory_space<vmem>> -> memref<40xi32, #tpu.memory_space<vmem>>
        %dma_start3A_866 = tpu.memref_slice %arg5[%add3A_861] : memref<320000xi32, #tpu.memory_space<hbm>> -> memref<40xi32, #tpu.memory_space<hbm>>
        %dma_start3A_867 = arith.constant 0 : i32
        %dma_start3A_868 = tpu.memref_slice %arg11[%dma_start3A_862, %dma_start3A_867] : memref<2x40xi32, #tpu.memory_space<vmem>> -> memref<1x40xi32, #tpu.memory_space<vmem>>
        %dma_start3A_869 = tpu.memref_squeeze %dma_start3A_868 : memref<1x40xi32, #tpu.memory_space<vmem>> -> memref<40xi32, #tpu.memory_space<vmem>>
        %dma_start3A_870 = tpu.memref_slice %arg5[%add3A_861] : memref<320000xi32, #tpu.memory_space<hbm>> -> memref<40xi32, #tpu.memory_space<hbm>>
        tpu.enqueue_dma source(%dma_start3A_870 : memref<40xi32, #tpu.memory_space<hbm>>) target(%dma_start3A_869 : memref<40xi32, #tpu.memory_space<vmem>>) target_semaphore(%arg32 : memref<!tpu.dma_semaphore, #tpu.memory_space<semaphore_mem>>)
        %mul3A_871 = arith.constant 40 : i32
        %mul3A_872 = arith.muli %add3A_858, %mul3A_871 : i32
        %add3A_873 = arith.addi %mul3A_2, %mul3A_872 : i32
        %dma_start3A_874 = arith.constant 1 : i32
        %dma_start3A_875 = arith.constant 0 : i32
        %dma_start3A_876 = tpu.memref_slice %arg11[%dma_start3A_874, %dma_start3A_875] : memref<2x40xi32, #tpu.memory_space<vmem>> -> memref<1x40xi32, #tpu.memory_space<vmem>>
        %dma_start3A_877 = tpu.memref_squeeze %dma_start3A_876 : memref<1x40xi32, #tpu.memory_space<vmem>> -> memref<40xi32, #tpu.memory_space<vmem>>
        %dma_start3A_878 = tpu.memref_slice %arg6[%add3A_873] : memref<320000xi32, #tpu.memory_space<hbm>> -> memref<40xi32, #tpu.memory_space<hbm>>
        %dma_start3A_879 = arith.constant 0 : i32
        %dma_start3A_880 = tpu.memref_slice %arg11[%dma_start3A_874, %dma_start3A_879] : memref<2x40xi32, #tpu.memory_space<vmem>> -> memref<1x40xi32, #tpu.memory_space<vmem>>
        %dma_start3A_881 = tpu.memref_squeeze %dma_start3A_880 : memref<1x40xi32, #tpu.memory_space<vmem>> -> memref<40xi32, #tpu.memory_space<vmem>>
        %dma_start3A_882 = tpu.memref_slice %arg6[%add3A_873] : memref<320000xi32, #tpu.memory_space<hbm>> -> memref<40xi32, #tpu.memory_space<hbm>>
        tpu.enqueue_dma source(%dma_start3A_882 : memref<40xi32, #tpu.memory_space<hbm>>) target(%dma_start3A_881 : memref<40xi32, #tpu.memory_space<vmem>>) target_semaphore(%arg32 : memref<!tpu.dma_semaphore, #tpu.memory_space<semaphore_mem>>)
      } else {
      }
      %ge3A_773 = arith.constant 2 : i32
      %ge3A_774 = arith.cmpi sge, %add3A_765, %ge3A_773 : i32
      %sub3A_775 = arith.constant 2 : i32
      %sub3A_776 = arith.subi %add3A_765, %sub3A_775 : i32
      %lt3A_777 = arith.constant 250 : i32
      %lt3A_778 = arith.cmpi slt, %sub3A_776, %lt3A_777 : i32
      %and3A_779 = arith.andi %ge3A_774, %lt3A_778 : i1
      %convert_element_type3A_780 = arith.extui %and3A_779 : i1 to i32
      %cond3A_781 = arith.constant 0 : i32
      %cond3A_782 = arith.cmpi ne, %convert_element_type3A_780, %cond3A_781 : i32
      scf.if %cond3A_782 {
        %dma_wait3A_857 = arith.constant 0 : i32
        %dma_wait3A_858 = arith.constant 0 : i32
        %dma_wait3A_859 = tpu.memref_slice %arg7[%dma_wait3A_857, %dma_wait3A_858] : memref<10240x128xf32, #tpu.memory_space<vmem_shared>> -> memref<10240x128xf32, #tpu.memory_space<vmem_shared>>
        tpu.wait_indirect_dma semaphore(%arg34 : memref<!tpu.dma_semaphore, #tpu.memory_space<semaphore_mem>>) src(%arg22 : memref<40x128xf32, #tpu.memory_space<vmem>>) dst(%dma_wait3A_859 : memref<10240x128xf32, #tpu.memory_space<vmem_shared>>)
      } else {
      }
      %add3A_783 = arith.constant 5 : i32
      %add3A_784 = arith.addi %add3A_765, %add3A_783 : i32
      %lt3A_785 = arith.constant 250 : i32
      %lt3A_786 = arith.cmpi slt, %add3A_784, %lt3A_785 : i32
      %convert_element_type3A_787 = arith.extui %lt3A_786 : i1 to i32
      %cond3A_788 = arith.constant 0 : i32
      %cond3A_789 = arith.cmpi ne, %convert_element_type3A_787, %cond3A_788 : i32
      scf.if %cond3A_789 {
        %add3A_857 = arith.constant 5 : i32
        %add3A_858 = arith.addi %add3A_765, %add3A_857 : i32
        %dma_wait3A_859 = arith.constant 0 : i32
        %dma_wait3A_860 = arith.constant 0 : i32
        %dma_wait3A_861 = tpu.memref_slice %arg8[%dma_wait3A_859, %dma_wait3A_860] : memref<2x40xi32, #tpu.memory_space<vmem>> -> memref<1x40xi32, #tpu.memory_space<vmem>>
        %dma_wait3A_862 = tpu.memref_squeeze %dma_wait3A_861 : memref<1x40xi32, #tpu.memory_space<vmem>> -> memref<40xi32, #tpu.memory_space<vmem>>
        %dma_wait3A_863 = arith.constant 0 : i32
        %dma_wait3A_864 = tpu.memref_slice %arg5[%dma_wait3A_863] : memref<320000xi32, #tpu.memory_space<hbm>> -> memref<40xi32, #tpu.memory_space<hbm>>
        %dma_wait3A_865 = arith.constant 0 : i32
        %dma_wait3A_866 = tpu.memref_slice %arg8[%dma_wait3A_859, %dma_wait3A_865] : memref<2x40xi32, #tpu.memory_space<vmem>> -> memref<1x40xi32, #tpu.memory_space<vmem>>
        %dma_wait3A_867 = tpu.memref_squeeze %dma_wait3A_866 : memref<1x40xi32, #tpu.memory_space<vmem>> -> memref<40xi32, #tpu.memory_space<vmem>>
        %dma_wait3A_868 = arith.constant 0 : i32
        %dma_wait3A_869 = tpu.memref_slice %arg5[%dma_wait3A_868] : memref<320000xi32, #tpu.memory_space<hbm>> -> memref<40xi32, #tpu.memory_space<hbm>>
        tpu.wait_dma2 semaphore(%arg32 : memref<!tpu.dma_semaphore, #tpu.memory_space<semaphore_mem>>) src(%dma_wait3A_869 : memref<40xi32, #tpu.memory_space<hbm>>) dst(%dma_wait3A_867 : memref<40xi32, #tpu.memory_space<vmem>>)
        %dma_wait3A_870 = arith.constant 0 : i32
        %dma_wait3A_871 = arith.constant 0 : i32
        %dma_wait3A_872 = tpu.memref_slice %arg8[%dma_wait3A_870, %dma_wait3A_871] : memref<2x40xi32, #tpu.memory_space<vmem>> -> memref<1x40xi32, #tpu.memory_space<vmem>>
        %dma_wait3A_873 = tpu.memref_squeeze %dma_wait3A_872 : memref<1x40xi32, #tpu.memory_space<vmem>> -> memref<40xi32, #tpu.memory_space<vmem>>
        %dma_wait3A_874 = arith.constant 0 : i32
        %dma_wait3A_875 = tpu.memref_slice %arg5[%dma_wait3A_874] : memref<320000xi32, #tpu.memory_space<hbm>> -> memref<40xi32, #tpu.memory_space<hbm>>
        %dma_wait3A_876 = arith.constant 0 : i32
        %dma_wait3A_877 = tpu.memref_slice %arg8[%dma_wait3A_870, %dma_wait3A_876] : memref<2x40xi32, #tpu.memory_space<vmem>> -> memref<1x40xi32, #tpu.memory_space<vmem>>
        %dma_wait3A_878 = tpu.memref_squeeze %dma_wait3A_877 : memref<1x40xi32, #tpu.memory_space<vmem>> -> memref<40xi32, #tpu.memory_space<vmem>>
        %dma_wait3A_879 = arith.constant 0 : i32
        %dma_wait3A_880 = tpu.memref_slice %arg5[%dma_wait3A_879] : memref<320000xi32, #tpu.memory_space<hbm>> -> memref<40xi32, #tpu.memory_space<hbm>>
        tpu.wait_dma2 semaphore(%arg32 : memref<!tpu.dma_semaphore, #tpu.memory_space<semaphore_mem>>) src(%dma_wait3A_880 : memref<40xi32, #tpu.memory_space<hbm>>) dst(%dma_wait3A_878 : memref<40xi32, #tpu.memory_space<vmem>>)
        %scan3A_881 = arith.constant 0 : i32
        %scan3A_882 = arith.constant 3 : i32
        %scan3A_883 = arith.addi %scan3A_881, %scan3A_882 : i32
        %scan3A_884 = arith.constant 1 : i32
        scf.for %scan3A_893 = %scan3A_881 to %scan3A_883 step %scan3A_884  : i32 {
          %mul3A_894 = arith.constant 16 : i32
          %mul3A_895 = arith.muli %scan3A_893, %mul3A_894 : i32
          %add3A_896 = arith.constant 0 : i32
          %add3A_897 = arith.addi %add3A_896, %mul3A_895 : i32
          %get3A = arith.constant 0 : i32
          %get3A_898 = arith.index_cast %get3A : i32 to index
          %get3A_899 = arith.index_cast %add3A_897 : i32 to index
          %get3A_900 = tpu.vector_load %arg10[%get3A_898, %get3A_899] {strides = array<i32>} : memref<2x40xi32, #tpu.memory_space<vmem>>, vector<1x16xi32>,
          %get3A_901 = vector.shape_cast %get3A_900 : vector<1x16xi32> to vector<16xi32>
          %get3A_902 = arith.constant 1 : i32
          %get3A_903 = arith.index_cast %get3A_902 : i32 to index
          %get3A_904 = arith.index_cast %add3A_897 : i32 to index
          %get3A_905 = tpu.vector_load %arg10[%get3A_903, %get3A_904] {strides = array<i32>} : memref<2x40xi32, #tpu.memory_space<vmem>>, vector<1x16xi32>,
          %get3A_906 = vector.shape_cast %get3A_905 : vector<1x16xi32> to vector<16xi32>
          %eq3A_907 = arith.cmpi eq, %get3A_901, %get3A_906 : vector<16xi32>
          %jit3A = arith.constant 10000 : i32
          %broadcast_in_dim3A = vector.broadcast %jit3A : i32 to vector<16xi32>
          %select_n3A = arith.select %eq3A_907, %broadcast_in_dim3A, %get3A_901 : vector<16xi1>, vector<16xi32>
          %swap3A = arith.index_cast %add3A_897 : i32 to index
          %swap3A_908 = tpu.vector_load %arg17[%swap3A] {strides = array<i32>} : memref<40xi32, #tpu.memory_space<vmem>>, vector<16xi32>,
          %swap3A_909 = vector.shape_cast %swap3A_908 : vector<16xi32> to vector<16xi32>
          %swap3A_910 = vector.shape_cast %select_n3A : vector<16xi32> to vector<16xi32>
          tpu.vector_store %arg17[%swap3A], %swap3A_910 {strides = array<i32>} : memref<40xi32, #tpu.memory_space<vmem>>, vector<16xi32>,
        }
        %scan3A_885 = arith.constant 3 : i32
        %dma_start3A_886 = arith.constant 1 : i32
        %dma_start3A_887 = arith.constant 0 : i32
        %dma_start3A_888 = tpu.memref_slice %arg10[%dma_start3A_886, %dma_start3A_887] : memref<2x40xi32, #tpu.memory_space<vmem>> -> memref<1x40xi32, #tpu.memory_space<vmem>>
        %dma_start3A_889 = tpu.memref_squeeze %dma_start3A_888 : memref<1x40xi32, #tpu.memory_space<vmem>> -> memref<40xi32, #tpu.memory_space<vmem>>
        %dma_start3A_890 = arith.constant 0 : i32
        %dma_start3A_891 = arith.constant 0 : i32
        %dma_start3A_892 = tpu.memref_slice %arg2[%dma_start3A_890, %dma_start3A_891] : memref<10000x128xf32, #tpu.memory_space<hbm>> -> memref<10000x128xf32, #tpu.memory_space<hbm>>
        tpu.enqueue_indirect_dma source(%dma_start3A_892 : memref<10000x128xf32, #tpu.memory_space<hbm>>) target(%arg24 : memref<40x128xf32, #tpu.memory_space<vmem>>) offsets(%dma_start3A_889 : memref<40xi32, #tpu.memory_space<vmem>>) semaphore(%arg33 : memref<!tpu.dma_semaphore, #tpu.memory_space<semaphore_mem>>)
      } else {
      }
      %lt3A_790 = arith.constant 250 : i32
      %lt3A_791 = arith.cmpi slt, %add3A_765, %lt3A_790 : i32
      %convert_element_type3A_792 = arith.extui %lt3A_791 : i1 to i32
      %cond3A_793 = arith.constant 0 : i32
      %cond3A_794 = arith.cmpi ne, %convert_element_type3A_792, %cond3A_793 : i32
      scf.if %cond3A_794 {
        %dma_wait3A_857 = arith.constant 1 : i32
        %dma_wait3A_858 = arith.constant 0 : i32
        %dma_wait3A_859 = tpu.memref_slice %arg12[%dma_wait3A_857, %dma_wait3A_858] : memref<2x40xi32, #tpu.memory_space<vmem>> -> memref<1x40xi32, #tpu.memory_space<vmem>>
        %dma_wait3A_860 = tpu.memref_squeeze %dma_wait3A_859 : memref<1x40xi32, #tpu.memory_space<vmem>> -> memref<40xi32, #tpu.memory_space<vmem>>
        %dma_wait3A_861 = arith.constant 0 : i32
        %dma_wait3A_862 = arith.constant 0 : i32
        %dma_wait3A_863 = tpu.memref_slice %arg2[%dma_wait3A_861, %dma_wait3A_862] : memref<10000x128xf32, #tpu.memory_space<hbm>> -> memref<10000x128xf32, #tpu.memory_space<hbm>>
        tpu.wait_indirect_dma semaphore(%arg33 : memref<!tpu.dma_semaphore, #tpu.memory_space<semaphore_mem>>) src(%dma_wait3A_863 : memref<10000x128xf32, #tpu.memory_space<hbm>>) dst(%arg26 : memref<40x128xf32, #tpu.memory_space<vmem>>)
        %dma_start3A_864 = arith.constant 0 : i32
        %dma_start3A_865 = arith.constant 0 : i32
        %dma_start3A_866 = tpu.memref_slice %arg7[%dma_start3A_864, %dma_start3A_865] : memref<10240x128xf32, #tpu.memory_space<vmem_shared>> -> memref<10240x128xf32, #tpu.memory_space<vmem_shared>>
        tpu.enqueue_indirect_dma source(%arg26 : memref<40x128xf32, #tpu.memory_space<vmem>>) target(%dma_start3A_866 : memref<10240x128xf32, #tpu.memory_space<vmem_shared>>) offsets(%arg19 : memref<40xi32, #tpu.memory_space<vmem>>) semaphore(%arg34 : memref<!tpu.dma_semaphore, #tpu.memory_space<semaphore_mem>>) {add = true}
      } else {
      }
      %add3A_795 = arith.constant 5 : i32
      %add3A_796 = arith.addi %mul3A_641, %add3A_795 : i32
      %add3A_797 = arith.constant 6 : i32
      %add3A_798 = arith.addi %add3A_796, %add3A_797 : i32
      %lt3A_799 = arith.constant 250 : i32
      %lt3A_800 = arith.cmpi slt, %add3A_798, %lt3A_799 : i32
      %convert_element_type3A_801 = arith.extui %lt3A_800 : i1 to i32
      %cond3A_802 = arith.constant 0 : i32
      %cond3A_803 = arith.cmpi ne, %convert_element_type3A_801, %cond3A_802 : i32
      scf.if %cond3A_803 {
        %add3A_857 = arith.constant 6 : i32
        %add3A_858 = arith.addi %add3A_796, %add3A_857 : i32
        %mul3A_859 = arith.constant 40 : i32
        %mul3A_860 = arith.muli %add3A_858, %mul3A_859 : i32
        %add3A_861 = arith.addi %mul3A_2, %mul3A_860 : i32
        %dma_start3A_862 = arith.constant 0 : i32
        %dma_start3A_863 = arith.constant 0 : i32
        %dma_start3A_864 = tpu.memref_slice %arg12[%dma_start3A_862, %dma_start3A_863] : memref<2x40xi32, #tpu.memory_space<vmem>> -> memref<1x40xi32, #tpu.memory_space<vmem>>
        %dma_start3A_865 = tpu.memref_squeeze %dma_start3A_864 : memref<1x40xi32, #tpu.memory_space<vmem>> -> memref<40xi32, #tpu.memory_space<vmem>>
        %dma_start3A_866 = tpu.memref_slice %arg5[%add3A_861] : memref<320000xi32, #tpu.memory_space<hbm>> -> memref<40xi32, #tpu.memory_space<hbm>>
        %dma_start3A_867 = arith.constant 0 : i32
        %dma_start3A_868 = tpu.memref_slice %arg12[%dma_start3A_862, %dma_start3A_867] : memref<2x40xi32, #tpu.memory_space<vmem>> -> memref<1x40xi32, #tpu.memory_space<vmem>>
        %dma_start3A_869 = tpu.memref_squeeze %dma_start3A_868 : memref<1x40xi32, #tpu.memory_space<vmem>> -> memref<40xi32, #tpu.memory_space<vmem>>
        %dma_start3A_870 = tpu.memref_slice %arg5[%add3A_861] : memref<320000xi32, #tpu.memory_space<hbm>> -> memref<40xi32, #tpu.memory_space<hbm>>
        tpu.enqueue_dma source(%dma_start3A_870 : memref<40xi32, #tpu.memory_space<hbm>>) target(%dma_start3A_869 : memref<40xi32, #tpu.memory_space<vmem>>) target_semaphore(%arg32 : memref<!tpu.dma_semaphore, #tpu.memory_space<semaphore_mem>>)
        %mul3A_871 = arith.constant 40 : i32
        %mul3A_872 = arith.muli %add3A_858, %mul3A_871 : i32
        %add3A_873 = arith.addi %mul3A_2, %mul3A_872 : i32
        %dma_start3A_874 = arith.constant 1 : i32
        %dma_start3A_875 = arith.constant 0 : i32
        %dma_start3A_876 = tpu.memref_slice %arg12[%dma_start3A_874, %dma_start3A_875] : memref<2x40xi32, #tpu.memory_space<vmem>> -> memref<1x40xi32, #tpu.memory_space<vmem>>
        %dma_start3A_877 = tpu.memref_squeeze %dma_start3A_876 : memref<1x40xi32, #tpu.memory_space<vmem>> -> memref<40xi32, #tpu.memory_space<vmem>>
        %dma_start3A_878 = tpu.memref_slice %arg6[%add3A_873] : memref<320000xi32, #tpu.memory_space<hbm>> -> memref<40xi32, #tpu.memory_space<hbm>>
        %dma_start3A_879 = arith.constant 0 : i32
        %dma_start3A_880 = tpu.memref_slice %arg12[%dma_start3A_874, %dma_start3A_879] : memref<2x40xi32, #tpu.memory_space<vmem>> -> memref<1x40xi32, #tpu.memory_space<vmem>>
        %dma_start3A_881 = tpu.memref_squeeze %dma_start3A_880 : memref<1x40xi32, #tpu.memory_space<vmem>> -> memref<40xi32, #tpu.memory_space<vmem>>
        %dma_start3A_882 = tpu.memref_slice %arg6[%add3A_873] : memref<320000xi32, #tpu.memory_space<hbm>> -> memref<40xi32, #tpu.memory_space<hbm>>
        tpu.enqueue_dma source(%dma_start3A_882 : memref<40xi32, #tpu.memory_space<hbm>>) target(%dma_start3A_881 : memref<40xi32, #tpu.memory_space<vmem>>) target_semaphore(%arg32 : memref<!tpu.dma_semaphore, #tpu.memory_space<semaphore_mem>>)
      } else {
      }
      %ge3A_804 = arith.constant 2 : i32
      %ge3A_805 = arith.cmpi sge, %add3A_796, %ge3A_804 : i32
      %sub3A_806 = arith.constant 2 : i32
      %sub3A_807 = arith.subi %add3A_796, %sub3A_806 : i32
      %lt3A_808 = arith.constant 250 : i32
      %lt3A_809 = arith.cmpi slt, %sub3A_807, %lt3A_808 : i32
      %and3A_810 = arith.andi %ge3A_805, %lt3A_809 : i1
      %convert_element_type3A_811 = arith.extui %and3A_810 : i1 to i32
      %cond3A_812 = arith.constant 0 : i32
      %cond3A_813 = arith.cmpi ne, %convert_element_type3A_811, %cond3A_812 : i32
      scf.if %cond3A_813 {
        %dma_wait3A_857 = arith.constant 0 : i32
        %dma_wait3A_858 = arith.constant 0 : i32
        %dma_wait3A_859 = tpu.memref_slice %arg7[%dma_wait3A_857, %dma_wait3A_858] : memref<10240x128xf32, #tpu.memory_space<vmem_shared>> -> memref<10240x128xf32, #tpu.memory_space<vmem_shared>>
        tpu.wait_indirect_dma semaphore(%arg34 : memref<!tpu.dma_semaphore, #tpu.memory_space<semaphore_mem>>) src(%arg22 : memref<40x128xf32, #tpu.memory_space<vmem>>) dst(%dma_wait3A_859 : memref<10240x128xf32, #tpu.memory_space<vmem_shared>>)
      } else {
      }
      %add3A_814 = arith.constant 5 : i32
      %add3A_815 = arith.addi %add3A_796, %add3A_814 : i32
      %lt3A_816 = arith.constant 250 : i32
      %lt3A_817 = arith.cmpi slt, %add3A_815, %lt3A_816 : i32
      %convert_element_type3A_818 = arith.extui %lt3A_817 : i1 to i32
      %cond3A_819 = arith.constant 0 : i32
      %cond3A_820 = arith.cmpi ne, %convert_element_type3A_818, %cond3A_819 : i32
      scf.if %cond3A_820 {
        %add3A_857 = arith.constant 5 : i32
        %add3A_858 = arith.addi %add3A_796, %add3A_857 : i32
        %dma_wait3A_859 = arith.constant 0 : i32
        %dma_wait3A_860 = arith.constant 0 : i32
        %dma_wait3A_861 = tpu.memref_slice %arg8[%dma_wait3A_859, %dma_wait3A_860] : memref<2x40xi32, #tpu.memory_space<vmem>> -> memref<1x40xi32, #tpu.memory_space<vmem>>
        %dma_wait3A_862 = tpu.memref_squeeze %dma_wait3A_861 : memref<1x40xi32, #tpu.memory_space<vmem>> -> memref<40xi32, #tpu.memory_space<vmem>>
        %dma_wait3A_863 = arith.constant 0 : i32
        %dma_wait3A_864 = tpu.memref_slice %arg5[%dma_wait3A_863] : memref<320000xi32, #tpu.memory_space<hbm>> -> memref<40xi32, #tpu.memory_space<hbm>>
        %dma_wait3A_865 = arith.constant 0 : i32
        %dma_wait3A_866 = tpu.memref_slice %arg8[%dma_wait3A_859, %dma_wait3A_865] : memref<2x40xi32, #tpu.memory_space<vmem>> -> memref<1x40xi32, #tpu.memory_space<vmem>>
        %dma_wait3A_867 = tpu.memref_squeeze %dma_wait3A_866 : memref<1x40xi32, #tpu.memory_space<vmem>> -> memref<40xi32, #tpu.memory_space<vmem>>
        %dma_wait3A_868 = arith.constant 0 : i32
        %dma_wait3A_869 = tpu.memref_slice %arg5[%dma_wait3A_868] : memref<320000xi32, #tpu.memory_space<hbm>> -> memref<40xi32, #tpu.memory_space<hbm>>
        tpu.wait_dma2 semaphore(%arg32 : memref<!tpu.dma_semaphore, #tpu.memory_space<semaphore_mem>>) src(%dma_wait3A_869 : memref<40xi32, #tpu.memory_space<hbm>>) dst(%dma_wait3A_867 : memref<40xi32, #tpu.memory_space<vmem>>)
        %dma_wait3A_870 = arith.constant 0 : i32
        %dma_wait3A_871 = arith.constant 0 : i32
        %dma_wait3A_872 = tpu.memref_slice %arg8[%dma_wait3A_870, %dma_wait3A_871] : memref<2x40xi32, #tpu.memory_space<vmem>> -> memref<1x40xi32, #tpu.memory_space<vmem>>
        %dma_wait3A_873 = tpu.memref_squeeze %dma_wait3A_872 : memref<1x40xi32, #tpu.memory_space<vmem>> -> memref<40xi32, #tpu.memory_space<vmem>>
        %dma_wait3A_874 = arith.constant 0 : i32
        %dma_wait3A_875 = tpu.memref_slice %arg5[%dma_wait3A_874] : memref<320000xi32, #tpu.memory_space<hbm>> -> memref<40xi32, #tpu.memory_space<hbm>>
        %dma_wait3A_876 = arith.constant 0 : i32
        %dma_wait3A_877 = tpu.memref_slice %arg8[%dma_wait3A_870, %dma_wait3A_876] : memref<2x40xi32, #tpu.memory_space<vmem>> -> memref<1x40xi32, #tpu.memory_space<vmem>>
        %dma_wait3A_878 = tpu.memref_squeeze %dma_wait3A_877 : memref<1x40xi32, #tpu.memory_space<vmem>> -> memref<40xi32, #tpu.memory_space<vmem>>
        %dma_wait3A_879 = arith.constant 0 : i32
        %dma_wait3A_880 = tpu.memref_slice %arg5[%dma_wait3A_879] : memref<320000xi32, #tpu.memory_space<hbm>> -> memref<40xi32, #tpu.memory_space<hbm>>
        tpu.wait_dma2 semaphore(%arg32 : memref<!tpu.dma_semaphore, #tpu.memory_space<semaphore_mem>>) src(%dma_wait3A_880 : memref<40xi32, #tpu.memory_space<hbm>>) dst(%dma_wait3A_878 : memref<40xi32, #tpu.memory_space<vmem>>)
        %scan3A_881 = arith.constant 0 : i32
        %scan3A_882 = arith.constant 3 : i32
        %scan3A_883 = arith.addi %scan3A_881, %scan3A_882 : i32
        %scan3A_884 = arith.constant 1 : i32
        scf.for %scan3A_893 = %scan3A_881 to %scan3A_883 step %scan3A_884  : i32 {
          %mul3A_894 = arith.constant 16 : i32
          %mul3A_895 = arith.muli %scan3A_893, %mul3A_894 : i32
          %add3A_896 = arith.constant 0 : i32
          %add3A_897 = arith.addi %add3A_896, %mul3A_895 : i32
          %get3A = arith.constant 0 : i32
          %get3A_898 = arith.index_cast %get3A : i32 to index
          %get3A_899 = arith.index_cast %add3A_897 : i32 to index
          %get3A_900 = tpu.vector_load %arg11[%get3A_898, %get3A_899] {strides = array<i32>} : memref<2x40xi32, #tpu.memory_space<vmem>>, vector<1x16xi32>,
          %get3A_901 = vector.shape_cast %get3A_900 : vector<1x16xi32> to vector<16xi32>
          %get3A_902 = arith.constant 1 : i32
          %get3A_903 = arith.index_cast %get3A_902 : i32 to index
          %get3A_904 = arith.index_cast %add3A_897 : i32 to index
          %get3A_905 = tpu.vector_load %arg11[%get3A_903, %get3A_904] {strides = array<i32>} : memref<2x40xi32, #tpu.memory_space<vmem>>, vector<1x16xi32>,
          %get3A_906 = vector.shape_cast %get3A_905 : vector<1x16xi32> to vector<16xi32>
          %eq3A_907 = arith.cmpi eq, %get3A_901, %get3A_906 : vector<16xi32>
          %jit3A = arith.constant 10000 : i32
          %broadcast_in_dim3A = vector.broadcast %jit3A : i32 to vector<16xi32>
          %select_n3A = arith.select %eq3A_907, %broadcast_in_dim3A, %get3A_901 : vector<16xi1>, vector<16xi32>
          %swap3A = arith.index_cast %add3A_897 : i32 to index
          %swap3A_908 = tpu.vector_load %arg18[%swap3A] {strides = array<i32>} : memref<40xi32, #tpu.memory_space<vmem>>, vector<16xi32>,
          %swap3A_909 = vector.shape_cast %swap3A_908 : vector<16xi32> to vector<16xi32>
          %swap3A_910 = vector.shape_cast %select_n3A : vector<16xi32> to vector<16xi32>
          tpu.vector_store %arg18[%swap3A], %swap3A_910 {strides = array<i32>} : memref<40xi32, #tpu.memory_space<vmem>>, vector<16xi32>,
        }
        %scan3A_885 = arith.constant 3 : i32
        %dma_start3A_886 = arith.constant 1 : i32
        %dma_start3A_887 = arith.constant 0 : i32
        %dma_start3A_888 = tpu.memref_slice %arg11[%dma_start3A_886, %dma_start3A_887] : memref<2x40xi32, #tpu.memory_space<vmem>> -> memref<1x40xi32, #tpu.memory_space<vmem>>
        %dma_start3A_889 = tpu.memref_squeeze %dma_start3A_888 : memref<1x40xi32, #tpu.memory_space<vmem>> -> memref<40xi32, #tpu.memory_space<vmem>>
        %dma_start3A_890 = arith.constant 0 : i32
        %dma_start3A_891 = arith.constant 0 : i32
        %dma_start3A_892 = tpu.memref_slice %arg2[%dma_start3A_890, %dma_start3A_891] : memref<10000x128xf32, #tpu.memory_space<hbm>> -> memref<10000x128xf32, #tpu.memory_space<hbm>>
        tpu.enqueue_indirect_dma source(%dma_start3A_892 : memref<10000x128xf32, #tpu.memory_space<hbm>>) target(%arg25 : memref<40x128xf32, #tpu.memory_space<vmem>>) offsets(%dma_start3A_889 : memref<40xi32, #tpu.memory_space<vmem>>) semaphore(%arg33 : memref<!tpu.dma_semaphore, #tpu.memory_space<semaphore_mem>>)
      } else {
      }
      %lt3A_821 = arith.constant 250 : i32
      %lt3A_822 = arith.cmpi slt, %add3A_796, %lt3A_821 : i32
      %convert_element_type3A_823 = arith.extui %lt3A_822 : i1 to i32
      %cond3A_824 = arith.constant 0 : i32
      %cond3A_825 = arith.cmpi ne, %convert_element_type3A_823, %cond3A_824 : i32
      scf.if %cond3A_825 {
        %dma_wait3A_857 = arith.constant 1 : i32
        %dma_wait3A_858 = arith.constant 0 : i32
        %dma_wait3A_859 = tpu.memref_slice %arg13[%dma_wait3A_857, %dma_wait3A_858] : memref<2x40xi32, #tpu.memory_space<vmem>> -> memref<1x40xi32, #tpu.memory_space<vmem>>
        %dma_wait3A_860 = tpu.memref_squeeze %dma_wait3A_859 : memref<1x40xi32, #tpu.memory_space<vmem>> -> memref<40xi32, #tpu.memory_space<vmem>>
        %dma_wait3A_861 = arith.constant 0 : i32
        %dma_wait3A_862 = arith.constant 0 : i32
        %dma_wait3A_863 = tpu.memref_slice %arg2[%dma_wait3A_861, %dma_wait3A_862] : memref<10000x128xf32, #tpu.memory_space<hbm>> -> memref<10000x128xf32, #tpu.memory_space<hbm>>
        tpu.wait_indirect_dma semaphore(%arg33 : memref<!tpu.dma_semaphore, #tpu.memory_space<semaphore_mem>>) src(%dma_wait3A_863 : memref<10000x128xf32, #tpu.memory_space<hbm>>) dst(%arg27 : memref<40x128xf32, #tpu.memory_space<vmem>>)
        %dma_start3A_864 = arith.constant 0 : i32
        %dma_start3A_865 = arith.constant 0 : i32
        %dma_start3A_866 = tpu.memref_slice %arg7[%dma_start3A_864, %dma_start3A_865] : memref<10240x128xf32, #tpu.memory_space<vmem_shared>> -> memref<10240x128xf32, #tpu.memory_space<vmem_shared>>
        tpu.enqueue_indirect_dma source(%arg27 : memref<40x128xf32, #tpu.memory_space<vmem>>) target(%dma_start3A_866 : memref<10240x128xf32, #tpu.memory_space<vmem_shared>>) offsets(%arg20 : memref<40xi32, #tpu.memory_space<vmem>>) semaphore(%arg34 : memref<!tpu.dma_semaphore, #tpu.memory_space<semaphore_mem>>) {add = true}
      } else {
      }
      %add3A_826 = arith.constant 6 : i32
      %add3A_827 = arith.addi %mul3A_641, %add3A_826 : i32
      %add3A_828 = arith.constant 6 : i32
      %add3A_829 = arith.addi %add3A_827, %add3A_828 : i32
      %lt3A_830 = arith.constant 250 : i32
      %lt3A_831 = arith.cmpi slt, %add3A_829, %lt3A_830 : i32
      %convert_element_type3A_832 = arith.extui %lt3A_831 : i1 to i32
      %cond3A_833 = arith.constant 0 : i32
      %cond3A_834 = arith.cmpi ne, %convert_element_type3A_832, %cond3A_833 : i32
      scf.if %cond3A_834 {
        %add3A_857 = arith.constant 6 : i32
        %add3A_858 = arith.addi %add3A_827, %add3A_857 : i32
        %mul3A_859 = arith.constant 40 : i32
        %mul3A_860 = arith.muli %add3A_858, %mul3A_859 : i32
        %add3A_861 = arith.addi %mul3A_2, %mul3A_860 : i32
        %dma_start3A_862 = arith.constant 0 : i32
        %dma_start3A_863 = arith.constant 0 : i32
        %dma_start3A_864 = tpu.memref_slice %arg13[%dma_start3A_862, %dma_start3A_863] : memref<2x40xi32, #tpu.memory_space<vmem>> -> memref<1x40xi32, #tpu.memory_space<vmem>>
        %dma_start3A_865 = tpu.memref_squeeze %dma_start3A_864 : memref<1x40xi32, #tpu.memory_space<vmem>> -> memref<40xi32, #tpu.memory_space<vmem>>
        %dma_start3A_866 = tpu.memref_slice %arg5[%add3A_861] : memref<320000xi32, #tpu.memory_space<hbm>> -> memref<40xi32, #tpu.memory_space<hbm>>
        %dma_start3A_867 = arith.constant 0 : i32
        %dma_start3A_868 = tpu.memref_slice %arg13[%dma_start3A_862, %dma_start3A_867] : memref<2x40xi32, #tpu.memory_space<vmem>> -> memref<1x40xi32, #tpu.memory_space<vmem>>
        %dma_start3A_869 = tpu.memref_squeeze %dma_start3A_868 : memref<1x40xi32, #tpu.memory_space<vmem>> -> memref<40xi32, #tpu.memory_space<vmem>>
        %dma_start3A_870 = tpu.memref_slice %arg5[%add3A_861] : memref<320000xi32, #tpu.memory_space<hbm>> -> memref<40xi32, #tpu.memory_space<hbm>>
        tpu.enqueue_dma source(%dma_start3A_870 : memref<40xi32, #tpu.memory_space<hbm>>) target(%dma_start3A_869 : memref<40xi32, #tpu.memory_space<vmem>>) target_semaphore(%arg32 : memref<!tpu.dma_semaphore, #tpu.memory_space<semaphore_mem>>)
        %mul3A_871 = arith.constant 40 : i32
        %mul3A_872 = arith.muli %add3A_858, %mul3A_871 : i32
        %add3A_873 = arith.addi %mul3A_2, %mul3A_872 : i32
        %dma_start3A_874 = arith.constant 1 : i32
        %dma_start3A_875 = arith.constant 0 : i32
        %dma_start3A_876 = tpu.memref_slice %arg13[%dma_start3A_874, %dma_start3A_875] : memref<2x40xi32, #tpu.memory_space<vmem>> -> memref<1x40xi32, #tpu.memory_space<vmem>>
        %dma_start3A_877 = tpu.memref_squeeze %dma_start3A_876 : memref<1x40xi32, #tpu.memory_space<vmem>> -> memref<40xi32, #tpu.memory_space<vmem>>
        %dma_start3A_878 = tpu.memref_slice %arg6[%add3A_873] : memref<320000xi32, #tpu.memory_space<hbm>> -> memref<40xi32, #tpu.memory_space<hbm>>
        %dma_start3A_879 = arith.constant 0 : i32
        %dma_start3A_880 = tpu.memref_slice %arg13[%dma_start3A_874, %dma_start3A_879] : memref<2x40xi32, #tpu.memory_space<vmem>> -> memref<1x40xi32, #tpu.memory_space<vmem>>
        %dma_start3A_881 = tpu.memref_squeeze %dma_start3A_880 : memref<1x40xi32, #tpu.memory_space<vmem>> -> memref<40xi32, #tpu.memory_space<vmem>>
        %dma_start3A_882 = tpu.memref_slice %arg6[%add3A_873] : memref<320000xi32, #tpu.memory_space<hbm>> -> memref<40xi32, #tpu.memory_space<hbm>>
        tpu.enqueue_dma source(%dma_start3A_882 : memref<40xi32, #tpu.memory_space<hbm>>) target(%dma_start3A_881 : memref<40xi32, #tpu.memory_space<vmem>>) target_semaphore(%arg32 : memref<!tpu.dma_semaphore, #tpu.memory_space<semaphore_mem>>)
      } else {
      }
      %ge3A_835 = arith.constant 2 : i32
      %ge3A_836 = arith.cmpi sge, %add3A_827, %ge3A_835 : i32
      %sub3A_837 = arith.constant 2 : i32
      %sub3A_838 = arith.subi %add3A_827, %sub3A_837 : i32
      %lt3A_839 = arith.constant 250 : i32
      %lt3A_840 = arith.cmpi slt, %sub3A_838, %lt3A_839 : i32
      %and3A_841 = arith.andi %ge3A_836, %lt3A_840 : i1
      %convert_element_type3A_842 = arith.extui %and3A_841 : i1 to i32
      %cond3A_843 = arith.constant 0 : i32
      %cond3A_844 = arith.cmpi ne, %convert_element_type3A_842, %cond3A_843 : i32
      scf.if %cond3A_844 {
        %dma_wait3A_857 = arith.constant 0 : i32
        %dma_wait3A_858 = arith.constant 0 : i32
        %dma_wait3A_859 = tpu.memref_slice %arg7[%dma_wait3A_857, %dma_wait3A_858] : memref<10240x128xf32, #tpu.memory_space<vmem_shared>> -> memref<10240x128xf32, #tpu.memory_space<vmem_shared>>
        tpu.wait_indirect_dma semaphore(%arg34 : memref<!tpu.dma_semaphore, #tpu.memory_space<semaphore_mem>>) src(%arg22 : memref<40x128xf32, #tpu.memory_space<vmem>>) dst(%dma_wait3A_859 : memref<10240x128xf32, #tpu.memory_space<vmem_shared>>)
      } else {
      }
      %add3A_845 = arith.constant 5 : i32
      %add3A_846 = arith.addi %add3A_827, %add3A_845 : i32
      %lt3A_847 = arith.constant 250 : i32
      %lt3A_848 = arith.cmpi slt, %add3A_846, %lt3A_847 : i32
      %convert_element_type3A_849 = arith.extui %lt3A_848 : i1 to i32
      %cond3A_850 = arith.constant 0 : i32
      %cond3A_851 = arith.cmpi ne, %convert_element_type3A_849, %cond3A_850 : i32
      scf.if %cond3A_851 {
        %add3A_857 = arith.constant 5 : i32
        %add3A_858 = arith.addi %add3A_827, %add3A_857 : i32
        %dma_wait3A_859 = arith.constant 0 : i32
        %dma_wait3A_860 = arith.constant 0 : i32
        %dma_wait3A_861 = tpu.memref_slice %arg8[%dma_wait3A_859, %dma_wait3A_860] : memref<2x40xi32, #tpu.memory_space<vmem>> -> memref<1x40xi32, #tpu.memory_space<vmem>>
        %dma_wait3A_862 = tpu.memref_squeeze %dma_wait3A_861 : memref<1x40xi32, #tpu.memory_space<vmem>> -> memref<40xi32, #tpu.memory_space<vmem>>
        %dma_wait3A_863 = arith.constant 0 : i32
        %dma_wait3A_864 = tpu.memref_slice %arg5[%dma_wait3A_863] : memref<320000xi32, #tpu.memory_space<hbm>> -> memref<40xi32, #tpu.memory_space<hbm>>
        %dma_wait3A_865 = arith.constant 0 : i32
        %dma_wait3A_866 = tpu.memref_slice %arg8[%dma_wait3A_859, %dma_wait3A_865] : memref<2x40xi32, #tpu.memory_space<vmem>> -> memref<1x40xi32, #tpu.memory_space<vmem>>
        %dma_wait3A_867 = tpu.memref_squeeze %dma_wait3A_866 : memref<1x40xi32, #tpu.memory_space<vmem>> -> memref<40xi32, #tpu.memory_space<vmem>>
        %dma_wait3A_868 = arith.constant 0 : i32
        %dma_wait3A_869 = tpu.memref_slice %arg5[%dma_wait3A_868] : memref<320000xi32, #tpu.memory_space<hbm>> -> memref<40xi32, #tpu.memory_space<hbm>>
        tpu.wait_dma2 semaphore(%arg32 : memref<!tpu.dma_semaphore, #tpu.memory_space<semaphore_mem>>) src(%dma_wait3A_869 : memref<40xi32, #tpu.memory_space<hbm>>) dst(%dma_wait3A_867 : memref<40xi32, #tpu.memory_space<vmem>>)
        %dma_wait3A_870 = arith.constant 0 : i32
        %dma_wait3A_871 = arith.constant 0 : i32
        %dma_wait3A_872 = tpu.memref_slice %arg8[%dma_wait3A_870, %dma_wait3A_871] : memref<2x40xi32, #tpu.memory_space<vmem>> -> memref<1x40xi32, #tpu.memory_space<vmem>>
        %dma_wait3A_873 = tpu.memref_squeeze %dma_wait3A_872 : memref<1x40xi32, #tpu.memory_space<vmem>> -> memref<40xi32, #tpu.memory_space<vmem>>
        %dma_wait3A_874 = arith.constant 0 : i32
        %dma_wait3A_875 = tpu.memref_slice %arg5[%dma_wait3A_874] : memref<320000xi32, #tpu.memory_space<hbm>> -> memref<40xi32, #tpu.memory_space<hbm>>
        %dma_wait3A_876 = arith.constant 0 : i32
        %dma_wait3A_877 = tpu.memref_slice %arg8[%dma_wait3A_870, %dma_wait3A_876] : memref<2x40xi32, #tpu.memory_space<vmem>> -> memref<1x40xi32, #tpu.memory_space<vmem>>
        %dma_wait3A_878 = tpu.memref_squeeze %dma_wait3A_877 : memref<1x40xi32, #tpu.memory_space<vmem>> -> memref<40xi32, #tpu.memory_space<vmem>>
        %dma_wait3A_879 = arith.constant 0 : i32
        %dma_wait3A_880 = tpu.memref_slice %arg5[%dma_wait3A_879] : memref<320000xi32, #tpu.memory_space<hbm>> -> memref<40xi32, #tpu.memory_space<hbm>>
        tpu.wait_dma2 semaphore(%arg32 : memref<!tpu.dma_semaphore, #tpu.memory_space<semaphore_mem>>) src(%dma_wait3A_880 : memref<40xi32, #tpu.memory_space<hbm>>) dst(%dma_wait3A_878 : memref<40xi32, #tpu.memory_space<vmem>>)
        %scan3A_881 = arith.constant 0 : i32
        %scan3A_882 = arith.constant 3 : i32
        %scan3A_883 = arith.addi %scan3A_881, %scan3A_882 : i32
        %scan3A_884 = arith.constant 1 : i32
        scf.for %scan3A_893 = %scan3A_881 to %scan3A_883 step %scan3A_884  : i32 {
          %mul3A_894 = arith.constant 16 : i32
          %mul3A_895 = arith.muli %scan3A_893, %mul3A_894 : i32
          %add3A_896 = arith.constant 0 : i32
          %add3A_897 = arith.addi %add3A_896, %mul3A_895 : i32
          %get3A = arith.constant 0 : i32
          %get3A_898 = arith.index_cast %get3A : i32 to index
          %get3A_899 = arith.index_cast %add3A_897 : i32 to index
          %get3A_900 = tpu.vector_load %arg12[%get3A_898, %get3A_899] {strides = array<i32>} : memref<2x40xi32, #tpu.memory_space<vmem>>, vector<1x16xi32>,
          %get3A_901 = vector.shape_cast %get3A_900 : vector<1x16xi32> to vector<16xi32>
          %get3A_902 = arith.constant 1 : i32
          %get3A_903 = arith.index_cast %get3A_902 : i32 to index
          %get3A_904 = arith.index_cast %add3A_897 : i32 to index
          %get3A_905 = tpu.vector_load %arg12[%get3A_903, %get3A_904] {strides = array<i32>} : memref<2x40xi32, #tpu.memory_space<vmem>>, vector<1x16xi32>,
          %get3A_906 = vector.shape_cast %get3A_905 : vector<1x16xi32> to vector<16xi32>
          %eq3A_907 = arith.cmpi eq, %get3A_901, %get3A_906 : vector<16xi32>
          %jit3A = arith.constant 10000 : i32
          %broadcast_in_dim3A = vector.broadcast %jit3A : i32 to vector<16xi32>
          %select_n3A = arith.select %eq3A_907, %broadcast_in_dim3A, %get3A_901 : vector<16xi1>, vector<16xi32>
          %swap3A = arith.index_cast %add3A_897 : i32 to index
          %swap3A_908 = tpu.vector_load %arg19[%swap3A] {strides = array<i32>} : memref<40xi32, #tpu.memory_space<vmem>>, vector<16xi32>,
          %swap3A_909 = vector.shape_cast %swap3A_908 : vector<16xi32> to vector<16xi32>
          %swap3A_910 = vector.shape_cast %select_n3A : vector<16xi32> to vector<16xi32>
          tpu.vector_store %arg19[%swap3A], %swap3A_910 {strides = array<i32>} : memref<40xi32, #tpu.memory_space<vmem>>, vector<16xi32>,
        }
        %scan3A_885 = arith.constant 3 : i32
        %dma_start3A_886 = arith.constant 1 : i32
        %dma_start3A_887 = arith.constant 0 : i32
        %dma_start3A_888 = tpu.memref_slice %arg12[%dma_start3A_886, %dma_start3A_887] : memref<2x40xi32, #tpu.memory_space<vmem>> -> memref<1x40xi32, #tpu.memory_space<vmem>>
        %dma_start3A_889 = tpu.memref_squeeze %dma_start3A_888 : memref<1x40xi32, #tpu.memory_space<vmem>> -> memref<40xi32, #tpu.memory_space<vmem>>
        %dma_start3A_890 = arith.constant 0 : i32
        %dma_start3A_891 = arith.constant 0 : i32
        %dma_start3A_892 = tpu.memref_slice %arg2[%dma_start3A_890, %dma_start3A_891] : memref<10000x128xf32, #tpu.memory_space<hbm>> -> memref<10000x128xf32, #tpu.memory_space<hbm>>
        tpu.enqueue_indirect_dma source(%dma_start3A_892 : memref<10000x128xf32, #tpu.memory_space<hbm>>) target(%arg26 : memref<40x128xf32, #tpu.memory_space<vmem>>) offsets(%dma_start3A_889 : memref<40xi32, #tpu.memory_space<vmem>>) semaphore(%arg33 : memref<!tpu.dma_semaphore, #tpu.memory_space<semaphore_mem>>)
      } else {
      }
      %lt3A_852 = arith.constant 250 : i32
      %lt3A_853 = arith.cmpi slt, %add3A_827, %lt3A_852 : i32
      %convert_element_type3A_854 = arith.extui %lt3A_853 : i1 to i32
      %cond3A_855 = arith.constant 0 : i32
      %cond3A_856 = arith.cmpi ne, %convert_element_type3A_854, %cond3A_855 : i32
      scf.if %cond3A_856 {
        %dma_wait3A_857 = arith.constant 1 : i32
        %dma_wait3A_858 = arith.constant 0 : i32
        %dma_wait3A_859 = tpu.memref_slice %arg14[%dma_wait3A_857, %dma_wait3A_858] : memref<2x40xi32, #tpu.memory_space<vmem>> -> memref<1x40xi32, #tpu.memory_space<vmem>>
        %dma_wait3A_860 = tpu.memref_squeeze %dma_wait3A_859 : memref<1x40xi32, #tpu.memory_space<vmem>> -> memref<40xi32, #tpu.memory_space<vmem>>
        %dma_wait3A_861 = arith.constant 0 : i32
        %dma_wait3A_862 = arith.constant 0 : i32
        %dma_wait3A_863 = tpu.memref_slice %arg2[%dma_wait3A_861, %dma_wait3A_862] : memref<10000x128xf32, #tpu.memory_space<hbm>> -> memref<10000x128xf32, #tpu.memory_space<hbm>>
        tpu.wait_indirect_dma semaphore(%arg33 : memref<!tpu.dma_semaphore, #tpu.memory_space<semaphore_mem>>) src(%dma_wait3A_863 : memref<10000x128xf32, #tpu.memory_space<hbm>>) dst(%arg28 : memref<40x128xf32, #tpu.memory_space<vmem>>)
        %dma_start3A_864 = arith.constant 0 : i32
        %dma_start3A_865 = arith.constant 0 : i32
        %dma_start3A_866 = tpu.memref_slice %arg7[%dma_start3A_864, %dma_start3A_865] : memref<10240x128xf32, #tpu.memory_space<vmem_shared>> -> memref<10240x128xf32, #tpu.memory_space<vmem_shared>>
        tpu.enqueue_indirect_dma source(%arg28 : memref<40x128xf32, #tpu.memory_space<vmem>>) target(%dma_start3A_866 : memref<10240x128xf32, #tpu.memory_space<vmem_shared>>) offsets(%arg21 : memref<40xi32, #tpu.memory_space<vmem>>) semaphore(%arg34 : memref<!tpu.dma_semaphore, #tpu.memory_space<semaphore_mem>>) {add = true}
      } else {
      }
    }
    %scan3A_624 = arith.constant 36 : i32
    %barrier3A_625 = arith.constant 0 : index
    tpu.barrier barrier_id(%barrier3A_625)
    %lt3A_626 = arith.constant 15 : i32
    %lt3A_627 = arith.cmpi slt, %arg1, %lt3A_626 : i32
    %convert_element_type3A_628 = arith.extui %lt3A_627 : i1 to i32
    %cond3A_629 = arith.constant 0 : i32
    %cond3A_630 = arith.cmpi ne, %convert_element_type3A_628, %cond3A_629 : i32
    scf.if %cond3A_630 {
      %mul3A_635 = arith.constant 640 : i32
      %mul3A_636 = arith.muli %arg1, %mul3A_635 : i32
      %mul3A_637 = arith.constant 640 : i32
      %mul3A_638 = arith.muli %arg1, %mul3A_637 : i32
      "tpu.region"() ({
        %run_scoped3A = tpu.sem_alloc : memref<!tpu.dma_semaphore, #tpu.memory_space<semaphore_mem>>
        %dma_start3A_639 = arith.constant 0 : i32
        %dma_start3A_640 = tpu.memref_slice %arg4[%arg0, %mul3A_638, %dma_start3A_639] : memref<2x10000x128xf32, #tpu.memory_space<hbm>> -> memref<1x640x128xf32, #tpu.memory_space<hbm>>
        %dma_start3A_641 = tpu.memref_squeeze %dma_start3A_640 : memref<1x640x128xf32, #tpu.memory_space<hbm>> -> memref<640x128xf32, #tpu.memory_space<hbm>>
        %dma_start3A_642 = arith.constant 0 : i32
        %dma_start3A_643 = tpu.memref_slice %arg7[%mul3A_636, %dma_start3A_642] : memref<10240x128xf32, #tpu.memory_space<vmem_shared>> -> memref<640x128xf32, #tpu.memory_space<vmem_shared>>
        tpu.enqueue_dma source(%dma_start3A_643 : memref<640x128xf32, #tpu.memory_space<vmem_shared>>) target(%dma_start3A_641 : memref<640x128xf32, #tpu.memory_space<hbm>>) target_semaphore(%run_scoped3A : memref<!tpu.dma_semaphore, #tpu.memory_space<semaphore_mem>>)
        %dma_wait3A_644 = arith.constant 0 : i32
        %dma_wait3A_645 = tpu.memref_slice %arg4[%arg0, %mul3A_638, %dma_wait3A_644] : memref<2x10000x128xf32, #tpu.memory_space<hbm>> -> memref<1x640x128xf32, #tpu.memory_space<hbm>>
        %dma_wait3A_646 = tpu.memref_squeeze %dma_wait3A_645 : memref<1x640x128xf32, #tpu.memory_space<hbm>> -> memref<640x128xf32, #tpu.memory_space<hbm>>
        %dma_wait3A_647 = arith.constant 0 : i32
        %dma_wait3A_648 = tpu.memref_slice %arg7[%mul3A_636, %dma_wait3A_647] : memref<10240x128xf32, #tpu.memory_space<vmem_shared>> -> memref<640x128xf32, #tpu.memory_space<vmem_shared>>
        tpu.wait_dma2 semaphore(%run_scoped3A : memref<!tpu.dma_semaphore, #tpu.memory_space<semaphore_mem>>) src(%dma_wait3A_648 : memref<640x128xf32, #tpu.memory_space<vmem_shared>>) dst(%dma_wait3A_646 : memref<640x128xf32, #tpu.memory_space<hbm>>)
        tpu.yield
      }) : () -> ()
    } else {
    }
    %eq3A = arith.constant 15 : i32
    %eq3A_631 = arith.cmpi eq, %arg1, %eq3A : i32
    %convert_element_type3A_632 = arith.extui %eq3A_631 : i1 to i32
    %cond3A_633 = arith.constant 0 : i32
    %cond3A_634 = arith.cmpi ne, %convert_element_type3A_632, %cond3A_633 : i32
    scf.if %cond3A_634 {
      "tpu.region"() ({
        %run_scoped3A = tpu.sem_alloc : memref<!tpu.dma_semaphore, #tpu.memory_space<semaphore_mem>>
        %dma_start3A_635 = arith.constant 9600 : i32
        %dma_start3A_636 = arith.constant 0 : i32
        %dma_start3A_637 = tpu.memref_slice %arg4[%arg0, %dma_start3A_635, %dma_start3A_636] : memref<2x10000x128xf32, #tpu.memory_space<hbm>> -> memref<1x400x128xf32, #tpu.memory_space<hbm>>
        %dma_start3A_638 = tpu.memref_squeeze %dma_start3A_637 : memref<1x400x128xf32, #tpu.memory_space<hbm>> -> memref<400x128xf32, #tpu.memory_space<hbm>>
        %dma_start3A_639 = arith.constant 9600 : i32
        %dma_start3A_640 = arith.constant 0 : i32
        %dma_start3A_641 = tpu.memref_slice %arg7[%dma_start3A_639, %dma_start3A_640] : memref<10240x128xf32, #tpu.memory_space<vmem_shared>> -> memref<400x128xf32, #tpu.memory_space<vmem_shared>>
        tpu.enqueue_dma source(%dma_start3A_641 : memref<400x128xf32, #tpu.memory_space<vmem_shared>>) target(%dma_start3A_638 : memref<400x128xf32, #tpu.memory_space<hbm>>) target_semaphore(%run_scoped3A : memref<!tpu.dma_semaphore, #tpu.memory_space<semaphore_mem>>)
        %dma_wait3A_642 = arith.constant 9600 : i32
        %dma_wait3A_643 = arith.constant 0 : i32
        %dma_wait3A_644 = tpu.memref_slice %arg4[%arg0, %dma_wait3A_642, %dma_wait3A_643] : memref<2x10000x128xf32, #tpu.memory_space<hbm>> -> memref<1x400x128xf32, #tpu.memory_space<hbm>>
        %dma_wait3A_645 = tpu.memref_squeeze %dma_wait3A_644 : memref<1x400x128xf32, #tpu.memory_space<hbm>> -> memref<400x128xf32, #tpu.memory_space<hbm>>
        %dma_wait3A_646 = arith.constant 9600 : i32
        %dma_wait3A_647 = arith.constant 0 : i32
        %dma_wait3A_648 = tpu.memref_slice %arg7[%dma_wait3A_646, %dma_wait3A_647] : memref<10240x128xf32, #tpu.memory_space<vmem_shared>> -> memref<400x128xf32, #tpu.memory_space<vmem_shared>>
        tpu.wait_dma2 semaphore(%run_scoped3A : memref<!tpu.dma_semaphore, #tpu.memory_space<semaphore_mem>>) src(%dma_wait3A_648 : memref<400x128xf32, #tpu.memory_space<vmem_shared>>) dst(%dma_wait3A_645 : memref<400x128xf32, #tpu.memory_space<hbm>>)
        tpu.yield
      }) : () -> ()
    } else {
    }
    return
  }
}

module attributes {stable_mosaic.version = 14 : i64} {
  func.func @body(%arg0: i32, %arg1: memref<2000x128xf32, #tpu.memory_space<vmem>>, %arg2: memref<1x2000x128xf32, #tpu.memory_space<vmem>>, %arg3: memref<1x2000x128xf32, #tpu.memory_space<vmem>>, %arg4: memref<128x128xf32, #tpu.memory_space<vmem>>, %arg5: memref<1x128xf32, #tpu.memory_space<vmem>>, %arg6: memref<128x128xf32, #tpu.memory_space<vmem>>, %arg7: memref<1x128xf32, #tpu.memory_space<vmem>>, %arg8: memref<2000x128xf32, #tpu.memory_space<vmem>>) attributes {dimension_semantics = [#tpu.dimension_semantics<arbitrary>], iteration_bounds = array<i64: 5>, scalar_prefetch = 0 : i64, scratch_operands = 0 : i64, tpu.core_type = #tpu.core_type<tc>, window_params = [{transform_indices = @transform_0, window_bounds = array<i64: 2000, 128>}, {transform_indices = @transform_1, window_bounds = array<i64: 1, 2000, 128>}, {transform_indices = @transform_2, window_bounds = array<i64: 1, 2000, 128>}, {pipeline_mode = #tpu.pipeline_mode<synchronous>, transform_indices = @transform_3, window_bounds = array<i64: 128, 128>}, {pipeline_mode = #tpu.pipeline_mode<synchronous>, transform_indices = @transform_4, window_bounds = array<i64: 1, 128>}, {pipeline_mode = #tpu.pipeline_mode<synchronous>, transform_indices = @transform_5, window_bounds = array<i64: 128, 128>}, {pipeline_mode = #tpu.pipeline_mode<synchronous>, transform_indices = @transform_6, window_bounds = array<i64: 1, 128>}, {transform_indices = @transform_7, window_bounds = array<i64: 2000, 128>}]} {
    %get3A = arith.constant 0 : index
    %get3A_0 = arith.constant 0 : index
    %get3A_1 = vector.load %arg1[%get3A, %get3A_0] : memref<2000x128xf32, #tpu.memory_space<vmem>>, vector<2000x128xf32>
    %get3A_2 = arith.constant 0 : index
    %get3A_3 = arith.constant 0 : index
    %get3A_4 = arith.constant 0 : index
    %get3A_5 = vector.load %arg2[%get3A_2, %get3A_3, %get3A_4] : memref<1x2000x128xf32, #tpu.memory_space<vmem>>, vector<1x2000x128xf32>
    %get3A_6 = vector.shape_cast %get3A_5 : vector<1x2000x128xf32> to vector<2000x128xf32>
    %add3A = arith.addf %get3A_1, %get3A_6 : vector<2000x128xf32>
    %get3A_7 = arith.constant 0 : index
    %get3A_8 = arith.constant 0 : index
    %get3A_9 = arith.constant 0 : index
    %get3A_10 = vector.load %arg3[%get3A_7, %get3A_8, %get3A_9] : memref<1x2000x128xf32, #tpu.memory_space<vmem>>, vector<1x2000x128xf32>
    %get3A_11 = vector.shape_cast %get3A_10 : vector<1x2000x128xf32> to vector<2000x128xf32>
    %add3A_12 = arith.addf %add3A, %get3A_11 : vector<2000x128xf32>
    %get3A_13 = arith.constant 0 : index
    %get3A_14 = arith.constant 0 : index
    %get3A_15 = vector.load %arg4[%get3A_13, %get3A_14] : memref<128x128xf32, #tpu.memory_space<vmem>>, vector<128x128xf32>
    %dot_general3A = arith.constant dense<0.000000e+00> : vector<2000x128xf32>
    %dot_general3A_16 = tpu.matmul %add3A_12, %get3A_15, %dot_general3A {dimension_numbers = #tpu.dot_dimension_numbers<[1], [0], [0], [1], [0, 0, 1, 1], [], []>, transpose_lhs_hint = false} : vector<2000x128xf32>, vector<128x128xf32>, vector<2000x128xf32> -> vector<2000x128xf32>
    %get3A_17 = arith.constant 0 : index
    %get3A_18 = arith.constant 0 : index
    %get3A_19 = vector.load %arg5[%get3A_17, %get3A_18] : memref<1x128xf32, #tpu.memory_space<vmem>>, vector<1x128xf32>
    %add3A_20 = vector.broadcast %get3A_19 : vector<1x128xf32> to vector<2000x128xf32>
    %add3A_21 = arith.addf %dot_general3A_16, %add3A_20 : vector<2000x128xf32>
    %max3A = arith.constant 0.000000e+00 : f32
    %max3A_22 = vector.broadcast %max3A : f32 to vector<2000x128xf32>
    %max3A_23 = arith.maximumf %add3A_21, %max3A_22 : vector<2000x128xf32>
    %get3A_24 = arith.constant 0 : index
    %get3A_25 = arith.constant 0 : index
    %get3A_26 = vector.load %arg6[%get3A_24, %get3A_25] : memref<128x128xf32, #tpu.memory_space<vmem>>, vector<128x128xf32>
    %dot_general3A_27 = arith.constant dense<0.000000e+00> : vector<2000x128xf32>
    %dot_general3A_28 = tpu.matmul %max3A_23, %get3A_26, %dot_general3A_27 {dimension_numbers = #tpu.dot_dimension_numbers<[1], [0], [0], [1], [0, 0, 1, 1], [], []>, transpose_lhs_hint = false} : vector<2000x128xf32>, vector<128x128xf32>, vector<2000x128xf32> -> vector<2000x128xf32>
    %get3A_29 = arith.constant 0 : index
    %get3A_30 = arith.constant 0 : index
    %get3A_31 = vector.load %arg7[%get3A_29, %get3A_30] : memref<1x128xf32, #tpu.memory_space<vmem>>, vector<1x128xf32>
    %add3A_32 = vector.broadcast %get3A_31 : vector<1x128xf32> to vector<2000x128xf32>
    %add3A_33 = arith.addf %dot_general3A_28, %add3A_32 : vector<2000x128xf32>
    %swap3A = arith.constant 0 : index
    %swap3A_34 = arith.constant 0 : index
    %swap3A_35 = vector.load %arg8[%swap3A, %swap3A_34] : memref<2000x128xf32, #tpu.memory_space<vmem>>, vector<2000x128xf32>
    tpu.vector_store %arg8[%swap3A, %swap3A_34], %add3A_33 {strides = array<i32>} : memref<2000x128xf32, #tpu.memory_space<vmem>>, vector<2000x128xf32>,
    return
  }
  func.func @transform_0(%arg0: i32) -> (i32, i32) {
    %c0_i32 = arith.constant 0 : i32
    %c0_i32_0 = arith.constant 0 : i32
    return %arg0, %c0_i32 : i32, i32
  }
  func.func @transform_1(%arg0: i32) -> (i32, i32, i32) {
    %c0_i32 = arith.constant 0 : i32
    %c0_i32_0 = arith.constant 0 : i32
    %c0_i32_1 = arith.constant 0 : i32
    return %c0_i32, %arg0, %c0_i32_0 : i32, i32, i32
  }
  func.func @transform_2(%arg0: i32) -> (i32, i32, i32) {
    %c1_i32 = arith.constant 1 : i32
    %c0_i32 = arith.constant 0 : i32
    %c0_i32_0 = arith.constant 0 : i32
    return %c1_i32, %arg0, %c0_i32 : i32, i32, i32
  }
  func.func @transform_3(%arg0: i32) -> (i32, i32) {
    %c0_i32 = arith.constant 0 : i32
    %c0_i32_0 = arith.constant 0 : i32
    %c0_i32_1 = arith.constant 0 : i32
    return %c0_i32, %c0_i32_0 : i32, i32
  }
  func.func @transform_4(%arg0: i32) -> (i32, i32) {
    %c0_i32 = arith.constant 0 : i32
    %c0_i32_0 = arith.constant 0 : i32
    %c0_i32_1 = arith.constant 0 : i32
    return %c0_i32, %c0_i32_0 : i32, i32
  }
  func.func @transform_5(%arg0: i32) -> (i32, i32) {
    %c0_i32 = arith.constant 0 : i32
    %c0_i32_0 = arith.constant 0 : i32
    %c0_i32_1 = arith.constant 0 : i32
    return %c0_i32, %c0_i32_0 : i32, i32
  }
  func.func @transform_6(%arg0: i32) -> (i32, i32) {
    %c0_i32 = arith.constant 0 : i32
    %c0_i32_0 = arith.constant 0 : i32
    %c0_i32_1 = arith.constant 0 : i32
    return %c0_i32, %c0_i32_0 : i32, i32
  }
  func.func @transform_7(%arg0: i32) -> (i32, i32) {
    %c0_i32 = arith.constant 0 : i32
    %c0_i32_0 = arith.constant 0 : i32
    return %arg0, %c0_i32 : i32, i32
  }
}

</mosaic_0001>

<sc_bundles>
// kernel: kernel.4.cloned.1.call-start
scs
__scs_entry_jumppad:
0x0: {  	(pc) =	sbr.rel $0x88, $3  }
0x1: {  	(tag) =	ssettag $0x0;
	lr =	simm.s32 $0x1  }
0x2: {  	[smem:$0x3F9B] =	sst lr;
	_ =	strace $0xD0000000  }
0x3: {  	_ = 	snop  }
0x4: {  	_ = 	snop  }
0x5: {  	_ = 	snop  }
0x6: {  	_ = 	snop  }
0x7: {  	_ = 	snop  }
__scs_overlays_trampoline_lowered:
0x8: {  	[smem:$0x3FAA] =	sst s0  }
0x9: {  	[smem:$0x3FAB] =	sst s1  }
0xa: {  	[smem:$0x3FAC] =	sst s2  }
0xb: {  	[smem:$0x3FAD] =	sst s3  }
0xc: {  	[smem:$0x3FAE] =	sst s4  }
0xd: {  	[smem:$0x3FAF] =	sst s5  }
0xe: {  	[smem:$0x3FB0] =	sst s6  }
0xf: {  	[smem:$0x3FB1] =	sst s7  }
0x10: {  	[smem:$0x3FB2] =	sst s8  }
0x11: {  	[smem:$0x3FB3] =	sst s9;
	s0 =	simm.s32 @!p0 $0x0  }
0x12: {  	s1 =	sld [smem:$0x3F99];
	s0 =	simm.s32 @p0 $0x1  }
0x13: {  	[smem:$0x3FB4] =	sst s0;
	s0 =	simm.s32 @!p1 $0x0  }
0x14: {  	s2 =	sld [smem:$0x3F98];
	s0 =	simm.s32 @p1 $0x1  }
0x15: {  	[smem:$0x3FB5] =	sst s0;
	s0 =	simm.s32 @!p2 $0x0  }
0x16: {  	s3 =	sld [smem:$0x3FDB];
	s0 =	simm.s32 @p2 $0x1  }
0x17: {  	s4 =	simm.s32 $0x1BF5;
	[smem:$0x3FB7] =	sst s0  }
0x18: {  	s0 =	sld [smem:$0x3F9A];
	_ =	swait.ge [sflag:s4], $0x0  }
0x19: {  	s7 =	sld [smem:$0x3F9B]  }
0x1a: {  	s8 =	sadd.s32 $0xFFFFE003, lr  }
0x1b: {  	s9 =	sadd.s32 $0xFFFFFEF7, lr;
	s5 =	simm.s32 $0xFFFFFFFF;
	p2 =	slt.u32 s8, $0xFFFFF086  }
0x1c: {  	p1 =	slt.u32 s9, $0xF7A;
	s5 =	simm.s32 @!p2 $0x0  }
0x1d: {  	s5 =	simm.s32 @p1 $0x1;
	p0 =	seq.s32 s7, s2  }
0x1e: {  	s7 =	smul.u32 @!p0 $0xF7A, s2;
	p2 =	seq.s32 @!p0 s5, $0x0  }
0x1f: {  	s9 =	smul.u32 $0xF7A, s1;
	s8 =	simm.s32 @!p0 $0x1BF5;
	p2 =	por !p2, p0  }
0x20: {  	[sflag:s8] =	ssyncset.s32 @!p0 $0xFFFFF086;
	s6 =	sadd.s32 @!p0 s3, s7;
	s7 =	simm.s32 @!p0 $0x108  }
0x21: {  	s3 =	sadd.s32 s3, s9;
	s6 =	sadd.s32 @!p0 $0x88, s6;
	s7 =	simm.s32 @p2 $0x1082  }
0x22: {  	[simem:s7], [sflag:s8] =	dma.local @!p0 [hbm:s6], $0xF7A  }
0x23: {  	s9 =	sor.u32 $0xD0000000, s2;
	s6 =	simm.s32 $0x108;
	_ =	swait.ge @!p0 [sflag:s8], $0x0  }
0x24: {  	s3 =	sadd.s32 $0x88, s3;
	s6 =	simm.s32 @!p1 $0x1082;
	[sflag:s4] =	ssyncset.s32 $0xFFFFF086  }
0x25: {  	[simem:s6], [sflag:s4] =	dma.local [hbm:s3], $0xF7A  }
0x26: {  	[smem:$0x3F9B] =	sst s1;
	(tag) =	ssettag s2;
	_ =	strace s9  }
0x27: {  	s1 =	sld [smem:$0x3FAB]  }
0x28: {  	s2 =	sld [smem:$0x3FAC]  }
0x29: {  	s4 =	sld [smem:$0x3FAE]  }
0x2a: {  	p0 =	seq.s32 s5, $0x0;
	s5 =	sld [smem:$0x3FAF]  }
0x2b: {  	s6 =	sld [smem:$0x3FB0]  }
0x2c: {  	s7 =	sld [smem:$0x3FB1]  }
0x2d: {  	s3 =	simm.s32 $0x108;
	s8 =	sld [smem:$0x3FB2]  }
0x2e: {  	s3 =	simm.s32 @!p0 $0x1082;
	s9 =	sld [smem:$0x3FB3]  }
0x2f: {  	lr =	sadd.s32 s0, s3;
	s0 =	sld [smem:$0x3FAA]  }
0x30: {  	s3 =	sld [smem:$0x3FAD]  }
0x31: {  	[smem:$0x3FB6] =	sst s10  }
0x32: {  	s10 =	sld [smem:$0x3FB4];
	_ =	sdelay $0x3  }
0x33: {  	p0 =	seq.s32 s10, $0x1;
	s10 =	sld [smem:$0x3FB6];
	_ =	sdelay $0x3  }
0x34: {  	[smem:$0x3FB6] =	sst s10  }
0x35: {  	s10 =	sld [smem:$0x3FB5];
	_ =	sdelay $0x3  }
0x36: {  	p1 =	seq.s32 s10, $0x1;
	s10 =	sld [smem:$0x3FB6];
	_ =	sdelay $0x3  }
0x37: {  	[smem:$0x3FB6] =	sst s10  }
0x38: {  	s10 =	sld [smem:$0x3FB7]  }
0x39: {  	_ = 	snop;
	(pc) =	sbr.ind lr, $3  }
0x3a: {  	_ = 	snop  }
0x3b: {  	_ = 	snop  }
0x3c: {  	p2 =	seq.s32 s10, $0x1;
	s10 =	sld [smem:$0x3FB6]  }
0x3d: {  	_ =	shalt  }
0x3e: {  	_ =	shalt  }
0x3f: {  	_ =	shalt  }
0x40: {  	_ =	shalt  }
0x41: {  	_ =	shalt  }
0x42: {  	_ =	shalt  }
0x43: {  	_ =	shalt  }
0x44: {  	_ =	shalt  }
0x45: {  	_ =	shalt  }
0x46: {  	_ =	shalt  }
0x47: {  	_ =	shalt  }
0x48: {  	_ =	shalt  }
0x49: {  	_ =	shalt  }
0x4a: {  	_ =	shalt  }
0x4b: {  	_ =	shalt  }
0x4c: {  	_ =	shalt  }
0x4d: {  	_ =	shalt  }
0x4e: {  	_ =	shalt  }
0x4f: {  	_ =	shalt  }
0x50: {  	_ =	shalt  }
0x51: {  	_ =	shalt  }
0x52: {  	_ =	shalt  }
0x53: {  	_ =	shalt  }
0x54: {  	_ =	shalt  }
0x55: {  	_ =	shalt  }
0x56: {  	_ =	shalt  }
0x57: {  	_ =	shalt  }
0x58: {  	_ =	shalt  }
0x59: {  	_ =	shalt  }
0x5a: {  	_ =	shalt  }
0x5b: {  	_ =	shalt  }
0x5c: {  	_ =	shalt  }
0x5d: {  	_ =	shalt  }
0x5e: {  	_ =	shalt  }
0x5f: {  	_ =	shalt  }
0x60: {  	_ =	shalt  }
0x61: {  	_ =	shalt  }
0x62: {  	_ =	shalt  }
0x63: {  	_ =	shalt  }
0x64: {  	_ =	shalt  }
0x65: {  	_ =	shalt  }
0x66: {  	_ =	shalt  }
0x67: {  	_ =	shalt  }
0x68: {  	_ =	shalt  }
0x69: {  	_ =	shalt  }
0x6a: {  	_ =	shalt  }
0x6b: {  	_ =	shalt  }
0x6c: {  	_ =	shalt  }
0x6d: {  	_ =	shalt  }
0x6e: {  	_ =	shalt  }
0x6f: {  	_ =	shalt  }
0x70: {  	_ =	shalt  }
0x71: {  	_ =	shalt  }
0x72: {  	_ =	shalt  }
0x73: {  	_ =	shalt  }
0x74: {  	_ =	shalt  }
0x75: {  	_ =	shalt  }
0x76: {  	_ =	shalt  }
0x77: {  	_ =	shalt  }
0x78: {  	_ =	shalt  }
0x79: {  	_ =	shalt  }
0x7a: {  	_ =	shalt  }
0x7b: {  	_ =	shalt  }
0x7c: {  	_ =	shalt  }
0x7d: {  	_ =	shalt  }
0x7e: {  	_ =	shalt  }
0x7f: {  	_ =	shalt  }
0x80: {  	_ =	shalt  }
0x81: {  	_ =	shalt  }
0x82: {  	_ =	shalt  }
0x83: {  	_ =	shalt  }
0x84: {  	_ =	shalt  }
0x85: {  	_ =	shalt  }
0x86: {  	_ =	shalt  }
0x87: {  	_ =	shalt  }
.Lfunc_end0:
.L_simem_size_0:
called_computation_lowered:
.L_overlay_start_0:
0x88: {  	s2 =	sld [smem:$0x3FD9]  }
0x89: {  	s3 =	sld [smem:$0x3FFE];
	_ =	sdelay $0x1  }
0x8a: {  	s1 =	srdreg.scid  }
0x8b: {  	s0 =	sand.u32 $0x1, s1  }
0x8c: {  	s17 =	sshll.u32 s0, $0xA;
	s2 =	sadd.s32 s3, s2  }
0x8d: {  	s2 =	sadd.s32 s2, s17  }
0x8e: {  	[smem:$0x3FC2] =	sst s2  }
0x8f: {  	_ = 	snop  }
0x90: {  	s2 =	sld [smem:$0x3FC9]  }
0x91: {  	s18 =	sld [smem:$0x3FC8]  }
0x92: {  	s4 =	sld [smem:$0x3FD0];
	(tm) =	ssettm $0x1  }
0x93: {  	s5 =	sld [smem:$0x3FFB];
	_ =	sdelay $0x3  }
0x94: {  	_ =	strace s5  }
0x95: {  	s5 =	sld [smem:$0x3FFC];
	_ =	sdelay $0x3  }
0x96: {  	_ =	strace s5  }
0x97: {  	s5 =	sld [smem:$0x3FFD];
	_ =	sdelay $0x3  }
0x98: {  	_ =	strace s5  }
0x99: {  	_ =	strace $0x8FFFFFFF  }
0x9a: {  	s19 =	sld [smem:$0x3FDB];
	_ =	sdelay $0x1  }
0x9b: {  	s6 =	simm.s32 $_scs_section_size  }
0x9c: {  	s7 =	simm.s32 $_size__tile_overlayer_lowered;
	s8 =	simm.s32 $_tile_overlayer_lowered  }
0x9d: {  	s22 =	simm.s32 $0x1BFF;
	s21 =	sshll.u32 s8, $0x1;
	s5 =	sadd.s32 s6, s19  }
0x9e: {  	s9 =	simm.s32 $0x0;
	s20 =	sshll.u32 s7, $0x1;
	s7 =	sadd.s32 s21, s5  }
0x9f: {  	[timem:s9], [sflag:s22] =	dma.local [hbm:s7], s20  }
0xa0: {  	_ =	swait.ge [sflag:s22], s20  }
0xa1: {  	s6 =	ssub.s32 $0x0, s20;
	[sflag:s22] =	ssyncset.done $0x0  }
0xa2: {  	[sflag:s22] =	ssyncadd.s32 s6;
	_ =	sdelay $0x1  }
0xa3: {  	s23 =	simm.s32 $0x1B8B  }
0xa4: {  	_ =	swait.ge [sflag:s23], $0x1  }
0xa5: {  	[sflag:s23] =	ssyncset.done $0x0  }
0xa6: {  	s25 =	simm.s32 $0x1B8E;
	s24 =	sld [smem:$0x3FFE];
	[sflag:s23] =	ssyncadd.s32 $0xFFFFFFFF  }
0xa7: {  	s26 =	simm.s32 $execute0_lowered;
	[smem:$0x3FD2] =	sst s25  }
0xa8: {  	s7 =	sshll.u32 s26, $0x1;
	_ =	strace $0x80000046;
	[dreg:$0x1] =	wrdreg $0xFFFFFFFF  }
0xa9: {  	s28 =	simm.s32 $_size_execute0_lowered;
	s5 =	sadd.s32 s5, s7;
	[dreg:$0x0] =	wrdreg $0x0  }
0xaa: {  	s7 =	sshll.u32 s28, $0x1;
	[dreg:$0x2] =	wrdreg s5  }
0xab: {  	[dreg:$0x3] =	wrdreg s7  }
0xac: {  	[dreg:$0x4] =	wrdreg $0xC0  }
0xad: {  	_ =	task [dreg:s9], $0x5FFFF  }
0xae: {  	[dreg:$0x1] =	wrdreg $0xFFFFFFFF  }
0xaf: {  	[dreg:$0x0] =	wrdreg $0x60  }
0xb0: {  	[dreg:$0x2] =	wrdreg s2  }
0xb1: {  	[dreg:$0x3] =	wrdreg s18  }
0xb2: {  	[dreg:$0x4] =	wrdreg s24  }
0xb3: {  	[dreg:$0x5] =	wrdreg s4  }
0xb4: {  	[dreg:$0x6] =	wrdreg $0x0  }
0xb5: {  	[dreg:$0x7] =	wrdreg $0x9  }
0xb6: {  	_ =	task.clear_ibuf [dreg:s9], $0x8FFFF;
	_ =	strace $0x90000046  }
0xb7: {  	s29 =	simm.s32 $0x9;
	_ =	strace $0x80000048  }
0xb8: {  	_ =	swait.ge [sflag:s29], $0x1  }
0xb9: {  	[sflag:s29] =	ssyncadd.s32 $0xFFFFFFFF  }
0xba: {  	_ =	strace $0x90000048  }
0xbb: {  	_ =	sfence  }
0xbc: {  	s30 =	sld [smem:$0x0];
	_ =	sdelay $0x2  }
0xbd: {  	s31 =	sshll.u32 s1, $0xD;
	s1 =	sshrl.u32 s1, $0x2  }
0xbe: {  	s3 =	sand.u32 $0x4000, s31;
	s1 =	sadd.s32 s1, s30  }
0xbf: {  	s0 =	sor.u32 s3, s0;
	s1 =	sshll.u32 s1, $0x11  }
0xc0: {  	s0 =	sor.u32 s1, s0  }
0xc1: {  	s0 =	sadd.s32 $0x8F2B, s0  }
0xc2: {  	[sflag:s0] =	ssyncadd.remote.s32 $0x1  }
0xc3: {  	_ =	sfence.sel $0xFFFF  }
0xc4: {  	[dreg:$0x0] =	wrdreg $0xFFFFFFFF;
	(pc) =	sbr.abs _section_cstart, $3  }
0xc5: {  	[dreg:$0x1] =	wrdreg $0xFFFFFFFF  }
0xc6: {  	_ =	task.clear_ibuf [dreg:s9], $0x2FFFF;
	_ =	strace $0x9FFFFFFF  }
0xc7: {  	(tm) =	ssettm $0x7FFFFFFF  }
tec
execute0_lowered:
.L_overlay_start_1:
0x0: {  	(tag) =	ssettag $0x1  }
0x1: {  	s1 =	rddreg [dreg:$0x0]  }
0x2: {  	s2 =	rddreg [dreg:$0x1]  }
0x3: {  	s0 =	rddreg [dreg:$0x2]  }
0x4: {  	s15 =	rddreg [dreg:$0x3]  }
0x5: {  	s3 =	rddreg [dreg:$0x4];
	s4 =	simm.s32 $0x0;
	s5 =	srdreg.scid  }
0x6: {  	s16 =	stileid.u32;
	[smem:$0x7FF] =	sst s4  }
0x7: {  	s5 =	sand.u32 $0x1, s5;
	s6 =	sadd.s32 $0xB200, s0;
	s10 =	smul.u32 $0x4E, s16  }
0x8: {  	s17 =	sadd.s32 $0x1400, s0;
	s11 =	smul.u32 $0x50000, s16;
	s20 =	smin.u32 s16, $0x2  }
0x9: {  	s14 =	smul.u32 $0x14000, s16;
	p0 =	seq.s32 s16, $0xF;
	p1 =	sgt.u32 s16, $0x1  }
0xa: {  	_ =	strace $0x80000047;
	s7 =	smul.u32 $0x4E2, s5;
	s8 =	ssub.s32 $0x2, s5  }
0xb: {  	s9 =	sshll.u32 s5, $0x4;
	s30 =	smul.u32 $0x138800, s5;
	s19 =	sshrl.u32 s8, $0x1  }
0xc: {  	s9 =	sor.u32 s16, s9;
	s21 =	sshrl.u32 s11, $0x2;
	s7 =	sadd.s32 s10, s7  }
0xd: {  	s0 =	ssub.s32 s8, s19;
	s8 =	smul.u32 $0x2710, s9;
	s18 =	sadd.s32 s21, s3  }
0xe: {  	s21 =	sadd.s32 s14, s30;
	s7 =	sadd.s32 s20, s7;
	s0 =	smax.u32 s0, $0x1  }
0xf: {  	[dreg:$0x6] =	wrdreg s18;
	s10 =	sshll.u32 s7, $0x5;
	s22 =	sadd.s32 $0x10, s7  }
0x10: {  	[smem:$0x7CB] =	sst s0;
	s19 =	sadd.s32 s2, s10;
	s23 =	sshll.u32 s22, $0x5  }
0x11: {  	s11 =	sshll.u32 s22, $0x4;
	s9 =	sadd.s32 s2, s23;
	[dreg:$0x7] =	wrdreg s19  }
0x12: {  	s10 =	sshrl.u32 s21, $0x3;
	s20 =	sadd.s32 s15, s11;
	[dreg:$0x8] =	wrdreg s9  }
0x13: {  	s22 =	sshrl.u32 s30, $0x3;
	s11 =	sadd.s32 s17, s11;
	[dreg:$0xc] =	wrdreg s20  }
0x14: {  	s23 =	smul.u32 $0x2710, s16;
	s10 =	sadd.s32 s6, s10;
	[dreg:$0xd] =	wrdreg s11  }
0x15: {  	s6 =	sadd.s32 s6, s22;
	s16 =	sadd.s32 $0x4800, s18;
	[dreg:$0xf] =	wrdreg s10  }
0x16: {  	s24 =	sadd.s32 $0x20, s7;
	s6 =	sadd.s32 $0x25800, s6;
	[smem:$0x7DF] =	sst s16  }
0x17: {  	s9 =	sshll.u32 s7, $0x4;
	s16 =	sadd.s32 $0xE800, s18;
	[smem:$0x7CA] =	sst s6  }
0x18: {  	s26 =	sshll.u32 s24, $0x5;
	s12 =	sadd.s32 s15, s9;
	[smem:$0x7F3] =	sst s16  }
0x19: {  	s20 =	sshll.u32 s24, $0x4;
	s25 =	sadd.s32 s17, s9;
	[dreg:$0x9] =	wrdreg s12  }
0x1a: {  	s30 =	sadd.s32 $0x28, s8;
	s24 =	sadd.s32 s15, s20;
	[dreg:$0xa] =	wrdreg s25  }
0x1b: {  	s7 =	sadd.s32 $0x30, s7;
	s6 =	sadd.s32 $0x800, s18;
	[dreg:$0x10] =	wrdreg s24  }
0x1c: {  	s13 =	sshll.u32 s7, $0x5;
	s12 =	sadd.s32 s2, s26;
	[smem:$0x7D7] =	sst s6  }
0x1d: {  	s10 =	sshrl.u32 s30, $0x3;
	s2 =	sadd.s32 s2, s13;
	[dreg:$0xb] =	wrdreg s12  }
0x1e: {  	s13 =	sadd.s32 s15, s10;
	[dreg:$0xe] =	wrdreg s2  }
0x1f: {  	s6 =	sadd.s32 $0xA800, s18;
	[dreg:$0x16] =	wrdreg s13  }
0x20: {  	s25 =	sshll.u32 s7, $0x4;
	s2 =	sadd.s32 s17, s20;
	[smem:$0x7EB] =	sst s6  }
0x21: {  	s26 =	sadd.s32 $0x400, s9;
	s7 =	sadd.s32 s15, s25;
	[dreg:$0x11] =	wrdreg s2  }
0x22: {  	s11 =	sadd.s32 s15, s26;
	[dreg:$0x12] =	wrdreg s7  }
0x23: {  	s5 =	smul.u32 $0x27100, s5;
	s2 =	sadd.s32 s17, s25;
	[dreg:$0x14] =	wrdreg s11  }
0x24: {  	s12 =	sshrl.u32 s8, $0x3;
	s7 =	sadd.s32 s17, s26;
	[dreg:$0x13] =	wrdreg s2  }
0x25: {  	s5 =	sadd.s32 s23, s5;
	s23 =	sadd.s32 s15, s12;
	[dreg:$0x15] =	wrdreg s7  }
0x26: {  	s20 =	sadd.s32 $0x78, s8;
	s24 =	sadd.s32 s17, s12;
	[dreg:$0x1c] =	wrdreg s23  }
0x27: {  	s26 =	sadd.s32 $0xC8, s8;
	s8 =	sadd.s32 $0x1800, s18;
	[dreg:$0x1d] =	wrdreg s24  }
0x28: {  	s14 =	sadd.s32 $0xA, s12;
	s2 =	sadd.s32 s17, s10;
	[smem:$0x7D9] =	sst s8  }
0x29: {  	s22 =	sshrl.u32 s20, $0x3;
	s21 =	sadd.s32 s15, s14;
	[dreg:$0x17] =	wrdreg s2  }
0x2a: {  	s25 =	sadd.s32 $0x14, s12;
	s9 =	sadd.s32 s15, s22;
	[dreg:$0x18] =	wrdreg s21  }
0x2b: {  	s11 =	sadd.s32 $0x1B8, s5;
	s30 =	sadd.s32 s15, s25;
	[dreg:$0x1a] =	wrdreg s9  }
0x2c: {  	s12 =	sshrl.u32 s11, $0x3;
	s11 =	sadd.s32 $0x2800, s18;
	[dreg:$0x1e] =	wrdreg s30  }
0x2d: {  	s8 =	sadd.s32 $0xB800, s18;
	[smem:$0x7DB] =	sst s11  }
0x2e: {  	s2 =	sadd.s32 s17, s14;
	[smem:$0x7ED] =	sst s8  }
0x2f: {  	s14 =	sadd.s32 s12, s17;
	[dreg:$0x19] =	wrdreg s2  }
0x30: {  	s20 =	sadd.s32 $0x190, s5;
	s0 =	sadd.s32 s12, s15;
	[smem:$0x7CE] =	sst s14  }
0x31: {  	s21 =	sshrl.u32 s20, $0x3;
	s20 =	sadd.s32 $0x6000, s18;
	[smem:$0x7CF] =	sst s0  }
0x32: {  	s11 =	sadd.s32 $0xC800, s18;
	[smem:$0x7E2] =	sst s20  }
0x33: {  	s9 =	sshrl.u32 s26, $0x3;
	s2 =	sadd.s32 s17, s22;
	[smem:$0x7EF] =	sst s11  }
0x34: {  	s10 =	sadd.s32 $0x1E0, s5;
	s7 =	sadd.s32 s15, s9;
	[dreg:$0x1b] =	wrdreg s2  }
0x35: {  	s24 =	sadd.s32 $0x140, s5;
	s23 =	sadd.s32 s21, s17;
	[smem:$0x7C8] =	sst s7  }
0x36: {  	s30 =	sadd.s32 $0xF0, s5;
	s0 =	sadd.s32 s21, s15;
	[smem:$0x7D0] =	sst s23  }
0x37: {  	s22 =	sadd.s32 $0x168, s5;
	s5 =	sadd.s32 $0x118, s5;
	[smem:$0x7D1] =	sst s0  }
0x38: {  	s14 =	sadd.s32 $0x3800, s18;
	[smem:$0x7D4] =	sst s5  }
0x39: {  	s21 =	sadd.s32 $0x6800, s18;
	[smem:$0x7DD] =	sst s14  }
0x3a: {  	s20 =	sadd.s32 $0x10000, s18;
	[smem:$0x7E3] =	sst s21  }
0x3b: {  	s2 =	sadd.s32 s17, s25;
	[smem:$0x7F6] =	sst s20  }
0x3c: {  	s7 =	sadd.s32 $0x1000, s18;
	[dreg:$0x1f] =	wrdreg s2  }
0x3d: {  	s23 =	sadd.s32 $0x7800, s18;
	[smem:$0x7D8] =	sst s7  }
0x3e: {  	s25 =	sshrl.u32 s24, $0x3;
	s24 =	sadd.s32 $0x8000, s18;
	[smem:$0x7E5] =	sst s23  }
0x3f: {  	s14 =	sadd.s32 $0xD800, s18;
	[smem:$0x7E6] =	sst s24  }
0x40: {  	s21 =	sadd.s32 $0x10800, s18;
	[smem:$0x7F1] =	sst s14  }
0x41: {  	s2 =	sadd.s32 s17, s9;
	s31 =	sadd.s32 s25, s17;
	[smem:$0x7F7] =	sst s21  }
0x42: {  	s0 =	sadd.s32 s25, s15;
	s25 =	sadd.s32 $0x8800, s18;
	[smem:$0x7C9] =	sst s2  }
0x43: {  	s7 =	sadd.s32 $0xB000, s18;
	[smem:$0x7E7] =	sst s25  }
0x44: {  	s23 =	sadd.s32 $0x11800, s18;
	[smem:$0x7EC] =	sst s7  }
0x45: {  	s24 =	sadd.s32 $0x12000, s18;
	[smem:$0x7F9] =	sst s23  }
0x46: {  	s2 =	sshrl.u32 s10, $0x3;
	s10 =	sadd.s32 $0x2000, s18;
	[smem:$0x7FA] =	sst s24  }
0x47: {  	s25 =	sadd.s32 $0x12800, s18;
	[smem:$0x7DA] =	sst s10  }
0x48: {  	s13 =	sadd.s32 s2, s17;
	[smem:$0x7FB] =	sst s25  }
0x49: {  	s28 =	simm.s32 $0x1DC80;
	s2 =	sadd.s32 s2, s15;
	[smem:$0x7CC] =	sst s13  }
0x4a: {  	s29 =	smov.u32 s17;
	s10 =	sadd.s32 $0xC000, s18;
	[smem:$0x7CD] =	sst s2  }
0x4b: {  	s16 =	simm.s32 $0x1;
	s13 =	sadd.s32 $0x3000, s18;
	[smem:$0x7EE] =	sst s10  }
0x4c: {  	s2 =	sshrl.u32 s22, $0x3;
	s22 =	sadd.s32 $0x7000, s18;
	[smem:$0x7DC] =	sst s13  }
0x4d: {  	s11 =	simm.s32 $0x2;
	s26 =	sadd.s32 s2, s17;
	[smem:$0x7E4] =	sst s22  }
0x4e: {  	s5 =	sadd.s32 $0x12C000, s3;
	s2 =	sadd.s32 s2, s15;
	[smem:$0x7D2] =	sst s26  }
0x4f: {  	s20 =	simm.s32 $0x1D780;
	s13 =	sadd.s32 $0xD000, s18;
	[smem:$0x7D3] =	sst s2  }
0x50: {  	s14 =	simm.s32 $0x1DD80;
	s22 =	sadd.s32 $0x11000, s18;
	[smem:$0x7F0] =	sst s13  }
0x51: {  	s2 =	sshrl.u32 s30, $0x3;
	s26 =	sadd.s32 $0x9000, s18;
	[smem:$0x7F8] =	sst s22  }
0x52: {  	s30 =	sadd.s32 $0x9800, s18;
	s9 =	sadd.s32 s2, s17;
	[smem:$0x7E8] =	sst s26  }
0x53: {  	s12 =	sadd.s32 s2, s15;
	s2 =	sshrl.u32 @p0 s5, $0x3;
	[smem:$0x7E9] =	sst s30  }
0x54: {  	s21 =	simm.s32 $0x28;
	s5 =	sadd.s32 $0x800, s19;
	[smem:$0x7D5] =	sst s2  }
0x55: {  	s23 =	simm.s32 $0x1D880;
	s15 =	sadd.s32 $0x4000, s18;
	[smem:$0x7D6] =	sst s5  }
0x56: {  	s24 =	simm.s32 $0x1D980;
	s17 =	sadd.s32 $0x5000, s18;
	[smem:$0x7DE] =	sst s15  }
0x57: {  	s7 =	simm.s32 $0x4;
	s19 =	sadd.s32 $0x5800, s18;
	[smem:$0x7E0] =	sst s17  }
0x58: {  	s25 =	simm.s32 $0x1DA80;
	s26 =	sadd.s32 $0x13000, s18;
	[smem:$0x7E1] =	sst s19  }
0x59: {  	s10 =	simm.s32 $0x19A80;
	s30 =	sadd.s32 $0x13800, s18;
	[smem:$0x7FC] =	sst s26  }
0x5a: {  	s22 =	simm.s32 $0x18680;
	s5 =	sadd.s32 $0xA000, s18;
	[smem:$0x7FD] =	sst s30  }
.Ltmp0:
0x5b: {  	s15 =	sadd.s32 $0xE000, s18;
	[smem:$0x7EA] =	sst s5;
	(pc) =	sbr.rel .LBB2_1-.Ltmp0, $4  }
0x5c: {  	s13 =	simm.s32 $0x3;
	s17 =	sadd.s32 $0xF000, s18;
	[smem:$0x7F2] =	sst s15  }
0x5d: {  	s19 =	sadd.s32 $0xF800, s18;
	s26 =	simm.s32 $0x1DB80;
	[smem:$0x7F4] =	sst s17  }
0x5e: {  	s2 =	simm.s32 $0x14480;
	[smem:$0x7F5] =	sst s19;
	s15 =	simm.s32 $0x1F680  }
0x5f: {  	v0 =	vimm.f32 $0.0e+00;
	s17 =	simm.s32 $0x1D680;
	s5 =	simm.s32 $0x5;
	s19 =	simm.s32 $0x0  }
.LBB2_10:
0x60: {  	_ =	swait.ge [sflag:s13], $0x1400  }
0x61: {  	[sflag:s13] =	ssyncset.done $0x0  }
0x62: {  	[sflag:s13] =	ssyncadd.s32 $0xFFFFEC00  }
0x63: {  	_ =	swait.ge [sflag:s13], $0x1400  }
0x64: {  	[sflag:s13] =	ssyncset.done $0x0  }
0x65: {  	[sflag:s13] =	ssyncadd.s32 $0xFFFFEC00  }
.LBB2_12:
0x66: {  	[bflag:$0x0] =	sbarrier.arrive $0xFFFF  }
0x67: {  	s8 =	sld [smem:$0x7CA]  }
0x68: {  	s14 =	sld [smem:$0x7D5];
	_ =	sdelay $0x1  }
0x69: {  	s6 =	simm.s32 @p0 $0x1FC6  }
0x6a: {  	[hbm:s8], [sflag:s6] =	dma.local @p0 [spmem:s14], $0x1900  }
0x6b: {  	s6 =	simm.s32 @p0 $0x6  }
0x6c: {  	_ =	swait.ge @p0 [sflag:s6], $0x1900  }
0x6d: {  	s8 =	stileid.u32;
	s18 =	rddreg [dreg:$0x6]  }
0x6e: {  	s8 =	sshll.u32 @!p0 s8, $0x6;
	[sflag:s6] =	ssyncset.done @p0 $0x0;
	s14 =	rddreg [dreg:$0xf]  }
0x6f: {  	[sflag:s6] =	ssyncadd.s32 @p0 $0xFFFFE700;
	s6 =	sor.u32 @!p0 $0x1C06, s8;
	s8 =	sshrl.u32 @!p0 s18, $0x3  }
0x70: {  	[hbm:s14], [sflag:s6] =	dma.local @!p0 [spmem:s8], $0x2800  }
0x71: {  	s6 =	simm.s32 @!p0 $0x6  }
0x72: {  	_ =	swait.ge @!p0 [sflag:s6], $0x2800  }
0x73: {  	s19 =	sld [smem:$0x7C7]  }
0x74: {  	s30 =	sld [smem:$0x7CB];
	_ =	sdelay $0x1  }
0x75: {  	s19 =	sadd.s32 $0x1, s19  }
0x76: {  	p2 =	sne.s32 s19, s30  }
.Ltmp1:
0x77: {  	_ = 	snop;
	(pc) =	sbr.rel @!p2 .LBB2_13-.Ltmp1, $4  }
0x78: {  	s17 =	simm.s32 $0x1D680  }
0x79: {  	s20 =	simm.s32 $0x1D780;
	s23 =	simm.s32 $0x1D880;
	s24 =	simm.s32 $0x1D980  }
0x7a: {  	s25 =	simm.s32 $0x1DA80;
	s26 =	simm.s32 $0x1DB80;
	[sflag:s6] =	ssyncset.done @!p0 $0x0  }
0x7b: {  	s28 =	simm.s32 $0x1DC80;
	s14 =	simm.s32 $0x1DD80;
	[sflag:s6] =	ssyncadd.s32 @!p0 $0xFFFFD800  }
.LBB2_1:
0x7c: {  	[smem:$0x7C7] =	sst s19;
	s6 =	simm.s32 $0x0;
	s8 =	simm.s32 $0x200  }
.LBB2_2:
0x7d: {  	p2 =	sne.s32 s8, $0x1E00;
	[tilespmem:s6+$0x1F6F0] =	vst v0  }
0x7e: {  	[tilespmem:s6+$0x1F680] =	vst v0  }
0x7f: {  	[tilespmem:s6+$0x1F690] =	vst v0  }
.Ltmp2:
0x80: {  	[tilespmem:s6+$0x1F6A0] =	vst v0;
	(pc) =	sbr.rel @p2 .LBB2_2-.Ltmp2, $4  }
0x81: {  	[tilespmem:s6+$0x1F6B0] =	vst v0  }
0x82: {  	[tilespmem:s6+$0x1F6C0] =	vst v0  }
0x83: {  	[tilespmem:s6+$0x1F6D0] =	vst v0  }
0x84: {  	[tilespmem:s6+$0x1F6E0] =	vst v0;
	s6 =	sshra.s32 s8, $0x2;
	s8 =	sadd.s32 $0x200, s8  }
0x85: {  	[tilespmem:s6+$0x1F6F0] =	vst v0  }
0x86: {  	[tilespmem:s6+$0x1F680] =	vst v0  }
0x87: {  	[tilespmem:s6+$0x1F690] =	vst v0  }
0x88: {  	[tilespmem:s6+$0x1F6A0] =	vst v0  }
0x89: {  	[tilespmem:s6+$0x1F6B0] =	vst v0  }
0x8a: {  	[tilespmem:s6+$0x1F6C0] =	vst v0  }
0x8b: {  	[tilespmem:s6+$0x1F6D0] =	vst v0  }
0x8c: {  	[tilespmem:s6+$0x1F6E0] =	vst v0  }
0x8d: {  	[spmem:s18] =	stream.linear.scatter [tilespmem:s15], [sflag:$0x4], $0x800, $0x38;
	[tilespmem:$0x1FE80] =	vst v63  }
0x8e: {  	s18 =	sld [smem:$0x7D7];
	_ =	sdelay $0x1  }
0x8f: {  	s19 =	sld [smem:$0x7D8]  }
0x90: {  	[spmem:s18] =	stream.linear.scatter [tilespmem:s15], [sflag:$0x4], $0x800, $0x38;
	[tilespmem:$0x1FE80] =	vst v63  }
0x91: {  	s30 =	sld [smem:$0x7D9]  }
0x92: {  	[spmem:s19] =	stream.linear.scatter [tilespmem:s15], [sflag:$0x4], $0x800, $0x38;
	[tilespmem:$0x1FE80] =	vst v63  }
0x93: {  	s8 =	sld [smem:$0x7DA]  }
0x94: {  	[spmem:s30] =	stream.linear.scatter [tilespmem:s15], [sflag:$0x4], $0x800, $0x38;
	[tilespmem:$0x1FE80] =	vst v63  }
0x95: {  	s18 =	sld [smem:$0x7DB]  }
0x96: {  	[spmem:s8] =	stream.linear.scatter [tilespmem:s15], [sflag:$0x4], $0x800, $0x38;
	[tilespmem:$0x1FE80] =	vst v63  }
0x97: {  	s19 =	sld [smem:$0x7DC]  }
0x98: {  	[spmem:s18] =	stream.linear.scatter [tilespmem:s15], [sflag:$0x4], $0x800, $0x38;
	[tilespmem:$0x1FE80] =	vst v63  }
0x99: {  	s30 =	sld [smem:$0x7DD]  }
0x9a: {  	[spmem:s19] =	stream.linear.scatter [tilespmem:s15], [sflag:$0x4], $0x800, $0x38;
	[tilespmem:$0x1FE80] =	vst v63  }
0x9b: {  	s8 =	sld [smem:$0x7DE]  }
0x9c: {  	[spmem:s30] =	stream.linear.scatter [tilespmem:s15], [sflag:$0x4], $0x800, $0x38;
	[tilespmem:$0x1FE80] =	vst v63  }
0x9d: {  	s18 =	sld [smem:$0x7DF]  }
0x9e: {  	[spmem:s8] =	stream.linear.scatter [tilespmem:s15], [sflag:$0x4], $0x800, $0x38;
	[tilespmem:$0x1FE80] =	vst v63  }
0x9f: {  	s19 =	sld [smem:$0x7E0]  }
0xa0: {  	[spmem:s18] =	stream.linear.scatter [tilespmem:s15], [sflag:$0x4], $0x800, $0x38;
	[tilespmem:$0x1FE80] =	vst v63  }
0xa1: {  	s30 =	sld [smem:$0x7E1]  }
0xa2: {  	[spmem:s19] =	stream.linear.scatter [tilespmem:s15], [sflag:$0x4], $0x800, $0x38;
	[tilespmem:$0x1FE80] =	vst v63  }
0xa3: {  	s8 =	sld [smem:$0x7E2]  }
0xa4: {  	[spmem:s30] =	stream.linear.scatter [tilespmem:s15], [sflag:$0x4], $0x800, $0x38;
	[tilespmem:$0x1FE80] =	vst v63  }
0xa5: {  	s18 =	sld [smem:$0x7E3]  }
0xa6: {  	[spmem:s8] =	stream.linear.scatter [tilespmem:s15], [sflag:$0x4], $0x800, $0x38;
	[tilespmem:$0x1FE80] =	vst v63  }
0xa7: {  	s19 =	sld [smem:$0x7E4]  }
0xa8: {  	[spmem:s18] =	stream.linear.scatter [tilespmem:s15], [sflag:$0x4], $0x800, $0x38;
	[tilespmem:$0x1FE80] =	vst v63  }
0xa9: {  	s30 =	sld [smem:$0x7E5]  }
0xaa: {  	[spmem:s19] =	stream.linear.scatter [tilespmem:s15], [sflag:$0x4], $0x800, $0x38;
	[tilespmem:$0x1FE80] =	vst v63  }
0xab: {  	s8 =	sld [smem:$0x7E6]  }
0xac: {  	[spmem:s30] =	stream.linear.scatter [tilespmem:s15], [sflag:$0x4], $0x800, $0x38;
	[tilespmem:$0x1FE80] =	vst v63  }
0xad: {  	s18 =	sld [smem:$0x7E7]  }
0xae: {  	[spmem:s8] =	stream.linear.scatter [tilespmem:s15], [sflag:$0x4], $0x800, $0x38;
	[tilespmem:$0x1FE80] =	vst v63  }
0xaf: {  	s19 =	sld [smem:$0x7E8]  }
0xb0: {  	[spmem:s18] =	stream.linear.scatter [tilespmem:s15], [sflag:$0x4], $0x800, $0x38;
	[tilespmem:$0x1FE80] =	vst v63  }
0xb1: {  	s30 =	sld [smem:$0x7E9]  }
0xb2: {  	[spmem:s19] =	stream.linear.scatter [tilespmem:s15], [sflag:$0x4], $0x800, $0x38;
	[tilespmem:$0x1FE80] =	vst v63  }
0xb3: {  	s8 =	sld [smem:$0x7EA]  }
0xb4: {  	[spmem:s30] =	stream.linear.scatter [tilespmem:s15], [sflag:$0x4], $0x800, $0x38;
	[tilespmem:$0x1FE80] =	vst v63  }
0xb5: {  	s18 =	sld [smem:$0x7EB]  }
0xb6: {  	[spmem:s8] =	stream.linear.scatter [tilespmem:s15], [sflag:$0x4], $0x800, $0x38;
	[tilespmem:$0x1FE80] =	vst v63  }
0xb7: {  	s19 =	sld [smem:$0x7EC]  }
0xb8: {  	[spmem:s18] =	stream.linear.scatter [tilespmem:s15], [sflag:$0x4], $0x800, $0x38;
	[tilespmem:$0x1FE80] =	vst v63  }
0xb9: {  	s30 =	sld [smem:$0x7ED]  }
0xba: {  	[spmem:s19] =	stream.linear.scatter [tilespmem:s15], [sflag:$0x4], $0x800, $0x38;
	[tilespmem:$0x1FE80] =	vst v63  }
0xbb: {  	s8 =	sld [smem:$0x7EE]  }
0xbc: {  	[spmem:s30] =	stream.linear.scatter [tilespmem:s15], [sflag:$0x4], $0x800, $0x38;
	[tilespmem:$0x1FE80] =	vst v63  }
0xbd: {  	s18 =	sld [smem:$0x7EF]  }
0xbe: {  	[spmem:s8] =	stream.linear.scatter [tilespmem:s15], [sflag:$0x4], $0x800, $0x38;
	[tilespmem:$0x1FE80] =	vst v63  }
0xbf: {  	s19 =	sld [smem:$0x7F0]  }
0xc0: {  	[spmem:s18] =	stream.linear.scatter [tilespmem:s15], [sflag:$0x4], $0x800, $0x38;
	[tilespmem:$0x1FE80] =	vst v63  }
0xc1: {  	s30 =	sld [smem:$0x7F1]  }
0xc2: {  	[spmem:s19] =	stream.linear.scatter [tilespmem:s15], [sflag:$0x4], $0x800, $0x38;
	[tilespmem:$0x1FE80] =	vst v63  }
0xc3: {  	s8 =	sld [smem:$0x7F2]  }
0xc4: {  	[spmem:s30] =	stream.linear.scatter [tilespmem:s15], [sflag:$0x4], $0x800, $0x38;
	[tilespmem:$0x1FE80] =	vst v63  }
0xc5: {  	s18 =	sld [smem:$0x7F3]  }
0xc6: {  	[spmem:s8] =	stream.linear.scatter [tilespmem:s15], [sflag:$0x4], $0x800, $0x38;
	[tilespmem:$0x1FE80] =	vst v63  }
0xc7: {  	s19 =	sld [smem:$0x7F4]  }
0xc8: {  	[spmem:s18] =	stream.linear.scatter [tilespmem:s15], [sflag:$0x4], $0x800, $0x38;
	[tilespmem:$0x1FE80] =	vst v63  }
0xc9: {  	s30 =	sld [smem:$0x7F5]  }
0xca: {  	[spmem:s19] =	stream.linear.scatter [tilespmem:s15], [sflag:$0x4], $0x800, $0x38;
	[tilespmem:$0x1FE80] =	vst v63  }
0xcb: {  	s8 =	sld [smem:$0x7F6]  }
0xcc: {  	[spmem:s30] =	stream.linear.scatter [tilespmem:s15], [sflag:$0x4], $0x800, $0x38;
	[tilespmem:$0x1FE80] =	vst v63  }
0xcd: {  	s18 =	sld [smem:$0x7F7]  }
0xce: {  	[spmem:s8] =	stream.linear.scatter [tilespmem:s15], [sflag:$0x4], $0x800, $0x38;
	[tilespmem:$0x1FE80] =	vst v63  }
0xcf: {  	s19 =	sld [smem:$0x7F8]  }
0xd0: {  	[spmem:s18] =	stream.linear.scatter [tilespmem:s15], [sflag:$0x4], $0x800, $0x38;
	[tilespmem:$0x1FE80] =	vst v63  }
0xd1: {  	s30 =	sld [smem:$0x7F9]  }
0xd2: {  	[spmem:s19] =	stream.linear.scatter [tilespmem:s15], [sflag:$0x4], $0x800, $0x38;
	[tilespmem:$0x1FE80] =	vst v63  }
0xd3: {  	s8 =	sld [smem:$0x7FA]  }
0xd4: {  	[spmem:s30] =	stream.linear.scatter [tilespmem:s15], [sflag:$0x4], $0x800, $0x38;
	[tilespmem:$0x1FE80] =	vst v63  }
0xd5: {  	s18 =	sld [smem:$0x7FB]  }
0xd6: {  	[spmem:s8] =	stream.linear.scatter [tilespmem:s15], [sflag:$0x4], $0x800, $0x38;
	[tilespmem:$0x1FE80] =	vst v63  }
0xd7: {  	s19 =	sld [smem:$0x7FC]  }
0xd8: {  	[spmem:s18] =	stream.linear.scatter [tilespmem:s15], [sflag:$0x4], $0x800, $0x38;
	[tilespmem:$0x1FE80] =	vst v63  }
0xd9: {  	s30 =	sld [smem:$0x7FD]  }
0xda: {  	[spmem:s19] =	stream.linear.scatter [tilespmem:s15], [sflag:$0x4], $0x800, $0x38;
	[tilespmem:$0x1FE80] =	vst v63  }
0xdb: {  	_ = 	snop  }
0xdc: {  	[spmem:s30] =	stream.linear.scatter [tilespmem:s15], [sflag:$0x4], $0x800, $0x38;
	[tilespmem:$0x1FE80] =	vst v63  }
0xdd: {  	s8 =	rddreg [dreg:$0x7]  }
0xde: {  	[tilespmem:s17], [sflag:$0x1] =	stream.linear.gather [hbm4b:s8+s4], $0x1000, $0x38;
	[tilespmem:$0x1FE80] =	vst v63  }
0xdf: {  	s18 =	rddreg [dreg:$0x8];
	s19 =	simm.s32 $0x1E680  }
0xe0: {  	[tilespmem:s19], [sflag:$0x1] =	stream.linear.gather [hbm4b:s18+s4], $0x1000, $0x38;
	[tilespmem:$0x1FE80] =	vst v63  }
0xe1: {  	_ =	swait.ge [sflag:s16], $0x1000  }
0xe2: {  	[sflag:s16] =	ssyncset.done $0x0  }
0xe3: {  	s8 =	rddreg [dreg:$0x9];
	[sflag:s16] =	ssyncadd.s32 $0xFFFFF000  }
0xe4: {  	[hbm4b:s8+s4] =	stream.linear.scatter [tilespmem:s17], [sflag:$0x5], $0x80, $0x38;
	[tilespmem:$0x1FE80] =	vst v63  }
0xe5: {  	s30 =	sadd.s32 $0x10, s8  }
0xe6: {  	[hbm4b:s30+s4] =	stream.linear.scatter [tilespmem:s20], [sflag:$0x5], $0x80, $0x38;
	[tilespmem:$0x1FE80] =	vst v63  }
0xe7: {  	s18 =	sadd.s32 $0x20, s8  }
0xe8: {  	[hbm4b:s18+s4] =	stream.linear.scatter [tilespmem:s23], [sflag:$0x5], $0x80, $0x38;
	[tilespmem:$0x1FE80] =	vst v63  }
0xe9: {  	s30 =	sadd.s32 $0x30, s8  }
0xea: {  	[hbm4b:s30+s4] =	stream.linear.scatter [tilespmem:s24], [sflag:$0x5], $0x80, $0x38;
	[tilespmem:$0x1FE80] =	vst v63  }
0xeb: {  	s18 =	sadd.s32 $0x40, s8  }
0xec: {  	[hbm4b:s18+s4] =	stream.linear.scatter [tilespmem:s25], [sflag:$0x5], $0x80, $0x38;
	[tilespmem:$0x1FE80] =	vst v63  }
0xed: {  	s30 =	sadd.s32 $0x50, s8  }
0xee: {  	[hbm4b:s30+s4] =	stream.linear.scatter [tilespmem:s26], [sflag:$0x5], $0x80, $0x38;
	[tilespmem:$0x1FE80] =	vst v63  }
0xef: {  	s18 =	sadd.s32 $0x60, s8  }
0xf0: {  	[hbm4b:s18+s4] =	stream.linear.scatter [tilespmem:s28], [sflag:$0x5], $0x80, $0x38;
	[tilespmem:$0x1FE80] =	vst v63  }
0xf1: {  	s30 =	sadd.s32 $0x70, s8  }
0xf2: {  	[hbm4b:s30+s4] =	stream.linear.scatter [tilespmem:s14], [sflag:$0x5], $0x80, $0x38;
	[tilespmem:$0x1FE80] =	vst v63  }
0xf3: {  	s18 =	sadd.s32 $0x80, s8;
	s30 =	simm.s32 $0x1DE80  }
0xf4: {  	[hbm4b:s18+s4] =	stream.linear.scatter [tilespmem:s30], [sflag:$0x5], $0x80, $0x38;
	[tilespmem:$0x1FE80] =	vst v63  }
0xf5: {  	s6 =	sadd.s32 $0x90, s8;
	s18 =	simm.s32 $0x1DF80  }
0xf6: {  	[hbm4b:s6+s4] =	stream.linear.scatter [tilespmem:s18], [sflag:$0x5], $0x80, $0x38;
	[tilespmem:$0x1FE80] =	vst v63  }
0xf7: {  	s6 =	sadd.s32 $0xA0, s8;
	s18 =	simm.s32 $0x1E080  }
0xf8: {  	[hbm4b:s6+s4] =	stream.linear.scatter [tilespmem:s18], [sflag:$0x5], $0x80, $0x38;
	[tilespmem:$0x1FE80] =	vst v63  }
0xf9: {  	s6 =	sadd.s32 $0xB0, s8;
	s18 =	simm.s32 $0x1E180  }
0xfa: {  	[hbm4b:s6+s4] =	stream.linear.scatter [tilespmem:s18], [sflag:$0x5], $0x80, $0x38;
	[tilespmem:$0x1FE80] =	vst v63  }
0xfb: {  	s6 =	sadd.s32 $0xC0, s8;
	s18 =	simm.s32 $0x1E280  }
0xfc: {  	[hbm4b:s6+s4] =	stream.linear.scatter [tilespmem:s18], [sflag:$0x5], $0x80, $0x38;
	[tilespmem:$0x1FE80] =	vst v63  }
0xfd: {  	s6 =	sadd.s32 $0xD0, s8;
	s18 =	simm.s32 $0x1E380  }
0xfe: {  	[hbm4b:s6+s4] =	stream.linear.scatter [tilespmem:s18], [sflag:$0x5], $0x80, $0x38;
	[tilespmem:$0x1FE80] =	vst v63  }
0xff: {  	s6 =	sadd.s32 $0xE0, s8;
	s18 =	simm.s32 $0x1E480  }
0x100: {  	[hbm4b:s6+s4] =	stream.linear.scatter [tilespmem:s18], [sflag:$0x5], $0x80, $0x38;
	[tilespmem:$0x1FE80] =	vst v63  }
0x101: {  	s8 =	sadd.s32 $0xF0, s8;
	s18 =	simm.s32 $0x1E580  }
0x102: {  	[hbm4b:s8+s4] =	stream.linear.scatter [tilespmem:s18], [sflag:$0x5], $0x80, $0x38;
	[tilespmem:$0x1FE80] =	vst v63  }
0x103: {  	s30 =	simm.s32 $0x1D700;
	s8 =	rddreg [dreg:$0xa]  }
0x104: {  	[hbm4b:s8+s4] =	stream.linear.scatter [tilespmem:s30], [sflag:$0x5], $0x80, $0x38;
	[tilespmem:$0x1FE80] =	vst v63  }
0x105: {  	s18 =	simm.s32 $0x1D800;
	s6 =	sadd.s32 $0x10, s8  }
0x106: {  	[hbm4b:s6+s4] =	stream.linear.scatter [tilespmem:s18], [sflag:$0x5], $0x80, $0x38;
	[tilespmem:$0x1FE80] =	vst v63  }
0x107: {  	s6 =	sadd.s32 $0x20, s8;
	s18 =	simm.s32 $0x1D900  }
0x108: {  	[hbm4b:s6+s4] =	stream.linear.scatter [tilespmem:s18], [sflag:$0x5], $0x80, $0x38;
	[tilespmem:$0x1FE80] =	vst v63  }
0x109: {  	s6 =	sadd.s32 $0x30, s8;
	s18 =	simm.s32 $0x1DA00  }
0x10a: {  	[hbm4b:s6+s4] =	stream.linear.scatter [tilespmem:s18], [sflag:$0x5], $0x80, $0x38;
	[tilespmem:$0x1FE80] =	vst v63  }
0x10b: {  	s6 =	sadd.s32 $0x40, s8;
	s18 =	simm.s32 $0x1DB00  }
0x10c: {  	[hbm4b:s6+s4] =	stream.linear.scatter [tilespmem:s18], [sflag:$0x5], $0x80, $0x38;
	[tilespmem:$0x1FE80] =	vst v63  }
0x10d: {  	s6 =	sadd.s32 $0x50, s8;
	s18 =	simm.s32 $0x1DC00  }
0x10e: {  	[hbm4b:s6+s4] =	stream.linear.scatter [tilespmem:s18], [sflag:$0x5], $0x80, $0x38;
	[tilespmem:$0x1FE80] =	vst v63  }
0x10f: {  	s6 =	sadd.s32 $0x60, s8;
	s18 =	simm.s32 $0x1DD00  }
0x110: {  	[hbm4b:s6+s4] =	stream.linear.scatter [tilespmem:s18], [sflag:$0x5], $0x80, $0x38;
	[tilespmem:$0x1FE80] =	vst v63  }
0x111: {  	s6 =	sadd.s32 $0x70, s8;
	s18 =	simm.s32 $0x1DE00  }
0x112: {  	[hbm4b:s6+s4] =	stream.linear.scatter [tilespmem:s18], [sflag:$0x5], $0x80, $0x38;
	[tilespmem:$0x1FE80] =	vst v63  }
0x113: {  	s6 =	sadd.s32 $0x80, s8;
	s18 =	simm.s32 $0x1DF00  }
0x114: {  	[hbm4b:s6+s4] =	stream.linear.scatter [tilespmem:s18], [sflag:$0x5], $0x80, $0x38;
	[tilespmem:$0x1FE80] =	vst v63  }
0x115: {  	s6 =	sadd.s32 $0x90, s8;
	s18 =	simm.s32 $0x1E000  }
0x116: {  	[hbm4b:s6+s4] =	stream.linear.scatter [tilespmem:s18], [sflag:$0x5], $0x80, $0x38;
	[tilespmem:$0x1FE80] =	vst v63  }
0x117: {  	s6 =	sadd.s32 $0xA0, s8;
	s18 =	simm.s32 $0x1E100  }
0x118: {  	[hbm4b:s6+s4] =	stream.linear.scatter [tilespmem:s18], [sflag:$0x5], $0x80, $0x38;
	[tilespmem:$0x1FE80] =	vst v63  }
0x119: {  	s6 =	sadd.s32 $0xB0, s8;
	s18 =	simm.s32 $0x1E200  }
0x11a: {  	[hbm4b:s6+s4] =	stream.linear.scatter [tilespmem:s18], [sflag:$0x5], $0x80, $0x38;
	[tilespmem:$0x1FE80] =	vst v63  }
0x11b: {  	s6 =	sadd.s32 $0xC0, s8;
	s18 =	simm.s32 $0x1E300  }
0x11c: {  	[hbm4b:s6+s4] =	stream.linear.scatter [tilespmem:s18], [sflag:$0x5], $0x80, $0x38;
	[tilespmem:$0x1FE80] =	vst v63  }
0x11d: {  	s6 =	sadd.s32 $0xD0, s8;
	s18 =	simm.s32 $0x1E400  }
0x11e: {  	[hbm4b:s6+s4] =	stream.linear.scatter [tilespmem:s18], [sflag:$0x5], $0x80, $0x38;
	[tilespmem:$0x1FE80] =	vst v63  }
0x11f: {  	s6 =	sadd.s32 $0xE0, s8;
	s18 =	simm.s32 $0x1E500  }
0x120: {  	[hbm4b:s6+s4] =	stream.linear.scatter [tilespmem:s18], [sflag:$0x5], $0x80, $0x38;
	[tilespmem:$0x1FE80] =	vst v63  }
0x121: {  	s30 =	simm.s32 $0x1E600;
	s18 =	sadd.s32 $0xF0, s8  }
0x122: {  	[hbm4b:s18+s4] =	stream.linear.scatter [tilespmem:s30], [sflag:$0x5], $0x80, $0x38;
	[tilespmem:$0x1FE80] =	vst v63  }
0x123: {  	s8 =	rddreg [dreg:$0xb]  }
0x124: {  	[tilespmem:s17], [sflag:$0x1] =	stream.linear.gather [hbm4b:s8+s4], $0x1000, $0x38;
	[tilespmem:$0x1FE80] =	vst v63  }
0x125: {  	_ =	swait.ge [sflag:s16], $0x1000  }
0x126: {  	[sflag:s16] =	ssyncset.done $0x0  }
0x127: {  	s8 =	rddreg [dreg:$0xc];
	[sflag:s16] =	ssyncadd.s32 $0xFFFFF000  }
0x128: {  	[hbm4b:s8+s4] =	stream.linear.scatter [tilespmem:s19], [sflag:$0x5], $0x80, $0x38;
	[tilespmem:$0x1FE80] =	vst v63  }
0x129: {  	s18 =	simm.s32 $0x1E780;
	s6 =	sadd.s32 $0x10, s8  }
0x12a: {  	[hbm4b:s6+s4] =	stream.linear.scatter [tilespmem:s18], [sflag:$0x5], $0x80, $0x38;
	[tilespmem:$0x1FE80] =	vst v63  }
0x12b: {  	s6 =	sadd.s32 $0x20, s8;
	s18 =	simm.s32 $0x1E880  }
0x12c: {  	[hbm4b:s6+s4] =	stream.linear.scatter [tilespmem:s18], [sflag:$0x5], $0x80, $0x38;
	[tilespmem:$0x1FE80] =	vst v63  }
0x12d: {  	s6 =	sadd.s32 $0x30, s8;
	s18 =	simm.s32 $0x1E980  }
0x12e: {  	[hbm4b:s6+s4] =	stream.linear.scatter [tilespmem:s18], [sflag:$0x5], $0x80, $0x38;
	[tilespmem:$0x1FE80] =	vst v63  }
0x12f: {  	s6 =	sadd.s32 $0x40, s8;
	s18 =	simm.s32 $0x1EA80  }
0x130: {  	[hbm4b:s6+s4] =	stream.linear.scatter [tilespmem:s18], [sflag:$0x5], $0x80, $0x38;
	[tilespmem:$0x1FE80] =	vst v63  }
0x131: {  	s6 =	sadd.s32 $0x50, s8;
	s18 =	simm.s32 $0x1EB80  }
0x132: {  	[hbm4b:s6+s4] =	stream.linear.scatter [tilespmem:s18], [sflag:$0x5], $0x80, $0x38;
	[tilespmem:$0x1FE80] =	vst v63  }
0x133: {  	s6 =	sadd.s32 $0x60, s8;
	s18 =	simm.s32 $0x1EC80  }
0x134: {  	[hbm4b:s6+s4] =	stream.linear.scatter [tilespmem:s18], [sflag:$0x5], $0x80, $0x38;
	[tilespmem:$0x1FE80] =	vst v63  }
0x135: {  	s6 =	sadd.s32 $0x70, s8;
	s18 =	simm.s32 $0x1ED80  }
0x136: {  	[hbm4b:s6+s4] =	stream.linear.scatter [tilespmem:s18], [sflag:$0x5], $0x80, $0x38;
	[tilespmem:$0x1FE80] =	vst v63  }
0x137: {  	s6 =	sadd.s32 $0x80, s8;
	s18 =	simm.s32 $0x1EE80  }
0x138: {  	[hbm4b:s6+s4] =	stream.linear.scatter [tilespmem:s18], [sflag:$0x5], $0x80, $0x38;
	[tilespmem:$0x1FE80] =	vst v63  }
0x139: {  	s6 =	sadd.s32 $0x90, s8;
	s18 =	simm.s32 $0x1EF80  }
0x13a: {  	[hbm4b:s6+s4] =	stream.linear.scatter [tilespmem:s18], [sflag:$0x5], $0x80, $0x38;
	[tilespmem:$0x1FE80] =	vst v63  }
0x13b: {  	s6 =	sadd.s32 $0xA0, s8;
	s18 =	simm.s32 $0x1F080  }
0x13c: {  	[hbm4b:s6+s4] =	stream.linear.scatter [tilespmem:s18], [sflag:$0x5], $0x80, $0x38;
	[tilespmem:$0x1FE80] =	vst v63  }
0x13d: {  	s6 =	sadd.s32 $0xB0, s8;
	s18 =	simm.s32 $0x1F180  }
0x13e: {  	[hbm4b:s6+s4] =	stream.linear.scatter [tilespmem:s18], [sflag:$0x5], $0x80, $0x38;
	[tilespmem:$0x1FE80] =	vst v63  }
0x13f: {  	s6 =	sadd.s32 $0xC0, s8;
	s18 =	simm.s32 $0x1F280  }
0x140: {  	[hbm4b:s6+s4] =	stream.linear.scatter [tilespmem:s18], [sflag:$0x5], $0x80, $0x38;
	[tilespmem:$0x1FE80] =	vst v63  }
0x141: {  	s6 =	sadd.s32 $0xD0, s8;
	s18 =	simm.s32 $0x1F380  }
0x142: {  	[hbm4b:s6+s4] =	stream.linear.scatter [tilespmem:s18], [sflag:$0x5], $0x80, $0x38;
	[tilespmem:$0x1FE80] =	vst v63  }
0x143: {  	s6 =	sadd.s32 $0xE0, s8;
	s18 =	simm.s32 $0x1F480  }
0x144: {  	[hbm4b:s6+s4] =	stream.linear.scatter [tilespmem:s18], [sflag:$0x5], $0x80, $0x38;
	[tilespmem:$0x1FE80] =	vst v63  }
0x145: {  	s8 =	sadd.s32 $0xF0, s8;
	s18 =	simm.s32 $0x1F580  }
0x146: {  	[hbm4b:s8+s4] =	stream.linear.scatter [tilespmem:s18], [sflag:$0x5], $0x80, $0x38;
	[tilespmem:$0x1FE80] =	vst v63  }
0x147: {  	s30 =	simm.s32 $0x1E700;
	s8 =	rddreg [dreg:$0xd]  }
0x148: {  	[hbm4b:s8+s4] =	stream.linear.scatter [tilespmem:s30], [sflag:$0x5], $0x80, $0x38;
	[tilespmem:$0x1FE80] =	vst v63  }
0x149: {  	s18 =	simm.s32 $0x1E800;
	s6 =	sadd.s32 $0x10, s8  }
0x14a: {  	[hbm4b:s6+s4] =	stream.linear.scatter [tilespmem:s18], [sflag:$0x5], $0x80, $0x38;
	[tilespmem:$0x1FE80] =	vst v63  }
0x14b: {  	s6 =	sadd.s32 $0x20, s8;
	s18 =	simm.s32 $0x1E900  }
0x14c: {  	[hbm4b:s6+s4] =	stream.linear.scatter [tilespmem:s18], [sflag:$0x5], $0x80, $0x38;
	[tilespmem:$0x1FE80] =	vst v63  }
0x14d: {  	s6 =	sadd.s32 $0x30, s8;
	s18 =	simm.s32 $0x1EA00  }
0x14e: {  	[hbm4b:s6+s4] =	stream.linear.scatter [tilespmem:s18], [sflag:$0x5], $0x80, $0x38;
	[tilespmem:$0x1FE80] =	vst v63  }
0x14f: {  	s6 =	sadd.s32 $0x40, s8;
	s18 =	simm.s32 $0x1EB00  }
0x150: {  	[hbm4b:s6+s4] =	stream.linear.scatter [tilespmem:s18], [sflag:$0x5], $0x80, $0x38;
	[tilespmem:$0x1FE80] =	vst v63  }
0x151: {  	s6 =	sadd.s32 $0x50, s8;
	s18 =	simm.s32 $0x1EC00  }
0x152: {  	[hbm4b:s6+s4] =	stream.linear.scatter [tilespmem:s18], [sflag:$0x5], $0x80, $0x38;
	[tilespmem:$0x1FE80] =	vst v63  }
0x153: {  	s6 =	sadd.s32 $0x60, s8;
	s18 =	simm.s32 $0x1ED00  }
0x154: {  	[hbm4b:s6+s4] =	stream.linear.scatter [tilespmem:s18], [sflag:$0x5], $0x80, $0x38;
	[tilespmem:$0x1FE80] =	vst v63  }
0x155: {  	s6 =	sadd.s32 $0x70, s8;
	s18 =	simm.s32 $0x1EE00  }
0x156: {  	[hbm4b:s6+s4] =	stream.linear.scatter [tilespmem:s18], [sflag:$0x5], $0x80, $0x38;
	[tilespmem:$0x1FE80] =	vst v63  }
0x157: {  	s6 =	sadd.s32 $0x80, s8;
	s18 =	simm.s32 $0x1EF00  }
0x158: {  	[hbm4b:s6+s4] =	stream.linear.scatter [tilespmem:s18], [sflag:$0x5], $0x80, $0x38;
	[tilespmem:$0x1FE80] =	vst v63  }
0x159: {  	s6 =	sadd.s32 $0x90, s8;
	s18 =	simm.s32 $0x1F000  }
0x15a: {  	[hbm4b:s6+s4] =	stream.linear.scatter [tilespmem:s18], [sflag:$0x5], $0x80, $0x38;
	[tilespmem:$0x1FE80] =	vst v63  }
0x15b: {  	s6 =	sadd.s32 $0xA0, s8;
	s18 =	simm.s32 $0x1F100  }
0x15c: {  	[hbm4b:s6+s4] =	stream.linear.scatter [tilespmem:s18], [sflag:$0x5], $0x80, $0x38;
	[tilespmem:$0x1FE80] =	vst v63  }
0x15d: {  	s6 =	sadd.s32 $0xB0, s8;
	s18 =	simm.s32 $0x1F200  }
0x15e: {  	[hbm4b:s6+s4] =	stream.linear.scatter [tilespmem:s18], [sflag:$0x5], $0x80, $0x38;
	[tilespmem:$0x1FE80] =	vst v63  }
0x15f: {  	s6 =	sadd.s32 $0xC0, s8;
	s18 =	simm.s32 $0x1F300  }
0x160: {  	[hbm4b:s6+s4] =	stream.linear.scatter [tilespmem:s18], [sflag:$0x5], $0x80, $0x38;
	[tilespmem:$0x1FE80] =	vst v63  }
0x161: {  	s6 =	sadd.s32 $0xD0, s8;
	s18 =	simm.s32 $0x1F400  }
0x162: {  	[hbm4b:s6+s4] =	stream.linear.scatter [tilespmem:s18], [sflag:$0x5], $0x80, $0x38;
	[tilespmem:$0x1FE80] =	vst v63  }
0x163: {  	s30 =	simm.s32 $0x1F500;
	s18 =	sadd.s32 $0xE0, s8  }
0x164: {  	[hbm4b:s18+s4] =	stream.linear.scatter [tilespmem:s30], [sflag:$0x5], $0x80, $0x38;
	[tilespmem:$0x1FE80] =	vst v63  }
0x165: {  	s8 =	sadd.s32 $0xF0, s8;
	s18 =	simm.s32 $0x1F600  }
0x166: {  	[hbm4b:s8+s4] =	stream.linear.scatter [tilespmem:s18], [sflag:$0x5], $0x80, $0x38;
	[tilespmem:$0x1FE80] =	vst v63  }
0x167: {  	_ =	swait.ge [sflag:s5], $0x800  }
0x168: {  	[sflag:s5] =	ssyncset.done $0x0  }
0x169: {  	[sflag:s5] =	ssyncadd.s32 $0xFFFFF800  }
0x16a: {  	_ =	swait.ge [sflag:s5], $0x800  }
0x16b: {  	[sflag:s5] =	ssyncset.done $0x0  }
0x16c: {  	s8 =	rddreg [dreg:$0xe];
	[sflag:s5] =	ssyncadd.s32 $0xFFFFF800  }
0x16d: {  	[tilespmem:s19], [sflag:$0x1] =	stream.linear.gather [hbm4b:s8+s4], $0x1000, $0x38;
	[tilespmem:$0x1FE80] =	vst v63  }
0x16e: {  	_ =	swait.ge [sflag:s16], $0x1000  }
0x16f: {  	[sflag:s16] =	ssyncset.done $0x0  }
0x170: {  	s8 =	rddreg [dreg:$0x10];
	[sflag:s16] =	ssyncadd.s32 $0xFFFFF000  }
0x171: {  	[hbm4b:s8+s4] =	stream.linear.scatter [tilespmem:s17], [sflag:$0x5], $0x80, $0x38;
	[tilespmem:$0x1FE80] =	vst v63  }
0x172: {  	s18 =	sadd.s32 $0x10, s8  }
0x173: {  	[hbm4b:s18+s4] =	stream.linear.scatter [tilespmem:s20], [sflag:$0x5], $0x80, $0x38;
	[tilespmem:$0x1FE80] =	vst v63  }
0x174: {  	s18 =	sadd.s32 $0x20, s8  }
0x175: {  	[hbm4b:s18+s4] =	stream.linear.scatter [tilespmem:s23], [sflag:$0x5], $0x80, $0x38;
	[tilespmem:$0x1FE80] =	vst v63  }
0x176: {  	s18 =	sadd.s32 $0x30, s8  }
0x177: {  	[hbm4b:s18+s4] =	stream.linear.scatter [tilespmem:s24], [sflag:$0x5], $0x80, $0x38;
	[tilespmem:$0x1FE80] =	vst v63  }
0x178: {  	s18 =	sadd.s32 $0x40, s8  }
0x179: {  	[hbm4b:s18+s4] =	stream.linear.scatter [tilespmem:s25], [sflag:$0x5], $0x80, $0x38;
	[tilespmem:$0x1FE80] =	vst v63  }
0x17a: {  	s18 =	sadd.s32 $0x50, s8  }
0x17b: {  	[hbm4b:s18+s4] =	stream.linear.scatter [tilespmem:s26], [sflag:$0x5], $0x80, $0x38;
	[tilespmem:$0x1FE80] =	vst v63  }
0x17c: {  	s18 =	sadd.s32 $0x60, s8  }
0x17d: {  	[hbm4b:s18+s4] =	stream.linear.scatter [tilespmem:s28], [sflag:$0x5], $0x80, $0x38;
	[tilespmem:$0x1FE80] =	vst v63  }
0x17e: {  	s18 =	sadd.s32 $0x70, s8  }
0x17f: {  	[hbm4b:s18+s4] =	stream.linear.scatter [tilespmem:s14], [sflag:$0x5], $0x80, $0x38;
	[tilespmem:$0x1FE80] =	vst v63  }
0x180: {  	s14 =	sadd.s32 $0x80, s8;
	s18 =	simm.s32 $0x1DE80  }
0x181: {  	[hbm4b:s14+s4] =	stream.linear.scatter [tilespmem:s18], [sflag:$0x5], $0x80, $0x38;
	[tilespmem:$0x1FE80] =	vst v63  }
0x182: {  	s14 =	sadd.s32 $0x90, s8;
	s18 =	simm.s32 $0x1DF80  }
0x183: {  	[hbm4b:s14+s4] =	stream.linear.scatter [tilespmem:s18], [sflag:$0x5], $0x80, $0x38;
	[tilespmem:$0x1FE80] =	vst v63  }
0x184: {  	s14 =	sadd.s32 $0xA0, s8;
	s18 =	simm.s32 $0x1E080  }
0x185: {  	[hbm4b:s14+s4] =	stream.linear.scatter [tilespmem:s18], [sflag:$0x5], $0x80, $0x38;
	[tilespmem:$0x1FE80] =	vst v63  }
0x186: {  	s14 =	sadd.s32 $0xB0, s8;
	s18 =	simm.s32 $0x1E180  }
0x187: {  	[hbm4b:s14+s4] =	stream.linear.scatter [tilespmem:s18], [sflag:$0x5], $0x80, $0x38;
	[tilespmem:$0x1FE80] =	vst v63  }
0x188: {  	s14 =	sadd.s32 $0xC0, s8;
	s18 =	simm.s32 $0x1E280  }
0x189: {  	[hbm4b:s14+s4] =	stream.linear.scatter [tilespmem:s18], [sflag:$0x5], $0x80, $0x38;
	[tilespmem:$0x1FE80] =	vst v63  }
0x18a: {  	s14 =	sadd.s32 $0xD0, s8;
	s18 =	simm.s32 $0x1E380  }
0x18b: {  	[hbm4b:s14+s4] =	stream.linear.scatter [tilespmem:s18], [sflag:$0x5], $0x80, $0x38;
	[tilespmem:$0x1FE80] =	vst v63  }
0x18c: {  	s14 =	sadd.s32 $0xE0, s8;
	s18 =	simm.s32 $0x1E480  }
0x18d: {  	[hbm4b:s14+s4] =	stream.linear.scatter [tilespmem:s18], [sflag:$0x5], $0x80, $0x38;
	[tilespmem:$0x1FE80] =	vst v63  }
0x18e: {  	s8 =	sadd.s32 $0xF0, s8;
	s14 =	simm.s32 $0x1E580  }
0x18f: {  	[hbm4b:s8+s4] =	stream.linear.scatter [tilespmem:s14], [sflag:$0x5], $0x80, $0x38;
	[tilespmem:$0x1FE80] =	vst v63  }
0x190: {  	s18 =	simm.s32 $0x1D700;
	s8 =	rddreg [dreg:$0x11]  }
0x191: {  	[hbm4b:s8+s4] =	stream.linear.scatter [tilespmem:s18], [sflag:$0x5], $0x80, $0x38;
	[tilespmem:$0x1FE80] =	vst v63  }
0x192: {  	s14 =	sadd.s32 $0x10, s8;
	s18 =	simm.s32 $0x1D800  }
0x193: {  	[hbm4b:s14+s4] =	stream.linear.scatter [tilespmem:s18], [sflag:$0x5], $0x80, $0x38;
	[tilespmem:$0x1FE80] =	vst v63  }
0x194: {  	s14 =	sadd.s32 $0x20, s8;
	s18 =	simm.s32 $0x1D900  }
0x195: {  	[hbm4b:s14+s4] =	stream.linear.scatter [tilespmem:s18], [sflag:$0x5], $0x80, $0x38;
	[tilespmem:$0x1FE80] =	vst v63  }
0x196: {  	s14 =	sadd.s32 $0x30, s8;
	s18 =	simm.s32 $0x1DA00  }
0x197: {  	[hbm4b:s14+s4] =	stream.linear.scatter [tilespmem:s18], [sflag:$0x5], $0x80, $0x38;
	[tilespmem:$0x1FE80] =	vst v63  }
0x198: {  	s14 =	sadd.s32 $0x40, s8;
	s18 =	simm.s32 $0x1DB00  }
0x199: {  	[hbm4b:s14+s4] =	stream.linear.scatter [tilespmem:s18], [sflag:$0x5], $0x80, $0x38;
	[tilespmem:$0x1FE80] =	vst v63  }
0x19a: {  	s14 =	sadd.s32 $0x50, s8;
	s18 =	simm.s32 $0x1DC00  }
0x19b: {  	[hbm4b:s14+s4] =	stream.linear.scatter [tilespmem:s18], [sflag:$0x5], $0x80, $0x38;
	[tilespmem:$0x1FE80] =	vst v63  }
0x19c: {  	s14 =	sadd.s32 $0x60, s8;
	s18 =	simm.s32 $0x1DD00  }
0x19d: {  	[hbm4b:s14+s4] =	stream.linear.scatter [tilespmem:s18], [sflag:$0x5], $0x80, $0x38;
	[tilespmem:$0x1FE80] =	vst v63  }
0x19e: {  	s14 =	sadd.s32 $0x70, s8;
	s18 =	simm.s32 $0x1DE00  }
0x19f: {  	[hbm4b:s14+s4] =	stream.linear.scatter [tilespmem:s18], [sflag:$0x5], $0x80, $0x38;
	[tilespmem:$0x1FE80] =	vst v63  }
0x1a0: {  	s14 =	sadd.s32 $0x80, s8;
	s18 =	simm.s32 $0x1DF00  }
0x1a1: {  	[hbm4b:s14+s4] =	stream.linear.scatter [tilespmem:s18], [sflag:$0x5], $0x80, $0x38;
	[tilespmem:$0x1FE80] =	vst v63  }
0x1a2: {  	s14 =	sadd.s32 $0x90, s8;
	s18 =	simm.s32 $0x1E000  }
0x1a3: {  	[hbm4b:s14+s4] =	stream.linear.scatter [tilespmem:s18], [sflag:$0x5], $0x80, $0x38;
	[tilespmem:$0x1FE80] =	vst v63  }
0x1a4: {  	s14 =	sadd.s32 $0xA0, s8;
	s18 =	simm.s32 $0x1E100  }
0x1a5: {  	[hbm4b:s14+s4] =	stream.linear.scatter [tilespmem:s18], [sflag:$0x5], $0x80, $0x38;
	[tilespmem:$0x1FE80] =	vst v63  }
0x1a6: {  	s14 =	sadd.s32 $0xB0, s8;
	s18 =	simm.s32 $0x1E200  }
0x1a7: {  	[hbm4b:s14+s4] =	stream.linear.scatter [tilespmem:s18], [sflag:$0x5], $0x80, $0x38;
	[tilespmem:$0x1FE80] =	vst v63  }
0x1a8: {  	s14 =	sadd.s32 $0xC0, s8;
	s18 =	simm.s32 $0x1E300  }
0x1a9: {  	[hbm4b:s14+s4] =	stream.linear.scatter [tilespmem:s18], [sflag:$0x5], $0x80, $0x38;
	[tilespmem:$0x1FE80] =	vst v63  }
0x1aa: {  	s6 =	simm.s32 $0x1E400;
	s18 =	sadd.s32 $0xD0, s8  }
0x1ab: {  	[hbm4b:s18+s4] =	stream.linear.scatter [tilespmem:s6], [sflag:$0x5], $0x80, $0x38;
	[tilespmem:$0x1FE80] =	vst v63  }
0x1ac: {  	s14 =	sadd.s32 $0xE0, s8;
	s18 =	simm.s32 $0x1E500  }
0x1ad: {  	[hbm4b:s14+s4] =	stream.linear.scatter [tilespmem:s18], [sflag:$0x5], $0x80, $0x38;
	[tilespmem:$0x1FE80] =	vst v63  }
0x1ae: {  	s8 =	sadd.s32 $0xF0, s8;
	s14 =	simm.s32 $0x1E600  }
0x1af: {  	[hbm4b:s8+s4] =	stream.linear.scatter [tilespmem:s14], [sflag:$0x5], $0x80, $0x38;
	[tilespmem:$0x1FE80] =	vst v63  }
0x1b0: {  	_ =	swait.ge [sflag:s5], $0x800  }
0x1b1: {  	[sflag:s5] =	ssyncset.done $0x0  }
0x1b2: {  	[sflag:s5] =	ssyncadd.s32 $0xFFFFF800  }
0x1b3: {  	_ =	swait.ge [sflag:s5], $0x800  }
0x1b4: {  	[sflag:s5] =	ssyncset.done $0x0  }
0x1b5: {  	[sflag:s5] =	ssyncadd.s32 $0xFFFFF800  }
0x1b6: {  	_ =	swait.ge [sflag:s5], $0x800  }
0x1b7: {  	[sflag:s5] =	ssyncset.done $0x0  }
0x1b8: {  	[sflag:s5] =	ssyncadd.s32 $0xFFFFF800  }
0x1b9: {  	_ =	swait.ge [sflag:s5], $0x800  }
0x1ba: {  	s14 =	sld [smem:$0x7D6]  }
0x1bb: {  	[sflag:s5] =	ssyncset.done $0x0  }
0x1bc: {  	s6 =	simm.s32 @p1 $0x0;
	s8 =	simm.s32 @p1 $0x1D680;
	[sflag:s5] =	ssyncadd.s32 $0xFFFFF800  }
0x1bd: {  	[tilespmem:s8], [sflag:$0x1] =	stream.linear.gather @p1 [hbm4b:s14+s6], $0xE00, $0x38;
	[tilespmem:$0x1FE80] =	vst v63  }
0x1be: {  	s6 =	simm.s32 @!p1 $0x0;
	s8 =	simm.s32 @!p1 $0x1D680  }
0x1bf: {  	[tilespmem:s8], [sflag:$0x1] =	stream.linear.gather @!p1 [hbm4b:s14+s6], $0xF00, $0x38;
	[tilespmem:$0x1FE80] =	vst v63  }
0x1c0: {  	_ =	swait.ge [sflag:s16], $0x1000  }
0x1c1: {  	[sflag:s16] =	ssyncset.done $0x0  }
0x1c2: {  	s8 =	rddreg [dreg:$0x12];
	[sflag:s16] =	ssyncadd.s32 $0xFFFFF000  }
0x1c3: {  	[hbm4b:s8+s4] =	stream.linear.scatter [tilespmem:s19], [sflag:$0x5], $0x80, $0x38;
	[tilespmem:$0x1FE80] =	vst v63  }
0x1c4: {  	s18 =	sadd.s32 $0x10, s8;
	s19 =	simm.s32 $0x1E780  }
0x1c5: {  	[hbm4b:s18+s4] =	stream.linear.scatter [tilespmem:s19], [sflag:$0x5], $0x80, $0x38;
	[tilespmem:$0x1FE80] =	vst v63  }
0x1c6: {  	s18 =	sadd.s32 $0x20, s8;
	s19 =	simm.s32 $0x1E880  }
0x1c7: {  	[hbm4b:s18+s4] =	stream.linear.scatter [tilespmem:s19], [sflag:$0x5], $0x80, $0x38;
	[tilespmem:$0x1FE80] =	vst v63  }
0x1c8: {  	s18 =	sadd.s32 $0x30, s8;
	s19 =	simm.s32 $0x1E980  }
0x1c9: {  	[hbm4b:s18+s4] =	stream.linear.scatter [tilespmem:s19], [sflag:$0x5], $0x80, $0x38;
	[tilespmem:$0x1FE80] =	vst v63  }
0x1ca: {  	s18 =	sadd.s32 $0x40, s8;
	s19 =	simm.s32 $0x1EA80  }
0x1cb: {  	[hbm4b:s18+s4] =	stream.linear.scatter [tilespmem:s19], [sflag:$0x5], $0x80, $0x38;
	[tilespmem:$0x1FE80] =	vst v63  }
0x1cc: {  	s18 =	sadd.s32 $0x50, s8;
	s19 =	simm.s32 $0x1EB80  }
0x1cd: {  	[hbm4b:s18+s4] =	stream.linear.scatter [tilespmem:s19], [sflag:$0x5], $0x80, $0x38;
	[tilespmem:$0x1FE80] =	vst v63  }
0x1ce: {  	s18 =	sadd.s32 $0x60, s8;
	s19 =	simm.s32 $0x1EC80  }
0x1cf: {  	[hbm4b:s18+s4] =	stream.linear.scatter [tilespmem:s19], [sflag:$0x5], $0x80, $0x38;
	[tilespmem:$0x1FE80] =	vst v63  }
0x1d0: {  	s18 =	sadd.s32 $0x70, s8;
	s19 =	simm.s32 $0x1ED80  }
0x1d1: {  	[hbm4b:s18+s4] =	stream.linear.scatter [tilespmem:s19], [sflag:$0x5], $0x80, $0x38;
	[tilespmem:$0x1FE80] =	vst v63  }
0x1d2: {  	s18 =	sadd.s32 $0x80, s8;
	s19 =	simm.s32 $0x1EE80  }
0x1d3: {  	[hbm4b:s18+s4] =	stream.linear.scatter [tilespmem:s19], [sflag:$0x5], $0x80, $0x38;
	[tilespmem:$0x1FE80] =	vst v63  }
0x1d4: {  	s18 =	sadd.s32 $0x90, s8;
	s19 =	simm.s32 $0x1EF80  }
0x1d5: {  	[hbm4b:s18+s4] =	stream.linear.scatter [tilespmem:s19], [sflag:$0x5], $0x80, $0x38;
	[tilespmem:$0x1FE80] =	vst v63  }
0x1d6: {  	s18 =	sadd.s32 $0xA0, s8;
	s19 =	simm.s32 $0x1F080  }
0x1d7: {  	[hbm4b:s18+s4] =	stream.linear.scatter [tilespmem:s19], [sflag:$0x5], $0x80, $0x38;
	[tilespmem:$0x1FE80] =	vst v63  }
0x1d8: {  	s18 =	sadd.s32 $0xB0, s8;
	s19 =	simm.s32 $0x1F180  }
0x1d9: {  	[hbm4b:s18+s4] =	stream.linear.scatter [tilespmem:s19], [sflag:$0x5], $0x80, $0x38;
	[tilespmem:$0x1FE80] =	vst v63  }
0x1da: {  	s18 =	sadd.s32 $0xC0, s8;
	s19 =	simm.s32 $0x1F280  }
0x1db: {  	[hbm4b:s18+s4] =	stream.linear.scatter [tilespmem:s19], [sflag:$0x5], $0x80, $0x38;
	[tilespmem:$0x1FE80] =	vst v63  }
0x1dc: {  	s18 =	sadd.s32 $0xD0, s8;
	s19 =	simm.s32 $0x1F380  }
0x1dd: {  	[hbm4b:s18+s4] =	stream.linear.scatter [tilespmem:s19], [sflag:$0x5], $0x80, $0x38;
	[tilespmem:$0x1FE80] =	vst v63  }
0x1de: {  	s18 =	sadd.s32 $0xE0, s8;
	s19 =	simm.s32 $0x1F480  }
0x1df: {  	[hbm4b:s18+s4] =	stream.linear.scatter [tilespmem:s19], [sflag:$0x5], $0x80, $0x38;
	[tilespmem:$0x1FE80] =	vst v63  }
0x1e0: {  	s18 =	sadd.s32 $0xF0, s8;
	s19 =	simm.s32 $0x1F580  }
0x1e1: {  	[hbm4b:s18+s4] =	stream.linear.scatter [tilespmem:s19], [sflag:$0x5], $0x80, $0x38;
	[tilespmem:$0x1FE80] =	vst v63  }
0x1e2: {  	s14 =	simm.s32 $0x1E700;
	s8 =	rddreg [dreg:$0x13]  }
0x1e3: {  	[hbm4b:s8+s4] =	stream.linear.scatter [tilespmem:s14], [sflag:$0x5], $0x80, $0x38;
	[tilespmem:$0x1FE80] =	vst v63  }
0x1e4: {  	s18 =	sadd.s32 $0x10, s8;
	s19 =	simm.s32 $0x1E800  }
0x1e5: {  	[hbm4b:s18+s4] =	stream.linear.scatter [tilespmem:s19], [sflag:$0x5], $0x80, $0x38;
	[tilespmem:$0x1FE80] =	vst v63  }
0x1e6: {  	s18 =	sadd.s32 $0x20, s8;
	s19 =	simm.s32 $0x1E900  }
0x1e7: {  	[hbm4b:s18+s4] =	stream.linear.scatter [tilespmem:s19], [sflag:$0x5], $0x80, $0x38;
	[tilespmem:$0x1FE80] =	vst v63  }
0x1e8: {  	s18 =	sadd.s32 $0x30, s8;
	s19 =	simm.s32 $0x1EA00  }
0x1e9: {  	[hbm4b:s18+s4] =	stream.linear.scatter [tilespmem:s19], [sflag:$0x5], $0x80, $0x38;
	[tilespmem:$0x1FE80] =	vst v63  }
0x1ea: {  	s18 =	sadd.s32 $0x40, s8;
	s19 =	simm.s32 $0x1EB00  }
0x1eb: {  	[hbm4b:s18+s4] =	stream.linear.scatter [tilespmem:s19], [sflag:$0x5], $0x80, $0x38;
	[tilespmem:$0x1FE80] =	vst v63  }
0x1ec: {  	s18 =	sadd.s32 $0x50, s8;
	s19 =	simm.s32 $0x1EC00  }
0x1ed: {  	[hbm4b:s18+s4] =	stream.linear.scatter [tilespmem:s19], [sflag:$0x5], $0x80, $0x38;
	[tilespmem:$0x1FE80] =	vst v63  }
0x1ee: {  	s18 =	sadd.s32 $0x60, s8;
	s19 =	simm.s32 $0x1ED00  }
0x1ef: {  	[hbm4b:s18+s4] =	stream.linear.scatter [tilespmem:s19], [sflag:$0x5], $0x80, $0x38;
	[tilespmem:$0x1FE80] =	vst v63  }
0x1f0: {  	s18 =	sadd.s32 $0x70, s8;
	s19 =	simm.s32 $0x1EE00  }
0x1f1: {  	[hbm4b:s18+s4] =	stream.linear.scatter [tilespmem:s19], [sflag:$0x5], $0x80, $0x38;
	[tilespmem:$0x1FE80] =	vst v63  }
0x1f2: {  	s18 =	sadd.s32 $0x80, s8;
	s19 =	simm.s32 $0x1EF00  }
0x1f3: {  	[hbm4b:s18+s4] =	stream.linear.scatter [tilespmem:s19], [sflag:$0x5], $0x80, $0x38;
	[tilespmem:$0x1FE80] =	vst v63  }
0x1f4: {  	s18 =	sadd.s32 $0x90, s8;
	s19 =	simm.s32 $0x1F000  }
0x1f5: {  	[hbm4b:s18+s4] =	stream.linear.scatter [tilespmem:s19], [sflag:$0x5], $0x80, $0x38;
	[tilespmem:$0x1FE80] =	vst v63  }
0x1f6: {  	s18 =	sadd.s32 $0xA0, s8;
	s19 =	simm.s32 $0x1F100  }
0x1f7: {  	[hbm4b:s18+s4] =	stream.linear.scatter [tilespmem:s19], [sflag:$0x5], $0x80, $0x38;
	[tilespmem:$0x1FE80] =	vst v63  }
0x1f8: {  	s18 =	sadd.s32 $0xB0, s8;
	s19 =	simm.s32 $0x1F200  }
0x1f9: {  	[hbm4b:s18+s4] =	stream.linear.scatter [tilespmem:s19], [sflag:$0x5], $0x80, $0x38;
	[tilespmem:$0x1FE80] =	vst v63  }
0x1fa: {  	s18 =	sadd.s32 $0xC0, s8;
	s19 =	simm.s32 $0x1F300  }
0x1fb: {  	[hbm4b:s18+s4] =	stream.linear.scatter [tilespmem:s19], [sflag:$0x5], $0x80, $0x38;
	[tilespmem:$0x1FE80] =	vst v63  }
0x1fc: {  	s18 =	sadd.s32 $0xD0, s8;
	s19 =	simm.s32 $0x1F400  }
0x1fd: {  	[hbm4b:s18+s4] =	stream.linear.scatter [tilespmem:s19], [sflag:$0x5], $0x80, $0x38;
	[tilespmem:$0x1FE80] =	vst v63  }
0x1fe: {  	s18 =	sadd.s32 $0xE0, s8  }
0x1ff: {  	[hbm4b:s18+s4] =	stream.linear.scatter [tilespmem:s30], [sflag:$0x5], $0x80, $0x38;
	[tilespmem:$0x1FE80] =	vst v63  }
0x200: {  	s19 =	sadd.s32 $0xF0, s8;
	s30 =	simm.s32 $0x1F600  }
0x201: {  	[hbm4b:s19+s4] =	stream.linear.scatter [tilespmem:s30], [sflag:$0x5], $0x80, $0x38;
	[tilespmem:$0x1FE80] =	vst v63  }
0x202: {  	_ =	swait.ge [sflag:s5], $0x800  }
.Ltmp3:
0x203: {  	[sflag:s5] =	ssyncset.done $0x0;
	(pc) =	sbr.rel @!p1 .LBB2_4-.Ltmp3, $4  }
0x204: {  	[sflag:s5] =	ssyncadd.s32 $0xFFFFF800  }
0x205: {  	_ =	swait.ge [sflag:s5], $0x800  }
0x206: {  	[sflag:s5] =	ssyncset.done $0x0  }
0x207: {  	[sflag:s5] =	ssyncadd.s32 $0xFFFFF800  }
0x208: {  	_ =	swait.ge [sflag:s16], $0xE00  }
0x209: {  	[sflag:s16] =	ssyncset.done $0x0  }
0x20a: {  	s8 =	rddreg [dreg:$0x14];
	[sflag:s16] =	ssyncadd.s32 $0xFFFFF200  }
0x20b: {  	[hbm4b:s8+s4] =	stream.linear.scatter [tilespmem:s17], [sflag:$0x5], $0x80, $0x38;
	[tilespmem:$0x1FE80] =	vst v63  }
0x20c: {  	s6 =	sadd.s32 $0x10, s8  }
0x20d: {  	[hbm4b:s6+s4] =	stream.linear.scatter [tilespmem:s20], [sflag:$0x5], $0x80, $0x38;
	[tilespmem:$0x1FE80] =	vst v63  }
0x20e: {  	s20 =	sadd.s32 $0x20, s8  }
0x20f: {  	[hbm4b:s20+s4] =	stream.linear.scatter [tilespmem:s23], [sflag:$0x5], $0x80, $0x38;
	[tilespmem:$0x1FE80] =	vst v63  }
0x210: {  	s23 =	sadd.s32 $0x30, s8  }
0x211: {  	[hbm4b:s23+s4] =	stream.linear.scatter [tilespmem:s24], [sflag:$0x5], $0x80, $0x38;
	[tilespmem:$0x1FE80] =	vst v63  }
0x212: {  	s30 =	sadd.s32 $0x40, s8  }
0x213: {  	[hbm4b:s30+s4] =	stream.linear.scatter [tilespmem:s25], [sflag:$0x5], $0x80, $0x38;
	[tilespmem:$0x1FE80] =	vst v63  }
0x214: {  	s14 =	sadd.s32 $0x50, s8  }
0x215: {  	[hbm4b:s14+s4] =	stream.linear.scatter [tilespmem:s26], [sflag:$0x5], $0x80, $0x38;
	[tilespmem:$0x1FE80] =	vst v63  }
0x216: {  	s17 =	sadd.s32 $0x60, s8  }
0x217: {  	[hbm4b:s17+s4] =	stream.linear.scatter [tilespmem:s28], [sflag:$0x5], $0x80, $0x38;
	[tilespmem:$0x1FE80] =	vst v63  }
0x218: {  	s18 =	sadd.s32 $0x70, s8;
	s14 =	simm.s32 $0x1DD80  }
0x219: {  	[hbm4b:s18+s4] =	stream.linear.scatter [tilespmem:s14], [sflag:$0x5], $0x80, $0x38;
	[tilespmem:$0x1FE80] =	vst v63  }
0x21a: {  	s19 =	sadd.s32 $0x80, s8;
	s20 =	simm.s32 $0x1DE80  }
0x21b: {  	[hbm4b:s19+s4] =	stream.linear.scatter [tilespmem:s20], [sflag:$0x5], $0x80, $0x38;
	[tilespmem:$0x1FE80] =	vst v63  }
0x21c: {  	s23 =	sadd.s32 $0x90, s8;
	s24 =	simm.s32 $0x1DF80  }
0x21d: {  	[hbm4b:s23+s4] =	stream.linear.scatter [tilespmem:s24], [sflag:$0x5], $0x80, $0x38;
	[tilespmem:$0x1FE80] =	vst v63  }
0x21e: {  	s25 =	sadd.s32 $0xA0, s8;
	s26 =	simm.s32 $0x1E080  }
0x21f: {  	[hbm4b:s25+s4] =	stream.linear.scatter [tilespmem:s26], [sflag:$0x5], $0x80, $0x38;
	[tilespmem:$0x1FE80] =	vst v63  }
0x220: {  	s30 =	simm.s32 $0x1E180;
	s28 =	sadd.s32 $0xB0, s8  }
0x221: {  	[hbm4b:s28+s4] =	stream.linear.scatter [tilespmem:s30], [sflag:$0x5], $0x80, $0x38;
	[tilespmem:$0x1FE80] =	vst v63  }
0x222: {  	s17 =	simm.s32 $0x1E280;
	s14 =	sadd.s32 $0xC0, s8  }
0x223: {  	[hbm4b:s14+s4] =	stream.linear.scatter [tilespmem:s17], [sflag:$0x5], $0x80, $0x38;
	[tilespmem:$0x1FE80] =	vst v63  }
0x224: {  	s18 =	sadd.s32 $0xD0, s8;
	s19 =	simm.s32 $0x1E380  }
0x225: {  	[hbm4b:s18+s4] =	stream.linear.scatter [tilespmem:s19], [sflag:$0x5], $0x80, $0x38;
	[tilespmem:$0x1FE80] =	vst v63  }
0x226: {  	s8 =	rddreg [dreg:$0x15];
	s20 =	simm.s32 $0x1D700  }
0x227: {  	[hbm4b:s8+s4] =	stream.linear.scatter [tilespmem:s20], [sflag:$0x5], $0x80, $0x38;
	[tilespmem:$0x1FE80] =	vst v63  }
0x228: {  	s23 =	sadd.s32 $0x10, s8;
	s24 =	simm.s32 $0x1D800  }
0x229: {  	[hbm4b:s23+s4] =	stream.linear.scatter [tilespmem:s24], [sflag:$0x5], $0x80, $0x38;
	[tilespmem:$0x1FE80] =	vst v63  }
0x22a: {  	s25 =	sadd.s32 $0x20, s8;
	s26 =	simm.s32 $0x1D900  }
0x22b: {  	[hbm4b:s25+s4] =	stream.linear.scatter [tilespmem:s26], [sflag:$0x5], $0x80, $0x38;
	[tilespmem:$0x1FE80] =	vst v63  }
0x22c: {  	s28 =	sadd.s32 $0x30, s8;
	s30 =	simm.s32 $0x1DA00  }
0x22d: {  	[hbm4b:s28+s4] =	stream.linear.scatter [tilespmem:s30], [sflag:$0x5], $0x80, $0x38;
	[tilespmem:$0x1FE80] =	vst v63  }
0x22e: {  	s17 =	sadd.s32 $0x40, s8;
	s18 =	simm.s32 $0x1DB00  }
0x22f: {  	[hbm4b:s17+s4] =	stream.linear.scatter [tilespmem:s18], [sflag:$0x5], $0x80, $0x38;
	[tilespmem:$0x1FE80] =	vst v63  }
0x230: {  	s19 =	sadd.s32 $0x50, s8;
	s20 =	simm.s32 $0x1DC00  }
0x231: {  	[hbm4b:s19+s4] =	stream.linear.scatter [tilespmem:s20], [sflag:$0x5], $0x80, $0x38;
	[tilespmem:$0x1FE80] =	vst v63  }
0x232: {  	s23 =	sadd.s32 $0x60, s8;
	s24 =	simm.s32 $0x1DD00  }
0x233: {  	[hbm4b:s23+s4] =	stream.linear.scatter [tilespmem:s24], [sflag:$0x5], $0x80, $0x38;
	[tilespmem:$0x1FE80] =	vst v63  }
0x234: {  	s25 =	sadd.s32 $0x70, s8;
	s26 =	simm.s32 $0x1DE00  }
0x235: {  	[hbm4b:s25+s4] =	stream.linear.scatter [tilespmem:s26], [sflag:$0x5], $0x80, $0x38;
	[tilespmem:$0x1FE80] =	vst v63  }
0x236: {  	s28 =	sadd.s32 $0x80, s8;
	s30 =	simm.s32 $0x1DF00  }
0x237: {  	[hbm4b:s28+s4] =	stream.linear.scatter [tilespmem:s30], [sflag:$0x5], $0x80, $0x38;
	[tilespmem:$0x1FE80] =	vst v63  }
0x238: {  	s17 =	sadd.s32 $0x90, s8;
	s18 =	simm.s32 $0x1E000  }
0x239: {  	[hbm4b:s17+s4] =	stream.linear.scatter [tilespmem:s18], [sflag:$0x5], $0x80, $0x38;
	[tilespmem:$0x1FE80] =	vst v63  }
0x23a: {  	s19 =	sadd.s32 $0xA0, s8;
	s20 =	simm.s32 $0x1E100  }
0x23b: {  	[hbm4b:s19+s4] =	stream.linear.scatter [tilespmem:s20], [sflag:$0x5], $0x80, $0x38;
	[tilespmem:$0x1FE80] =	vst v63  }
0x23c: {  	s23 =	sadd.s32 $0xB0, s8;
	s24 =	simm.s32 $0x1E200  }
0x23d: {  	[hbm4b:s23+s4] =	stream.linear.scatter [tilespmem:s24], [sflag:$0x5], $0x80, $0x38;
	[tilespmem:$0x1FE80] =	vst v63  }
0x23e: {  	s25 =	sadd.s32 $0xC0, s8;
	s26 =	simm.s32 $0x1E300  }
0x23f: {  	[hbm4b:s25+s4] =	stream.linear.scatter [tilespmem:s26], [sflag:$0x5], $0x80, $0x38;
	[tilespmem:$0x1FE80] =	vst v63  }
0x240: {  	s28 =	sadd.s32 $0xD0, s8;
	s30 =	simm.s32 $0x1E400  }
0x241: {  	[hbm4b:s28+s4] =	stream.linear.scatter [tilespmem:s30], [sflag:$0x5], $0x80, $0x38;
	[tilespmem:$0x1FE80] =	vst v63  }
0x242: {  	_ =	swait.ge [sflag:s5], $0x700  }
.Ltmp4:
0x243: {  	[sflag:s5] =	ssyncset.done $0x0;
	(pc) =	sbr.rel .LBB2_6-.Ltmp4, $4  }
0x244: {  	[sflag:s5] =	ssyncadd.s32 $0xFFFFF900  }
0x245: {  	_ =	swait.ge [sflag:s5], $0x700  }
0x246: {  	[sflag:s5] =	ssyncset.done $0x0  }
0x247: {  	[sflag:s5] =	ssyncadd.s32 $0xFFFFF900  }
.LBB2_4:
0x248: {  	_ =	swait.ge [sflag:s16], $0xF00  }
0x249: {  	[sflag:s16] =	ssyncset.done $0x0  }
0x24a: {  	s8 =	rddreg [dreg:$0x14];
	[sflag:s16] =	ssyncadd.s32 $0xFFFFF100  }
0x24b: {  	[hbm4b:s8+s4] =	stream.linear.scatter [tilespmem:s17], [sflag:$0x5], $0x80, $0x38;
	[tilespmem:$0x1FE80] =	vst v63  }
0x24c: {  	s6 =	sadd.s32 $0x10, s8  }
0x24d: {  	[hbm4b:s6+s4] =	stream.linear.scatter [tilespmem:s20], [sflag:$0x5], $0x80, $0x38;
	[tilespmem:$0x1FE80] =	vst v63  }
0x24e: {  	s19 =	sadd.s32 $0x20, s8  }
0x24f: {  	[hbm4b:s19+s4] =	stream.linear.scatter [tilespmem:s23], [sflag:$0x5], $0x80, $0x38;
	[tilespmem:$0x1FE80] =	vst v63  }
0x250: {  	s20 =	sadd.s32 $0x30, s8  }
0x251: {  	[hbm4b:s20+s4] =	stream.linear.scatter [tilespmem:s24], [sflag:$0x5], $0x80, $0x38;
	[tilespmem:$0x1FE80] =	vst v63  }
0x252: {  	s23 =	sadd.s32 $0x40, s8  }
0x253: {  	[hbm4b:s23+s4] =	stream.linear.scatter [tilespmem:s25], [sflag:$0x5], $0x80, $0x38;
	[tilespmem:$0x1FE80] =	vst v63  }
0x254: {  	s24 =	sadd.s32 $0x50, s8  }
0x255: {  	[hbm4b:s24+s4] =	stream.linear.scatter [tilespmem:s26], [sflag:$0x5], $0x80, $0x38;
	[tilespmem:$0x1FE80] =	vst v63  }
0x256: {  	s25 =	sadd.s32 $0x60, s8  }
0x257: {  	[hbm4b:s25+s4] =	stream.linear.scatter [tilespmem:s28], [sflag:$0x5], $0x80, $0x38;
	[tilespmem:$0x1FE80] =	vst v63  }
0x258: {  	s14 =	simm.s32 $0x1DD80;
	s26 =	sadd.s32 $0x70, s8  }
0x259: {  	[hbm4b:s26+s4] =	stream.linear.scatter [tilespmem:s14], [sflag:$0x5], $0x80, $0x38;
	[tilespmem:$0x1FE80] =	vst v63  }
0x25a: {  	s30 =	simm.s32 $0x1DE80;
	s28 =	sadd.s32 $0x80, s8  }
0x25b: {  	[hbm4b:s28+s4] =	stream.linear.scatter [tilespmem:s30], [sflag:$0x5], $0x80, $0x38;
	[tilespmem:$0x1FE80] =	vst v63  }
0x25c: {  	s18 =	simm.s32 $0x1DF80;
	s17 =	sadd.s32 $0x90, s8  }
0x25d: {  	[hbm4b:s17+s4] =	stream.linear.scatter [tilespmem:s18], [sflag:$0x5], $0x80, $0x38;
	[tilespmem:$0x1FE80] =	vst v63  }
0x25e: {  	s19 =	sadd.s32 $0xA0, s8;
	s20 =	simm.s32 $0x1E080  }
0x25f: {  	[hbm4b:s19+s4] =	stream.linear.scatter [tilespmem:s20], [sflag:$0x5], $0x80, $0x38;
	[tilespmem:$0x1FE80] =	vst v63  }
0x260: {  	s23 =	sadd.s32 $0xB0, s8;
	s24 =	simm.s32 $0x1E180  }
0x261: {  	[hbm4b:s23+s4] =	stream.linear.scatter [tilespmem:s24], [sflag:$0x5], $0x80, $0x38;
	[tilespmem:$0x1FE80] =	vst v63  }
0x262: {  	s25 =	sadd.s32 $0xC0, s8;
	s26 =	simm.s32 $0x1E280  }
0x263: {  	[hbm4b:s25+s4] =	stream.linear.scatter [tilespmem:s26], [sflag:$0x5], $0x80, $0x38;
	[tilespmem:$0x1FE80] =	vst v63  }
0x264: {  	s28 =	sadd.s32 $0xD0, s8;
	s30 =	simm.s32 $0x1E380  }
0x265: {  	[hbm4b:s28+s4] =	stream.linear.scatter [tilespmem:s30], [sflag:$0x5], $0x80, $0x38;
	[tilespmem:$0x1FE80] =	vst v63  }
0x266: {  	s14 =	sadd.s32 $0xE0, s8;
	s17 =	simm.s32 $0x1E480  }
0x267: {  	[hbm4b:s14+s4] =	stream.linear.scatter [tilespmem:s17], [sflag:$0x5], $0x80, $0x38;
	[tilespmem:$0x1FE80] =	vst v63  }
0x268: {  	s8 =	rddreg [dreg:$0x15];
	s18 =	simm.s32 $0x1D700  }
0x269: {  	[hbm4b:s8+s4] =	stream.linear.scatter [tilespmem:s18], [sflag:$0x5], $0x80, $0x38;
	[tilespmem:$0x1FE80] =	vst v63  }
0x26a: {  	s19 =	sadd.s32 $0x10, s8;
	s20 =	simm.s32 $0x1D800  }
0x26b: {  	[hbm4b:s19+s4] =	stream.linear.scatter [tilespmem:s20], [sflag:$0x5], $0x80, $0x38;
	[tilespmem:$0x1FE80] =	vst v63  }
0x26c: {  	s23 =	sadd.s32 $0x20, s8;
	s24 =	simm.s32 $0x1D900  }
0x26d: {  	[hbm4b:s23+s4] =	stream.linear.scatter [tilespmem:s24], [sflag:$0x5], $0x80, $0x38;
	[tilespmem:$0x1FE80] =	vst v63  }
0x26e: {  	s25 =	sadd.s32 $0x30, s8;
	s26 =	simm.s32 $0x1DA00  }
0x26f: {  	[hbm4b:s25+s4] =	stream.linear.scatter [tilespmem:s26], [sflag:$0x5], $0x80, $0x38;
	[tilespmem:$0x1FE80] =	vst v63  }
0x270: {  	s28 =	sadd.s32 $0x40, s8;
	s30 =	simm.s32 $0x1DB00  }
0x271: {  	[hbm4b:s28+s4] =	stream.linear.scatter [tilespmem:s30], [sflag:$0x5], $0x80, $0x38;
	[tilespmem:$0x1FE80] =	vst v63  }
0x272: {  	s17 =	sadd.s32 $0x50, s8;
	s18 =	simm.s32 $0x1DC00  }
0x273: {  	[hbm4b:s17+s4] =	stream.linear.scatter [tilespmem:s18], [sflag:$0x5], $0x80, $0x38;
	[tilespmem:$0x1FE80] =	vst v63  }
0x274: {  	s19 =	sadd.s32 $0x60, s8;
	s20 =	simm.s32 $0x1DD00  }
0x275: {  	[hbm4b:s19+s4] =	stream.linear.scatter [tilespmem:s20], [sflag:$0x5], $0x80, $0x38;
	[tilespmem:$0x1FE80] =	vst v63  }
0x276: {  	s23 =	sadd.s32 $0x70, s8;
	s24 =	simm.s32 $0x1DE00  }
0x277: {  	[hbm4b:s23+s4] =	stream.linear.scatter [tilespmem:s24], [sflag:$0x5], $0x80, $0x38;
	[tilespmem:$0x1FE80] =	vst v63  }
0x278: {  	s25 =	sadd.s32 $0x80, s8;
	s26 =	simm.s32 $0x1DF00  }
0x279: {  	[hbm4b:s25+s4] =	stream.linear.scatter [tilespmem:s26], [sflag:$0x5], $0x80, $0x38;
	[tilespmem:$0x1FE80] =	vst v63  }
0x27a: {  	s28 =	sadd.s32 $0x90, s8;
	s30 =	simm.s32 $0x1E000  }
0x27b: {  	[hbm4b:s28+s4] =	stream.linear.scatter [tilespmem:s30], [sflag:$0x5], $0x80, $0x38;
	[tilespmem:$0x1FE80] =	vst v63  }
0x27c: {  	s17 =	sadd.s32 $0xA0, s8;
	s18 =	simm.s32 $0x1E100  }
0x27d: {  	[hbm4b:s17+s4] =	stream.linear.scatter [tilespmem:s18], [sflag:$0x5], $0x80, $0x38;
	[tilespmem:$0x1FE80] =	vst v63  }
0x27e: {  	s19 =	sadd.s32 $0xB0, s8;
	s20 =	simm.s32 $0x1E200  }
0x27f: {  	[hbm4b:s19+s4] =	stream.linear.scatter [tilespmem:s20], [sflag:$0x5], $0x80, $0x38;
	[tilespmem:$0x1FE80] =	vst v63  }
0x280: {  	s23 =	sadd.s32 $0xC0, s8;
	s24 =	simm.s32 $0x1E300  }
0x281: {  	[hbm4b:s23+s4] =	stream.linear.scatter [tilespmem:s24], [sflag:$0x5], $0x80, $0x38;
	[tilespmem:$0x1FE80] =	vst v63  }
0x282: {  	s25 =	sadd.s32 $0xD0, s8;
	s26 =	simm.s32 $0x1E400  }
0x283: {  	[hbm4b:s25+s4] =	stream.linear.scatter [tilespmem:s26], [sflag:$0x5], $0x80, $0x38;
	[tilespmem:$0x1FE80] =	vst v63  }
0x284: {  	s28 =	sadd.s32 $0xE0, s8;
	s30 =	simm.s32 $0x1E500  }
0x285: {  	[hbm4b:s28+s4] =	stream.linear.scatter [tilespmem:s30], [sflag:$0x5], $0x80, $0x38;
	[tilespmem:$0x1FE80] =	vst v63  }
0x286: {  	_ =	swait.ge [sflag:s5], $0x780  }
0x287: {  	[sflag:s5] =	ssyncset.done $0x0  }
0x288: {  	[sflag:s5] =	ssyncadd.s32 $0xFFFFF880  }
0x289: {  	_ =	swait.ge [sflag:s5], $0x780  }
0x28a: {  	[sflag:s5] =	ssyncset.done $0x0  }
0x28b: {  	[sflag:s5] =	ssyncadd.s32 $0xFFFFF880  }
.LBB2_6:
0x28c: {  	_ =	swait.ge [sflag:s7], $0x800  }
0x28d: {  	s6 =	simm.s32 $0x27;
	[sflag:s7] =	ssyncset.done $0x0  }
.LBB2_7:
0x28e: {  	p2 =	sne.s32 s6, $0x1;
	s6 =	sadd.s32 $0xFFFFFFFF, s6;
	[sflag:s7] =	ssyncadd.s32 $0xFFFFF800  }
.Ltmp5:
0x28f: {  	(pc) =	sbr.rel @p2 .LBB2_7-.Ltmp5, $3  }
0x290: {  	_ =	sdelay $0x1  }
0x291: {  	_ =	swait.ge [sflag:s7], $0x800  }
0x292: {  	[sflag:s7] =	ssyncset.done $0x0  }
0x293: {  	[sflag:s7] =	ssyncadd.s32 $0xFFFFF800  }
0x294: {  	[bflag:$0x0] =	sbarrier.arrive $0xFFFF  }
0x295: {  	s6 =	rddreg [dreg:$0x1c]  }
0x296: {  	s14 =	simm.s32 $0x0;
	s8 =	simm.s32 $0x14000;
	s24 =	rddreg [dreg:$0x1d]  }
0x297: {  	[tilespmem:s8], [sflag:$0x1] =	stream.linear.gather [hbm4b:s6+s14], $0x28, $0x38;
	[tilespmem:$0x1FE80] =	vst v63  }
0x298: {  	s25 =	rddreg [dreg:$0x16];
	s8 =	simm.s32 $0x14080  }
0x299: {  	[tilespmem:s8], [sflag:$0x1] =	stream.linear.gather [hbm4b:s24+s14], $0x28, $0x38;
	[tilespmem:$0x1FE80] =	vst v63  }
0x29a: {  	s17 =	simm.s32 $0x14100;
	s26 =	rddreg [dreg:$0x17]  }
0x29b: {  	[tilespmem:s17], [sflag:$0x1] =	stream.linear.gather [hbm4b:s25+s14], $0x28, $0x38;
	[tilespmem:$0x1FE80] =	vst v63  }
0x29c: {  	s28 =	rddreg [dreg:$0x18];
	s17 =	simm.s32 $0x14180  }
0x29d: {  	[tilespmem:s17], [sflag:$0x1] =	stream.linear.gather [hbm4b:s26+s14], $0x28, $0x38;
	[tilespmem:$0x1FE80] =	vst v63  }
0x29e: {  	s18 =	simm.s32 $0x14200;
	s19 =	rddreg [dreg:$0x19]  }
0x29f: {  	[tilespmem:s18], [sflag:$0x1] =	stream.linear.gather [hbm4b:s28+s14], $0x28, $0x38;
	[tilespmem:$0x1FE80] =	vst v63  }
0x2a0: {  	s20 =	rddreg [dreg:$0x1a];
	s18 =	simm.s32 $0x14280  }
0x2a1: {  	[tilespmem:s18], [sflag:$0x1] =	stream.linear.gather [hbm4b:s19+s14], $0x28, $0x38;
	[tilespmem:$0x1FE80] =	vst v63  }
0x2a2: {  	s23 =	rddreg [dreg:$0x1b];
	s19 =	simm.s32 $0x14300  }
0x2a3: {  	[tilespmem:s19], [sflag:$0x1] =	stream.linear.gather [hbm4b:s20+s14], $0x28, $0x38;
	[tilespmem:$0x1FE80] =	vst v63  }
0x2a4: {  	s24 =	rddreg [dreg:$0x1e];
	s19 =	simm.s32 $0x14380  }
0x2a5: {  	[tilespmem:s19], [sflag:$0x1] =	stream.linear.gather [hbm4b:s23+s14], $0x28, $0x38;
	[tilespmem:$0x1FE80] =	vst v63  }
0x2a6: {  	s25 =	rddreg [dreg:$0x1f];
	s20 =	simm.s32 $0x14400  }
0x2a7: {  	[tilespmem:s20], [sflag:$0x1] =	stream.linear.gather [hbm4b:s24+s14], $0x28, $0x38;
	[tilespmem:$0x1FE80] =	vst v63  }
0x2a8: {  	s26 =	sld [smem:$0x7C8]  }
0x2a9: {  	[tilespmem:s2], [sflag:$0x1] =	stream.linear.gather [hbm4b:s25+s14], $0x28, $0x38;
	[tilespmem:$0x1FE80] =	vst v63  }
0x2aa: {  	s28 =	simm.s32 $0x14500;
	s23 =	sld [smem:$0x7C9]  }
0x2ab: {  	[tilespmem:s28], [sflag:$0x1] =	stream.linear.gather [hbm4b:s26+s14], $0x28, $0x38;
	[tilespmem:$0x1FE80] =	vst v63  }
0x2ac: {  	s24 =	simm.s32 $0x14580  }
0x2ad: {  	[tilespmem:s24], [sflag:$0x1] =	stream.linear.gather [hbm4b:s23+s14], $0x28, $0x38;
	[tilespmem:$0x1FE80] =	vst v63  }
0x2ae: {  	_ =	swait.ge [sflag:s16], $0x28  }
0x2af: {  	[sflag:s16] =	ssyncset.done $0x0  }
0x2b0: {  	[sflag:s16] =	ssyncadd.s32 $0xFFFFFFD8  }
0x2b1: {  	_ =	swait.ge [sflag:s16], $0x28  }
0x2b2: {  	[sflag:s16] =	ssyncset.done $0x0  }
0x2b3: {  	[sflag:s16] =	ssyncadd.s32 $0xFFFFFFD8  }
0x2b4: {  	v1 =	vld [tilespmem:$0x14000]  }
0x2b5: {  	v2 =	vld [tilespmem:$0x14080]  }
0x2b6: {  	v3 =	vld [tilespmem:$0x14010]  }
0x2b7: {  	v4 =	vld [tilespmem:$0x14090]  }
0x2b8: {  	v5 =	vld [tilespmem:$0x14020]  }
0x2b9: {  	v6 =	vld [tilespmem:$0x140A0];
	_ =	sdelay $0x2  }
0x2ba: {  	vm0 =	veq.s32 v1, v2  }
0x2bb: {  	vm14 =	veq.s32 v3, v4;
	v1 =	vsel vm0, $0x2710, v1  }
0x2bc: {  	vm15 =	veq.s32 v5, v6;
	[tilespmem:$0x14700] =	vst v1;
	v1 =	vsel vm14, $0x2710, v3  }
0x2bd: {  	[tilespmem:$0x14710] =	vst v1;
	v1 =	vsel vm15, $0x2710, v5  }
0x2be: {  	s25 =	simm.s32 $0x14A80;
	[tilespmem:$0x14720] =	vst v1  }
0x2bf: {  	[tilespmem:s25], [sflag:$0x2] =	stream.indirect.gather [hbm4b:s1+s21], $0x80, s8, s21, $0xb8;
	[tilespmem:$0x1FE80] =	vst v63  }
0x2c0: {  	_ =	swait.ge [sflag:s16], $0x28  }
0x2c1: {  	[sflag:s16] =	ssyncset.done $0x0  }
0x2c2: {  	[sflag:s16] =	ssyncadd.s32 $0xFFFFFFD8  }
0x2c3: {  	_ =	swait.ge [sflag:s16], $0x28  }
0x2c4: {  	[sflag:s16] =	ssyncset.done $0x0  }
0x2c5: {  	[sflag:s16] =	ssyncadd.s32 $0xFFFFFFD8  }
0x2c6: {  	v1 =	vld [tilespmem:$0x14100]  }
0x2c7: {  	v2 =	vld [tilespmem:$0x14180]  }
0x2c8: {  	v3 =	vld [tilespmem:$0x14110]  }
0x2c9: {  	v52 =	vld [tilespmem:$0x14190]  }
0x2ca: {  	v53 =	vld [tilespmem:$0x14120]  }
0x2cb: {  	v54 =	vld [tilespmem:$0x141A0];
	_ =	sdelay $0x2  }
0x2cc: {  	vm4 =	veq.s32 v1, v2  }
0x2cd: {  	vm5 =	veq.s32 v3, v52;
	v1 =	vsel vm4, $0x2710, v1  }
0x2ce: {  	vm6 =	veq.s32 v53, v54;
	[tilespmem:$0x14780] =	vst v1;
	v1 =	vsel vm5, $0x2710, v3  }
0x2cf: {  	[tilespmem:$0x14790] =	vst v1;
	v1 =	vsel vm6, $0x2710, v53  }
0x2d0: {  	s26 =	simm.s32 $0x15E80;
	[tilespmem:$0x147A0] =	vst v1  }
0x2d1: {  	[tilespmem:s26], [sflag:$0x2] =	stream.indirect.gather [hbm4b:s1+s21], $0x80, s17, s21, $0xb8;
	[tilespmem:$0x1FE80] =	vst v63  }
0x2d2: {  	_ =	swait.ge [sflag:s16], $0x28  }
0x2d3: {  	[sflag:s16] =	ssyncset.done $0x0  }
0x2d4: {  	[sflag:s16] =	ssyncadd.s32 $0xFFFFFFD8  }
0x2d5: {  	_ =	swait.ge [sflag:s16], $0x28  }
0x2d6: {  	[sflag:s16] =	ssyncset.done $0x0  }
0x2d7: {  	[sflag:s16] =	ssyncadd.s32 $0xFFFFFFD8  }
0x2d8: {  	v1 =	vld [tilespmem:$0x14200]  }
0x2d9: {  	v2 =	vld [tilespmem:$0x14280]  }
0x2da: {  	v3 =	vld [tilespmem:$0x14210]  }
0x2db: {  	v55 =	vld [tilespmem:$0x14290]  }
0x2dc: {  	v56 =	vld [tilespmem:$0x14220]  }
0x2dd: {  	v57 =	vld [tilespmem:$0x142A0];
	_ =	sdelay $0x2  }
0x2de: {  	vm7 =	veq.s32 v1, v2  }
0x2df: {  	vm8 =	veq.s32 v3, v55;
	v1 =	vsel vm7, $0x2710, v1  }
0x2e0: {  	vm9 =	veq.s32 v56, v57;
	[tilespmem:$0x14800] =	vst v1;
	v1 =	vsel vm8, $0x2710, v3  }
0x2e1: {  	[tilespmem:$0x14810] =	vst v1;
	v1 =	vsel vm9, $0x2710, v56  }
0x2e2: {  	s28 =	simm.s32 $0x17280;
	[tilespmem:$0x14820] =	vst v1  }
0x2e3: {  	[tilespmem:s28], [sflag:$0x2] =	stream.indirect.gather [hbm4b:s1+s21], $0x80, s18, s21, $0xb8;
	[tilespmem:$0x1FE80] =	vst v63  }
0x2e4: {  	_ =	swait.ge [sflag:s16], $0x28  }
0x2e5: {  	[sflag:s16] =	ssyncset.done $0x0  }
0x2e6: {  	[sflag:s16] =	ssyncadd.s32 $0xFFFFFFD8  }
0x2e7: {  	_ =	swait.ge [sflag:s16], $0x28  }
0x2e8: {  	[sflag:s16] =	ssyncset.done $0x0  }
0x2e9: {  	[sflag:s16] =	ssyncadd.s32 $0xFFFFFFD8  }
0x2ea: {  	v1 =	vld [tilespmem:$0x14300]  }
0x2eb: {  	v2 =	vld [tilespmem:$0x14380]  }
0x2ec: {  	v3 =	vld [tilespmem:$0x14310]  }
0x2ed: {  	v58 =	vld [tilespmem:$0x14390]  }
0x2ee: {  	v59 =	vld [tilespmem:$0x14320]  }
0x2ef: {  	v60 =	vld [tilespmem:$0x143A0];
	_ =	sdelay $0x2  }
0x2f0: {  	vm10 =	veq.s32 v1, v2  }
0x2f1: {  	vm11 =	veq.s32 v3, v58;
	v1 =	vsel vm10, $0x2710, v1  }
0x2f2: {  	vm12 =	veq.s32 v59, v60;
	[tilespmem:$0x14880] =	vst v1;
	v1 =	vsel vm11, $0x2710, v3  }
0x2f3: {  	[tilespmem:$0x14890] =	vst v1;
	v1 =	vsel vm12, $0x2710, v59  }
0x2f4: {  	[tilespmem:$0x148A0] =	vst v1  }
0x2f5: {  	[tilespmem:s22], [sflag:$0x2] =	stream.indirect.gather [hbm4b:s1+s21], $0x80, s19, s21, $0xb8;
	[tilespmem:$0x1FE80] =	vst v63  }
0x2f6: {  	_ =	swait.ge [sflag:s16], $0x28  }
0x2f7: {  	[sflag:s16] =	ssyncset.done $0x0  }
0x2f8: {  	[sflag:s16] =	ssyncadd.s32 $0xFFFFFFD8  }
0x2f9: {  	_ =	swait.ge [sflag:s16], $0x28  }
0x2fa: {  	[sflag:s16] =	ssyncset.done $0x0  }
0x2fb: {  	[sflag:s16] =	ssyncadd.s32 $0xFFFFFFD8  }
0x2fc: {  	v1 =	vld [tilespmem:$0x14400]  }
0x2fd: {  	v2 =	vld [tilespmem:$0x14480]  }
0x2fe: {  	v3 =	vld [tilespmem:$0x14410]  }
0x2ff: {  	v61 =	vld [tilespmem:$0x14490]  }
0x300: {  	v62 =	vld [tilespmem:$0x14420]  }
0x301: {  	v63 =	vld [tilespmem:$0x144A0];
	_ =	sdelay $0x2  }
0x302: {  	vm13 =	veq.s32 v1, v2  }
0x303: {  	vm14 =	veq.s32 v3, v61;
	v1 =	vsel vm13, $0x2710, v1  }
0x304: {  	vm15 =	veq.s32 v62, v63;
	[tilespmem:$0x14900] =	vst v1;
	v1 =	vsel vm14, $0x2710, v3  }
0x305: {  	s30 =	simm.s32 $0x14380;
	[tilespmem:$0x14910] =	vst v1;
	v1 =	vsel vm15, $0x2710, v62  }
0x306: {  	s17 =	simm.s32 $0xFFFFFFFE;
	s19 =	simm.s32 $0x0;
	s18 =	sld [smem:$0x7D4];
	[tilespmem:$0x14920] =	vst v1  }
0x307: {  	[tilespmem:s10], [sflag:$0x2] =	stream.indirect.gather [hbm4b:s1+s21], $0x80, s2, s21, $0xb8;
	[tilespmem:$0x1FE80] =	vst v63  }
.LBB2_9:
0x308: {  	p2 =	sne.s32 s14, $0x4C9  }
0x309: {  	s6 =	sadd.s32 @p2 s14, s12  }
0x30a: {  	s20 =	simm.s32 @p2 $0x0;
	s8 =	simm.s32 @p2 $0x14600;
	p3 =	sgt.u32 @p2 s17, $0xF9  }
0x30b: {  	[tilespmem:s8], [sflag:$0x1] =	stream.linear.gather @p2 [hbm4b:s6+s20], $0x28, $0x38;
	[tilespmem:$0x1FE80] =	vst v63  }
0x30c: {  	s8 =	sadd.s32 @p2 s14, s9;
	s6 =	simm.s32 @p2 $0x14680;
	p3 =	por p3, !p2  }
0x30d: {  	[tilespmem:s6], [sflag:$0x1] =	stream.linear.gather @p2 [hbm4b:s8+s20], $0x28, $0x38;
	[tilespmem:$0x1FE80] =	vst v63  }
0x30e: {  	s8 =	simm.s32 @!p3 $0x3  }
0x30f: {  	_ =	swait.ge @!p3 [sflag:s8], $0x1400  }
0x310: {  	[sflag:s8] =	ssyncset.done @!p3 $0x0  }
0x311: {  	[sflag:s8] =	ssyncadd.s32 @!p3 $0xFFFFEC00;
	s8 =	simm.s32 @p2 $0x1  }
0x312: {  	_ =	swait.ge @p2 [sflag:s8], $0x28  }
0x313: {  	[sflag:s8] =	ssyncset.done @p2 $0x0  }
0x314: {  	[sflag:s8] =	ssyncadd.s32 @p2 $0xFFFFFFD8  }
0x315: {  	_ =	swait.ge @p2 [sflag:s8], $0x28  }
0x316: {  	[sflag:s8] =	ssyncset.done @p2 $0x0  }
0x317: {  	[sflag:s8] =	ssyncadd.s32 @p2 $0xFFFFFFD8  }
0x318: {  	v1 =	vld @p2 [tilespmem:$0x14500]  }
0x319: {  	v2 =	vld @p2 [tilespmem:$0x14580]  }
0x31a: {  	v3 =	vld @p2 [tilespmem:$0x14510]  }
0x31b: {  	v4 =	vld @p2 [tilespmem:$0x14590]  }
0x31c: {  	v5 =	vld @p2 [tilespmem:$0x14520]  }
0x31d: {  	v6 =	vld @p2 [tilespmem:$0x145A0];
	_ =	sdelay $0x2  }
0x31e: {  	vm0 =	veq.s32 @p2 v1, v2  }
0x31f: {  	v1 =	vsel @p2 vm0, $0x2710, v1;
	vm0 =	veq.s32 @p2 v3, v4  }
0x320: {  	[tilespmem:$0x14980] =	vst @p2 v1;
	v1 =	vsel @p2 vm0, $0x2710, v3;
	vm0 =	veq.s32 @p2 v5, v6  }
0x321: {  	[tilespmem:$0x14990] =	vst @p2 v1;
	v1 =	vsel @p2 vm0, $0x2710, v5  }
0x322: {  	s23 =	simm.s32 @p2 $0x28;
	s24 =	simm.s32 @p2 $0x14580;
	s25 =	simm.s32 @p2 $0x1AE80;
	[tilespmem:$0x149A0] =	vst @p2 v1  }
0x323: {  	[tilespmem:s25], [sflag:$0x2] =	stream.indirect.gather @p2 [hbm4b:s1+s23], $0x80, s24, s23, $0xb8;
	[tilespmem:$0x1FE80] =	vst v63  }
0x324: {  	s24 =	simm.s32 @!p2 $0x3  }
0x325: {  	_ =	swait.ge @!p2 [sflag:s24], $0x1400  }
0x326: {  	[sflag:s24] =	ssyncset.done @!p2 $0x0  }
0x327: {  	[sflag:s24] =	ssyncadd.s32 @!p2 $0xFFFFEC00  }
0x328: {  	_ =	swait.ge [sflag:s11], $0x1400  }
0x329: {  	[sflag:s11] =	ssyncset.done $0x0  }
0x32a: {  	s28 =	simm.s32 $0x14A80;
	s26 =	simm.s32 $0x14700;
	[sflag:s11] =	ssyncadd.s32 $0xFFFFEC00  }
0x32b: {  	[spmem:s3] =	stream.indirect.scatter.add.f32 [tilespmem:s28], [sflag:$0x3], $0x80, s26, s21, $0xb8;
	[tilespmem:$0x1FE80] =	vst v63  }
0x32c: {  	s25 =	sshrl.u32 @p2 s18, $0x3;
	s26 =	rddreg [dreg:$0x3]  }
0x32d: {  	s28 =	simm.s32 @p2 $0x14000;
	s26 =	sadd.s32 @p2 s26, s25  }
0x32e: {  	[tilespmem:s28], [sflag:$0x1] =	stream.linear.gather @p2 [hbm4b:s26+s20], $0x28, $0x38;
	[tilespmem:$0x1FE80] =	vst v63  }
0x32f: {  	s26 =	sadd.s32 @p2 s29, s25;
	s25 =	simm.s32 @p2 $0x14080  }
0x330: {  	[tilespmem:s25], [sflag:$0x1] =	stream.linear.gather @p2 [hbm4b:s26+s20], $0x28, $0x38;
	[tilespmem:$0x1FE80] =	vst v63  }
0x331: {  	s26 =	sadd.s32 @p2 $0x1, s17  }
0x332: {  	p3 =	sgt.u32 @p2 s26, $0xF9  }
0x333: {  	p3 =	por p3, !p2  }
0x334: {  	s26 =	simm.s32 @!p3 $0x3  }
0x335: {  	_ =	swait.ge @!p3 [sflag:s26], $0x1400  }
0x336: {  	[sflag:s26] =	ssyncset.done @!p3 $0x0  }
0x337: {  	[sflag:s26] =	ssyncadd.s32 @!p3 $0xFFFFEC00  }
0x338: {  	_ =	swait.ge @p2 [sflag:s8], $0x28  }
0x339: {  	[sflag:s8] =	ssyncset.done @p2 $0x0  }
0x33a: {  	[sflag:s8] =	ssyncadd.s32 @p2 $0xFFFFFFD8  }
0x33b: {  	_ =	swait.ge @p2 [sflag:s8], $0x28  }
0x33c: {  	[sflag:s8] =	ssyncset.done @p2 $0x0  }
0x33d: {  	[sflag:s8] =	ssyncadd.s32 @p2 $0xFFFFFFD8  }
0x33e: {  	v1 =	vld @p2 [tilespmem:$0x14600]  }
0x33f: {  	v2 =	vld @p2 [tilespmem:$0x14680]  }
0x340: {  	v3 =	vld @p2 [tilespmem:$0x14610]  }
0x341: {  	v4 =	vld @p2 [tilespmem:$0x14690]  }
0x342: {  	v5 =	vld @p2 [tilespmem:$0x14620]  }
0x343: {  	v6 =	vld @p2 [tilespmem:$0x146A0];
	_ =	sdelay $0x2  }
0x344: {  	vm0 =	veq.s32 @p2 v1, v2  }
0x345: {  	v1 =	vsel @p2 vm0, $0x2710, v1;
	vm0 =	veq.s32 @p2 v3, v4  }
0x346: {  	[tilespmem:$0x14A00] =	vst @p2 v1;
	v1 =	vsel @p2 vm0, $0x2710, v3;
	vm0 =	veq.s32 @p2 v5, v6  }
0x347: {  	[tilespmem:$0x14A10] =	vst @p2 v1;
	v1 =	vsel @p2 vm0, $0x2710, v5  }
0x348: {  	s26 =	simm.s32 @p2 $0x1C280;
	[tilespmem:$0x14A20] =	vst @p2 v1  }
0x349: {  	[tilespmem:s26], [sflag:$0x2] =	stream.indirect.gather @p2 [hbm4b:s1+s23], $0x80, s6, s23, $0xb8;
	[tilespmem:$0x1FE80] =	vst v63  }
0x34a: {  	_ =	swait.ge @!p2 [sflag:s24], $0x1400  }
0x34b: {  	[sflag:s24] =	ssyncset.done @!p2 $0x0  }
0x34c: {  	[sflag:s24] =	ssyncadd.s32 @!p2 $0xFFFFEC00  }
0x34d: {  	_ =	swait.ge [sflag:s11], $0x1400  }
0x34e: {  	[sflag:s11] =	ssyncset.done $0x0  }
0x34f: {  	s28 =	simm.s32 $0x14780;
	s26 =	simm.s32 $0x15E80;
	[sflag:s11] =	ssyncadd.s32 $0xFFFFEC00  }
0x350: {  	[spmem:s3] =	stream.indirect.scatter.add.f32 [tilespmem:s26], [sflag:$0x3], $0x80, s28, s21, $0xb8;
	[tilespmem:$0x1FE80] =	vst v63  }
0x351: {  	s6 =	sadd.s32 @p2 s14, s0;
	s26 =	simm.s32 @p2 $0x14100  }
0x352: {  	[tilespmem:s26], [sflag:$0x1] =	stream.linear.gather @p2 [hbm4b:s6+s20], $0x28, $0x38;
	[tilespmem:$0x1FE80] =	vst v63  }
0x353: {  	s6 =	sadd.s32 @p2 s14, s31;
	s26 =	simm.s32 @p2 $0x14180  }
0x354: {  	[tilespmem:s26], [sflag:$0x1] =	stream.linear.gather @p2 [hbm4b:s6+s20], $0x28, $0x38;
	[tilespmem:$0x1FE80] =	vst v63  }
0x355: {  	s6 =	simm.s32 @p2 $0x3  }
0x356: {  	_ =	swait.ge @p2 [sflag:s6], $0x1400  }
0x357: {  	[sflag:s6] =	ssyncset.done @p2 $0x0  }
0x358: {  	[sflag:s6] =	ssyncadd.s32 @p2 $0xFFFFEC00  }
0x359: {  	_ =	swait.ge @p2 [sflag:s8], $0x28  }
0x35a: {  	[sflag:s8] =	ssyncset.done @p2 $0x0  }
0x35b: {  	[sflag:s8] =	ssyncadd.s32 @p2 $0xFFFFFFD8  }
0x35c: {  	_ =	swait.ge @p2 [sflag:s8], $0x28  }
0x35d: {  	[sflag:s8] =	ssyncset.done @p2 $0x0  }
0x35e: {  	[sflag:s8] =	ssyncadd.s32 @p2 $0xFFFFFFD8  }
0x35f: {  	v1 =	vld @p2 [tilespmem:$0x14000]  }
0x360: {  	v2 =	vld @p2 [tilespmem:$0x14080]  }
0x361: {  	v3 =	vld @p2 [tilespmem:$0x14010]  }
0x362: {  	v4 =	vld @p2 [tilespmem:$0x14090]  }
0x363: {  	v5 =	vld @p2 [tilespmem:$0x14020]  }
0x364: {  	v6 =	vld @p2 [tilespmem:$0x140A0];
	_ =	sdelay $0x2  }
0x365: {  	vm0 =	veq.s32 @p2 v1, v2  }
0x366: {  	v1 =	vsel @p2 vm0, $0x2710, v1;
	vm0 =	veq.s32 @p2 v3, v4  }
0x367: {  	[tilespmem:$0x14700] =	vst @p2 v1;
	v1 =	vsel @p2 vm0, $0x2710, v3;
	vm0 =	veq.s32 @p2 v5, v6  }
0x368: {  	[tilespmem:$0x14710] =	vst @p2 v1;
	v1 =	vsel @p2 vm0, $0x2710, v5  }
0x369: {  	s28 =	simm.s32 @p2 $0x14A80;
	[tilespmem:$0x14720] =	vst @p2 v1  }
0x36a: {  	[tilespmem:s28], [sflag:$0x2] =	stream.indirect.gather @p2 [hbm4b:s1+s23], $0x80, s25, s23, $0xb8;
	[tilespmem:$0x1FE80] =	vst v63  }
0x36b: {  	_ =	swait.ge @!p2 [sflag:s24], $0x1400  }
0x36c: {  	[sflag:s24] =	ssyncset.done @!p2 $0x0  }
0x36d: {  	[sflag:s24] =	ssyncadd.s32 @!p2 $0xFFFFEC00  }
0x36e: {  	_ =	swait.ge [sflag:s11], $0x1400  }
0x36f: {  	[sflag:s11] =	ssyncset.done $0x0  }
0x370: {  	s25 =	simm.s32 $0x17280;
	s28 =	simm.s32 $0x14800;
	[sflag:s11] =	ssyncadd.s32 $0xFFFFEC00  }
0x371: {  	[spmem:s3] =	stream.indirect.scatter.add.f32 [tilespmem:s25], [sflag:$0x3], $0x80, s28, s21, $0xb8;
	[tilespmem:$0x1FE80] =	vst v63  }
0x372: {  	s25 =	sld [smem:$0x7D3];
	_ =	sdelay $0x2  }
0x373: {  	s28 =	simm.s32 @p2 $0x14200;
	s25 =	sadd.s32 @p2 s14, s25  }
0x374: {  	[tilespmem:s28], [sflag:$0x1] =	stream.linear.gather @p2 [hbm4b:s25+s20], $0x28, $0x38;
	[tilespmem:$0x1FE80] =	vst v63  }
0x375: {  	s25 =	sld [smem:$0x7D2];
	_ =	sdelay $0x2  }
0x376: {  	s28 =	sadd.s32 @p2 s14, s25;
	s25 =	simm.s32 @p2 $0x14280  }
0x377: {  	[tilespmem:s25], [sflag:$0x1] =	stream.linear.gather @p2 [hbm4b:s28+s20], $0x28, $0x38;
	[tilespmem:$0x1FE80] =	vst v63  }
0x378: {  	_ =	swait.ge @p2 [sflag:s6], $0x1400  }
0x379: {  	[sflag:s6] =	ssyncset.done @p2 $0x0  }
0x37a: {  	[sflag:s6] =	ssyncadd.s32 @p2 $0xFFFFEC00  }
0x37b: {  	_ =	swait.ge @p2 [sflag:s8], $0x28  }
0x37c: {  	[sflag:s8] =	ssyncset.done @p2 $0x0  }
0x37d: {  	[sflag:s8] =	ssyncadd.s32 @p2 $0xFFFFFFD8  }
0x37e: {  	_ =	swait.ge @p2 [sflag:s8], $0x28  }
0x37f: {  	[sflag:s8] =	ssyncset.done @p2 $0x0  }
0x380: {  	[sflag:s8] =	ssyncadd.s32 @p2 $0xFFFFFFD8  }
0x381: {  	v1 =	vld @p2 [tilespmem:$0x14100]  }
0x382: {  	v2 =	vld @p2 [tilespmem:$0x14180]  }
0x383: {  	v3 =	vld @p2 [tilespmem:$0x14110]  }
0x384: {  	v4 =	vld @p2 [tilespmem:$0x14190]  }
0x385: {  	v5 =	vld @p2 [tilespmem:$0x14120]  }
0x386: {  	v6 =	vld @p2 [tilespmem:$0x141A0];
	_ =	sdelay $0x2  }
0x387: {  	vm0 =	veq.s32 @p2 v1, v2  }
0x388: {  	v1 =	vsel @p2 vm0, $0x2710, v1;
	vm0 =	veq.s32 @p2 v3, v4  }
0x389: {  	[tilespmem:$0x14780] =	vst @p2 v1;
	v1 =	vsel @p2 vm0, $0x2710, v3;
	vm0 =	veq.s32 @p2 v5, v6  }
0x38a: {  	[tilespmem:$0x14790] =	vst @p2 v1;
	v1 =	vsel @p2 vm0, $0x2710, v5  }
0x38b: {  	s28 =	simm.s32 @p2 $0x15E80;
	[tilespmem:$0x147A0] =	vst @p2 v1  }
0x38c: {  	[tilespmem:s28], [sflag:$0x2] =	stream.indirect.gather @p2 [hbm4b:s1+s23], $0x80, s26, s23, $0xb8;
	[tilespmem:$0x1FE80] =	vst v63  }
0x38d: {  	_ =	swait.ge @!p2 [sflag:s24], $0x1400  }
0x38e: {  	[sflag:s24] =	ssyncset.done @!p2 $0x0  }
0x38f: {  	[sflag:s24] =	ssyncadd.s32 @!p2 $0xFFFFEC00  }
0x390: {  	_ =	swait.ge [sflag:s11], $0x1400  }
0x391: {  	[sflag:s11] =	ssyncset.done $0x0;
	s26 =	sld [smem:$0x7D1]  }
0x392: {  	s28 =	simm.s32 $0x14880;
	[sflag:s11] =	ssyncadd.s32 $0xFFFFEC00  }
0x393: {  	[spmem:s3] =	stream.indirect.scatter.add.f32 [tilespmem:s22], [sflag:$0x3], $0x80, s28, s21, $0xb8;
	[tilespmem:$0x1FE80] =	vst v63  }
0x394: {  	s28 =	simm.s32 @p2 $0x14300;
	s26 =	sadd.s32 @p2 s14, s26  }
0x395: {  	[tilespmem:s28], [sflag:$0x1] =	stream.linear.gather @p2 [hbm4b:s26+s20], $0x28, $0x38;
	[tilespmem:$0x1FE80] =	vst v63  }
0x396: {  	s26 =	sld [smem:$0x7D0];
	_ =	sdelay $0x2  }
0x397: {  	s28 =	simm.s32 @p2 $0x14380;
	s26 =	sadd.s32 @p2 s14, s26  }
0x398: {  	[tilespmem:s28], [sflag:$0x1] =	stream.linear.gather @p2 [hbm4b:s26+s20], $0x28, $0x38;
	[tilespmem:$0x1FE80] =	vst v63  }
0x399: {  	_ =	swait.ge @p2 [sflag:s6], $0x1400  }
0x39a: {  	[sflag:s6] =	ssyncset.done @p2 $0x0  }
0x39b: {  	[sflag:s6] =	ssyncadd.s32 @p2 $0xFFFFEC00  }
0x39c: {  	_ =	swait.ge @p2 [sflag:s8], $0x28  }
0x39d: {  	[sflag:s8] =	ssyncset.done @p2 $0x0  }
0x39e: {  	[sflag:s8] =	ssyncadd.s32 @p2 $0xFFFFFFD8  }
0x39f: {  	_ =	swait.ge @p2 [sflag:s8], $0x28  }
0x3a0: {  	[sflag:s8] =	ssyncset.done @p2 $0x0  }
0x3a1: {  	[sflag:s8] =	ssyncadd.s32 @p2 $0xFFFFFFD8  }
0x3a2: {  	v1 =	vld @p2 [tilespmem:$0x14200]  }
0x3a3: {  	v2 =	vld @p2 [tilespmem:$0x14280]  }
0x3a4: {  	v3 =	vld @p2 [tilespmem:$0x14210]  }
0x3a5: {  	v4 =	vld @p2 [tilespmem:$0x14290]  }
0x3a6: {  	v5 =	vld @p2 [tilespmem:$0x14220]  }
0x3a7: {  	v6 =	vld @p2 [tilespmem:$0x142A0];
	_ =	sdelay $0x2  }
0x3a8: {  	vm0 =	veq.s32 @p2 v1, v2  }
0x3a9: {  	v1 =	vsel @p2 vm0, $0x2710, v1;
	vm0 =	veq.s32 @p2 v3, v4  }
0x3aa: {  	[tilespmem:$0x14800] =	vst @p2 v1;
	v1 =	vsel @p2 vm0, $0x2710, v3;
	vm0 =	veq.s32 @p2 v5, v6  }
0x3ab: {  	[tilespmem:$0x14810] =	vst @p2 v1;
	v1 =	vsel @p2 vm0, $0x2710, v5  }
0x3ac: {  	s6 =	simm.s32 @p2 $0x17280;
	[tilespmem:$0x14820] =	vst @p2 v1  }
0x3ad: {  	[tilespmem:s6], [sflag:$0x2] =	stream.indirect.gather @p2 [hbm4b:s1+s23], $0x80, s25, s23, $0xb8;
	[tilespmem:$0x1FE80] =	vst v63  }
0x3ae: {  	_ =	swait.ge @!p2 [sflag:s24], $0x1400  }
0x3af: {  	[sflag:s24] =	ssyncset.done @!p2 $0x0  }
.Ltmp6:
0x3b0: {  	[sflag:s24] =	ssyncadd.s32 @!p2 $0xFFFFEC00;
	(pc) =	sbr.rel @!p2 .LBB2_10-.Ltmp6, $4  }
0x3b1: {  	_ =	swait.ge [sflag:s11], $0x1400  }
0x3b2: {  	[sflag:s11] =	ssyncset.done $0x0  }
0x3b3: {  	s28 =	simm.s32 $0x14900;
	[sflag:s11] =	ssyncadd.s32 $0xFFFFEC00  }
0x3b4: {  	[spmem:s3] =	stream.indirect.scatter.add.f32 [tilespmem:s10], [sflag:$0x3], $0x80, s28, s21, $0xb8;
	[tilespmem:$0x1FE80] =	vst v63  }
0x3b5: {  	s6 =	sld [smem:$0x7CF];
	_ =	sdelay $0x1  }
0x3b6: {  	s23 =	sld [smem:$0x7CE]  }
0x3b7: {  	s8 =	simm.s32 $0x14400;
	s6 =	sadd.s32 s14, s6  }
0x3b8: {  	[tilespmem:s8], [sflag:$0x1] =	stream.linear.gather [hbm4b:s6+s4], $0x28, $0x38;
	[tilespmem:$0x1FE80] =	vst v63  }
0x3b9: {  	s6 =	sadd.s32 s14, s23  }
0x3ba: {  	[tilespmem:s2], [sflag:$0x1] =	stream.linear.gather [hbm4b:s6+s4], $0x28, $0x38;
	[tilespmem:$0x1FE80] =	vst v63  }
0x3bb: {  	_ =	swait.ge [sflag:s13], $0x1400  }
0x3bc: {  	[sflag:s13] =	ssyncset.done $0x0  }
0x3bd: {  	[sflag:s13] =	ssyncadd.s32 $0xFFFFEC00  }
0x3be: {  	_ =	swait.ge [sflag:s16], $0x28  }
0x3bf: {  	[sflag:s16] =	ssyncset.done $0x0  }
0x3c0: {  	[sflag:s16] =	ssyncadd.s32 $0xFFFFFFD8  }
0x3c1: {  	_ =	swait.ge [sflag:s16], $0x28  }
0x3c2: {  	[sflag:s16] =	ssyncset.done $0x0  }
0x3c3: {  	[sflag:s16] =	ssyncadd.s32 $0xFFFFFFD8  }
0x3c4: {  	v1 =	vld [tilespmem:$0x14300]  }
0x3c5: {  	v2 =	vld [tilespmem:$0x14380]  }
0x3c6: {  	v3 =	vld [tilespmem:$0x14310]  }
0x3c7: {  	v4 =	vld [tilespmem:$0x14390]  }
0x3c8: {  	v5 =	vld [tilespmem:$0x14320]  }
0x3c9: {  	v6 =	vld [tilespmem:$0x143A0];
	_ =	sdelay $0x2  }
0x3ca: {  	vm0 =	veq.s32 v1, v2  }
0x3cb: {  	vm11 =	veq.s32 v3, v4;
	v1 =	vsel vm0, $0x2710, v1  }
0x3cc: {  	vm12 =	veq.s32 v5, v6;
	[tilespmem:$0x14880] =	vst v1;
	v1 =	vsel vm11, $0x2710, v3  }
0x3cd: {  	[tilespmem:$0x14890] =	vst v1;
	v1 =	vsel vm12, $0x2710, v5  }
0x3ce: {  	[tilespmem:$0x148A0] =	vst v1  }
0x3cf: {  	[tilespmem:s22], [sflag:$0x2] =	stream.indirect.gather [hbm4b:s1+s21], $0x80, s30, s21, $0xb8;
	[tilespmem:$0x1FE80] =	vst v63  }
0x3d0: {  	_ =	swait.ge [sflag:s11], $0x1400  }
0x3d1: {  	s24 =	simm.s32 $0x14980;
	[sflag:s11] =	ssyncset.done $0x0;
	s6 =	sld [smem:$0x7CD]  }
0x3d2: {  	s25 =	simm.s32 $0x1AE80;
	p2 =	sgt.u32 s19, $0x21;
	[sflag:s11] =	ssyncadd.s32 $0xFFFFEC00  }
0x3d3: {  	[spmem:s3] =	stream.indirect.scatter.add.f32 [tilespmem:s25], [sflag:$0x3], $0x80, s24, s21, $0xb8;
	[tilespmem:$0x1FE80] =	vst v63  }
0x3d4: {  	s20 =	simm.s32 @!p2 $0x14500;
	s8 =	simm.s32 @!p2 $0x0;
	s6 =	sadd.s32 @!p2 s14, s6  }
0x3d5: {  	[tilespmem:s20], [sflag:$0x1] =	stream.linear.gather @!p2 [hbm4b:s6+s8], $0x28, $0x38;
	[tilespmem:$0x1FE80] =	vst v63  }
0x3d6: {  	s6 =	sld [smem:$0x7CC];
	_ =	sdelay $0x2  }
0x3d7: {  	s20 =	simm.s32 @!p2 $0x14580;
	s6 =	sadd.s32 @!p2 s14, s6  }
0x3d8: {  	[tilespmem:s20], [sflag:$0x1] =	stream.linear.gather @!p2 [hbm4b:s6+s8], $0x28, $0x38;
	[tilespmem:$0x1FE80] =	vst v63  }
0x3d9: {  	_ =	swait.ge [sflag:s13], $0x1400  }
0x3da: {  	[sflag:s13] =	ssyncset.done $0x0  }
0x3db: {  	[sflag:s13] =	ssyncadd.s32 $0xFFFFEC00  }
0x3dc: {  	_ =	swait.ge [sflag:s16], $0x28  }
0x3dd: {  	[sflag:s16] =	ssyncset.done $0x0  }
0x3de: {  	[sflag:s16] =	ssyncadd.s32 $0xFFFFFFD8  }
0x3df: {  	_ =	swait.ge [sflag:s16], $0x28  }
0x3e0: {  	[sflag:s16] =	ssyncset.done $0x0  }
0x3e1: {  	[sflag:s16] =	ssyncadd.s32 $0xFFFFFFD8  }
0x3e2: {  	v1 =	vld [tilespmem:$0x14400]  }
0x3e3: {  	v2 =	vld [tilespmem:$0x14480]  }
0x3e4: {  	v3 =	vld [tilespmem:$0x14410]  }
0x3e5: {  	v61 =	vld [tilespmem:$0x14490]  }
0x3e6: {  	v62 =	vld [tilespmem:$0x14420]  }
0x3e7: {  	v63 =	vld [tilespmem:$0x144A0];
	_ =	sdelay $0x2  }
0x3e8: {  	vm13 =	veq.s32 v1, v2  }
0x3e9: {  	vm14 =	veq.s32 v3, v61;
	v1 =	vsel vm13, $0x2710, v1  }
0x3ea: {  	vm15 =	veq.s32 v62, v63;
	[tilespmem:$0x14900] =	vst v1;
	v1 =	vsel vm14, $0x2710, v3  }
0x3eb: {  	s14 =	sadd.s32 $0x23, s14;
	[tilespmem:$0x14910] =	vst v1;
	v1 =	vsel vm15, $0x2710, v62  }
0x3ec: {  	p2 =	sne.s32 s14, $0x4EC;
	[tilespmem:$0x14920] =	vst v1  }
0x3ed: {  	[tilespmem:s10], [sflag:$0x2] =	stream.indirect.gather [hbm4b:s1+s21], $0x80, s2, s21, $0xb8;
	[tilespmem:$0x1FE80] =	vst v63  }
.Ltmp7:
0x3ee: {  	_ = 	snop;
	(pc) =	sbr.rel @p2 .LBB2_9-.Ltmp7, $4  }
.Ltmp8:
0x3ef: {  	s26 =	simm.s32 $0x14A00;
	_ =	swait.ge [sflag:s11], $0x1400;
	(pc) =	sbr.rel @!p2 .LBB2_12-.Ltmp8, $4  }
0x3f0: {  	s28 =	simm.s32 $0x1C280;
	s19 =	sadd.s32 $0x1, s19;
	[sflag:s11] =	ssyncset.done $0x0  }
0x3f1: {  	s18 =	sadd.s32 $0x118, s18;
	s17 =	sadd.s32 $0x7, s17;
	[sflag:s11] =	ssyncadd.s32 $0xFFFFEC00  }
0x3f2: {  	[spmem:s3] =	stream.indirect.scatter.add.f32 [tilespmem:s28], [sflag:$0x3], $0x80, s26, s21, $0xb8;
	[tilespmem:$0x1FE80] =	vst v63  }
0x3f3: {  	_ = 	snop  }
.LBB2_13:
0x3f4: {  	_ =	sfence.sel $0x180000  }
0x3f5: {  	[bflag:$0x0] =	sbarrier.arrive $0xFFFF  }
0x3f6: {  	_ =	strace $0x90000047  }
0x3f7: {  	s0 =	stileid.u32;
	[bflag:$0x2] =	sbarrier.arrive $0xFFFF  }
0x3f8: {  	p0 =	sne.s32 s0, $0x0;
	s0 =	rddreg [dreg:$0x5]  }
0x3f9: {  	s0 =	sadd.s32 @!p0 $0x100000, s0  }
0x3fa: {  	[sflag:s0] =	ssyncadd.tile.s32 @!p0 $0x1;
	_ =	shalt  }
.Lfunc_end2:
_tile_overlayer_lowered:
.L_overlay_start_2:
0x3fb: {  	(tag) =	ssettag $0x2  }
0x3fc: {  	s0 =	rddreg [dreg:$0x0];
	s2 =	stileid.u32  }
0x3fd: {  	s1 =	rddreg [dreg:$0x1];
	p0 =	sne.s32 s2, $0x0  }
0x3fe: {  	s3 =	rddreg [dreg:$0x2];
	[bflag:$0x3] =	sbarrier.arrive $0xFFFF;
	s2 =	simm.s32 @!p0 $0x1C06  }
0x3ff: {  	[timem:s3], [sflag:s2] =	dma.local @!p0 [hbm:s0], s1  }
0x400: {  	s0 =	simm.s32 @!p0 $0x6  }
0x401: {  	_ =	swait.ge @!p0 [sflag:s0], s1  }
0x402: {  	s1 =	ssub.s32 @!p0 $0x0, s1;
	[sflag:s0] =	ssyncset.done @!p0 $0x0  }
0x403: {  	[sflag:s0] =	ssyncadd.s32 @!p0 s1  }
0x404: {  	[bflag:$0x3] =	sbarrier.arrive $0xFFFF  }
0x405: {  	_ =	shalt  }

</sc_bundles>
